<compile_context>
chip_gen: v7x
topology: tpu7x:2x2x1
jax: 0.10.2.dev20260603
libtpu: 0.0.44.dev20260713+nightly
codegen_flags: <defaults>
</compile_context>

<pallas_src>
import functools

import jax
import jax.numpy as jnp
from jax import lax
from jax.experimental import pallas as pl
from jax.experimental.pallas import tpu as pltpu
from jax.experimental.pallas import tpu_sc as plsc

B, L = 16384, 200
N = B * L
V = 1_000_000
VP = 1 << 20
NC, NS = 2, 16
NW = NC * NS

CPW = N // NW
RPW = CPW // L
CR = 8
C = CR * L
NCHUNK = RPW // CR
SW = 200
G = C // SW
VSL = VP // NS
VLAST = V - 15 * VSL



@functools.partial(
    pl.kernel,
    out_type=jax.ShapeDtypeStruct((B, L, 3), jnp.float32),
    mesh=plsc.VectorSubcoreMesh(core_axis_name="c", subcore_axis_name="s"),
    compiler_params=pltpu.CompilerParams(
        needs_layout_passes=False, use_tc_tiling_on_sc=False
    ),
    scratch_types=[
        pltpu.VMEM_SHARED((V,), jnp.float32),
        pltpu.VMEM((16,), jnp.float32),
        pltpu.VMEM((2, C), jnp.int32),
        pltpu.VMEM((2, C), jnp.float32),
        pltpu.VMEM((2, CR, L, 3), jnp.float32),
        pltpu.SemaphoreType.DMA,
        pltpu.SemaphoreType.DMA,
        pltpu.SemaphoreType.DMA,
        pltpu.SemaphoreType.DMA,
        pltpu.SemaphoreType.DMA,
    ],
)
def _fused(tab_hbm, w_hbm, b_hbm, idx_hbm, out_hbm,
           tab_sp, wb_v, idx_v, sv_v, out3_v,
           sem_i0, sem_i1, sem_g, sem_o0, sem_o1):
    cid = lax.axis_index("c")
    sid = lax.axis_index("s")
    wid = sid * NC + cid

    @pl.when(sid < 15)
    def _():
        pltpu.sync_copy(
            tab_hbm.at[pl.ds(sid * VSL, VSL)], tab_sp.at[pl.ds(sid * VSL, VSL)]
        )

    @pl.when(sid == 15)
    def _():
        pltpu.sync_copy(
            tab_hbm.at[pl.ds(15 * VSL, VLAST)],
            tab_sp.at[pl.ds(15 * VSL, VLAST)],
        )

    pltpu.sync_copy(w_hbm, wb_v.at[pl.ds(0, 3)])
    pltpu.sync_copy(b_hbm, wb_v.at[pl.ds(8, 3)])
    plsc.subcore_barrier()

    ii = lax.broadcasted_iota(jnp.int32, (16,), 0)
    npat, wpat, bpat = [], [], []
    for r in range(3):
        m = ii + 16 * r
        kk = m % 3
        npat.append(m // 3)
        wpat.append(plsc.load_gather(wb_v, [kk]))
        bpat.append(plsc.load_gather(wb_v, [kk + 8]))

    base0 = wid * CPW
    sem_i = (sem_i0, sem_i1)
    sem_o = (sem_o0, sem_o1)

    def idx_src(u):
        return idx_hbm.at[pl.ds(base0 + u * C, C)]

    rbase0 = wid * RPW

    def out_dst(u):
        return out_hbm.at[pl.ds(rbase0 + u * CR, CR)]

    def gathers(b):
        return [
            pltpu.async_copy(
                tab_sp.at[idx_v.at[b, pl.ds(g * SW, SW)]],
                sv_v.at[b, pl.ds(g * SW, SW)],
                sem_g,
            )
            for g in range(G)
        ]

    def expand(b):
        @pl.loop(0, 3 * C // 16)
        def jloop(j):
            m = j * 16 + ii
            row = m // 600
            rem = m % 600
            nn = rem // 3
            kk = rem % 3
            v = plsc.load_gather(sv_v.at[b], [m // 3])
            w = plsc.load_gather(wb_v, [kk])
            bb = plsc.load_gather(wb_v, [kk + 8])
            plsc.store_scatter(out3_v.at[b], [row, nn, kk], v * w + bb)

    pltpu.async_copy(idx_src(0), idx_v.at[0], sem_i0)
    pltpu.async_copy(idx_src(1), idx_v.at[1], sem_i1)

    for b in (0, 1):
        pltpu.make_async_copy(idx_src(b), idx_v.at[b], sem_i[b]).wait()
        for cp in gathers(b):
            cp.wait()
        pltpu.async_copy(idx_src(b + 2), idx_v.at[b], sem_i[b])
        expand(b)
        pltpu.async_copy(out3_v.at[b], out_dst(b), sem_o[b])

    @pl.loop(1, NCHUNK // 2 - 1)
    def pair(t):
        for b in (0, 1):
            u = 2 * t + b
            pltpu.make_async_copy(idx_src(u), idx_v.at[b], sem_i[b]).wait()
            for cp in gathers(b):
                cp.wait()

            @pl.when(u + 2 < NCHUNK)
            def _():
                pltpu.async_copy(idx_src(u + 2), idx_v.at[b], sem_i[b])

            pltpu.make_async_copy(out3_v.at[b], out_dst(u), sem_o[b]).wait()
            expand(b)
            pltpu.async_copy(out3_v.at[b], out_dst(u), sem_o[b])

    for b in (0, 1):
        u = NCHUNK - 2 + b
        pltpu.make_async_copy(idx_src(u), idx_v.at[b], sem_i[b]).wait()
        for cp in gathers(b):
            cp.wait()
        pltpu.make_async_copy(out3_v.at[b], out_dst(u), sem_o[b]).wait()
        expand(b)
        pltpu.sync_copy(out3_v.at[b], out_dst(u))


def kernel(data, table, W, b):
    idx = data.reshape(-1)
    tab = table.reshape(-1)
    out = _fused(tab, W.reshape(-1), b.reshape(-1), idx)
    return out.reshape(B, L, 3)

# --- scband reference (transcript-rebuilt; emitter-appended) ---
"""Pipeline reference for scband-dummy-language-model-to-pretrain-70274254897900 (READ-ONLY COPY).

The authoritative reference and input builder live on the scoring server;
editing this copy changes nothing except your own understanding.
"""

import jax, jax.numpy as jnp
import numpy as np

NUM_TOKENS = 1000000
B, L = 16384, 200

def setup_inputs(seed: int = 0) -> dict:
    key = jax.random.key(seed)
    k1, k2, k3, k4 = jax.random.split(key, 4)
    data = jax.random.randint(k1, (B, L), 0, NUM_TOKENS, dtype=jnp.int64 if jax.config.jax_enable_x64 else jnp.int32).astype(jnp.int32)
    table = jax.random.normal(k2, (NUM_TOKENS, 1), dtype=jnp.float32)
    W = jax.random.normal(k3, (3, 1), dtype=jnp.float32) * (1.0 / jnp.sqrt(1.0))
    b = jax.random.normal(k4, (3,), dtype=jnp.float32) * 0.01
    return {"data": data, "table": table, "W": W, "b": b}

def reference(data, table, W, b):
    # embedding lookup: gather rows from table -> [B, L, 1]
    hidden_states = jnp.take(table, data, axis=0)
    # linear 1 -> 3: h @ W.T + b -> [B, L, 3]
    out = hidden_states @ W.T + b
    return out

if __name__ == "__main__":
    import jax
    _d = setup_inputs()
    print(jax.jit(kernel)(*tuple(_d.values())))

</pallas_src>

<mosaic_0001>
#map = affine_map<(d0, d1) -> (0)>
#map1 = affine_map<(d0, d1) -> (0, 0, 0)>
module attributes {stable_mosaic.version = 14 : i64} {
  func.func @_fused(%arg0: i32, %arg1: i32, %arg2: memref<1000000xf32, #tpu.memory_space<hbm>>, %arg3: memref<3xf32, #tpu.memory_space<hbm>>, %arg4: memref<3xf32, #tpu.memory_space<hbm>>, %arg5: memref<3276800xi32, #tpu.memory_space<hbm>>, %arg6: memref<16384x200x3xf32, #tpu.memory_space<hbm>>, %arg7: memref<1000000xf32, #tpu.memory_space<vmem_shared>>, %arg8: memref<16xf32, #tpu.memory_space<vmem>>, %arg9: memref<2x1600xi32, #tpu.memory_space<vmem>>, %arg10: memref<2x1600xf32, #tpu.memory_space<vmem>>, %arg11: memref<2x8x200x3xf32, #tpu.memory_space<vmem>>, %arg12: memref<!tpu.dma_semaphore, #tpu.memory_space<semaphore_mem>>, %arg13: memref<!tpu.dma_semaphore, #tpu.memory_space<semaphore_mem>>, %arg14: memref<!tpu.dma_semaphore, #tpu.memory_space<semaphore_mem>>, %arg15: memref<!tpu.dma_semaphore, #tpu.memory_space<semaphore_mem>>, %arg16: memref<!tpu.dma_semaphore, #tpu.memory_space<semaphore_mem>>) attributes {dimension_semantics = [#tpu.dimension_semantics<core_parallel>, #tpu.dimension_semantics<subcore_parallel>], iteration_bounds = array<i64: 2, 16>, scalar_prefetch = 0 : i64, scratch_operands = 10 : i64, tpu.core_type = #tpu.core_type<sc_vector_subcore>, window_params = [{transform_indices = #map}, {transform_indices = #map}, {transform_indices = #map}, {transform_indices = #map}, {transform_indices = #map1}]} {
    %mul3A = arith.constant 2 : i32
    %mul3A_0 = arith.muli %arg1, %mul3A : i32
    %add3A = arith.addi %mul3A_0, %arg0 : i32
    %lt3A = arith.constant 15 : i32
    %lt3A_1 = arith.cmpi slt, %arg1, %lt3A : i32
    %convert_element_type3A = arith.extui %lt3A_1 : i1 to i32
    %cond3A = arith.constant 0 : i32
    %cond3A_2 = arith.cmpi ne, %convert_element_type3A, %cond3A : i32
    scf.if %cond3A_2 {
      %mul3A_1016 = arith.constant 65536 : i32
      %mul3A_1017 = arith.muli %arg1, %mul3A_1016 : i32
      %mul3A_1018 = arith.constant 65536 : i32
      %mul3A_1019 = arith.muli %arg1, %mul3A_1018 : i32
      "tpu.region"() ({
        %run_scoped3A_1020 = tpu.sem_alloc : memref<!tpu.dma_semaphore, #tpu.memory_space<semaphore_mem>>
        %dma_start3A_1021 = tpu.memref_slice %arg7[%mul3A_1019] : memref<1000000xf32, #tpu.memory_space<vmem_shared>> -> memref<65536xf32, #tpu.memory_space<vmem_shared>>
        %dma_start3A_1022 = tpu.memref_slice %arg2[%mul3A_1017] : memref<1000000xf32, #tpu.memory_space<hbm>> -> memref<65536xf32, #tpu.memory_space<hbm>>
        tpu.enqueue_dma source(%dma_start3A_1022 : memref<65536xf32, #tpu.memory_space<hbm>>) target(%dma_start3A_1021 : memref<65536xf32, #tpu.memory_space<vmem_shared>>) target_semaphore(%run_scoped3A_1020 : memref<!tpu.dma_semaphore, #tpu.memory_space<semaphore_mem>>)
        %dma_wait3A_1023 = tpu.memref_slice %arg7[%mul3A_1019] : memref<1000000xf32, #tpu.memory_space<vmem_shared>> -> memref<65536xf32, #tpu.memory_space<vmem_shared>>
        %dma_wait3A_1024 = tpu.memref_slice %arg2[%mul3A_1017] : memref<1000000xf32, #tpu.memory_space<hbm>> -> memref<65536xf32, #tpu.memory_space<hbm>>
        tpu.wait_dma2 semaphore(%run_scoped3A_1020 : memref<!tpu.dma_semaphore, #tpu.memory_space<semaphore_mem>>) src(%dma_wait3A_1024 : memref<65536xf32, #tpu.memory_space<hbm>>) dst(%dma_wait3A_1023 : memref<65536xf32, #tpu.memory_space<vmem_shared>>)
        tpu.yield
      }) : () -> ()
    } else {
    }
    %eq3A = arith.constant 15 : i32
    %eq3A_3 = arith.cmpi eq, %arg1, %eq3A : i32
    %convert_element_type3A_4 = arith.extui %eq3A_3 : i1 to i32
    %cond3A_5 = arith.constant 0 : i32
    %cond3A_6 = arith.cmpi ne, %convert_element_type3A_4, %cond3A_5 : i32
    scf.if %cond3A_6 {
      "tpu.region"() ({
        %run_scoped3A_1016 = tpu.sem_alloc : memref<!tpu.dma_semaphore, #tpu.memory_space<semaphore_mem>>
        %dma_start3A_1017 = arith.constant 983040 : i32
        %dma_start3A_1018 = tpu.memref_slice %arg7[%dma_start3A_1017] : memref<1000000xf32, #tpu.memory_space<vmem_shared>> -> memref<16960xf32, #tpu.memory_space<vmem_shared>>
        %dma_start3A_1019 = arith.constant 983040 : i32
        %dma_start3A_1020 = tpu.memref_slice %arg2[%dma_start3A_1019] : memref<1000000xf32, #tpu.memory_space<hbm>> -> memref<16960xf32, #tpu.memory_space<hbm>>
        tpu.enqueue_dma source(%dma_start3A_1020 : memref<16960xf32, #tpu.memory_space<hbm>>) target(%dma_start3A_1018 : memref<16960xf32, #tpu.memory_space<vmem_shared>>) target_semaphore(%run_scoped3A_1016 : memref<!tpu.dma_semaphore, #tpu.memory_space<semaphore_mem>>)
        %dma_wait3A_1021 = arith.constant 983040 : i32
        %dma_wait3A_1022 = tpu.memref_slice %arg7[%dma_wait3A_1021] : memref<1000000xf32, #tpu.memory_space<vmem_shared>> -> memref<16960xf32, #tpu.memory_space<vmem_shared>>
        %dma_wait3A_1023 = arith.constant 983040 : i32
        %dma_wait3A_1024 = tpu.memref_slice %arg2[%dma_wait3A_1023] : memref<1000000xf32, #tpu.memory_space<hbm>> -> memref<16960xf32, #tpu.memory_space<hbm>>
        tpu.wait_dma2 semaphore(%run_scoped3A_1016 : memref<!tpu.dma_semaphore, #tpu.memory_space<semaphore_mem>>) src(%dma_wait3A_1024 : memref<16960xf32, #tpu.memory_space<hbm>>) dst(%dma_wait3A_1022 : memref<16960xf32, #tpu.memory_space<vmem_shared>>)
        tpu.yield
      }) : () -> ()
    } else {
    }
    "tpu.region"() ({
      %run_scoped3A_1016 = tpu.sem_alloc : memref<!tpu.dma_semaphore, #tpu.memory_space<semaphore_mem>>
      %dma_start3A_1017 = arith.constant 0 : i32
      %dma_start3A_1018 = tpu.memref_slice %arg8[%dma_start3A_1017] : memref<16xf32, #tpu.memory_space<vmem>> -> memref<3xf32, #tpu.memory_space<vmem>>
      %dma_start3A_1019 = arith.constant 0 : i32
      %dma_start3A_1020 = tpu.memref_slice %arg8[%dma_start3A_1019] : memref<16xf32, #tpu.memory_space<vmem>> -> memref<3xf32, #tpu.memory_space<vmem>>
      tpu.enqueue_dma source(%arg3 : memref<3xf32, #tpu.memory_space<hbm>>) target(%dma_start3A_1020 : memref<3xf32, #tpu.memory_space<vmem>>) target_semaphore(%run_scoped3A_1016 : memref<!tpu.dma_semaphore, #tpu.memory_space<semaphore_mem>>)
      %dma_wait3A_1021 = arith.constant 0 : i32
      %dma_wait3A_1022 = tpu.memref_slice %arg8[%dma_wait3A_1021] : memref<16xf32, #tpu.memory_space<vmem>> -> memref<3xf32, #tpu.memory_space<vmem>>
      %dma_wait3A_1023 = arith.constant 0 : i32
      %dma_wait3A_1024 = tpu.memref_slice %arg8[%dma_wait3A_1023] : memref<16xf32, #tpu.memory_space<vmem>> -> memref<3xf32, #tpu.memory_space<vmem>>
      tpu.wait_dma2 semaphore(%run_scoped3A_1016 : memref<!tpu.dma_semaphore, #tpu.memory_space<semaphore_mem>>) src(%arg3 : memref<3xf32, #tpu.memory_space<hbm>>) dst(%dma_wait3A_1024 : memref<3xf32, #tpu.memory_space<vmem>>)
      tpu.yield
    }) : () -> ()
    "tpu.region"() ({
      %run_scoped3A_1016 = tpu.sem_alloc : memref<!tpu.dma_semaphore, #tpu.memory_space<semaphore_mem>>
      %dma_start3A_1017 = arith.constant 8 : i32
      %dma_start3A_1018 = tpu.memref_slice %arg8[%dma_start3A_1017] : memref<16xf32, #tpu.memory_space<vmem>> -> memref<3xf32, #tpu.memory_space<vmem>>
      %dma_start3A_1019 = arith.constant 8 : i32
      %dma_start3A_1020 = tpu.memref_slice %arg8[%dma_start3A_1019] : memref<16xf32, #tpu.memory_space<vmem>> -> memref<3xf32, #tpu.memory_space<vmem>>
      tpu.enqueue_dma source(%arg4 : memref<3xf32, #tpu.memory_space<hbm>>) target(%dma_start3A_1020 : memref<3xf32, #tpu.memory_space<vmem>>) target_semaphore(%run_scoped3A_1016 : memref<!tpu.dma_semaphore, #tpu.memory_space<semaphore_mem>>)
      %dma_wait3A_1021 = arith.constant 8 : i32
      %dma_wait3A_1022 = tpu.memref_slice %arg8[%dma_wait3A_1021] : memref<16xf32, #tpu.memory_space<vmem>> -> memref<3xf32, #tpu.memory_space<vmem>>
      %dma_wait3A_1023 = arith.constant 8 : i32
      %dma_wait3A_1024 = tpu.memref_slice %arg8[%dma_wait3A_1023] : memref<16xf32, #tpu.memory_space<vmem>> -> memref<3xf32, #tpu.memory_space<vmem>>
      tpu.wait_dma2 semaphore(%run_scoped3A_1016 : memref<!tpu.dma_semaphore, #tpu.memory_space<semaphore_mem>>) src(%arg4 : memref<3xf32, #tpu.memory_space<hbm>>) dst(%dma_wait3A_1024 : memref<3xf32, #tpu.memory_space<vmem>>)
      tpu.yield
    }) : () -> ()
    %barrier3A = arith.constant 0 : index
    tpu.barrier barrier_id(%barrier3A)
    %iota3A = tpu.iota {dimensions = array<i32: 0>} : vector<16xi32>
    %add3A_7 = arith.constant 0 : i32
    %add3A_8 = vector.broadcast %add3A_7 : i32 to vector<16xi32>
    %add3A_9 = arith.addi %iota3A, %add3A_8 : vector<16xi32>
    %jit3A = arith.constant 3 : i32
    %eq3A_10 = arith.constant 0 : i32
    %eq3A_11 = arith.cmpi eq, %jit3A, %eq3A_10 : i32
    %jit3A_12 = arith.constant 1 : i32
    %select_n3A = arith.select %eq3A_11, %jit3A_12, %jit3A : i32
    %rem3A = vector.broadcast %select_n3A : i32 to vector<16xi32>
    %rem3A_13 = arith.remsi %add3A_9, %rem3A : vector<16xi32>
    %ne3A = arith.constant 0 : i32
    %ne3A_14 = vector.broadcast %ne3A : i32 to vector<16xi32>
    %ne3A_15 = arith.cmpi ne, %rem3A_13, %ne3A_14 : vector<16xi32>
    %lt3A_16 = arith.constant 0 : i32
    %lt3A_17 = vector.broadcast %lt3A_16 : i32 to vector<16xi32>
    %lt3A_18 = arith.cmpi slt, %rem3A_13, %lt3A_17 : vector<16xi32>
    %lt3A_19 = arith.constant 0 : i32
    %lt3A_20 = arith.cmpi slt, %select_n3A, %lt3A_19 : i32
    %ne3A_21 = vector.broadcast %lt3A_20 : i1 to vector<16xi1>
    %ne3A_22 = vector.broadcast %ne3A_21 : vector<16xi1> to vector<16xi1>
    %ne3A_23 = arith.xori %lt3A_18, %ne3A_22 : vector<16xi1>
    %and3A = arith.andi %ne3A_23, %ne3A_15 : vector<16xi1>
    %add3A_24 = vector.broadcast %select_n3A : i32 to vector<16xi32>
    %add3A_25 = arith.addi %rem3A_13, %add3A_24 : vector<16xi32>
    %select_n3A_26 = arith.select %and3A, %add3A_25, %rem3A_13 : vector<16xi1>, vector<16xi32>
    %jit3A_27 = arith.constant 3 : i32
    %div3A = vector.broadcast %jit3A_27 : i32 to vector<16xi32>
    %div3A_28 = arith.divsi %add3A_9, %div3A : vector<16xi32>
    %sign3A = arith.constant 0 : i32
    %sign3A_29 = vector.broadcast %sign3A : i32 to vector<16xi32>
    %sign3A_30 = arith.cmpi sgt, %add3A_9, %sign3A_29 : vector<16xi32>
    %sign3A_31 = arith.extui %sign3A_30 : vector<16xi1> to vector<16xi32>
    %sign3A_32 = arith.constant 0 : i32
    %sign3A_33 = vector.broadcast %sign3A_32 : i32 to vector<16xi32>
    %sign3A_34 = arith.cmpi slt, %add3A_9, %sign3A_33 : vector<16xi32>
    %sign3A_35 = arith.extui %sign3A_34 : vector<16xi1> to vector<16xi32>
    %sign3A_36 = arith.subi %sign3A_31, %sign3A_35 : vector<16xi32>
    %sign3A_37 = arith.constant 0 : i32
    %sign3A_38 = arith.cmpi sgt, %jit3A_27, %sign3A_37 : i32
    %sign3A_39 = arith.extui %sign3A_38 : i1 to i32
    %sign3A_40 = arith.constant 0 : i32
    %sign3A_41 = arith.cmpi slt, %jit3A_27, %sign3A_40 : i32
    %sign3A_42 = arith.extui %sign3A_41 : i1 to i32
    %sign3A_43 = arith.subi %sign3A_39, %sign3A_42 : i32
    %ne3A_44 = vector.broadcast %sign3A_43 : i32 to vector<16xi32>
    %ne3A_45 = arith.cmpi ne, %sign3A_36, %ne3A_44 : vector<16xi32>
    %rem3A_46 = vector.broadcast %jit3A_27 : i32 to vector<16xi32>
    %rem3A_47 = arith.remsi %add3A_9, %rem3A_46 : vector<16xi32>
    %ne3A_48 = arith.constant 0 : i32
    %ne3A_49 = vector.broadcast %ne3A_48 : i32 to vector<16xi32>
    %ne3A_50 = arith.cmpi ne, %rem3A_47, %ne3A_49 : vector<16xi32>
    %and3A_51 = arith.andi %ne3A_45, %ne3A_50 : vector<16xi1>
    %sub3A = arith.constant 1 : i32
    %sub3A_52 = vector.broadcast %sub3A : i32 to vector<16xi32>
    %sub3A_53 = arith.subi %div3A_28, %sub3A_52 : vector<16xi32>
    %select_n3A_54 = arith.select %and3A_51, %sub3A_53, %div3A_28 : vector<16xi1>, vector<16xi32>
    %gather3A = tpu.vector_load_idx %arg8[%select_n3A_26] : memref<16xf32, #tpu.memory_space<vmem>>[vector<16xi32>], vector<16xf32>,
    %add3A_55 = arith.constant 8 : i32
    %add3A_56 = vector.broadcast %add3A_55 : i32 to vector<16xi32>
    %add3A_57 = arith.addi %select_n3A_26, %add3A_56 : vector<16xi32>
    %gather3A_58 = tpu.vector_load_idx %arg8[%add3A_57] : memref<16xf32, #tpu.memory_space<vmem>>[vector<16xi32>], vector<16xf32>,
    %add3A_59 = arith.constant 16 : i32
    %add3A_60 = vector.broadcast %add3A_59 : i32 to vector<16xi32>
    %add3A_61 = arith.addi %iota3A, %add3A_60 : vector<16xi32>
    %jit3A_62 = arith.constant 3 : i32
    %eq3A_63 = arith.constant 0 : i32
    %eq3A_64 = arith.cmpi eq, %jit3A_62, %eq3A_63 : i32
    %jit3A_65 = arith.constant 1 : i32
    %select_n3A_66 = arith.select %eq3A_64, %jit3A_65, %jit3A_62 : i32
    %rem3A_67 = vector.broadcast %select_n3A_66 : i32 to vector<16xi32>
    %rem3A_68 = arith.remsi %add3A_61, %rem3A_67 : vector<16xi32>
    %ne3A_69 = arith.constant 0 : i32
    %ne3A_70 = vector.broadcast %ne3A_69 : i32 to vector<16xi32>
    %ne3A_71 = arith.cmpi ne, %rem3A_68, %ne3A_70 : vector<16xi32>
    %lt3A_72 = arith.constant 0 : i32
    %lt3A_73 = vector.broadcast %lt3A_72 : i32 to vector<16xi32>
    %lt3A_74 = arith.cmpi slt, %rem3A_68, %lt3A_73 : vector<16xi32>
    %lt3A_75 = arith.constant 0 : i32
    %lt3A_76 = arith.cmpi slt, %select_n3A_66, %lt3A_75 : i32
    %ne3A_77 = vector.broadcast %lt3A_76 : i1 to vector<16xi1>
    %ne3A_78 = vector.broadcast %ne3A_77 : vector<16xi1> to vector<16xi1>
    %ne3A_79 = arith.xori %lt3A_74, %ne3A_78 : vector<16xi1>
    %and3A_80 = arith.andi %ne3A_79, %ne3A_71 : vector<16xi1>
    %add3A_81 = vector.broadcast %select_n3A_66 : i32 to vector<16xi32>
    %add3A_82 = arith.addi %rem3A_68, %add3A_81 : vector<16xi32>
    %select_n3A_83 = arith.select %and3A_80, %add3A_82, %rem3A_68 : vector<16xi1>, vector<16xi32>
    %jit3A_84 = arith.constant 3 : i32
    %div3A_85 = vector.broadcast %jit3A_84 : i32 to vector<16xi32>
    %div3A_86 = arith.divsi %add3A_61, %div3A_85 : vector<16xi32>
    %sign3A_87 = arith.constant 0 : i32
    %sign3A_88 = vector.broadcast %sign3A_87 : i32 to vector<16xi32>
    %sign3A_89 = arith.cmpi sgt, %add3A_61, %sign3A_88 : vector<16xi32>
    %sign3A_90 = arith.extui %sign3A_89 : vector<16xi1> to vector<16xi32>
    %sign3A_91 = arith.constant 0 : i32
    %sign3A_92 = vector.broadcast %sign3A_91 : i32 to vector<16xi32>
    %sign3A_93 = arith.cmpi slt, %add3A_61, %sign3A_92 : vector<16xi32>
    %sign3A_94 = arith.extui %sign3A_93 : vector<16xi1> to vector<16xi32>
    %sign3A_95 = arith.subi %sign3A_90, %sign3A_94 : vector<16xi32>
    %sign3A_96 = arith.constant 0 : i32
    %sign3A_97 = arith.cmpi sgt, %jit3A_84, %sign3A_96 : i32
    %sign3A_98 = arith.extui %sign3A_97 : i1 to i32
    %sign3A_99 = arith.constant 0 : i32
    %sign3A_100 = arith.cmpi slt, %jit3A_84, %sign3A_99 : i32
    %sign3A_101 = arith.extui %sign3A_100 : i1 to i32
    %sign3A_102 = arith.subi %sign3A_98, %sign3A_101 : i32
    %ne3A_103 = vector.broadcast %sign3A_102 : i32 to vector<16xi32>
    %ne3A_104 = arith.cmpi ne, %sign3A_95, %ne3A_103 : vector<16xi32>
    %rem3A_105 = vector.broadcast %jit3A_84 : i32 to vector<16xi32>
    %rem3A_106 = arith.remsi %add3A_61, %rem3A_105 : vector<16xi32>
    %ne3A_107 = arith.constant 0 : i32
    %ne3A_108 = vector.broadcast %ne3A_107 : i32 to vector<16xi32>
    %ne3A_109 = arith.cmpi ne, %rem3A_106, %ne3A_108 : vector<16xi32>
    %and3A_110 = arith.andi %ne3A_104, %ne3A_109 : vector<16xi1>
    %sub3A_111 = arith.constant 1 : i32
    %sub3A_112 = vector.broadcast %sub3A_111 : i32 to vector<16xi32>
    %sub3A_113 = arith.subi %div3A_86, %sub3A_112 : vector<16xi32>
    %select_n3A_114 = arith.select %and3A_110, %sub3A_113, %div3A_86 : vector<16xi1>, vector<16xi32>
    %gather3A_115 = tpu.vector_load_idx %arg8[%select_n3A_83] : memref<16xf32, #tpu.memory_space<vmem>>[vector<16xi32>], vector<16xf32>,
    %add3A_116 = arith.constant 8 : i32
    %add3A_117 = vector.broadcast %add3A_116 : i32 to vector<16xi32>
    %add3A_118 = arith.addi %select_n3A_83, %add3A_117 : vector<16xi32>
    %gather3A_119 = tpu.vector_load_idx %arg8[%add3A_118] : memref<16xf32, #tpu.memory_space<vmem>>[vector<16xi32>], vector<16xf32>,
    %add3A_120 = arith.constant 32 : i32
    %add3A_121 = vector.broadcast %add3A_120 : i32 to vector<16xi32>
    %add3A_122 = arith.addi %iota3A, %add3A_121 : vector<16xi32>
    %jit3A_123 = arith.constant 3 : i32
    %eq3A_124 = arith.constant 0 : i32
    %eq3A_125 = arith.cmpi eq, %jit3A_123, %eq3A_124 : i32
    %jit3A_126 = arith.constant 1 : i32
    %select_n3A_127 = arith.select %eq3A_125, %jit3A_126, %jit3A_123 : i32
    %rem3A_128 = vector.broadcast %select_n3A_127 : i32 to vector<16xi32>
    %rem3A_129 = arith.remsi %add3A_122, %rem3A_128 : vector<16xi32>
    %ne3A_130 = arith.constant 0 : i32
    %ne3A_131 = vector.broadcast %ne3A_130 : i32 to vector<16xi32>
    %ne3A_132 = arith.cmpi ne, %rem3A_129, %ne3A_131 : vector<16xi32>
    %lt3A_133 = arith.constant 0 : i32
    %lt3A_134 = vector.broadcast %lt3A_133 : i32 to vector<16xi32>
    %lt3A_135 = arith.cmpi slt, %rem3A_129, %lt3A_134 : vector<16xi32>
    %lt3A_136 = arith.constant 0 : i32
    %lt3A_137 = arith.cmpi slt, %select_n3A_127, %lt3A_136 : i32
    %ne3A_138 = vector.broadcast %lt3A_137 : i1 to vector<16xi1>
    %ne3A_139 = vector.broadcast %ne3A_138 : vector<16xi1> to vector<16xi1>
    %ne3A_140 = arith.xori %lt3A_135, %ne3A_139 : vector<16xi1>
    %and3A_141 = arith.andi %ne3A_140, %ne3A_132 : vector<16xi1>
    %add3A_142 = vector.broadcast %select_n3A_127 : i32 to vector<16xi32>
    %add3A_143 = arith.addi %rem3A_129, %add3A_142 : vector<16xi32>
    %select_n3A_144 = arith.select %and3A_141, %add3A_143, %rem3A_129 : vector<16xi1>, vector<16xi32>
    %jit3A_145 = arith.constant 3 : i32
    %div3A_146 = vector.broadcast %jit3A_145 : i32 to vector<16xi32>
    %div3A_147 = arith.divsi %add3A_122, %div3A_146 : vector<16xi32>
    %sign3A_148 = arith.constant 0 : i32
    %sign3A_149 = vector.broadcast %sign3A_148 : i32 to vector<16xi32>
    %sign3A_150 = arith.cmpi sgt, %add3A_122, %sign3A_149 : vector<16xi32>
    %sign3A_151 = arith.extui %sign3A_150 : vector<16xi1> to vector<16xi32>
    %sign3A_152 = arith.constant 0 : i32
    %sign3A_153 = vector.broadcast %sign3A_152 : i32 to vector<16xi32>
    %sign3A_154 = arith.cmpi slt, %add3A_122, %sign3A_153 : vector<16xi32>
    %sign3A_155 = arith.extui %sign3A_154 : vector<16xi1> to vector<16xi32>
    %sign3A_156 = arith.subi %sign3A_151, %sign3A_155 : vector<16xi32>
    %sign3A_157 = arith.constant 0 : i32
    %sign3A_158 = arith.cmpi sgt, %jit3A_145, %sign3A_157 : i32
    %sign3A_159 = arith.extui %sign3A_158 : i1 to i32
    %sign3A_160 = arith.constant 0 : i32
    %sign3A_161 = arith.cmpi slt, %jit3A_145, %sign3A_160 : i32
    %sign3A_162 = arith.extui %sign3A_161 : i1 to i32
    %sign3A_163 = arith.subi %sign3A_159, %sign3A_162 : i32
    %ne3A_164 = vector.broadcast %sign3A_163 : i32 to vector<16xi32>
    %ne3A_165 = arith.cmpi ne, %sign3A_156, %ne3A_164 : vector<16xi32>
    %rem3A_166 = vector.broadcast %jit3A_145 : i32 to vector<16xi32>
    %rem3A_167 = arith.remsi %add3A_122, %rem3A_166 : vector<16xi32>
    %ne3A_168 = arith.constant 0 : i32
    %ne3A_169 = vector.broadcast %ne3A_168 : i32 to vector<16xi32>
    %ne3A_170 = arith.cmpi ne, %rem3A_167, %ne3A_169 : vector<16xi32>
    %and3A_171 = arith.andi %ne3A_165, %ne3A_170 : vector<16xi1>
    %sub3A_172 = arith.constant 1 : i32
    %sub3A_173 = vector.broadcast %sub3A_172 : i32 to vector<16xi32>
    %sub3A_174 = arith.subi %div3A_147, %sub3A_173 : vector<16xi32>
    %select_n3A_175 = arith.select %and3A_171, %sub3A_174, %div3A_147 : vector<16xi1>, vector<16xi32>
    %gather3A_176 = tpu.vector_load_idx %arg8[%select_n3A_144] : memref<16xf32, #tpu.memory_space<vmem>>[vector<16xi32>], vector<16xf32>,
    %add3A_177 = arith.constant 8 : i32
    %add3A_178 = vector.broadcast %add3A_177 : i32 to vector<16xi32>
    %add3A_179 = arith.addi %select_n3A_144, %add3A_178 : vector<16xi32>
    %gather3A_180 = tpu.vector_load_idx %arg8[%add3A_179] : memref<16xf32, #tpu.memory_space<vmem>>[vector<16xi32>], vector<16xf32>,
    %mul3A_181 = arith.constant 102400 : i32
    %mul3A_182 = arith.muli %add3A, %mul3A_181 : i32
    %mul3A_183 = arith.constant 512 : i32
    %mul3A_184 = arith.muli %add3A, %mul3A_183 : i32
    %add3A_185 = arith.constant 0 : i32
    %add3A_186 = arith.addi %mul3A_182, %add3A_185 : i32
    %dma_start3A = arith.constant 0 : i32
    %dma_start3A_187 = arith.constant 0 : i32
    %dma_start3A_188 = tpu.memref_slice %arg9[%dma_start3A, %dma_start3A_187] : memref<2x1600xi32, #tpu.memory_space<vmem>> -> memref<1x1600xi32, #tpu.memory_space<vmem>>
    %dma_start3A_189 = tpu.memref_squeeze %dma_start3A_188 : memref<1x1600xi32, #tpu.memory_space<vmem>> -> memref<1600xi32, #tpu.memory_space<vmem>>
    %dma_start3A_190 = tpu.memref_slice %arg5[%add3A_186] : memref<3276800xi32, #tpu.memory_space<hbm>> -> memref<1600xi32, #tpu.memory_space<hbm>>
    %dma_start3A_191 = arith.constant 0 : i32
    %dma_start3A_192 = tpu.memref_slice %arg9[%dma_start3A, %dma_start3A_191] : memref<2x1600xi32, #tpu.memory_space<vmem>> -> memref<1x1600xi32, #tpu.memory_space<vmem>>
    %dma_start3A_193 = tpu.memref_squeeze %dma_start3A_192 : memref<1x1600xi32, #tpu.memory_space<vmem>> -> memref<1600xi32, #tpu.memory_space<vmem>>
    %dma_start3A_194 = tpu.memref_slice %arg5[%add3A_186] : memref<3276800xi32, #tpu.memory_space<hbm>> -> memref<1600xi32, #tpu.memory_space<hbm>>
    tpu.enqueue_dma source(%dma_start3A_194 : memref<1600xi32, #tpu.memory_space<hbm>>) target(%dma_start3A_193 : memref<1600xi32, #tpu.memory_space<vmem>>) target_semaphore(%arg12 : memref<!tpu.dma_semaphore, #tpu.memory_space<semaphore_mem>>)
    %add3A_195 = arith.constant 1600 : i32
    %add3A_196 = arith.addi %mul3A_182, %add3A_195 : i32
    %dma_start3A_197 = arith.constant 1 : i32
    %dma_start3A_198 = arith.constant 0 : i32
    %dma_start3A_199 = tpu.memref_slice %arg9[%dma_start3A_197, %dma_start3A_198] : memref<2x1600xi32, #tpu.memory_space<vmem>> -> memref<1x1600xi32, #tpu.memory_space<vmem>>
    %dma_start3A_200 = tpu.memref_squeeze %dma_start3A_199 : memref<1x1600xi32, #tpu.memory_space<vmem>> -> memref<1600xi32, #tpu.memory_space<vmem>>
    %dma_start3A_201 = tpu.memref_slice %arg5[%add3A_196] : memref<3276800xi32, #tpu.memory_space<hbm>> -> memref<1600xi32, #tpu.memory_space<hbm>>
    %dma_start3A_202 = arith.constant 0 : i32
    %dma_start3A_203 = tpu.memref_slice %arg9[%dma_start3A_197, %dma_start3A_202] : memref<2x1600xi32, #tpu.memory_space<vmem>> -> memref<1x1600xi32, #tpu.memory_space<vmem>>
    %dma_start3A_204 = tpu.memref_squeeze %dma_start3A_203 : memref<1x1600xi32, #tpu.memory_space<vmem>> -> memref<1600xi32, #tpu.memory_space<vmem>>
    %dma_start3A_205 = tpu.memref_slice %arg5[%add3A_196] : memref<3276800xi32, #tpu.memory_space<hbm>> -> memref<1600xi32, #tpu.memory_space<hbm>>
    tpu.enqueue_dma source(%dma_start3A_205 : memref<1600xi32, #tpu.memory_space<hbm>>) target(%dma_start3A_204 : memref<1600xi32, #tpu.memory_space<vmem>>) target_semaphore(%arg13 : memref<!tpu.dma_semaphore, #tpu.memory_space<semaphore_mem>>)
    %add3A_206 = arith.constant 0 : i32
    %add3A_207 = arith.addi %mul3A_182, %add3A_206 : i32
    %dma_wait3A = arith.constant 0 : i32
    %dma_wait3A_208 = arith.constant 0 : i32
    %dma_wait3A_209 = tpu.memref_slice %arg9[%dma_wait3A, %dma_wait3A_208] : memref<2x1600xi32, #tpu.memory_space<vmem>> -> memref<1x1600xi32, #tpu.memory_space<vmem>>
    %dma_wait3A_210 = tpu.memref_squeeze %dma_wait3A_209 : memref<1x1600xi32, #tpu.memory_space<vmem>> -> memref<1600xi32, #tpu.memory_space<vmem>>
    %dma_wait3A_211 = tpu.memref_slice %arg5[%add3A_207] : memref<3276800xi32, #tpu.memory_space<hbm>> -> memref<1600xi32, #tpu.memory_space<hbm>>
    %dma_wait3A_212 = arith.constant 0 : i32
    %dma_wait3A_213 = tpu.memref_slice %arg9[%dma_wait3A, %dma_wait3A_212] : memref<2x1600xi32, #tpu.memory_space<vmem>> -> memref<1x1600xi32, #tpu.memory_space<vmem>>
    %dma_wait3A_214 = tpu.memref_squeeze %dma_wait3A_213 : memref<1x1600xi32, #tpu.memory_space<vmem>> -> memref<1600xi32, #tpu.memory_space<vmem>>
    %dma_wait3A_215 = tpu.memref_slice %arg5[%add3A_207] : memref<3276800xi32, #tpu.memory_space<hbm>> -> memref<1600xi32, #tpu.memory_space<hbm>>
    tpu.wait_dma2 semaphore(%arg12 : memref<!tpu.dma_semaphore, #tpu.memory_space<semaphore_mem>>) src(%dma_wait3A_215 : memref<1600xi32, #tpu.memory_space<hbm>>) dst(%dma_wait3A_214 : memref<1600xi32, #tpu.memory_space<vmem>>)
    %dma_start3A_216 = arith.constant 0 : i32
    %dma_start3A_217 = arith.constant 0 : i32
    %dma_start3A_218 = arith.constant 0 : i32
    %dma_start3A_219 = tpu.memref_slice %arg10[%dma_start3A_217, %dma_start3A_218] : memref<2x1600xf32, #tpu.memory_space<vmem>> -> memref<1x200xf32, #tpu.memory_space<vmem>>
    %dma_start3A_220 = tpu.memref_squeeze %dma_start3A_219 : memref<1x200xf32, #tpu.memory_space<vmem>> -> memref<200xf32, #tpu.memory_space<vmem>>
    %dma_start3A_221 = arith.constant 0 : i32
    %dma_start3A_222 = tpu.memref_slice %arg9[%dma_start3A_216, %dma_start3A_221] : memref<2x1600xi32, #tpu.memory_space<vmem>> -> memref<1x200xi32, #tpu.memory_space<vmem>>
    %dma_start3A_223 = tpu.memref_squeeze %dma_start3A_222 : memref<1x200xi32, #tpu.memory_space<vmem>> -> memref<200xi32, #tpu.memory_space<vmem>>
    %dma_start3A_224 = arith.constant 0 : i32
    %dma_start3A_225 = tpu.memref_slice %arg7[%dma_start3A_224] : memref<1000000xf32, #tpu.memory_space<vmem_shared>> -> memref<1000000xf32, #tpu.memory_space<vmem_shared>>
    tpu.enqueue_indirect_dma source(%dma_start3A_225 : memref<1000000xf32, #tpu.memory_space<vmem_shared>>) target(%dma_start3A_220 : memref<200xf32, #tpu.memory_space<vmem>>) offsets(%dma_start3A_223 : memref<200xi32, #tpu.memory_space<vmem>>) semaphore(%arg14 : memref<!tpu.dma_semaphore, #tpu.memory_space<semaphore_mem>>)
    %dma_start3A_226 = arith.constant 0 : i32
    %dma_start3A_227 = arith.constant 0 : i32
    %dma_start3A_228 = arith.constant 200 : i32
    %dma_start3A_229 = tpu.memref_slice %arg10[%dma_start3A_227, %dma_start3A_228] : memref<2x1600xf32, #tpu.memory_space<vmem>> -> memref<1x200xf32, #tpu.memory_space<vmem>>
    %dma_start3A_230 = tpu.memref_squeeze %dma_start3A_229 : memref<1x200xf32, #tpu.memory_space<vmem>> -> memref<200xf32, #tpu.memory_space<vmem>>
    %dma_start3A_231 = arith.constant 200 : i32
    %dma_start3A_232 = tpu.memref_slice %arg9[%dma_start3A_226, %dma_start3A_231] : memref<2x1600xi32, #tpu.memory_space<vmem>> -> memref<1x200xi32, #tpu.memory_space<vmem>>
    %dma_start3A_233 = tpu.memref_squeeze %dma_start3A_232 : memref<1x200xi32, #tpu.memory_space<vmem>> -> memref<200xi32, #tpu.memory_space<vmem>>
    %dma_start3A_234 = arith.constant 0 : i32
    %dma_start3A_235 = tpu.memref_slice %arg7[%dma_start3A_234] : memref<1000000xf32, #tpu.memory_space<vmem_shared>> -> memref<1000000xf32, #tpu.memory_space<vmem_shared>>
    tpu.enqueue_indirect_dma source(%dma_start3A_235 : memref<1000000xf32, #tpu.memory_space<vmem_shared>>) target(%dma_start3A_230 : memref<200xf32, #tpu.memory_space<vmem>>) offsets(%dma_start3A_233 : memref<200xi32, #tpu.memory_space<vmem>>) semaphore(%arg14 : memref<!tpu.dma_semaphore, #tpu.memory_space<semaphore_mem>>)
    %dma_start3A_236 = arith.constant 0 : i32
    %dma_start3A_237 = arith.constant 0 : i32
    %dma_start3A_238 = arith.constant 400 : i32
    %dma_start3A_239 = tpu.memref_slice %arg10[%dma_start3A_237, %dma_start3A_238] : memref<2x1600xf32, #tpu.memory_space<vmem>> -> memref<1x200xf32, #tpu.memory_space<vmem>>
    %dma_start3A_240 = tpu.memref_squeeze %dma_start3A_239 : memref<1x200xf32, #tpu.memory_space<vmem>> -> memref<200xf32, #tpu.memory_space<vmem>>
    %dma_start3A_241 = arith.constant 400 : i32
    %dma_start3A_242 = tpu.memref_slice %arg9[%dma_start3A_236, %dma_start3A_241] : memref<2x1600xi32, #tpu.memory_space<vmem>> -> memref<1x200xi32, #tpu.memory_space<vmem>>
    %dma_start3A_243 = tpu.memref_squeeze %dma_start3A_242 : memref<1x200xi32, #tpu.memory_space<vmem>> -> memref<200xi32, #tpu.memory_space<vmem>>
    %dma_start3A_244 = arith.constant 0 : i32
    %dma_start3A_245 = tpu.memref_slice %arg7[%dma_start3A_244] : memref<1000000xf32, #tpu.memory_space<vmem_shared>> -> memref<1000000xf32, #tpu.memory_space<vmem_shared>>
    tpu.enqueue_indirect_dma source(%dma_start3A_245 : memref<1000000xf32, #tpu.memory_space<vmem_shared>>) target(%dma_start3A_240 : memref<200xf32, #tpu.memory_space<vmem>>) offsets(%dma_start3A_243 : memref<200xi32, #tpu.memory_space<vmem>>) semaphore(%arg14 : memref<!tpu.dma_semaphore, #tpu.memory_space<semaphore_mem>>)
    %dma_start3A_246 = arith.constant 0 : i32
    %dma_start3A_247 = arith.constant 0 : i32
    %dma_start3A_248 = arith.constant 600 : i32
    %dma_start3A_249 = tpu.memref_slice %arg10[%dma_start3A_247, %dma_start3A_248] : memref<2x1600xf32, #tpu.memory_space<vmem>> -> memref<1x200xf32, #tpu.memory_space<vmem>>
    %dma_start3A_250 = tpu.memref_squeeze %dma_start3A_249 : memref<1x200xf32, #tpu.memory_space<vmem>> -> memref<200xf32, #tpu.memory_space<vmem>>
    %dma_start3A_251 = arith.constant 600 : i32
    %dma_start3A_252 = tpu.memref_slice %arg9[%dma_start3A_246, %dma_start3A_251] : memref<2x1600xi32, #tpu.memory_space<vmem>> -> memref<1x200xi32, #tpu.memory_space<vmem>>
    %dma_start3A_253 = tpu.memref_squeeze %dma_start3A_252 : memref<1x200xi32, #tpu.memory_space<vmem>> -> memref<200xi32, #tpu.memory_space<vmem>>
    %dma_start3A_254 = arith.constant 0 : i32
    %dma_start3A_255 = tpu.memref_slice %arg7[%dma_start3A_254] : memref<1000000xf32, #tpu.memory_space<vmem_shared>> -> memref<1000000xf32, #tpu.memory_space<vmem_shared>>
    tpu.enqueue_indirect_dma source(%dma_start3A_255 : memref<1000000xf32, #tpu.memory_space<vmem_shared>>) target(%dma_start3A_250 : memref<200xf32, #tpu.memory_space<vmem>>) offsets(%dma_start3A_253 : memref<200xi32, #tpu.memory_space<vmem>>) semaphore(%arg14 : memref<!tpu.dma_semaphore, #tpu.memory_space<semaphore_mem>>)
    %dma_start3A_256 = arith.constant 0 : i32
    %dma_start3A_257 = arith.constant 0 : i32
    %dma_start3A_258 = arith.constant 800 : i32
    %dma_start3A_259 = tpu.memref_slice %arg10[%dma_start3A_257, %dma_start3A_258] : memref<2x1600xf32, #tpu.memory_space<vmem>> -> memref<1x200xf32, #tpu.memory_space<vmem>>
    %dma_start3A_260 = tpu.memref_squeeze %dma_start3A_259 : memref<1x200xf32, #tpu.memory_space<vmem>> -> memref<200xf32, #tpu.memory_space<vmem>>
    %dma_start3A_261 = arith.constant 800 : i32
    %dma_start3A_262 = tpu.memref_slice %arg9[%dma_start3A_256, %dma_start3A_261] : memref<2x1600xi32, #tpu.memory_space<vmem>> -> memref<1x200xi32, #tpu.memory_space<vmem>>
    %dma_start3A_263 = tpu.memref_squeeze %dma_start3A_262 : memref<1x200xi32, #tpu.memory_space<vmem>> -> memref<200xi32, #tpu.memory_space<vmem>>
    %dma_start3A_264 = arith.constant 0 : i32
    %dma_start3A_265 = tpu.memref_slice %arg7[%dma_start3A_264] : memref<1000000xf32, #tpu.memory_space<vmem_shared>> -> memref<1000000xf32, #tpu.memory_space<vmem_shared>>
    tpu.enqueue_indirect_dma source(%dma_start3A_265 : memref<1000000xf32, #tpu.memory_space<vmem_shared>>) target(%dma_start3A_260 : memref<200xf32, #tpu.memory_space<vmem>>) offsets(%dma_start3A_263 : memref<200xi32, #tpu.memory_space<vmem>>) semaphore(%arg14 : memref<!tpu.dma_semaphore, #tpu.memory_space<semaphore_mem>>)
    %dma_start3A_266 = arith.constant 0 : i32
    %dma_start3A_267 = arith.constant 0 : i32
    %dma_start3A_268 = arith.constant 1000 : i32
    %dma_start3A_269 = tpu.memref_slice %arg10[%dma_start3A_267, %dma_start3A_268] : memref<2x1600xf32, #tpu.memory_space<vmem>> -> memref<1x200xf32, #tpu.memory_space<vmem>>
    %dma_start3A_270 = tpu.memref_squeeze %dma_start3A_269 : memref<1x200xf32, #tpu.memory_space<vmem>> -> memref<200xf32, #tpu.memory_space<vmem>>
    %dma_start3A_271 = arith.constant 1000 : i32
    %dma_start3A_272 = tpu.memref_slice %arg9[%dma_start3A_266, %dma_start3A_271] : memref<2x1600xi32, #tpu.memory_space<vmem>> -> memref<1x200xi32, #tpu.memory_space<vmem>>
    %dma_start3A_273 = tpu.memref_squeeze %dma_start3A_272 : memref<1x200xi32, #tpu.memory_space<vmem>> -> memref<200xi32, #tpu.memory_space<vmem>>
    %dma_start3A_274 = arith.constant 0 : i32
    %dma_start3A_275 = tpu.memref_slice %arg7[%dma_start3A_274] : memref<1000000xf32, #tpu.memory_space<vmem_shared>> -> memref<1000000xf32, #tpu.memory_space<vmem_shared>>
    tpu.enqueue_indirect_dma source(%dma_start3A_275 : memref<1000000xf32, #tpu.memory_space<vmem_shared>>) target(%dma_start3A_270 : memref<200xf32, #tpu.memory_space<vmem>>) offsets(%dma_start3A_273 : memref<200xi32, #tpu.memory_space<vmem>>) semaphore(%arg14 : memref<!tpu.dma_semaphore, #tpu.memory_space<semaphore_mem>>)
    %dma_start3A_276 = arith.constant 0 : i32
    %dma_start3A_277 = arith.constant 0 : i32
    %dma_start3A_278 = arith.constant 1200 : i32
    %dma_start3A_279 = tpu.memref_slice %arg10[%dma_start3A_277, %dma_start3A_278] : memref<2x1600xf32, #tpu.memory_space<vmem>> -> memref<1x200xf32, #tpu.memory_space<vmem>>
    %dma_start3A_280 = tpu.memref_squeeze %dma_start3A_279 : memref<1x200xf32, #tpu.memory_space<vmem>> -> memref<200xf32, #tpu.memory_space<vmem>>
    %dma_start3A_281 = arith.constant 1200 : i32
    %dma_start3A_282 = tpu.memref_slice %arg9[%dma_start3A_276, %dma_start3A_281] : memref<2x1600xi32, #tpu.memory_space<vmem>> -> memref<1x200xi32, #tpu.memory_space<vmem>>
    %dma_start3A_283 = tpu.memref_squeeze %dma_start3A_282 : memref<1x200xi32, #tpu.memory_space<vmem>> -> memref<200xi32, #tpu.memory_space<vmem>>
    %dma_start3A_284 = arith.constant 0 : i32
    %dma_start3A_285 = tpu.memref_slice %arg7[%dma_start3A_284] : memref<1000000xf32, #tpu.memory_space<vmem_shared>> -> memref<1000000xf32, #tpu.memory_space<vmem_shared>>
    tpu.enqueue_indirect_dma source(%dma_start3A_285 : memref<1000000xf32, #tpu.memory_space<vmem_shared>>) target(%dma_start3A_280 : memref<200xf32, #tpu.memory_space<vmem>>) offsets(%dma_start3A_283 : memref<200xi32, #tpu.memory_space<vmem>>) semaphore(%arg14 : memref<!tpu.dma_semaphore, #tpu.memory_space<semaphore_mem>>)
    %dma_start3A_286 = arith.constant 0 : i32
    %dma_start3A_287 = arith.constant 0 : i32
    %dma_start3A_288 = arith.constant 1400 : i32
    %dma_start3A_289 = tpu.memref_slice %arg10[%dma_start3A_287, %dma_start3A_288] : memref<2x1600xf32, #tpu.memory_space<vmem>> -> memref<1x200xf32, #tpu.memory_space<vmem>>
    %dma_start3A_290 = tpu.memref_squeeze %dma_start3A_289 : memref<1x200xf32, #tpu.memory_space<vmem>> -> memref<200xf32, #tpu.memory_space<vmem>>
    %dma_start3A_291 = arith.constant 1400 : i32
    %dma_start3A_292 = tpu.memref_slice %arg9[%dma_start3A_286, %dma_start3A_291] : memref<2x1600xi32, #tpu.memory_space<vmem>> -> memref<1x200xi32, #tpu.memory_space<vmem>>
    %dma_start3A_293 = tpu.memref_squeeze %dma_start3A_292 : memref<1x200xi32, #tpu.memory_space<vmem>> -> memref<200xi32, #tpu.memory_space<vmem>>
    %dma_start3A_294 = arith.constant 0 : i32
    %dma_start3A_295 = tpu.memref_slice %arg7[%dma_start3A_294] : memref<1000000xf32, #tpu.memory_space<vmem_shared>> -> memref<1000000xf32, #tpu.memory_space<vmem_shared>>
    tpu.enqueue_indirect_dma source(%dma_start3A_295 : memref<1000000xf32, #tpu.memory_space<vmem_shared>>) target(%dma_start3A_290 : memref<200xf32, #tpu.memory_space<vmem>>) offsets(%dma_start3A_293 : memref<200xi32, #tpu.memory_space<vmem>>) semaphore(%arg14 : memref<!tpu.dma_semaphore, #tpu.memory_space<semaphore_mem>>)
    %dma_wait3A_296 = arith.constant 0 : i32
    %dma_wait3A_297 = arith.constant 0 : i32
    %dma_wait3A_298 = arith.constant 0 : i32
    %dma_wait3A_299 = tpu.memref_slice %arg10[%dma_wait3A_297, %dma_wait3A_298] : memref<2x1600xf32, #tpu.memory_space<vmem>> -> memref<1x200xf32, #tpu.memory_space<vmem>>
    %dma_wait3A_300 = tpu.memref_squeeze %dma_wait3A_299 : memref<1x200xf32, #tpu.memory_space<vmem>> -> memref<200xf32, #tpu.memory_space<vmem>>
    %dma_wait3A_301 = arith.constant 0 : i32
    %dma_wait3A_302 = tpu.memref_slice %arg9[%dma_wait3A_296, %dma_wait3A_301] : memref<2x1600xi32, #tpu.memory_space<vmem>> -> memref<1x200xi32, #tpu.memory_space<vmem>>
    %dma_wait3A_303 = tpu.memref_squeeze %dma_wait3A_302 : memref<1x200xi32, #tpu.memory_space<vmem>> -> memref<200xi32, #tpu.memory_space<vmem>>
    %dma_wait3A_304 = arith.constant 0 : i32
    %dma_wait3A_305 = tpu.memref_slice %arg7[%dma_wait3A_304] : memref<1000000xf32, #tpu.memory_space<vmem_shared>> -> memref<1000000xf32, #tpu.memory_space<vmem_shared>>
    tpu.wait_indirect_dma semaphore(%arg14 : memref<!tpu.dma_semaphore, #tpu.memory_space<semaphore_mem>>) src(%dma_wait3A_305 : memref<1000000xf32, #tpu.memory_space<vmem_shared>>) dst(%dma_wait3A_300 : memref<200xf32, #tpu.memory_space<vmem>>)
    %dma_wait3A_306 = arith.constant 0 : i32
    %dma_wait3A_307 = arith.constant 0 : i32
    %dma_wait3A_308 = arith.constant 200 : i32
    %dma_wait3A_309 = tpu.memref_slice %arg10[%dma_wait3A_307, %dma_wait3A_308] : memref<2x1600xf32, #tpu.memory_space<vmem>> -> memref<1x200xf32, #tpu.memory_space<vmem>>
    %dma_wait3A_310 = tpu.memref_squeeze %dma_wait3A_309 : memref<1x200xf32, #tpu.memory_space<vmem>> -> memref<200xf32, #tpu.memory_space<vmem>>
    %dma_wait3A_311 = arith.constant 200 : i32
    %dma_wait3A_312 = tpu.memref_slice %arg9[%dma_wait3A_306, %dma_wait3A_311] : memref<2x1600xi32, #tpu.memory_space<vmem>> -> memref<1x200xi32, #tpu.memory_space<vmem>>
    %dma_wait3A_313 = tpu.memref_squeeze %dma_wait3A_312 : memref<1x200xi32, #tpu.memory_space<vmem>> -> memref<200xi32, #tpu.memory_space<vmem>>
    %dma_wait3A_314 = arith.constant 0 : i32
    %dma_wait3A_315 = tpu.memref_slice %arg7[%dma_wait3A_314] : memref<1000000xf32, #tpu.memory_space<vmem_shared>> -> memref<1000000xf32, #tpu.memory_space<vmem_shared>>
    tpu.wait_indirect_dma semaphore(%arg14 : memref<!tpu.dma_semaphore, #tpu.memory_space<semaphore_mem>>) src(%dma_wait3A_315 : memref<1000000xf32, #tpu.memory_space<vmem_shared>>) dst(%dma_wait3A_310 : memref<200xf32, #tpu.memory_space<vmem>>)
    %dma_wait3A_316 = arith.constant 0 : i32
    %dma_wait3A_317 = arith.constant 0 : i32
    %dma_wait3A_318 = arith.constant 400 : i32
    %dma_wait3A_319 = tpu.memref_slice %arg10[%dma_wait3A_317, %dma_wait3A_318] : memref<2x1600xf32, #tpu.memory_space<vmem>> -> memref<1x200xf32, #tpu.memory_space<vmem>>
    %dma_wait3A_320 = tpu.memref_squeeze %dma_wait3A_319 : memref<1x200xf32, #tpu.memory_space<vmem>> -> memref<200xf32, #tpu.memory_space<vmem>>
    %dma_wait3A_321 = arith.constant 400 : i32
    %dma_wait3A_322 = tpu.memref_slice %arg9[%dma_wait3A_316, %dma_wait3A_321] : memref<2x1600xi32, #tpu.memory_space<vmem>> -> memref<1x200xi32, #tpu.memory_space<vmem>>
    %dma_wait3A_323 = tpu.memref_squeeze %dma_wait3A_322 : memref<1x200xi32, #tpu.memory_space<vmem>> -> memref<200xi32, #tpu.memory_space<vmem>>
    %dma_wait3A_324 = arith.constant 0 : i32
    %dma_wait3A_325 = tpu.memref_slice %arg7[%dma_wait3A_324] : memref<1000000xf32, #tpu.memory_space<vmem_shared>> -> memref<1000000xf32, #tpu.memory_space<vmem_shared>>
    tpu.wait_indirect_dma semaphore(%arg14 : memref<!tpu.dma_semaphore, #tpu.memory_space<semaphore_mem>>) src(%dma_wait3A_325 : memref<1000000xf32, #tpu.memory_space<vmem_shared>>) dst(%dma_wait3A_320 : memref<200xf32, #tpu.memory_space<vmem>>)
    %dma_wait3A_326 = arith.constant 0 : i32
    %dma_wait3A_327 = arith.constant 0 : i32
    %dma_wait3A_328 = arith.constant 600 : i32
    %dma_wait3A_329 = tpu.memref_slice %arg10[%dma_wait3A_327, %dma_wait3A_328] : memref<2x1600xf32, #tpu.memory_space<vmem>> -> memref<1x200xf32, #tpu.memory_space<vmem>>
    %dma_wait3A_330 = tpu.memref_squeeze %dma_wait3A_329 : memref<1x200xf32, #tpu.memory_space<vmem>> -> memref<200xf32, #tpu.memory_space<vmem>>
    %dma_wait3A_331 = arith.constant 600 : i32
    %dma_wait3A_332 = tpu.memref_slice %arg9[%dma_wait3A_326, %dma_wait3A_331] : memref<2x1600xi32, #tpu.memory_space<vmem>> -> memref<1x200xi32, #tpu.memory_space<vmem>>
    %dma_wait3A_333 = tpu.memref_squeeze %dma_wait3A_332 : memref<1x200xi32, #tpu.memory_space<vmem>> -> memref<200xi32, #tpu.memory_space<vmem>>
    %dma_wait3A_334 = arith.constant 0 : i32
    %dma_wait3A_335 = tpu.memref_slice %arg7[%dma_wait3A_334] : memref<1000000xf32, #tpu.memory_space<vmem_shared>> -> memref<1000000xf32, #tpu.memory_space<vmem_shared>>
    tpu.wait_indirect_dma semaphore(%arg14 : memref<!tpu.dma_semaphore, #tpu.memory_space<semaphore_mem>>) src(%dma_wait3A_335 : memref<1000000xf32, #tpu.memory_space<vmem_shared>>) dst(%dma_wait3A_330 : memref<200xf32, #tpu.memory_space<vmem>>)
    %dma_wait3A_336 = arith.constant 0 : i32
    %dma_wait3A_337 = arith.constant 0 : i32
    %dma_wait3A_338 = arith.constant 800 : i32
    %dma_wait3A_339 = tpu.memref_slice %arg10[%dma_wait3A_337, %dma_wait3A_338] : memref<2x1600xf32, #tpu.memory_space<vmem>> -> memref<1x200xf32, #tpu.memory_space<vmem>>
    %dma_wait3A_340 = tpu.memref_squeeze %dma_wait3A_339 : memref<1x200xf32, #tpu.memory_space<vmem>> -> memref<200xf32, #tpu.memory_space<vmem>>
    %dma_wait3A_341 = arith.constant 800 : i32
    %dma_wait3A_342 = tpu.memref_slice %arg9[%dma_wait3A_336, %dma_wait3A_341] : memref<2x1600xi32, #tpu.memory_space<vmem>> -> memref<1x200xi32, #tpu.memory_space<vmem>>
    %dma_wait3A_343 = tpu.memref_squeeze %dma_wait3A_342 : memref<1x200xi32, #tpu.memory_space<vmem>> -> memref<200xi32, #tpu.memory_space<vmem>>
    %dma_wait3A_344 = arith.constant 0 : i32
    %dma_wait3A_345 = tpu.memref_slice %arg7[%dma_wait3A_344] : memref<1000000xf32, #tpu.memory_space<vmem_shared>> -> memref<1000000xf32, #tpu.memory_space<vmem_shared>>
    tpu.wait_indirect_dma semaphore(%arg14 : memref<!tpu.dma_semaphore, #tpu.memory_space<semaphore_mem>>) src(%dma_wait3A_345 : memref<1000000xf32, #tpu.memory_space<vmem_shared>>) dst(%dma_wait3A_340 : memref<200xf32, #tpu.memory_space<vmem>>)
    %dma_wait3A_346 = arith.constant 0 : i32
    %dma_wait3A_347 = arith.constant 0 : i32
    %dma_wait3A_348 = arith.constant 1000 : i32
    %dma_wait3A_349 = tpu.memref_slice %arg10[%dma_wait3A_347, %dma_wait3A_348] : memref<2x1600xf32, #tpu.memory_space<vmem>> -> memref<1x200xf32, #tpu.memory_space<vmem>>
    %dma_wait3A_350 = tpu.memref_squeeze %dma_wait3A_349 : memref<1x200xf32, #tpu.memory_space<vmem>> -> memref<200xf32, #tpu.memory_space<vmem>>
    %dma_wait3A_351 = arith.constant 1000 : i32
    %dma_wait3A_352 = tpu.memref_slice %arg9[%dma_wait3A_346, %dma_wait3A_351] : memref<2x1600xi32, #tpu.memory_space<vmem>> -> memref<1x200xi32, #tpu.memory_space<vmem>>
    %dma_wait3A_353 = tpu.memref_squeeze %dma_wait3A_352 : memref<1x200xi32, #tpu.memory_space<vmem>> -> memref<200xi32, #tpu.memory_space<vmem>>
    %dma_wait3A_354 = arith.constant 0 : i32
    %dma_wait3A_355 = tpu.memref_slice %arg7[%dma_wait3A_354] : memref<1000000xf32, #tpu.memory_space<vmem_shared>> -> memref<1000000xf32, #tpu.memory_space<vmem_shared>>
    tpu.wait_indirect_dma semaphore(%arg14 : memref<!tpu.dma_semaphore, #tpu.memory_space<semaphore_mem>>) src(%dma_wait3A_355 : memref<1000000xf32, #tpu.memory_space<vmem_shared>>) dst(%dma_wait3A_350 : memref<200xf32, #tpu.memory_space<vmem>>)
    %dma_wait3A_356 = arith.constant 0 : i32
    %dma_wait3A_357 = arith.constant 0 : i32
    %dma_wait3A_358 = arith.constant 1200 : i32
    %dma_wait3A_359 = tpu.memref_slice %arg10[%dma_wait3A_357, %dma_wait3A_358] : memref<2x1600xf32, #tpu.memory_space<vmem>> -> memref<1x200xf32, #tpu.memory_space<vmem>>
    %dma_wait3A_360 = tpu.memref_squeeze %dma_wait3A_359 : memref<1x200xf32, #tpu.memory_space<vmem>> -> memref<200xf32, #tpu.memory_space<vmem>>
    %dma_wait3A_361 = arith.constant 1200 : i32
    %dma_wait3A_362 = tpu.memref_slice %arg9[%dma_wait3A_356, %dma_wait3A_361] : memref<2x1600xi32, #tpu.memory_space<vmem>> -> memref<1x200xi32, #tpu.memory_space<vmem>>
    %dma_wait3A_363 = tpu.memref_squeeze %dma_wait3A_362 : memref<1x200xi32, #tpu.memory_space<vmem>> -> memref<200xi32, #tpu.memory_space<vmem>>
    %dma_wait3A_364 = arith.constant 0 : i32
    %dma_wait3A_365 = tpu.memref_slice %arg7[%dma_wait3A_364] : memref<1000000xf32, #tpu.memory_space<vmem_shared>> -> memref<1000000xf32, #tpu.memory_space<vmem_shared>>
    tpu.wait_indirect_dma semaphore(%arg14 : memref<!tpu.dma_semaphore, #tpu.memory_space<semaphore_mem>>) src(%dma_wait3A_365 : memref<1000000xf32, #tpu.memory_space<vmem_shared>>) dst(%dma_wait3A_360 : memref<200xf32, #tpu.memory_space<vmem>>)
    %dma_wait3A_366 = arith.constant 0 : i32
    %dma_wait3A_367 = arith.constant 0 : i32
    %dma_wait3A_368 = arith.constant 1400 : i32
    %dma_wait3A_369 = tpu.memref_slice %arg10[%dma_wait3A_367, %dma_wait3A_368] : memref<2x1600xf32, #tpu.memory_space<vmem>> -> memref<1x200xf32, #tpu.memory_space<vmem>>
    %dma_wait3A_370 = tpu.memref_squeeze %dma_wait3A_369 : memref<1x200xf32, #tpu.memory_space<vmem>> -> memref<200xf32, #tpu.memory_space<vmem>>
    %dma_wait3A_371 = arith.constant 1400 : i32
    %dma_wait3A_372 = tpu.memref_slice %arg9[%dma_wait3A_366, %dma_wait3A_371] : memref<2x1600xi32, #tpu.memory_space<vmem>> -> memref<1x200xi32, #tpu.memory_space<vmem>>
    %dma_wait3A_373 = tpu.memref_squeeze %dma_wait3A_372 : memref<1x200xi32, #tpu.memory_space<vmem>> -> memref<200xi32, #tpu.memory_space<vmem>>
    %dma_wait3A_374 = arith.constant 0 : i32
    %dma_wait3A_375 = tpu.memref_slice %arg7[%dma_wait3A_374] : memref<1000000xf32, #tpu.memory_space<vmem_shared>> -> memref<1000000xf32, #tpu.memory_space<vmem_shared>>
    tpu.wait_indirect_dma semaphore(%arg14 : memref<!tpu.dma_semaphore, #tpu.memory_space<semaphore_mem>>) src(%dma_wait3A_375 : memref<1000000xf32, #tpu.memory_space<vmem_shared>>) dst(%dma_wait3A_370 : memref<200xf32, #tpu.memory_space<vmem>>)
    %add3A_376 = arith.constant 3200 : i32
    %add3A_377 = arith.addi %mul3A_182, %add3A_376 : i32
    %dma_start3A_378 = arith.constant 0 : i32
    %dma_start3A_379 = arith.constant 0 : i32
    %dma_start3A_380 = tpu.memref_slice %arg9[%dma_start3A_378, %dma_start3A_379] : memref<2x1600xi32, #tpu.memory_space<vmem>> -> memref<1x1600xi32, #tpu.memory_space<vmem>>
    %dma_start3A_381 = tpu.memref_squeeze %dma_start3A_380 : memref<1x1600xi32, #tpu.memory_space<vmem>> -> memref<1600xi32, #tpu.memory_space<vmem>>
    %dma_start3A_382 = tpu.memref_slice %arg5[%add3A_377] : memref<3276800xi32, #tpu.memory_space<hbm>> -> memref<1600xi32, #tpu.memory_space<hbm>>
    %dma_start3A_383 = arith.constant 0 : i32
    %dma_start3A_384 = tpu.memref_slice %arg9[%dma_start3A_378, %dma_start3A_383] : memref<2x1600xi32, #tpu.memory_space<vmem>> -> memref<1x1600xi32, #tpu.memory_space<vmem>>
    %dma_start3A_385 = tpu.memref_squeeze %dma_start3A_384 : memref<1x1600xi32, #tpu.memory_space<vmem>> -> memref<1600xi32, #tpu.memory_space<vmem>>
    %dma_start3A_386 = tpu.memref_slice %arg5[%add3A_377] : memref<3276800xi32, #tpu.memory_space<hbm>> -> memref<1600xi32, #tpu.memory_space<hbm>>
    tpu.enqueue_dma source(%dma_start3A_386 : memref<1600xi32, #tpu.memory_space<hbm>>) target(%dma_start3A_385 : memref<1600xi32, #tpu.memory_space<vmem>>) target_semaphore(%arg12 : memref<!tpu.dma_semaphore, #tpu.memory_space<semaphore_mem>>)
    %scan3A = arith.constant 0 : i32
    %scan3A_387 = arith.constant 300 : i32
    %scan3A_388 = arith.addi %scan3A, %scan3A_387 : i32
    %scan3A_389 = arith.constant 1 : i32
    scf.for %scan3A_1016 = %scan3A to %scan3A_388 step %scan3A_389  : i32 {
      %mul3A_1017 = arith.constant 1 : i32
      %mul3A_1018 = arith.muli %scan3A_1016, %mul3A_1017 : i32
      %add3A_1019 = arith.constant 0 : i32
      %add3A_1020 = arith.addi %add3A_1019, %mul3A_1018 : i32
      %mul3A_1021 = arith.constant 16 : i32
      %mul3A_1022 = arith.muli %add3A_1020, %mul3A_1021 : i32
      %add3A_1023 = vector.broadcast %mul3A_1022 : i32 to vector<16xi32>
      %add3A_1024 = arith.addi %add3A_1023, %iota3A : vector<16xi32>
      %jit3A_1025 = arith.constant 600 : i32
      %div3A_1026 = vector.broadcast %jit3A_1025 : i32 to vector<16xi32>
      %div3A_1027 = arith.divsi %add3A_1024, %div3A_1026 : vector<16xi32>
      %sign3A_1028 = arith.constant 0 : i32
      %sign3A_1029 = vector.broadcast %sign3A_1028 : i32 to vector<16xi32>
      %sign3A_1030 = arith.cmpi sgt, %add3A_1024, %sign3A_1029 : vector<16xi32>
      %sign3A_1031 = arith.extui %sign3A_1030 : vector<16xi1> to vector<16xi32>
      %sign3A_1032 = arith.constant 0 : i32
      %sign3A_1033 = vector.broadcast %sign3A_1032 : i32 to vector<16xi32>
      %sign3A_1034 = arith.cmpi slt, %add3A_1024, %sign3A_1033 : vector<16xi32>
      %sign3A_1035 = arith.extui %sign3A_1034 : vector<16xi1> to vector<16xi32>
      %sign3A_1036 = arith.subi %sign3A_1031, %sign3A_1035 : vector<16xi32>
      %sign3A_1037 = arith.constant 0 : i32
      %sign3A_1038 = arith.cmpi sgt, %jit3A_1025, %sign3A_1037 : i32
      %sign3A_1039 = arith.extui %sign3A_1038 : i1 to i32
      %sign3A_1040 = arith.constant 0 : i32
      %sign3A_1041 = arith.cmpi slt, %jit3A_1025, %sign3A_1040 : i32
      %sign3A_1042 = arith.extui %sign3A_1041 : i1 to i32
      %sign3A_1043 = arith.subi %sign3A_1039, %sign3A_1042 : i32
      %ne3A_1044 = vector.broadcast %sign3A_1043 : i32 to vector<16xi32>
      %ne3A_1045 = arith.cmpi ne, %sign3A_1036, %ne3A_1044 : vector<16xi32>
      %rem3A_1046 = vector.broadcast %jit3A_1025 : i32 to vector<16xi32>
      %rem3A_1047 = arith.remsi %add3A_1024, %rem3A_1046 : vector<16xi32>
      %ne3A_1048 = arith.constant 0 : i32
      %ne3A_1049 = vector.broadcast %ne3A_1048 : i32 to vector<16xi32>
      %ne3A_1050 = arith.cmpi ne, %rem3A_1047, %ne3A_1049 : vector<16xi32>
      %and3A_1051 = arith.andi %ne3A_1045, %ne3A_1050 : vector<16xi1>
      %sub3A_1052 = arith.constant 1 : i32
      %sub3A_1053 = vector.broadcast %sub3A_1052 : i32 to vector<16xi32>
      %sub3A_1054 = arith.subi %div3A_1027, %sub3A_1053 : vector<16xi32>
      %select_n3A_1055 = arith.select %and3A_1051, %sub3A_1054, %div3A_1027 : vector<16xi1>, vector<16xi32>
      %jit3A_1056 = arith.constant 600 : i32
      %eq3A_1057 = arith.constant 0 : i32
      %eq3A_1058 = arith.cmpi eq, %jit3A_1056, %eq3A_1057 : i32
      %jit3A_1059 = arith.constant 1 : i32
      %select_n3A_1060 = arith.select %eq3A_1058, %jit3A_1059, %jit3A_1056 : i32
      %rem3A_1061 = vector.broadcast %select_n3A_1060 : i32 to vector<16xi32>
      %rem3A_1062 = arith.remsi %add3A_1024, %rem3A_1061 : vector<16xi32>
      %ne3A_1063 = arith.constant 0 : i32
      %ne3A_1064 = vector.broadcast %ne3A_1063 : i32 to vector<16xi32>
      %ne3A_1065 = arith.cmpi ne, %rem3A_1062, %ne3A_1064 : vector<16xi32>
      %lt3A_1066 = arith.constant 0 : i32
      %lt3A_1067 = vector.broadcast %lt3A_1066 : i32 to vector<16xi32>
      %lt3A_1068 = arith.cmpi slt, %rem3A_1062, %lt3A_1067 : vector<16xi32>
      %lt3A_1069 = arith.constant 0 : i32
      %lt3A_1070 = arith.cmpi slt, %select_n3A_1060, %lt3A_1069 : i32
      %ne3A_1071 = vector.broadcast %lt3A_1070 : i1 to vector<16xi1>
      %ne3A_1072 = vector.broadcast %ne3A_1071 : vector<16xi1> to vector<16xi1>
      %ne3A_1073 = arith.xori %lt3A_1068, %ne3A_1072 : vector<16xi1>
      %and3A_1074 = arith.andi %ne3A_1073, %ne3A_1065 : vector<16xi1>
      %add3A_1075 = vector.broadcast %select_n3A_1060 : i32 to vector<16xi32>
      %add3A_1076 = arith.addi %rem3A_1062, %add3A_1075 : vector<16xi32>
      %select_n3A_1077 = arith.select %and3A_1074, %add3A_1076, %rem3A_1062 : vector<16xi1>, vector<16xi32>
      %jit3A_1078 = arith.constant 3 : i32
      %div3A_1079 = vector.broadcast %jit3A_1078 : i32 to vector<16xi32>
      %div3A_1080 = arith.divsi %select_n3A_1077, %div3A_1079 : vector<16xi32>
      %sign3A_1081 = arith.constant 0 : i32
      %sign3A_1082 = vector.broadcast %sign3A_1081 : i32 to vector<16xi32>
      %sign3A_1083 = arith.cmpi sgt, %select_n3A_1077, %sign3A_1082 : vector<16xi32>
      %sign3A_1084 = arith.extui %sign3A_1083 : vector<16xi1> to vector<16xi32>
      %sign3A_1085 = arith.constant 0 : i32
      %sign3A_1086 = vector.broadcast %sign3A_1085 : i32 to vector<16xi32>
      %sign3A_1087 = arith.cmpi slt, %select_n3A_1077, %sign3A_1086 : vector<16xi32>
      %sign3A_1088 = arith.extui %sign3A_1087 : vector<16xi1> to vector<16xi32>
      %sign3A_1089 = arith.subi %sign3A_1084, %sign3A_1088 : vector<16xi32>
      %sign3A_1090 = arith.constant 0 : i32
      %sign3A_1091 = arith.cmpi sgt, %jit3A_1078, %sign3A_1090 : i32
      %sign3A_1092 = arith.extui %sign3A_1091 : i1 to i32
      %sign3A_1093 = arith.constant 0 : i32
      %sign3A_1094 = arith.cmpi slt, %jit3A_1078, %sign3A_1093 : i32
      %sign3A_1095 = arith.extui %sign3A_1094 : i1 to i32
      %sign3A_1096 = arith.subi %sign3A_1092, %sign3A_1095 : i32
      %ne3A_1097 = vector.broadcast %sign3A_1096 : i32 to vector<16xi32>
      %ne3A_1098 = arith.cmpi ne, %sign3A_1089, %ne3A_1097 : vector<16xi32>
      %rem3A_1099 = vector.broadcast %jit3A_1078 : i32 to vector<16xi32>
      %rem3A_1100 = arith.remsi %select_n3A_1077, %rem3A_1099 : vector<16xi32>
      %ne3A_1101 = arith.constant 0 : i32
      %ne3A_1102 = vector.broadcast %ne3A_1101 : i32 to vector<16xi32>
      %ne3A_1103 = arith.cmpi ne, %rem3A_1100, %ne3A_1102 : vector<16xi32>
      %and3A_1104 = arith.andi %ne3A_1098, %ne3A_1103 : vector<16xi1>
      %sub3A_1105 = arith.constant 1 : i32
      %sub3A_1106 = vector.broadcast %sub3A_1105 : i32 to vector<16xi32>
      %sub3A_1107 = arith.subi %div3A_1080, %sub3A_1106 : vector<16xi32>
      %select_n3A_1108 = arith.select %and3A_1104, %sub3A_1107, %div3A_1080 : vector<16xi1>, vector<16xi32>
      %jit3A_1109 = arith.constant 3 : i32
      %eq3A_1110 = arith.constant 0 : i32
      %eq3A_1111 = arith.cmpi eq, %jit3A_1109, %eq3A_1110 : i32
      %jit3A_1112 = arith.constant 1 : i32
      %select_n3A_1113 = arith.select %eq3A_1111, %jit3A_1112, %jit3A_1109 : i32
      %rem3A_1114 = vector.broadcast %select_n3A_1113 : i32 to vector<16xi32>
      %rem3A_1115 = arith.remsi %select_n3A_1077, %rem3A_1114 : vector<16xi32>
      %ne3A_1116 = arith.constant 0 : i32
      %ne3A_1117 = vector.broadcast %ne3A_1116 : i32 to vector<16xi32>
      %ne3A_1118 = arith.cmpi ne, %rem3A_1115, %ne3A_1117 : vector<16xi32>
      %lt3A_1119 = arith.constant 0 : i32
      %lt3A_1120 = vector.broadcast %lt3A_1119 : i32 to vector<16xi32>
      %lt3A_1121 = arith.cmpi slt, %rem3A_1115, %lt3A_1120 : vector<16xi32>
      %lt3A_1122 = arith.constant 0 : i32
      %lt3A_1123 = arith.cmpi slt, %select_n3A_1113, %lt3A_1122 : i32
      %ne3A_1124 = vector.broadcast %lt3A_1123 : i1 to vector<16xi1>
      %ne3A_1125 = vector.broadcast %ne3A_1124 : vector<16xi1> to vector<16xi1>
      %ne3A_1126 = arith.xori %lt3A_1121, %ne3A_1125 : vector<16xi1>
      %and3A_1127 = arith.andi %ne3A_1126, %ne3A_1118 : vector<16xi1>
      %add3A_1128 = vector.broadcast %select_n3A_1113 : i32 to vector<16xi32>
      %add3A_1129 = arith.addi %rem3A_1115, %add3A_1128 : vector<16xi32>
      %select_n3A_1130 = arith.select %and3A_1127, %add3A_1129, %rem3A_1115 : vector<16xi1>, vector<16xi32>
      %jit3A_1131 = arith.constant 3 : i32
      %div3A_1132 = vector.broadcast %jit3A_1131 : i32 to vector<16xi32>
      %div3A_1133 = arith.divsi %add3A_1024, %div3A_1132 : vector<16xi32>
      %sign3A_1134 = arith.constant 0 : i32
      %sign3A_1135 = vector.broadcast %sign3A_1134 : i32 to vector<16xi32>
      %sign3A_1136 = arith.cmpi sgt, %add3A_1024, %sign3A_1135 : vector<16xi32>
      %sign3A_1137 = arith.extui %sign3A_1136 : vector<16xi1> to vector<16xi32>
      %sign3A_1138 = arith.constant 0 : i32
      %sign3A_1139 = vector.broadcast %sign3A_1138 : i32 to vector<16xi32>
      %sign3A_1140 = arith.cmpi slt, %add3A_1024, %sign3A_1139 : vector<16xi32>
      %sign3A_1141 = arith.extui %sign3A_1140 : vector<16xi1> to vector<16xi32>
      %sign3A_1142 = arith.subi %sign3A_1137, %sign3A_1141 : vector<16xi32>
      %sign3A_1143 = arith.constant 0 : i32
      %sign3A_1144 = arith.cmpi sgt, %jit3A_1131, %sign3A_1143 : i32
      %sign3A_1145 = arith.extui %sign3A_1144 : i1 to i32
      %sign3A_1146 = arith.constant 0 : i32
      %sign3A_1147 = arith.cmpi slt, %jit3A_1131, %sign3A_1146 : i32
      %sign3A_1148 = arith.extui %sign3A_1147 : i1 to i32
      %sign3A_1149 = arith.subi %sign3A_1145, %sign3A_1148 : i32
      %ne3A_1150 = vector.broadcast %sign3A_1149 : i32 to vector<16xi32>
      %ne3A_1151 = arith.cmpi ne, %sign3A_1142, %ne3A_1150 : vector<16xi32>
      %rem3A_1152 = vector.broadcast %jit3A_1131 : i32 to vector<16xi32>
      %rem3A_1153 = arith.remsi %add3A_1024, %rem3A_1152 : vector<16xi32>
      %ne3A_1154 = arith.constant 0 : i32
      %ne3A_1155 = vector.broadcast %ne3A_1154 : i32 to vector<16xi32>
      %ne3A_1156 = arith.cmpi ne, %rem3A_1153, %ne3A_1155 : vector<16xi32>
      %and3A_1157 = arith.andi %ne3A_1151, %ne3A_1156 : vector<16xi1>
      %sub3A_1158 = arith.constant 1 : i32
      %sub3A_1159 = vector.broadcast %sub3A_1158 : i32 to vector<16xi32>
      %sub3A_1160 = arith.subi %div3A_1133, %sub3A_1159 : vector<16xi32>
      %select_n3A_1161 = arith.select %and3A_1157, %sub3A_1160, %div3A_1133 : vector<16xi1>, vector<16xi32>
      %gather3A_1162 = arith.constant 0 : i32
      %gather3A_1163 = arith.constant 0 : i32
      %gather3A_1164 = tpu.memref_slice %arg10[%gather3A_1162, %gather3A_1163] : memref<2x1600xf32, #tpu.memory_space<vmem>> -> memref<1x1600xf32, #tpu.memory_space<vmem>>
      %gather3A_1165 = tpu.memref_squeeze %gather3A_1164 : memref<1x1600xf32, #tpu.memory_space<vmem>> -> memref<1600xf32, #tpu.memory_space<vmem>>
      %gather3A_1166 = tpu.vector_load_idx %gather3A_1165[%select_n3A_1161] : memref<1600xf32, #tpu.memory_space<vmem>>[vector<16xi32>], vector<16xf32>,
      %gather3A_1167 = tpu.vector_load_idx %arg8[%select_n3A_1130] : memref<16xf32, #tpu.memory_space<vmem>>[vector<16xi32>], vector<16xf32>,
      %add3A_1168 = arith.constant 8 : i32
      %add3A_1169 = vector.broadcast %add3A_1168 : i32 to vector<16xi32>
      %add3A_1170 = arith.addi %select_n3A_1130, %add3A_1169 : vector<16xi32>
      %gather3A_1171 = tpu.vector_load_idx %arg8[%add3A_1170] : memref<16xf32, #tpu.memory_space<vmem>>[vector<16xi32>], vector<16xf32>,
      %mul3A_1172 = arith.mulf %gather3A_1166, %gather3A_1167 : vector<16xf32>
      %add3A_1173 = arith.addf %mul3A_1172, %gather3A_1171 : vector<16xf32>
      %scatter3A = arith.constant 0 : i32
      %scatter3A_1174 = arith.constant 0 : i32
      %scatter3A_1175 = arith.constant 0 : i32
      %scatter3A_1176 = arith.constant 0 : i32
      %scatter3A_1177 = tpu.memref_slice %arg11[%scatter3A, %scatter3A_1174, %scatter3A_1175, %scatter3A_1176] : memref<2x8x200x3xf32, #tpu.memory_space<vmem>> -> memref<1x8x200x3xf32, #tpu.memory_space<vmem>>
      %scatter3A_1178 = tpu.memref_squeeze %scatter3A_1177 : memref<1x8x200x3xf32, #tpu.memory_space<vmem>> -> memref<8x200x3xf32, #tpu.memory_space<vmem>>
      tpu.vector_store_idx %scatter3A_1178[%select_n3A_1055, %select_n3A_1108, %select_n3A_1130], %add3A_1173 : memref<8x200x3xf32, #tpu.memory_space<vmem>>[vector<16xi32>, vector<16xi32>, vector<16xi32>], vector<16xf32>,
    }
    %scan3A_390 = arith.constant 300 : i32
    %add3A_391 = arith.constant 0 : i32
    %add3A_392 = arith.addi %mul3A_184, %add3A_391 : i32
    %dma_start3A_393 = arith.constant 0 : i32
    %dma_start3A_394 = arith.constant 0 : i32
    %dma_start3A_395 = arith.constant 0 : i32
    %dma_start3A_396 = arith.constant 0 : i32
    %dma_start3A_397 = tpu.memref_slice %arg11[%dma_start3A_393, %dma_start3A_394, %dma_start3A_395, %dma_start3A_396] : memref<2x8x200x3xf32, #tpu.memory_space<vmem>> -> memref<1x8x200x3xf32, #tpu.memory_space<vmem>>
    %dma_start3A_398 = tpu.memref_squeeze %dma_start3A_397 : memref<1x8x200x3xf32, #tpu.memory_space<vmem>> -> memref<8x200x3xf32, #tpu.memory_space<vmem>>
    %dma_start3A_399 = arith.constant 0 : i32
    %dma_start3A_400 = arith.constant 0 : i32
    %dma_start3A_401 = tpu.memref_slice %arg6[%add3A_392, %dma_start3A_399, %dma_start3A_400] : memref<16384x200x3xf32, #tpu.memory_space<hbm>> -> memref<8x200x3xf32, #tpu.memory_space<hbm>>
    %dma_start3A_402 = arith.constant 0 : i32
    %dma_start3A_403 = arith.constant 0 : i32
    %dma_start3A_404 = tpu.memref_slice %arg6[%add3A_392, %dma_start3A_402, %dma_start3A_403] : memref<16384x200x3xf32, #tpu.memory_space<hbm>> -> memref<8x200x3xf32, #tpu.memory_space<hbm>>
    %dma_start3A_405 = arith.constant 0 : i32
    %dma_start3A_406 = arith.constant 0 : i32
    %dma_start3A_407 = arith.constant 0 : i32
    %dma_start3A_408 = tpu.memref_slice %arg11[%dma_start3A_393, %dma_start3A_405, %dma_start3A_406, %dma_start3A_407] : memref<2x8x200x3xf32, #tpu.memory_space<vmem>> -> memref<1x8x200x3xf32, #tpu.memory_space<vmem>>
    %dma_start3A_409 = tpu.memref_squeeze %dma_start3A_408 : memref<1x8x200x3xf32, #tpu.memory_space<vmem>> -> memref<8x200x3xf32, #tpu.memory_space<vmem>>
    tpu.enqueue_dma source(%dma_start3A_409 : memref<8x200x3xf32, #tpu.memory_space<vmem>>) target(%dma_start3A_404 : memref<8x200x3xf32, #tpu.memory_space<hbm>>) target_semaphore(%arg15 : memref<!tpu.dma_semaphore, #tpu.memory_space<semaphore_mem>>)
    %add3A_410 = arith.constant 1600 : i32
    %add3A_411 = arith.addi %mul3A_182, %add3A_410 : i32
    %dma_wait3A_412 = arith.constant 1 : i32
    %dma_wait3A_413 = arith.constant 0 : i32
    %dma_wait3A_414 = tpu.memref_slice %arg9[%dma_wait3A_412, %dma_wait3A_413] : memref<2x1600xi32, #tpu.memory_space<vmem>> -> memref<1x1600xi32, #tpu.memory_space<vmem>>
    %dma_wait3A_415 = tpu.memref_squeeze %dma_wait3A_414 : memref<1x1600xi32, #tpu.memory_space<vmem>> -> memref<1600xi32, #tpu.memory_space<vmem>>
    %dma_wait3A_416 = tpu.memref_slice %arg5[%add3A_411] : memref<3276800xi32, #tpu.memory_space<hbm>> -> memref<1600xi32, #tpu.memory_space<hbm>>
    %dma_wait3A_417 = arith.constant 0 : i32
    %dma_wait3A_418 = tpu.memref_slice %arg9[%dma_wait3A_412, %dma_wait3A_417] : memref<2x1600xi32, #tpu.memory_space<vmem>> -> memref<1x1600xi32, #tpu.memory_space<vmem>>
    %dma_wait3A_419 = tpu.memref_squeeze %dma_wait3A_418 : memref<1x1600xi32, #tpu.memory_space<vmem>> -> memref<1600xi32, #tpu.memory_space<vmem>>
    %dma_wait3A_420 = tpu.memref_slice %arg5[%add3A_411] : memref<3276800xi32, #tpu.memory_space<hbm>> -> memref<1600xi32, #tpu.memory_space<hbm>>
    tpu.wait_dma2 semaphore(%arg13 : memref<!tpu.dma_semaphore, #tpu.memory_space<semaphore_mem>>) src(%dma_wait3A_420 : memref<1600xi32, #tpu.memory_space<hbm>>) dst(%dma_wait3A_419 : memref<1600xi32, #tpu.memory_space<vmem>>)
    %dma_start3A_421 = arith.constant 1 : i32
    %dma_start3A_422 = arith.constant 1 : i32
    %dma_start3A_423 = arith.constant 0 : i32
    %dma_start3A_424 = tpu.memref_slice %arg10[%dma_start3A_422, %dma_start3A_423] : memref<2x1600xf32, #tpu.memory_space<vmem>> -> memref<1x200xf32, #tpu.memory_space<vmem>>
    %dma_start3A_425 = tpu.memref_squeeze %dma_start3A_424 : memref<1x200xf32, #tpu.memory_space<vmem>> -> memref<200xf32, #tpu.memory_space<vmem>>
    %dma_start3A_426 = arith.constant 0 : i32
    %dma_start3A_427 = tpu.memref_slice %arg9[%dma_start3A_421, %dma_start3A_426] : memref<2x1600xi32, #tpu.memory_space<vmem>> -> memref<1x200xi32, #tpu.memory_space<vmem>>
    %dma_start3A_428 = tpu.memref_squeeze %dma_start3A_427 : memref<1x200xi32, #tpu.memory_space<vmem>> -> memref<200xi32, #tpu.memory_space<vmem>>
    %dma_start3A_429 = arith.constant 0 : i32
    %dma_start3A_430 = tpu.memref_slice %arg7[%dma_start3A_429] : memref<1000000xf32, #tpu.memory_space<vmem_shared>> -> memref<1000000xf32, #tpu.memory_space<vmem_shared>>
    tpu.enqueue_indirect_dma source(%dma_start3A_430 : memref<1000000xf32, #tpu.memory_space<vmem_shared>>) target(%dma_start3A_425 : memref<200xf32, #tpu.memory_space<vmem>>) offsets(%dma_start3A_428 : memref<200xi32, #tpu.memory_space<vmem>>) semaphore(%arg14 : memref<!tpu.dma_semaphore, #tpu.memory_space<semaphore_mem>>)
    %dma_start3A_431 = arith.constant 1 : i32
    %dma_start3A_432 = arith.constant 1 : i32
    %dma_start3A_433 = arith.constant 200 : i32
    %dma_start3A_434 = tpu.memref_slice %arg10[%dma_start3A_432, %dma_start3A_433] : memref<2x1600xf32, #tpu.memory_space<vmem>> -> memref<1x200xf32, #tpu.memory_space<vmem>>
    %dma_start3A_435 = tpu.memref_squeeze %dma_start3A_434 : memref<1x200xf32, #tpu.memory_space<vmem>> -> memref<200xf32, #tpu.memory_space<vmem>>
    %dma_start3A_436 = arith.constant 200 : i32
    %dma_start3A_437 = tpu.memref_slice %arg9[%dma_start3A_431, %dma_start3A_436] : memref<2x1600xi32, #tpu.memory_space<vmem>> -> memref<1x200xi32, #tpu.memory_space<vmem>>
    %dma_start3A_438 = tpu.memref_squeeze %dma_start3A_437 : memref<1x200xi32, #tpu.memory_space<vmem>> -> memref<200xi32, #tpu.memory_space<vmem>>
    %dma_start3A_439 = arith.constant 0 : i32
    %dma_start3A_440 = tpu.memref_slice %arg7[%dma_start3A_439] : memref<1000000xf32, #tpu.memory_space<vmem_shared>> -> memref<1000000xf32, #tpu.memory_space<vmem_shared>>
    tpu.enqueue_indirect_dma source(%dma_start3A_440 : memref<1000000xf32, #tpu.memory_space<vmem_shared>>) target(%dma_start3A_435 : memref<200xf32, #tpu.memory_space<vmem>>) offsets(%dma_start3A_438 : memref<200xi32, #tpu.memory_space<vmem>>) semaphore(%arg14 : memref<!tpu.dma_semaphore, #tpu.memory_space<semaphore_mem>>)
    %dma_start3A_441 = arith.constant 1 : i32
    %dma_start3A_442 = arith.constant 1 : i32
    %dma_start3A_443 = arith.constant 400 : i32
    %dma_start3A_444 = tpu.memref_slice %arg10[%dma_start3A_442, %dma_start3A_443] : memref<2x1600xf32, #tpu.memory_space<vmem>> -> memref<1x200xf32, #tpu.memory_space<vmem>>
    %dma_start3A_445 = tpu.memref_squeeze %dma_start3A_444 : memref<1x200xf32, #tpu.memory_space<vmem>> -> memref<200xf32, #tpu.memory_space<vmem>>
    %dma_start3A_446 = arith.constant 400 : i32
    %dma_start3A_447 = tpu.memref_slice %arg9[%dma_start3A_441, %dma_start3A_446] : memref<2x1600xi32, #tpu.memory_space<vmem>> -> memref<1x200xi32, #tpu.memory_space<vmem>>
    %dma_start3A_448 = tpu.memref_squeeze %dma_start3A_447 : memref<1x200xi32, #tpu.memory_space<vmem>> -> memref<200xi32, #tpu.memory_space<vmem>>
    %dma_start3A_449 = arith.constant 0 : i32
    %dma_start3A_450 = tpu.memref_slice %arg7[%dma_start3A_449] : memref<1000000xf32, #tpu.memory_space<vmem_shared>> -> memref<1000000xf32, #tpu.memory_space<vmem_shared>>
    tpu.enqueue_indirect_dma source(%dma_start3A_450 : memref<1000000xf32, #tpu.memory_space<vmem_shared>>) target(%dma_start3A_445 : memref<200xf32, #tpu.memory_space<vmem>>) offsets(%dma_start3A_448 : memref<200xi32, #tpu.memory_space<vmem>>) semaphore(%arg14 : memref<!tpu.dma_semaphore, #tpu.memory_space<semaphore_mem>>)
    %dma_start3A_451 = arith.constant 1 : i32
    %dma_start3A_452 = arith.constant 1 : i32
    %dma_start3A_453 = arith.constant 600 : i32
    %dma_start3A_454 = tpu.memref_slice %arg10[%dma_start3A_452, %dma_start3A_453] : memref<2x1600xf32, #tpu.memory_space<vmem>> -> memref<1x200xf32, #tpu.memory_space<vmem>>
    %dma_start3A_455 = tpu.memref_squeeze %dma_start3A_454 : memref<1x200xf32, #tpu.memory_space<vmem>> -> memref<200xf32, #tpu.memory_space<vmem>>
    %dma_start3A_456 = arith.constant 600 : i32
    %dma_start3A_457 = tpu.memref_slice %arg9[%dma_start3A_451, %dma_start3A_456] : memref<2x1600xi32, #tpu.memory_space<vmem>> -> memref<1x200xi32, #tpu.memory_space<vmem>>
    %dma_start3A_458 = tpu.memref_squeeze %dma_start3A_457 : memref<1x200xi32, #tpu.memory_space<vmem>> -> memref<200xi32, #tpu.memory_space<vmem>>
    %dma_start3A_459 = arith.constant 0 : i32
    %dma_start3A_460 = tpu.memref_slice %arg7[%dma_start3A_459] : memref<1000000xf32, #tpu.memory_space<vmem_shared>> -> memref<1000000xf32, #tpu.memory_space<vmem_shared>>
    tpu.enqueue_indirect_dma source(%dma_start3A_460 : memref<1000000xf32, #tpu.memory_space<vmem_shared>>) target(%dma_start3A_455 : memref<200xf32, #tpu.memory_space<vmem>>) offsets(%dma_start3A_458 : memref<200xi32, #tpu.memory_space<vmem>>) semaphore(%arg14 : memref<!tpu.dma_semaphore, #tpu.memory_space<semaphore_mem>>)
    %dma_start3A_461 = arith.constant 1 : i32
    %dma_start3A_462 = arith.constant 1 : i32
    %dma_start3A_463 = arith.constant 800 : i32
    %dma_start3A_464 = tpu.memref_slice %arg10[%dma_start3A_462, %dma_start3A_463] : memref<2x1600xf32, #tpu.memory_space<vmem>> -> memref<1x200xf32, #tpu.memory_space<vmem>>
    %dma_start3A_465 = tpu.memref_squeeze %dma_start3A_464 : memref<1x200xf32, #tpu.memory_space<vmem>> -> memref<200xf32, #tpu.memory_space<vmem>>
    %dma_start3A_466 = arith.constant 800 : i32
    %dma_start3A_467 = tpu.memref_slice %arg9[%dma_start3A_461, %dma_start3A_466] : memref<2x1600xi32, #tpu.memory_space<vmem>> -> memref<1x200xi32, #tpu.memory_space<vmem>>
    %dma_start3A_468 = tpu.memref_squeeze %dma_start3A_467 : memref<1x200xi32, #tpu.memory_space<vmem>> -> memref<200xi32, #tpu.memory_space<vmem>>
    %dma_start3A_469 = arith.constant 0 : i32
    %dma_start3A_470 = tpu.memref_slice %arg7[%dma_start3A_469] : memref<1000000xf32, #tpu.memory_space<vmem_shared>> -> memref<1000000xf32, #tpu.memory_space<vmem_shared>>
    tpu.enqueue_indirect_dma source(%dma_start3A_470 : memref<1000000xf32, #tpu.memory_space<vmem_shared>>) target(%dma_start3A_465 : memref<200xf32, #tpu.memory_space<vmem>>) offsets(%dma_start3A_468 : memref<200xi32, #tpu.memory_space<vmem>>) semaphore(%arg14 : memref<!tpu.dma_semaphore, #tpu.memory_space<semaphore_mem>>)
    %dma_start3A_471 = arith.constant 1 : i32
    %dma_start3A_472 = arith.constant 1 : i32
    %dma_start3A_473 = arith.constant 1000 : i32
    %dma_start3A_474 = tpu.memref_slice %arg10[%dma_start3A_472, %dma_start3A_473] : memref<2x1600xf32, #tpu.memory_space<vmem>> -> memref<1x200xf32, #tpu.memory_space<vmem>>
    %dma_start3A_475 = tpu.memref_squeeze %dma_start3A_474 : memref<1x200xf32, #tpu.memory_space<vmem>> -> memref<200xf32, #tpu.memory_space<vmem>>
    %dma_start3A_476 = arith.constant 1000 : i32
    %dma_start3A_477 = tpu.memref_slice %arg9[%dma_start3A_471, %dma_start3A_476] : memref<2x1600xi32, #tpu.memory_space<vmem>> -> memref<1x200xi32, #tpu.memory_space<vmem>>
    %dma_start3A_478 = tpu.memref_squeeze %dma_start3A_477 : memref<1x200xi32, #tpu.memory_space<vmem>> -> memref<200xi32, #tpu.memory_space<vmem>>
    %dma_start3A_479 = arith.constant 0 : i32
    %dma_start3A_480 = tpu.memref_slice %arg7[%dma_start3A_479] : memref<1000000xf32, #tpu.memory_space<vmem_shared>> -> memref<1000000xf32, #tpu.memory_space<vmem_shared>>
    tpu.enqueue_indirect_dma source(%dma_start3A_480 : memref<1000000xf32, #tpu.memory_space<vmem_shared>>) target(%dma_start3A_475 : memref<200xf32, #tpu.memory_space<vmem>>) offsets(%dma_start3A_478 : memref<200xi32, #tpu.memory_space<vmem>>) semaphore(%arg14 : memref<!tpu.dma_semaphore, #tpu.memory_space<semaphore_mem>>)
    %dma_start3A_481 = arith.constant 1 : i32
    %dma_start3A_482 = arith.constant 1 : i32
    %dma_start3A_483 = arith.constant 1200 : i32
    %dma_start3A_484 = tpu.memref_slice %arg10[%dma_start3A_482, %dma_start3A_483] : memref<2x1600xf32, #tpu.memory_space<vmem>> -> memref<1x200xf32, #tpu.memory_space<vmem>>
    %dma_start3A_485 = tpu.memref_squeeze %dma_start3A_484 : memref<1x200xf32, #tpu.memory_space<vmem>> -> memref<200xf32, #tpu.memory_space<vmem>>
    %dma_start3A_486 = arith.constant 1200 : i32
    %dma_start3A_487 = tpu.memref_slice %arg9[%dma_start3A_481, %dma_start3A_486] : memref<2x1600xi32, #tpu.memory_space<vmem>> -> memref<1x200xi32, #tpu.memory_space<vmem>>
    %dma_start3A_488 = tpu.memref_squeeze %dma_start3A_487 : memref<1x200xi32, #tpu.memory_space<vmem>> -> memref<200xi32, #tpu.memory_space<vmem>>
    %dma_start3A_489 = arith.constant 0 : i32
    %dma_start3A_490 = tpu.memref_slice %arg7[%dma_start3A_489] : memref<1000000xf32, #tpu.memory_space<vmem_shared>> -> memref<1000000xf32, #tpu.memory_space<vmem_shared>>
    tpu.enqueue_indirect_dma source(%dma_start3A_490 : memref<1000000xf32, #tpu.memory_space<vmem_shared>>) target(%dma_start3A_485 : memref<200xf32, #tpu.memory_space<vmem>>) offsets(%dma_start3A_488 : memref<200xi32, #tpu.memory_space<vmem>>) semaphore(%arg14 : memref<!tpu.dma_semaphore, #tpu.memory_space<semaphore_mem>>)
    %dma_start3A_491 = arith.constant 1 : i32
    %dma_start3A_492 = arith.constant 1 : i32
    %dma_start3A_493 = arith.constant 1400 : i32
    %dma_start3A_494 = tpu.memref_slice %arg10[%dma_start3A_492, %dma_start3A_493] : memref<2x1600xf32, #tpu.memory_space<vmem>> -> memref<1x200xf32, #tpu.memory_space<vmem>>
    %dma_start3A_495 = tpu.memref_squeeze %dma_start3A_494 : memref<1x200xf32, #tpu.memory_space<vmem>> -> memref<200xf32, #tpu.memory_space<vmem>>
    %dma_start3A_496 = arith.constant 1400 : i32
    %dma_start3A_497 = tpu.memref_slice %arg9[%dma_start3A_491, %dma_start3A_496] : memref<2x1600xi32, #tpu.memory_space<vmem>> -> memref<1x200xi32, #tpu.memory_space<vmem>>
    %dma_start3A_498 = tpu.memref_squeeze %dma_start3A_497 : memref<1x200xi32, #tpu.memory_space<vmem>> -> memref<200xi32, #tpu.memory_space<vmem>>
    %dma_start3A_499 = arith.constant 0 : i32
    %dma_start3A_500 = tpu.memref_slice %arg7[%dma_start3A_499] : memref<1000000xf32, #tpu.memory_space<vmem_shared>> -> memref<1000000xf32, #tpu.memory_space<vmem_shared>>
    tpu.enqueue_indirect_dma source(%dma_start3A_500 : memref<1000000xf32, #tpu.memory_space<vmem_shared>>) target(%dma_start3A_495 : memref<200xf32, #tpu.memory_space<vmem>>) offsets(%dma_start3A_498 : memref<200xi32, #tpu.memory_space<vmem>>) semaphore(%arg14 : memref<!tpu.dma_semaphore, #tpu.memory_space<semaphore_mem>>)
    %dma_wait3A_501 = arith.constant 1 : i32
    %dma_wait3A_502 = arith.constant 1 : i32
    %dma_wait3A_503 = arith.constant 0 : i32
    %dma_wait3A_504 = tpu.memref_slice %arg10[%dma_wait3A_502, %dma_wait3A_503] : memref<2x1600xf32, #tpu.memory_space<vmem>> -> memref<1x200xf32, #tpu.memory_space<vmem>>
    %dma_wait3A_505 = tpu.memref_squeeze %dma_wait3A_504 : memref<1x200xf32, #tpu.memory_space<vmem>> -> memref<200xf32, #tpu.memory_space<vmem>>
    %dma_wait3A_506 = arith.constant 0 : i32
    %dma_wait3A_507 = tpu.memref_slice %arg9[%dma_wait3A_501, %dma_wait3A_506] : memref<2x1600xi32, #tpu.memory_space<vmem>> -> memref<1x200xi32, #tpu.memory_space<vmem>>
    %dma_wait3A_508 = tpu.memref_squeeze %dma_wait3A_507 : memref<1x200xi32, #tpu.memory_space<vmem>> -> memref<200xi32, #tpu.memory_space<vmem>>
    %dma_wait3A_509 = arith.constant 0 : i32
    %dma_wait3A_510 = tpu.memref_slice %arg7[%dma_wait3A_509] : memref<1000000xf32, #tpu.memory_space<vmem_shared>> -> memref<1000000xf32, #tpu.memory_space<vmem_shared>>
    tpu.wait_indirect_dma semaphore(%arg14 : memref<!tpu.dma_semaphore, #tpu.memory_space<semaphore_mem>>) src(%dma_wait3A_510 : memref<1000000xf32, #tpu.memory_space<vmem_shared>>) dst(%dma_wait3A_505 : memref<200xf32, #tpu.memory_space<vmem>>)
    %dma_wait3A_511 = arith.constant 1 : i32
    %dma_wait3A_512 = arith.constant 1 : i32
    %dma_wait3A_513 = arith.constant 200 : i32
    %dma_wait3A_514 = tpu.memref_slice %arg10[%dma_wait3A_512, %dma_wait3A_513] : memref<2x1600xf32, #tpu.memory_space<vmem>> -> memref<1x200xf32, #tpu.memory_space<vmem>>
    %dma_wait3A_515 = tpu.memref_squeeze %dma_wait3A_514 : memref<1x200xf32, #tpu.memory_space<vmem>> -> memref<200xf32, #tpu.memory_space<vmem>>
    %dma_wait3A_516 = arith.constant 200 : i32
    %dma_wait3A_517 = tpu.memref_slice %arg9[%dma_wait3A_511, %dma_wait3A_516] : memref<2x1600xi32, #tpu.memory_space<vmem>> -> memref<1x200xi32, #tpu.memory_space<vmem>>
    %dma_wait3A_518 = tpu.memref_squeeze %dma_wait3A_517 : memref<1x200xi32, #tpu.memory_space<vmem>> -> memref<200xi32, #tpu.memory_space<vmem>>
    %dma_wait3A_519 = arith.constant 0 : i32
    %dma_wait3A_520 = tpu.memref_slice %arg7[%dma_wait3A_519] : memref<1000000xf32, #tpu.memory_space<vmem_shared>> -> memref<1000000xf32, #tpu.memory_space<vmem_shared>>
    tpu.wait_indirect_dma semaphore(%arg14 : memref<!tpu.dma_semaphore, #tpu.memory_space<semaphore_mem>>) src(%dma_wait3A_520 : memref<1000000xf32, #tpu.memory_space<vmem_shared>>) dst(%dma_wait3A_515 : memref<200xf32, #tpu.memory_space<vmem>>)
    %dma_wait3A_521 = arith.constant 1 : i32
    %dma_wait3A_522 = arith.constant 1 : i32
    %dma_wait3A_523 = arith.constant 400 : i32
    %dma_wait3A_524 = tpu.memref_slice %arg10[%dma_wait3A_522, %dma_wait3A_523] : memref<2x1600xf32, #tpu.memory_space<vmem>> -> memref<1x200xf32, #tpu.memory_space<vmem>>
    %dma_wait3A_525 = tpu.memref_squeeze %dma_wait3A_524 : memref<1x200xf32, #tpu.memory_space<vmem>> -> memref<200xf32, #tpu.memory_space<vmem>>
    %dma_wait3A_526 = arith.constant 400 : i32
    %dma_wait3A_527 = tpu.memref_slice %arg9[%dma_wait3A_521, %dma_wait3A_526] : memref<2x1600xi32, #tpu.memory_space<vmem>> -> memref<1x200xi32, #tpu.memory_space<vmem>>
    %dma_wait3A_528 = tpu.memref_squeeze %dma_wait3A_527 : memref<1x200xi32, #tpu.memory_space<vmem>> -> memref<200xi32, #tpu.memory_space<vmem>>
    %dma_wait3A_529 = arith.constant 0 : i32
    %dma_wait3A_530 = tpu.memref_slice %arg7[%dma_wait3A_529] : memref<1000000xf32, #tpu.memory_space<vmem_shared>> -> memref<1000000xf32, #tpu.memory_space<vmem_shared>>
    tpu.wait_indirect_dma semaphore(%arg14 : memref<!tpu.dma_semaphore, #tpu.memory_space<semaphore_mem>>) src(%dma_wait3A_530 : memref<1000000xf32, #tpu.memory_space<vmem_shared>>) dst(%dma_wait3A_525 : memref<200xf32, #tpu.memory_space<vmem>>)
    %dma_wait3A_531 = arith.constant 1 : i32
    %dma_wait3A_532 = arith.constant 1 : i32
    %dma_wait3A_533 = arith.constant 600 : i32
    %dma_wait3A_534 = tpu.memref_slice %arg10[%dma_wait3A_532, %dma_wait3A_533] : memref<2x1600xf32, #tpu.memory_space<vmem>> -> memref<1x200xf32, #tpu.memory_space<vmem>>
    %dma_wait3A_535 = tpu.memref_squeeze %dma_wait3A_534 : memref<1x200xf32, #tpu.memory_space<vmem>> -> memref<200xf32, #tpu.memory_space<vmem>>
    %dma_wait3A_536 = arith.constant 600 : i32
    %dma_wait3A_537 = tpu.memref_slice %arg9[%dma_wait3A_531, %dma_wait3A_536] : memref<2x1600xi32, #tpu.memory_space<vmem>> -> memref<1x200xi32, #tpu.memory_space<vmem>>
    %dma_wait3A_538 = tpu.memref_squeeze %dma_wait3A_537 : memref<1x200xi32, #tpu.memory_space<vmem>> -> memref<200xi32, #tpu.memory_space<vmem>>
    %dma_wait3A_539 = arith.constant 0 : i32
    %dma_wait3A_540 = tpu.memref_slice %arg7[%dma_wait3A_539] : memref<1000000xf32, #tpu.memory_space<vmem_shared>> -> memref<1000000xf32, #tpu.memory_space<vmem_shared>>
    tpu.wait_indirect_dma semaphore(%arg14 : memref<!tpu.dma_semaphore, #tpu.memory_space<semaphore_mem>>) src(%dma_wait3A_540 : memref<1000000xf32, #tpu.memory_space<vmem_shared>>) dst(%dma_wait3A_535 : memref<200xf32, #tpu.memory_space<vmem>>)
    %dma_wait3A_541 = arith.constant 1 : i32
    %dma_wait3A_542 = arith.constant 1 : i32
    %dma_wait3A_543 = arith.constant 800 : i32
    %dma_wait3A_544 = tpu.memref_slice %arg10[%dma_wait3A_542, %dma_wait3A_543] : memref<2x1600xf32, #tpu.memory_space<vmem>> -> memref<1x200xf32, #tpu.memory_space<vmem>>
    %dma_wait3A_545 = tpu.memref_squeeze %dma_wait3A_544 : memref<1x200xf32, #tpu.memory_space<vmem>> -> memref<200xf32, #tpu.memory_space<vmem>>
    %dma_wait3A_546 = arith.constant 800 : i32
    %dma_wait3A_547 = tpu.memref_slice %arg9[%dma_wait3A_541, %dma_wait3A_546] : memref<2x1600xi32, #tpu.memory_space<vmem>> -> memref<1x200xi32, #tpu.memory_space<vmem>>
    %dma_wait3A_548 = tpu.memref_squeeze %dma_wait3A_547 : memref<1x200xi32, #tpu.memory_space<vmem>> -> memref<200xi32, #tpu.memory_space<vmem>>
    %dma_wait3A_549 = arith.constant 0 : i32
    %dma_wait3A_550 = tpu.memref_slice %arg7[%dma_wait3A_549] : memref<1000000xf32, #tpu.memory_space<vmem_shared>> -> memref<1000000xf32, #tpu.memory_space<vmem_shared>>
    tpu.wait_indirect_dma semaphore(%arg14 : memref<!tpu.dma_semaphore, #tpu.memory_space<semaphore_mem>>) src(%dma_wait3A_550 : memref<1000000xf32, #tpu.memory_space<vmem_shared>>) dst(%dma_wait3A_545 : memref<200xf32, #tpu.memory_space<vmem>>)
    %dma_wait3A_551 = arith.constant 1 : i32
    %dma_wait3A_552 = arith.constant 1 : i32
    %dma_wait3A_553 = arith.constant 1000 : i32
    %dma_wait3A_554 = tpu.memref_slice %arg10[%dma_wait3A_552, %dma_wait3A_553] : memref<2x1600xf32, #tpu.memory_space<vmem>> -> memref<1x200xf32, #tpu.memory_space<vmem>>
    %dma_wait3A_555 = tpu.memref_squeeze %dma_wait3A_554 : memref<1x200xf32, #tpu.memory_space<vmem>> -> memref<200xf32, #tpu.memory_space<vmem>>
    %dma_wait3A_556 = arith.constant 1000 : i32
    %dma_wait3A_557 = tpu.memref_slice %arg9[%dma_wait3A_551, %dma_wait3A_556] : memref<2x1600xi32, #tpu.memory_space<vmem>> -> memref<1x200xi32, #tpu.memory_space<vmem>>
    %dma_wait3A_558 = tpu.memref_squeeze %dma_wait3A_557 : memref<1x200xi32, #tpu.memory_space<vmem>> -> memref<200xi32, #tpu.memory_space<vmem>>
    %dma_wait3A_559 = arith.constant 0 : i32
    %dma_wait3A_560 = tpu.memref_slice %arg7[%dma_wait3A_559] : memref<1000000xf32, #tpu.memory_space<vmem_shared>> -> memref<1000000xf32, #tpu.memory_space<vmem_shared>>
    tpu.wait_indirect_dma semaphore(%arg14 : memref<!tpu.dma_semaphore, #tpu.memory_space<semaphore_mem>>) src(%dma_wait3A_560 : memref<1000000xf32, #tpu.memory_space<vmem_shared>>) dst(%dma_wait3A_555 : memref<200xf32, #tpu.memory_space<vmem>>)
    %dma_wait3A_561 = arith.constant 1 : i32
    %dma_wait3A_562 = arith.constant 1 : i32
    %dma_wait3A_563 = arith.constant 1200 : i32
    %dma_wait3A_564 = tpu.memref_slice %arg10[%dma_wait3A_562, %dma_wait3A_563] : memref<2x1600xf32, #tpu.memory_space<vmem>> -> memref<1x200xf32, #tpu.memory_space<vmem>>
    %dma_wait3A_565 = tpu.memref_squeeze %dma_wait3A_564 : memref<1x200xf32, #tpu.memory_space<vmem>> -> memref<200xf32, #tpu.memory_space<vmem>>
    %dma_wait3A_566 = arith.constant 1200 : i32
    %dma_wait3A_567 = tpu.memref_slice %arg9[%dma_wait3A_561, %dma_wait3A_566] : memref<2x1600xi32, #tpu.memory_space<vmem>> -> memref<1x200xi32, #tpu.memory_space<vmem>>
    %dma_wait3A_568 = tpu.memref_squeeze %dma_wait3A_567 : memref<1x200xi32, #tpu.memory_space<vmem>> -> memref<200xi32, #tpu.memory_space<vmem>>
    %dma_wait3A_569 = arith.constant 0 : i32
    %dma_wait3A_570 = tpu.memref_slice %arg7[%dma_wait3A_569] : memref<1000000xf32, #tpu.memory_space<vmem_shared>> -> memref<1000000xf32, #tpu.memory_space<vmem_shared>>
    tpu.wait_indirect_dma semaphore(%arg14 : memref<!tpu.dma_semaphore, #tpu.memory_space<semaphore_mem>>) src(%dma_wait3A_570 : memref<1000000xf32, #tpu.memory_space<vmem_shared>>) dst(%dma_wait3A_565 : memref<200xf32, #tpu.memory_space<vmem>>)
    %dma_wait3A_571 = arith.constant 1 : i32
    %dma_wait3A_572 = arith.constant 1 : i32
    %dma_wait3A_573 = arith.constant 1400 : i32
    %dma_wait3A_574 = tpu.memref_slice %arg10[%dma_wait3A_572, %dma_wait3A_573] : memref<2x1600xf32, #tpu.memory_space<vmem>> -> memref<1x200xf32, #tpu.memory_space<vmem>>
    %dma_wait3A_575 = tpu.memref_squeeze %dma_wait3A_574 : memref<1x200xf32, #tpu.memory_space<vmem>> -> memref<200xf32, #tpu.memory_space<vmem>>
    %dma_wait3A_576 = arith.constant 1400 : i32
    %dma_wait3A_577 = tpu.memref_slice %arg9[%dma_wait3A_571, %dma_wait3A_576] : memref<2x1600xi32, #tpu.memory_space<vmem>> -> memref<1x200xi32, #tpu.memory_space<vmem>>
    %dma_wait3A_578 = tpu.memref_squeeze %dma_wait3A_577 : memref<1x200xi32, #tpu.memory_space<vmem>> -> memref<200xi32, #tpu.memory_space<vmem>>
    %dma_wait3A_579 = arith.constant 0 : i32
    %dma_wait3A_580 = tpu.memref_slice %arg7[%dma_wait3A_579] : memref<1000000xf32, #tpu.memory_space<vmem_shared>> -> memref<1000000xf32, #tpu.memory_space<vmem_shared>>
    tpu.wait_indirect_dma semaphore(%arg14 : memref<!tpu.dma_semaphore, #tpu.memory_space<semaphore_mem>>) src(%dma_wait3A_580 : memref<1000000xf32, #tpu.memory_space<vmem_shared>>) dst(%dma_wait3A_575 : memref<200xf32, #tpu.memory_space<vmem>>)
    %add3A_581 = arith.constant 4800 : i32
    %add3A_582 = arith.addi %mul3A_182, %add3A_581 : i32
    %dma_start3A_583 = arith.constant 1 : i32
    %dma_start3A_584 = arith.constant 0 : i32
    %dma_start3A_585 = tpu.memref_slice %arg9[%dma_start3A_583, %dma_start3A_584] : memref<2x1600xi32, #tpu.memory_space<vmem>> -> memref<1x1600xi32, #tpu.memory_space<vmem>>
    %dma_start3A_586 = tpu.memref_squeeze %dma_start3A_585 : memref<1x1600xi32, #tpu.memory_space<vmem>> -> memref<1600xi32, #tpu.memory_space<vmem>>
    %dma_start3A_587 = tpu.memref_slice %arg5[%add3A_582] : memref<3276800xi32, #tpu.memory_space<hbm>> -> memref<1600xi32, #tpu.memory_space<hbm>>
    %dma_start3A_588 = arith.constant 0 : i32
    %dma_start3A_589 = tpu.memref_slice %arg9[%dma_start3A_583, %dma_start3A_588] : memref<2x1600xi32, #tpu.memory_space<vmem>> -> memref<1x1600xi32, #tpu.memory_space<vmem>>
    %dma_start3A_590 = tpu.memref_squeeze %dma_start3A_589 : memref<1x1600xi32, #tpu.memory_space<vmem>> -> memref<1600xi32, #tpu.memory_space<vmem>>
    %dma_start3A_591 = tpu.memref_slice %arg5[%add3A_582] : memref<3276800xi32, #tpu.memory_space<hbm>> -> memref<1600xi32, #tpu.memory_space<hbm>>
    tpu.enqueue_dma source(%dma_start3A_591 : memref<1600xi32, #tpu.memory_space<hbm>>) target(%dma_start3A_590 : memref<1600xi32, #tpu.memory_space<vmem>>) target_semaphore(%arg13 : memref<!tpu.dma_semaphore, #tpu.memory_space<semaphore_mem>>)
    %scan3A_592 = arith.constant 0 : i32
    %scan3A_593 = arith.constant 300 : i32
    %scan3A_594 = arith.addi %scan3A_592, %scan3A_593 : i32
    %scan3A_595 = arith.constant 1 : i32
    scf.for %scan3A_1016 = %scan3A_592 to %scan3A_594 step %scan3A_595  : i32 {
      %mul3A_1017 = arith.constant 1 : i32
      %mul3A_1018 = arith.muli %scan3A_1016, %mul3A_1017 : i32
      %add3A_1019 = arith.constant 0 : i32
      %add3A_1020 = arith.addi %add3A_1019, %mul3A_1018 : i32
      %mul3A_1021 = arith.constant 16 : i32
      %mul3A_1022 = arith.muli %add3A_1020, %mul3A_1021 : i32
      %add3A_1023 = vector.broadcast %mul3A_1022 : i32 to vector<16xi32>
      %add3A_1024 = arith.addi %add3A_1023, %iota3A : vector<16xi32>
      %jit3A_1025 = arith.constant 600 : i32
      %div3A_1026 = vector.broadcast %jit3A_1025 : i32 to vector<16xi32>
      %div3A_1027 = arith.divsi %add3A_1024, %div3A_1026 : vector<16xi32>
      %sign3A_1028 = arith.constant 0 : i32
      %sign3A_1029 = vector.broadcast %sign3A_1028 : i32 to vector<16xi32>
      %sign3A_1030 = arith.cmpi sgt, %add3A_1024, %sign3A_1029 : vector<16xi32>
      %sign3A_1031 = arith.extui %sign3A_1030 : vector<16xi1> to vector<16xi32>
      %sign3A_1032 = arith.constant 0 : i32
      %sign3A_1033 = vector.broadcast %sign3A_1032 : i32 to vector<16xi32>
      %sign3A_1034 = arith.cmpi slt, %add3A_1024, %sign3A_1033 : vector<16xi32>
      %sign3A_1035 = arith.extui %sign3A_1034 : vector<16xi1> to vector<16xi32>
      %sign3A_1036 = arith.subi %sign3A_1031, %sign3A_1035 : vector<16xi32>
      %sign3A_1037 = arith.constant 0 : i32
      %sign3A_1038 = arith.cmpi sgt, %jit3A_1025, %sign3A_1037 : i32
      %sign3A_1039 = arith.extui %sign3A_1038 : i1 to i32
      %sign3A_1040 = arith.constant 0 : i32
      %sign3A_1041 = arith.cmpi slt, %jit3A_1025, %sign3A_1040 : i32
      %sign3A_1042 = arith.extui %sign3A_1041 : i1 to i32
      %sign3A_1043 = arith.subi %sign3A_1039, %sign3A_1042 : i32
      %ne3A_1044 = vector.broadcast %sign3A_1043 : i32 to vector<16xi32>
      %ne3A_1045 = arith.cmpi ne, %sign3A_1036, %ne3A_1044 : vector<16xi32>
      %rem3A_1046 = vector.broadcast %jit3A_1025 : i32 to vector<16xi32>
      %rem3A_1047 = arith.remsi %add3A_1024, %rem3A_1046 : vector<16xi32>
      %ne3A_1048 = arith.constant 0 : i32
      %ne3A_1049 = vector.broadcast %ne3A_1048 : i32 to vector<16xi32>
      %ne3A_1050 = arith.cmpi ne, %rem3A_1047, %ne3A_1049 : vector<16xi32>
      %and3A_1051 = arith.andi %ne3A_1045, %ne3A_1050 : vector<16xi1>
      %sub3A_1052 = arith.constant 1 : i32
      %sub3A_1053 = vector.broadcast %sub3A_1052 : i32 to vector<16xi32>
      %sub3A_1054 = arith.subi %div3A_1027, %sub3A_1053 : vector<16xi32>
      %select_n3A_1055 = arith.select %and3A_1051, %sub3A_1054, %div3A_1027 : vector<16xi1>, vector<16xi32>
      %jit3A_1056 = arith.constant 600 : i32
      %eq3A_1057 = arith.constant 0 : i32
      %eq3A_1058 = arith.cmpi eq, %jit3A_1056, %eq3A_1057 : i32
      %jit3A_1059 = arith.constant 1 : i32
      %select_n3A_1060 = arith.select %eq3A_1058, %jit3A_1059, %jit3A_1056 : i32
      %rem3A_1061 = vector.broadcast %select_n3A_1060 : i32 to vector<16xi32>
      %rem3A_1062 = arith.remsi %add3A_1024, %rem3A_1061 : vector<16xi32>
      %ne3A_1063 = arith.constant 0 : i32
      %ne3A_1064 = vector.broadcast %ne3A_1063 : i32 to vector<16xi32>
      %ne3A_1065 = arith.cmpi ne, %rem3A_1062, %ne3A_1064 : vector<16xi32>
      %lt3A_1066 = arith.constant 0 : i32
      %lt3A_1067 = vector.broadcast %lt3A_1066 : i32 to vector<16xi32>
      %lt3A_1068 = arith.cmpi slt, %rem3A_1062, %lt3A_1067 : vector<16xi32>
      %lt3A_1069 = arith.constant 0 : i32
      %lt3A_1070 = arith.cmpi slt, %select_n3A_1060, %lt3A_1069 : i32
      %ne3A_1071 = vector.broadcast %lt3A_1070 : i1 to vector<16xi1>
      %ne3A_1072 = vector.broadcast %ne3A_1071 : vector<16xi1> to vector<16xi1>
      %ne3A_1073 = arith.xori %lt3A_1068, %ne3A_1072 : vector<16xi1>
      %and3A_1074 = arith.andi %ne3A_1073, %ne3A_1065 : vector<16xi1>
      %add3A_1075 = vector.broadcast %select_n3A_1060 : i32 to vector<16xi32>
      %add3A_1076 = arith.addi %rem3A_1062, %add3A_1075 : vector<16xi32>
      %select_n3A_1077 = arith.select %and3A_1074, %add3A_1076, %rem3A_1062 : vector<16xi1>, vector<16xi32>
      %jit3A_1078 = arith.constant 3 : i32
      %div3A_1079 = vector.broadcast %jit3A_1078 : i32 to vector<16xi32>
      %div3A_1080 = arith.divsi %select_n3A_1077, %div3A_1079 : vector<16xi32>
      %sign3A_1081 = arith.constant 0 : i32
      %sign3A_1082 = vector.broadcast %sign3A_1081 : i32 to vector<16xi32>
      %sign3A_1083 = arith.cmpi sgt, %select_n3A_1077, %sign3A_1082 : vector<16xi32>
      %sign3A_1084 = arith.extui %sign3A_1083 : vector<16xi1> to vector<16xi32>
      %sign3A_1085 = arith.constant 0 : i32
      %sign3A_1086 = vector.broadcast %sign3A_1085 : i32 to vector<16xi32>
      %sign3A_1087 = arith.cmpi slt, %select_n3A_1077, %sign3A_1086 : vector<16xi32>
      %sign3A_1088 = arith.extui %sign3A_1087 : vector<16xi1> to vector<16xi32>
      %sign3A_1089 = arith.subi %sign3A_1084, %sign3A_1088 : vector<16xi32>
      %sign3A_1090 = arith.constant 0 : i32
      %sign3A_1091 = arith.cmpi sgt, %jit3A_1078, %sign3A_1090 : i32
      %sign3A_1092 = arith.extui %sign3A_1091 : i1 to i32
      %sign3A_1093 = arith.constant 0 : i32
      %sign3A_1094 = arith.cmpi slt, %jit3A_1078, %sign3A_1093 : i32
      %sign3A_1095 = arith.extui %sign3A_1094 : i1 to i32
      %sign3A_1096 = arith.subi %sign3A_1092, %sign3A_1095 : i32
      %ne3A_1097 = vector.broadcast %sign3A_1096 : i32 to vector<16xi32>
      %ne3A_1098 = arith.cmpi ne, %sign3A_1089, %ne3A_1097 : vector<16xi32>
      %rem3A_1099 = vector.broadcast %jit3A_1078 : i32 to vector<16xi32>
      %rem3A_1100 = arith.remsi %select_n3A_1077, %rem3A_1099 : vector<16xi32>
      %ne3A_1101 = arith.constant 0 : i32
      %ne3A_1102 = vector.broadcast %ne3A_1101 : i32 to vector<16xi32>
      %ne3A_1103 = arith.cmpi ne, %rem3A_1100, %ne3A_1102 : vector<16xi32>
      %and3A_1104 = arith.andi %ne3A_1098, %ne3A_1103 : vector<16xi1>
      %sub3A_1105 = arith.constant 1 : i32
      %sub3A_1106 = vector.broadcast %sub3A_1105 : i32 to vector<16xi32>
      %sub3A_1107 = arith.subi %div3A_1080, %sub3A_1106 : vector<16xi32>
      %select_n3A_1108 = arith.select %and3A_1104, %sub3A_1107, %div3A_1080 : vector<16xi1>, vector<16xi32>
      %jit3A_1109 = arith.constant 3 : i32
      %eq3A_1110 = arith.constant 0 : i32
      %eq3A_1111 = arith.cmpi eq, %jit3A_1109, %eq3A_1110 : i32
      %jit3A_1112 = arith.constant 1 : i32
      %select_n3A_1113 = arith.select %eq3A_1111, %jit3A_1112, %jit3A_1109 : i32
      %rem3A_1114 = vector.broadcast %select_n3A_1113 : i32 to vector<16xi32>
      %rem3A_1115 = arith.remsi %select_n3A_1077, %rem3A_1114 : vector<16xi32>
      %ne3A_1116 = arith.constant 0 : i32
      %ne3A_1117 = vector.broadcast %ne3A_1116 : i32 to vector<16xi32>
      %ne3A_1118 = arith.cmpi ne, %rem3A_1115, %ne3A_1117 : vector<16xi32>
      %lt3A_1119 = arith.constant 0 : i32
      %lt3A_1120 = vector.broadcast %lt3A_1119 : i32 to vector<16xi32>
      %lt3A_1121 = arith.cmpi slt, %rem3A_1115, %lt3A_1120 : vector<16xi32>
      %lt3A_1122 = arith.constant 0 : i32
      %lt3A_1123 = arith.cmpi slt, %select_n3A_1113, %lt3A_1122 : i32
      %ne3A_1124 = vector.broadcast %lt3A_1123 : i1 to vector<16xi1>
      %ne3A_1125 = vector.broadcast %ne3A_1124 : vector<16xi1> to vector<16xi1>
      %ne3A_1126 = arith.xori %lt3A_1121, %ne3A_1125 : vector<16xi1>
      %and3A_1127 = arith.andi %ne3A_1126, %ne3A_1118 : vector<16xi1>
      %add3A_1128 = vector.broadcast %select_n3A_1113 : i32 to vector<16xi32>
      %add3A_1129 = arith.addi %rem3A_1115, %add3A_1128 : vector<16xi32>
      %select_n3A_1130 = arith.select %and3A_1127, %add3A_1129, %rem3A_1115 : vector<16xi1>, vector<16xi32>
      %jit3A_1131 = arith.constant 3 : i32
      %div3A_1132 = vector.broadcast %jit3A_1131 : i32 to vector<16xi32>
      %div3A_1133 = arith.divsi %add3A_1024, %div3A_1132 : vector<16xi32>
      %sign3A_1134 = arith.constant 0 : i32
      %sign3A_1135 = vector.broadcast %sign3A_1134 : i32 to vector<16xi32>
      %sign3A_1136 = arith.cmpi sgt, %add3A_1024, %sign3A_1135 : vector<16xi32>
      %sign3A_1137 = arith.extui %sign3A_1136 : vector<16xi1> to vector<16xi32>
      %sign3A_1138 = arith.constant 0 : i32
      %sign3A_1139 = vector.broadcast %sign3A_1138 : i32 to vector<16xi32>
      %sign3A_1140 = arith.cmpi slt, %add3A_1024, %sign3A_1139 : vector<16xi32>
      %sign3A_1141 = arith.extui %sign3A_1140 : vector<16xi1> to vector<16xi32>
      %sign3A_1142 = arith.subi %sign3A_1137, %sign3A_1141 : vector<16xi32>
      %sign3A_1143 = arith.constant 0 : i32
      %sign3A_1144 = arith.cmpi sgt, %jit3A_1131, %sign3A_1143 : i32
      %sign3A_1145 = arith.extui %sign3A_1144 : i1 to i32
      %sign3A_1146 = arith.constant 0 : i32
      %sign3A_1147 = arith.cmpi slt, %jit3A_1131, %sign3A_1146 : i32
      %sign3A_1148 = arith.extui %sign3A_1147 : i1 to i32
      %sign3A_1149 = arith.subi %sign3A_1145, %sign3A_1148 : i32
      %ne3A_1150 = vector.broadcast %sign3A_1149 : i32 to vector<16xi32>
      %ne3A_1151 = arith.cmpi ne, %sign3A_1142, %ne3A_1150 : vector<16xi32>
      %rem3A_1152 = vector.broadcast %jit3A_1131 : i32 to vector<16xi32>
      %rem3A_1153 = arith.remsi %add3A_1024, %rem3A_1152 : vector<16xi32>
      %ne3A_1154 = arith.constant 0 : i32
      %ne3A_1155 = vector.broadcast %ne3A_1154 : i32 to vector<16xi32>
      %ne3A_1156 = arith.cmpi ne, %rem3A_1153, %ne3A_1155 : vector<16xi32>
      %and3A_1157 = arith.andi %ne3A_1151, %ne3A_1156 : vector<16xi1>
      %sub3A_1158 = arith.constant 1 : i32
      %sub3A_1159 = vector.broadcast %sub3A_1158 : i32 to vector<16xi32>
      %sub3A_1160 = arith.subi %div3A_1133, %sub3A_1159 : vector<16xi32>
      %select_n3A_1161 = arith.select %and3A_1157, %sub3A_1160, %div3A_1133 : vector<16xi1>, vector<16xi32>
      %gather3A_1162 = arith.constant 1 : i32
      %gather3A_1163 = arith.constant 0 : i32
      %gather3A_1164 = tpu.memref_slice %arg10[%gather3A_1162, %gather3A_1163] : memref<2x1600xf32, #tpu.memory_space<vmem>> -> memref<1x1600xf32, #tpu.memory_space<vmem>>
      %gather3A_1165 = tpu.memref_squeeze %gather3A_1164 : memref<1x1600xf32, #tpu.memory_space<vmem>> -> memref<1600xf32, #tpu.memory_space<vmem>>
      %gather3A_1166 = tpu.vector_load_idx %gather3A_1165[%select_n3A_1161] : memref<1600xf32, #tpu.memory_space<vmem>>[vector<16xi32>], vector<16xf32>,
      %gather3A_1167 = tpu.vector_load_idx %arg8[%select_n3A_1130] : memref<16xf32, #tpu.memory_space<vmem>>[vector<16xi32>], vector<16xf32>,
      %add3A_1168 = arith.constant 8 : i32
      %add3A_1169 = vector.broadcast %add3A_1168 : i32 to vector<16xi32>
      %add3A_1170 = arith.addi %select_n3A_1130, %add3A_1169 : vector<16xi32>
      %gather3A_1171 = tpu.vector_load_idx %arg8[%add3A_1170] : memref<16xf32, #tpu.memory_space<vmem>>[vector<16xi32>], vector<16xf32>,
      %mul3A_1172 = arith.mulf %gather3A_1166, %gather3A_1167 : vector<16xf32>
      %add3A_1173 = arith.addf %mul3A_1172, %gather3A_1171 : vector<16xf32>
      %scatter3A = arith.constant 1 : i32
      %scatter3A_1174 = arith.constant 0 : i32
      %scatter3A_1175 = arith.constant 0 : i32
      %scatter3A_1176 = arith.constant 0 : i32
      %scatter3A_1177 = tpu.memref_slice %arg11[%scatter3A, %scatter3A_1174, %scatter3A_1175, %scatter3A_1176] : memref<2x8x200x3xf32, #tpu.memory_space<vmem>> -> memref<1x8x200x3xf32, #tpu.memory_space<vmem>>
      %scatter3A_1178 = tpu.memref_squeeze %scatter3A_1177 : memref<1x8x200x3xf32, #tpu.memory_space<vmem>> -> memref<8x200x3xf32, #tpu.memory_space<vmem>>
      tpu.vector_store_idx %scatter3A_1178[%select_n3A_1055, %select_n3A_1108, %select_n3A_1130], %add3A_1173 : memref<8x200x3xf32, #tpu.memory_space<vmem>>[vector<16xi32>, vector<16xi32>, vector<16xi32>], vector<16xf32>,
    }
    %scan3A_596 = arith.constant 300 : i32
    %add3A_597 = arith.constant 8 : i32
    %add3A_598 = arith.addi %mul3A_184, %add3A_597 : i32
    %dma_start3A_599 = arith.constant 1 : i32
    %dma_start3A_600 = arith.constant 0 : i32
    %dma_start3A_601 = arith.constant 0 : i32
    %dma_start3A_602 = arith.constant 0 : i32
    %dma_start3A_603 = tpu.memref_slice %arg11[%dma_start3A_599, %dma_start3A_600, %dma_start3A_601, %dma_start3A_602] : memref<2x8x200x3xf32, #tpu.memory_space<vmem>> -> memref<1x8x200x3xf32, #tpu.memory_space<vmem>>
    %dma_start3A_604 = tpu.memref_squeeze %dma_start3A_603 : memref<1x8x200x3xf32, #tpu.memory_space<vmem>> -> memref<8x200x3xf32, #tpu.memory_space<vmem>>
    %dma_start3A_605 = arith.constant 0 : i32
    %dma_start3A_606 = arith.constant 0 : i32
    %dma_start3A_607 = tpu.memref_slice %arg6[%add3A_598, %dma_start3A_605, %dma_start3A_606] : memref<16384x200x3xf32, #tpu.memory_space<hbm>> -> memref<8x200x3xf32, #tpu.memory_space<hbm>>
    %dma_start3A_608 = arith.constant 0 : i32
    %dma_start3A_609 = arith.constant 0 : i32
    %dma_start3A_610 = tpu.memref_slice %arg6[%add3A_598, %dma_start3A_608, %dma_start3A_609] : memref<16384x200x3xf32, #tpu.memory_space<hbm>> -> memref<8x200x3xf32, #tpu.memory_space<hbm>>
    %dma_start3A_611 = arith.constant 0 : i32
    %dma_start3A_612 = arith.constant 0 : i32
    %dma_start3A_613 = arith.constant 0 : i32
    %dma_start3A_614 = tpu.memref_slice %arg11[%dma_start3A_599, %dma_start3A_611, %dma_start3A_612, %dma_start3A_613] : memref<2x8x200x3xf32, #tpu.memory_space<vmem>> -> memref<1x8x200x3xf32, #tpu.memory_space<vmem>>
    %dma_start3A_615 = tpu.memref_squeeze %dma_start3A_614 : memref<1x8x200x3xf32, #tpu.memory_space<vmem>> -> memref<8x200x3xf32, #tpu.memory_space<vmem>>
    tpu.enqueue_dma source(%dma_start3A_615 : memref<8x200x3xf32, #tpu.memory_space<vmem>>) target(%dma_start3A_610 : memref<8x200x3xf32, #tpu.memory_space<hbm>>) target_semaphore(%arg16 : memref<!tpu.dma_semaphore, #tpu.memory_space<semaphore_mem>>)
    %scan3A_616 = arith.constant 0 : i32
    %scan3A_617 = arith.constant 30 : i32
    %scan3A_618 = arith.addi %scan3A_616, %scan3A_617 : i32
    %scan3A_619 = arith.constant 1 : i32
    scf.for %scan3A_1016 = %scan3A_616 to %scan3A_618 step %scan3A_619  : i32 {
      %mul3A_1017 = arith.constant 1 : i32
      %mul3A_1018 = arith.muli %scan3A_1016, %mul3A_1017 : i32
      %add3A_1019 = arith.constant 1 : i32
      %add3A_1020 = arith.addi %add3A_1019, %mul3A_1018 : i32
      %mul3A_1021 = arith.constant 2 : i32
      %mul3A_1022 = arith.muli %mul3A_1021, %add3A_1020 : i32
      %add3A_1023 = arith.constant 0 : i32
      %add3A_1024 = arith.addi %mul3A_1022, %add3A_1023 : i32
      %mul3A_1025 = arith.constant 1600 : i32
      %mul3A_1026 = arith.muli %add3A_1024, %mul3A_1025 : i32
      %add3A_1027 = arith.addi %mul3A_182, %mul3A_1026 : i32
      %dma_wait3A_1028 = arith.constant 0 : i32
      %dma_wait3A_1029 = arith.constant 0 : i32
      %dma_wait3A_1030 = tpu.memref_slice %arg9[%dma_wait3A_1028, %dma_wait3A_1029] : memref<2x1600xi32, #tpu.memory_space<vmem>> -> memref<1x1600xi32, #tpu.memory_space<vmem>>
      %dma_wait3A_1031 = tpu.memref_squeeze %dma_wait3A_1030 : memref<1x1600xi32, #tpu.memory_space<vmem>> -> memref<1600xi32, #tpu.memory_space<vmem>>
      %dma_wait3A_1032 = tpu.memref_slice %arg5[%add3A_1027] : memref<3276800xi32, #tpu.memory_space<hbm>> -> memref<1600xi32, #tpu.memory_space<hbm>>
      %dma_wait3A_1033 = arith.constant 0 : i32
      %dma_wait3A_1034 = tpu.memref_slice %arg9[%dma_wait3A_1028, %dma_wait3A_1033] : memref<2x1600xi32, #tpu.memory_space<vmem>> -> memref<1x1600xi32, #tpu.memory_space<vmem>>
      %dma_wait3A_1035 = tpu.memref_squeeze %dma_wait3A_1034 : memref<1x1600xi32, #tpu.memory_space<vmem>> -> memref<1600xi32, #tpu.memory_space<vmem>>
      %dma_wait3A_1036 = tpu.memref_slice %arg5[%add3A_1027] : memref<3276800xi32, #tpu.memory_space<hbm>> -> memref<1600xi32, #tpu.memory_space<hbm>>
      tpu.wait_dma2 semaphore(%arg12 : memref<!tpu.dma_semaphore, #tpu.memory_space<semaphore_mem>>) src(%dma_wait3A_1036 : memref<1600xi32, #tpu.memory_space<hbm>>) dst(%dma_wait3A_1035 : memref<1600xi32, #tpu.memory_space<vmem>>)
      %dma_start3A_1037 = arith.constant 0 : i32
      %dma_start3A_1038 = arith.constant 0 : i32
      %dma_start3A_1039 = arith.constant 0 : i32
      %dma_start3A_1040 = tpu.memref_slice %arg10[%dma_start3A_1038, %dma_start3A_1039] : memref<2x1600xf32, #tpu.memory_space<vmem>> -> memref<1x200xf32, #tpu.memory_space<vmem>>
      %dma_start3A_1041 = tpu.memref_squeeze %dma_start3A_1040 : memref<1x200xf32, #tpu.memory_space<vmem>> -> memref<200xf32, #tpu.memory_space<vmem>>
      %dma_start3A_1042 = arith.constant 0 : i32
      %dma_start3A_1043 = tpu.memref_slice %arg9[%dma_start3A_1037, %dma_start3A_1042] : memref<2x1600xi32, #tpu.memory_space<vmem>> -> memref<1x200xi32, #tpu.memory_space<vmem>>
      %dma_start3A_1044 = tpu.memref_squeeze %dma_start3A_1043 : memref<1x200xi32, #tpu.memory_space<vmem>> -> memref<200xi32, #tpu.memory_space<vmem>>
      %dma_start3A_1045 = arith.constant 0 : i32
      %dma_start3A_1046 = tpu.memref_slice %arg7[%dma_start3A_1045] : memref<1000000xf32, #tpu.memory_space<vmem_shared>> -> memref<1000000xf32, #tpu.memory_space<vmem_shared>>
      tpu.enqueue_indirect_dma source(%dma_start3A_1046 : memref<1000000xf32, #tpu.memory_space<vmem_shared>>) target(%dma_start3A_1041 : memref<200xf32, #tpu.memory_space<vmem>>) offsets(%dma_start3A_1044 : memref<200xi32, #tpu.memory_space<vmem>>) semaphore(%arg14 : memref<!tpu.dma_semaphore, #tpu.memory_space<semaphore_mem>>)
      %dma_start3A_1047 = arith.constant 0 : i32
      %dma_start3A_1048 = arith.constant 0 : i32
      %dma_start3A_1049 = arith.constant 200 : i32
      %dma_start3A_1050 = tpu.memref_slice %arg10[%dma_start3A_1048, %dma_start3A_1049] : memref<2x1600xf32, #tpu.memory_space<vmem>> -> memref<1x200xf32, #tpu.memory_space<vmem>>
      %dma_start3A_1051 = tpu.memref_squeeze %dma_start3A_1050 : memref<1x200xf32, #tpu.memory_space<vmem>> -> memref<200xf32, #tpu.memory_space<vmem>>
      %dma_start3A_1052 = arith.constant 200 : i32
      %dma_start3A_1053 = tpu.memref_slice %arg9[%dma_start3A_1047, %dma_start3A_1052] : memref<2x1600xi32, #tpu.memory_space<vmem>> -> memref<1x200xi32, #tpu.memory_space<vmem>>
      %dma_start3A_1054 = tpu.memref_squeeze %dma_start3A_1053 : memref<1x200xi32, #tpu.memory_space<vmem>> -> memref<200xi32, #tpu.memory_space<vmem>>
      %dma_start3A_1055 = arith.constant 0 : i32
      %dma_start3A_1056 = tpu.memref_slice %arg7[%dma_start3A_1055] : memref<1000000xf32, #tpu.memory_space<vmem_shared>> -> memref<1000000xf32, #tpu.memory_space<vmem_shared>>
      tpu.enqueue_indirect_dma source(%dma_start3A_1056 : memref<1000000xf32, #tpu.memory_space<vmem_shared>>) target(%dma_start3A_1051 : memref<200xf32, #tpu.memory_space<vmem>>) offsets(%dma_start3A_1054 : memref<200xi32, #tpu.memory_space<vmem>>) semaphore(%arg14 : memref<!tpu.dma_semaphore, #tpu.memory_space<semaphore_mem>>)
      %dma_start3A_1057 = arith.constant 0 : i32
      %dma_start3A_1058 = arith.constant 0 : i32
      %dma_start3A_1059 = arith.constant 400 : i32
      %dma_start3A_1060 = tpu.memref_slice %arg10[%dma_start3A_1058, %dma_start3A_1059] : memref<2x1600xf32, #tpu.memory_space<vmem>> -> memref<1x200xf32, #tpu.memory_space<vmem>>
      %dma_start3A_1061 = tpu.memref_squeeze %dma_start3A_1060 : memref<1x200xf32, #tpu.memory_space<vmem>> -> memref<200xf32, #tpu.memory_space<vmem>>
      %dma_start3A_1062 = arith.constant 400 : i32
      %dma_start3A_1063 = tpu.memref_slice %arg9[%dma_start3A_1057, %dma_start3A_1062] : memref<2x1600xi32, #tpu.memory_space<vmem>> -> memref<1x200xi32, #tpu.memory_space<vmem>>
      %dma_start3A_1064 = tpu.memref_squeeze %dma_start3A_1063 : memref<1x200xi32, #tpu.memory_space<vmem>> -> memref<200xi32, #tpu.memory_space<vmem>>
      %dma_start3A_1065 = arith.constant 0 : i32
      %dma_start3A_1066 = tpu.memref_slice %arg7[%dma_start3A_1065] : memref<1000000xf32, #tpu.memory_space<vmem_shared>> -> memref<1000000xf32, #tpu.memory_space<vmem_shared>>
      tpu.enqueue_indirect_dma source(%dma_start3A_1066 : memref<1000000xf32, #tpu.memory_space<vmem_shared>>) target(%dma_start3A_1061 : memref<200xf32, #tpu.memory_space<vmem>>) offsets(%dma_start3A_1064 : memref<200xi32, #tpu.memory_space<vmem>>) semaphore(%arg14 : memref<!tpu.dma_semaphore, #tpu.memory_space<semaphore_mem>>)
      %dma_start3A_1067 = arith.constant 0 : i32
      %dma_start3A_1068 = arith.constant 0 : i32
      %dma_start3A_1069 = arith.constant 600 : i32
      %dma_start3A_1070 = tpu.memref_slice %arg10[%dma_start3A_1068, %dma_start3A_1069] : memref<2x1600xf32, #tpu.memory_space<vmem>> -> memref<1x200xf32, #tpu.memory_space<vmem>>
      %dma_start3A_1071 = tpu.memref_squeeze %dma_start3A_1070 : memref<1x200xf32, #tpu.memory_space<vmem>> -> memref<200xf32, #tpu.memory_space<vmem>>
      %dma_start3A_1072 = arith.constant 600 : i32
      %dma_start3A_1073 = tpu.memref_slice %arg9[%dma_start3A_1067, %dma_start3A_1072] : memref<2x1600xi32, #tpu.memory_space<vmem>> -> memref<1x200xi32, #tpu.memory_space<vmem>>
      %dma_start3A_1074 = tpu.memref_squeeze %dma_start3A_1073 : memref<1x200xi32, #tpu.memory_space<vmem>> -> memref<200xi32, #tpu.memory_space<vmem>>
      %dma_start3A_1075 = arith.constant 0 : i32
      %dma_start3A_1076 = tpu.memref_slice %arg7[%dma_start3A_1075] : memref<1000000xf32, #tpu.memory_space<vmem_shared>> -> memref<1000000xf32, #tpu.memory_space<vmem_shared>>
      tpu.enqueue_indirect_dma source(%dma_start3A_1076 : memref<1000000xf32, #tpu.memory_space<vmem_shared>>) target(%dma_start3A_1071 : memref<200xf32, #tpu.memory_space<vmem>>) offsets(%dma_start3A_1074 : memref<200xi32, #tpu.memory_space<vmem>>) semaphore(%arg14 : memref<!tpu.dma_semaphore, #tpu.memory_space<semaphore_mem>>)
      %dma_start3A_1077 = arith.constant 0 : i32
      %dma_start3A_1078 = arith.constant 0 : i32
      %dma_start3A_1079 = arith.constant 800 : i32
      %dma_start3A_1080 = tpu.memref_slice %arg10[%dma_start3A_1078, %dma_start3A_1079] : memref<2x1600xf32, #tpu.memory_space<vmem>> -> memref<1x200xf32, #tpu.memory_space<vmem>>
      %dma_start3A_1081 = tpu.memref_squeeze %dma_start3A_1080 : memref<1x200xf32, #tpu.memory_space<vmem>> -> memref<200xf32, #tpu.memory_space<vmem>>
      %dma_start3A_1082 = arith.constant 800 : i32
      %dma_start3A_1083 = tpu.memref_slice %arg9[%dma_start3A_1077, %dma_start3A_1082] : memref<2x1600xi32, #tpu.memory_space<vmem>> -> memref<1x200xi32, #tpu.memory_space<vmem>>
      %dma_start3A_1084 = tpu.memref_squeeze %dma_start3A_1083 : memref<1x200xi32, #tpu.memory_space<vmem>> -> memref<200xi32, #tpu.memory_space<vmem>>
      %dma_start3A_1085 = arith.constant 0 : i32
      %dma_start3A_1086 = tpu.memref_slice %arg7[%dma_start3A_1085] : memref<1000000xf32, #tpu.memory_space<vmem_shared>> -> memref<1000000xf32, #tpu.memory_space<vmem_shared>>
      tpu.enqueue_indirect_dma source(%dma_start3A_1086 : memref<1000000xf32, #tpu.memory_space<vmem_shared>>) target(%dma_start3A_1081 : memref<200xf32, #tpu.memory_space<vmem>>) offsets(%dma_start3A_1084 : memref<200xi32, #tpu.memory_space<vmem>>) semaphore(%arg14 : memref<!tpu.dma_semaphore, #tpu.memory_space<semaphore_mem>>)
      %dma_start3A_1087 = arith.constant 0 : i32
      %dma_start3A_1088 = arith.constant 0 : i32
      %dma_start3A_1089 = arith.constant 1000 : i32
      %dma_start3A_1090 = tpu.memref_slice %arg10[%dma_start3A_1088, %dma_start3A_1089] : memref<2x1600xf32, #tpu.memory_space<vmem>> -> memref<1x200xf32, #tpu.memory_space<vmem>>
      %dma_start3A_1091 = tpu.memref_squeeze %dma_start3A_1090 : memref<1x200xf32, #tpu.memory_space<vmem>> -> memref<200xf32, #tpu.memory_space<vmem>>
      %dma_start3A_1092 = arith.constant 1000 : i32
      %dma_start3A_1093 = tpu.memref_slice %arg9[%dma_start3A_1087, %dma_start3A_1092] : memref<2x1600xi32, #tpu.memory_space<vmem>> -> memref<1x200xi32, #tpu.memory_space<vmem>>
      %dma_start3A_1094 = tpu.memref_squeeze %dma_start3A_1093 : memref<1x200xi32, #tpu.memory_space<vmem>> -> memref<200xi32, #tpu.memory_space<vmem>>
      %dma_start3A_1095 = arith.constant 0 : i32
      %dma_start3A_1096 = tpu.memref_slice %arg7[%dma_start3A_1095] : memref<1000000xf32, #tpu.memory_space<vmem_shared>> -> memref<1000000xf32, #tpu.memory_space<vmem_shared>>
      tpu.enqueue_indirect_dma source(%dma_start3A_1096 : memref<1000000xf32, #tpu.memory_space<vmem_shared>>) target(%dma_start3A_1091 : memref<200xf32, #tpu.memory_space<vmem>>) offsets(%dma_start3A_1094 : memref<200xi32, #tpu.memory_space<vmem>>) semaphore(%arg14 : memref<!tpu.dma_semaphore, #tpu.memory_space<semaphore_mem>>)
      %dma_start3A_1097 = arith.constant 0 : i32
      %dma_start3A_1098 = arith.constant 0 : i32
      %dma_start3A_1099 = arith.constant 1200 : i32
      %dma_start3A_1100 = tpu.memref_slice %arg10[%dma_start3A_1098, %dma_start3A_1099] : memref<2x1600xf32, #tpu.memory_space<vmem>> -> memref<1x200xf32, #tpu.memory_space<vmem>>
      %dma_start3A_1101 = tpu.memref_squeeze %dma_start3A_1100 : memref<1x200xf32, #tpu.memory_space<vmem>> -> memref<200xf32, #tpu.memory_space<vmem>>
      %dma_start3A_1102 = arith.constant 1200 : i32
      %dma_start3A_1103 = tpu.memref_slice %arg9[%dma_start3A_1097, %dma_start3A_1102] : memref<2x1600xi32, #tpu.memory_space<vmem>> -> memref<1x200xi32, #tpu.memory_space<vmem>>
      %dma_start3A_1104 = tpu.memref_squeeze %dma_start3A_1103 : memref<1x200xi32, #tpu.memory_space<vmem>> -> memref<200xi32, #tpu.memory_space<vmem>>
      %dma_start3A_1105 = arith.constant 0 : i32
      %dma_start3A_1106 = tpu.memref_slice %arg7[%dma_start3A_1105] : memref<1000000xf32, #tpu.memory_space<vmem_shared>> -> memref<1000000xf32, #tpu.memory_space<vmem_shared>>
      tpu.enqueue_indirect_dma source(%dma_start3A_1106 : memref<1000000xf32, #tpu.memory_space<vmem_shared>>) target(%dma_start3A_1101 : memref<200xf32, #tpu.memory_space<vmem>>) offsets(%dma_start3A_1104 : memref<200xi32, #tpu.memory_space<vmem>>) semaphore(%arg14 : memref<!tpu.dma_semaphore, #tpu.memory_space<semaphore_mem>>)
      %dma_start3A_1107 = arith.constant 0 : i32
      %dma_start3A_1108 = arith.constant 0 : i32
      %dma_start3A_1109 = arith.constant 1400 : i32
      %dma_start3A_1110 = tpu.memref_slice %arg10[%dma_start3A_1108, %dma_start3A_1109] : memref<2x1600xf32, #tpu.memory_space<vmem>> -> memref<1x200xf32, #tpu.memory_space<vmem>>
      %dma_start3A_1111 = tpu.memref_squeeze %dma_start3A_1110 : memref<1x200xf32, #tpu.memory_space<vmem>> -> memref<200xf32, #tpu.memory_space<vmem>>
      %dma_start3A_1112 = arith.constant 1400 : i32
      %dma_start3A_1113 = tpu.memref_slice %arg9[%dma_start3A_1107, %dma_start3A_1112] : memref<2x1600xi32, #tpu.memory_space<vmem>> -> memref<1x200xi32, #tpu.memory_space<vmem>>
      %dma_start3A_1114 = tpu.memref_squeeze %dma_start3A_1113 : memref<1x200xi32, #tpu.memory_space<vmem>> -> memref<200xi32, #tpu.memory_space<vmem>>
      %dma_start3A_1115 = arith.constant 0 : i32
      %dma_start3A_1116 = tpu.memref_slice %arg7[%dma_start3A_1115] : memref<1000000xf32, #tpu.memory_space<vmem_shared>> -> memref<1000000xf32, #tpu.memory_space<vmem_shared>>
      tpu.enqueue_indirect_dma source(%dma_start3A_1116 : memref<1000000xf32, #tpu.memory_space<vmem_shared>>) target(%dma_start3A_1111 : memref<200xf32, #tpu.memory_space<vmem>>) offsets(%dma_start3A_1114 : memref<200xi32, #tpu.memory_space<vmem>>) semaphore(%arg14 : memref<!tpu.dma_semaphore, #tpu.memory_space<semaphore_mem>>)
      %dma_wait3A_1117 = arith.constant 0 : i32
      %dma_wait3A_1118 = arith.constant 0 : i32
      %dma_wait3A_1119 = arith.constant 0 : i32
      %dma_wait3A_1120 = tpu.memref_slice %arg10[%dma_wait3A_1118, %dma_wait3A_1119] : memref<2x1600xf32, #tpu.memory_space<vmem>> -> memref<1x200xf32, #tpu.memory_space<vmem>>
      %dma_wait3A_1121 = tpu.memref_squeeze %dma_wait3A_1120 : memref<1x200xf32, #tpu.memory_space<vmem>> -> memref<200xf32, #tpu.memory_space<vmem>>
      %dma_wait3A_1122 = arith.constant 0 : i32
      %dma_wait3A_1123 = tpu.memref_slice %arg9[%dma_wait3A_1117, %dma_wait3A_1122] : memref<2x1600xi32, #tpu.memory_space<vmem>> -> memref<1x200xi32, #tpu.memory_space<vmem>>
      %dma_wait3A_1124 = tpu.memref_squeeze %dma_wait3A_1123 : memref<1x200xi32, #tpu.memory_space<vmem>> -> memref<200xi32, #tpu.memory_space<vmem>>
      %dma_wait3A_1125 = arith.constant 0 : i32
      %dma_wait3A_1126 = tpu.memref_slice %arg7[%dma_wait3A_1125] : memref<1000000xf32, #tpu.memory_space<vmem_shared>> -> memref<1000000xf32, #tpu.memory_space<vmem_shared>>
      tpu.wait_indirect_dma semaphore(%arg14 : memref<!tpu.dma_semaphore, #tpu.memory_space<semaphore_mem>>) src(%dma_wait3A_1126 : memref<1000000xf32, #tpu.memory_space<vmem_shared>>) dst(%dma_wait3A_1121 : memref<200xf32, #tpu.memory_space<vmem>>)
      %dma_wait3A_1127 = arith.constant 0 : i32
      %dma_wait3A_1128 = arith.constant 0 : i32
      %dma_wait3A_1129 = arith.constant 200 : i32
      %dma_wait3A_1130 = tpu.memref_slice %arg10[%dma_wait3A_1128, %dma_wait3A_1129] : memref<2x1600xf32, #tpu.memory_space<vmem>> -> memref<1x200xf32, #tpu.memory_space<vmem>>
      %dma_wait3A_1131 = tpu.memref_squeeze %dma_wait3A_1130 : memref<1x200xf32, #tpu.memory_space<vmem>> -> memref<200xf32, #tpu.memory_space<vmem>>
      %dma_wait3A_1132 = arith.constant 200 : i32
      %dma_wait3A_1133 = tpu.memref_slice %arg9[%dma_wait3A_1127, %dma_wait3A_1132] : memref<2x1600xi32, #tpu.memory_space<vmem>> -> memref<1x200xi32, #tpu.memory_space<vmem>>
      %dma_wait3A_1134 = tpu.memref_squeeze %dma_wait3A_1133 : memref<1x200xi32, #tpu.memory_space<vmem>> -> memref<200xi32, #tpu.memory_space<vmem>>
      %dma_wait3A_1135 = arith.constant 0 : i32
      %dma_wait3A_1136 = tpu.memref_slice %arg7[%dma_wait3A_1135] : memref<1000000xf32, #tpu.memory_space<vmem_shared>> -> memref<1000000xf32, #tpu.memory_space<vmem_shared>>
      tpu.wait_indirect_dma semaphore(%arg14 : memref<!tpu.dma_semaphore, #tpu.memory_space<semaphore_mem>>) src(%dma_wait3A_1136 : memref<1000000xf32, #tpu.memory_space<vmem_shared>>) dst(%dma_wait3A_1131 : memref<200xf32, #tpu.memory_space<vmem>>)
      %dma_wait3A_1137 = arith.constant 0 : i32
      %dma_wait3A_1138 = arith.constant 0 : i32
      %dma_wait3A_1139 = arith.constant 400 : i32
      %dma_wait3A_1140 = tpu.memref_slice %arg10[%dma_wait3A_1138, %dma_wait3A_1139] : memref<2x1600xf32, #tpu.memory_space<vmem>> -> memref<1x200xf32, #tpu.memory_space<vmem>>
      %dma_wait3A_1141 = tpu.memref_squeeze %dma_wait3A_1140 : memref<1x200xf32, #tpu.memory_space<vmem>> -> memref<200xf32, #tpu.memory_space<vmem>>
      %dma_wait3A_1142 = arith.constant 400 : i32
      %dma_wait3A_1143 = tpu.memref_slice %arg9[%dma_wait3A_1137, %dma_wait3A_1142] : memref<2x1600xi32, #tpu.memory_space<vmem>> -> memref<1x200xi32, #tpu.memory_space<vmem>>
      %dma_wait3A_1144 = tpu.memref_squeeze %dma_wait3A_1143 : memref<1x200xi32, #tpu.memory_space<vmem>> -> memref<200xi32, #tpu.memory_space<vmem>>
      %dma_wait3A_1145 = arith.constant 0 : i32
      %dma_wait3A_1146 = tpu.memref_slice %arg7[%dma_wait3A_1145] : memref<1000000xf32, #tpu.memory_space<vmem_shared>> -> memref<1000000xf32, #tpu.memory_space<vmem_shared>>
      tpu.wait_indirect_dma semaphore(%arg14 : memref<!tpu.dma_semaphore, #tpu.memory_space<semaphore_mem>>) src(%dma_wait3A_1146 : memref<1000000xf32, #tpu.memory_space<vmem_shared>>) dst(%dma_wait3A_1141 : memref<200xf32, #tpu.memory_space<vmem>>)
      %dma_wait3A_1147 = arith.constant 0 : i32
      %dma_wait3A_1148 = arith.constant 0 : i32
      %dma_wait3A_1149 = arith.constant 600 : i32
      %dma_wait3A_1150 = tpu.memref_slice %arg10[%dma_wait3A_1148, %dma_wait3A_1149] : memref<2x1600xf32, #tpu.memory_space<vmem>> -> memref<1x200xf32, #tpu.memory_space<vmem>>
      %dma_wait3A_1151 = tpu.memref_squeeze %dma_wait3A_1150 : memref<1x200xf32, #tpu.memory_space<vmem>> -> memref<200xf32, #tpu.memory_space<vmem>>
      %dma_wait3A_1152 = arith.constant 600 : i32
      %dma_wait3A_1153 = tpu.memref_slice %arg9[%dma_wait3A_1147, %dma_wait3A_1152] : memref<2x1600xi32, #tpu.memory_space<vmem>> -> memref<1x200xi32, #tpu.memory_space<vmem>>
      %dma_wait3A_1154 = tpu.memref_squeeze %dma_wait3A_1153 : memref<1x200xi32, #tpu.memory_space<vmem>> -> memref<200xi32, #tpu.memory_space<vmem>>
      %dma_wait3A_1155 = arith.constant 0 : i32
      %dma_wait3A_1156 = tpu.memref_slice %arg7[%dma_wait3A_1155] : memref<1000000xf32, #tpu.memory_space<vmem_shared>> -> memref<1000000xf32, #tpu.memory_space<vmem_shared>>
      tpu.wait_indirect_dma semaphore(%arg14 : memref<!tpu.dma_semaphore, #tpu.memory_space<semaphore_mem>>) src(%dma_wait3A_1156 : memref<1000000xf32, #tpu.memory_space<vmem_shared>>) dst(%dma_wait3A_1151 : memref<200xf32, #tpu.memory_space<vmem>>)
      %dma_wait3A_1157 = arith.constant 0 : i32
      %dma_wait3A_1158 = arith.constant 0 : i32
      %dma_wait3A_1159 = arith.constant 800 : i32
      %dma_wait3A_1160 = tpu.memref_slice %arg10[%dma_wait3A_1158, %dma_wait3A_1159] : memref<2x1600xf32, #tpu.memory_space<vmem>> -> memref<1x200xf32, #tpu.memory_space<vmem>>
      %dma_wait3A_1161 = tpu.memref_squeeze %dma_wait3A_1160 : memref<1x200xf32, #tpu.memory_space<vmem>> -> memref<200xf32, #tpu.memory_space<vmem>>
      %dma_wait3A_1162 = arith.constant 800 : i32
      %dma_wait3A_1163 = tpu.memref_slice %arg9[%dma_wait3A_1157, %dma_wait3A_1162] : memref<2x1600xi32, #tpu.memory_space<vmem>> -> memref<1x200xi32, #tpu.memory_space<vmem>>
      %dma_wait3A_1164 = tpu.memref_squeeze %dma_wait3A_1163 : memref<1x200xi32, #tpu.memory_space<vmem>> -> memref<200xi32, #tpu.memory_space<vmem>>
      %dma_wait3A_1165 = arith.constant 0 : i32
      %dma_wait3A_1166 = tpu.memref_slice %arg7[%dma_wait3A_1165] : memref<1000000xf32, #tpu.memory_space<vmem_shared>> -> memref<1000000xf32, #tpu.memory_space<vmem_shared>>
      tpu.wait_indirect_dma semaphore(%arg14 : memref<!tpu.dma_semaphore, #tpu.memory_space<semaphore_mem>>) src(%dma_wait3A_1166 : memref<1000000xf32, #tpu.memory_space<vmem_shared>>) dst(%dma_wait3A_1161 : memref<200xf32, #tpu.memory_space<vmem>>)
      %dma_wait3A_1167 = arith.constant 0 : i32
      %dma_wait3A_1168 = arith.constant 0 : i32
      %dma_wait3A_1169 = arith.constant 1000 : i32
      %dma_wait3A_1170 = tpu.memref_slice %arg10[%dma_wait3A_1168, %dma_wait3A_1169] : memref<2x1600xf32, #tpu.memory_space<vmem>> -> memref<1x200xf32, #tpu.memory_space<vmem>>
      %dma_wait3A_1171 = tpu.memref_squeeze %dma_wait3A_1170 : memref<1x200xf32, #tpu.memory_space<vmem>> -> memref<200xf32, #tpu.memory_space<vmem>>
      %dma_wait3A_1172 = arith.constant 1000 : i32
      %dma_wait3A_1173 = tpu.memref_slice %arg9[%dma_wait3A_1167, %dma_wait3A_1172] : memref<2x1600xi32, #tpu.memory_space<vmem>> -> memref<1x200xi32, #tpu.memory_space<vmem>>
      %dma_wait3A_1174 = tpu.memref_squeeze %dma_wait3A_1173 : memref<1x200xi32, #tpu.memory_space<vmem>> -> memref<200xi32, #tpu.memory_space<vmem>>
      %dma_wait3A_1175 = arith.constant 0 : i32
      %dma_wait3A_1176 = tpu.memref_slice %arg7[%dma_wait3A_1175] : memref<1000000xf32, #tpu.memory_space<vmem_shared>> -> memref<1000000xf32, #tpu.memory_space<vmem_shared>>
      tpu.wait_indirect_dma semaphore(%arg14 : memref<!tpu.dma_semaphore, #tpu.memory_space<semaphore_mem>>) src(%dma_wait3A_1176 : memref<1000000xf32, #tpu.memory_space<vmem_shared>>) dst(%dma_wait3A_1171 : memref<200xf32, #tpu.memory_space<vmem>>)
      %dma_wait3A_1177 = arith.constant 0 : i32
      %dma_wait3A_1178 = arith.constant 0 : i32
      %dma_wait3A_1179 = arith.constant 1200 : i32
      %dma_wait3A_1180 = tpu.memref_slice %arg10[%dma_wait3A_1178, %dma_wait3A_1179] : memref<2x1600xf32, #tpu.memory_space<vmem>> -> memref<1x200xf32, #tpu.memory_space<vmem>>
      %dma_wait3A_1181 = tpu.memref_squeeze %dma_wait3A_1180 : memref<1x200xf32, #tpu.memory_space<vmem>> -> memref<200xf32, #tpu.memory_space<vmem>>
      %dma_wait3A_1182 = arith.constant 1200 : i32
      %dma_wait3A_1183 = tpu.memref_slice %arg9[%dma_wait3A_1177, %dma_wait3A_1182] : memref<2x1600xi32, #tpu.memory_space<vmem>> -> memref<1x200xi32, #tpu.memory_space<vmem>>
      %dma_wait3A_1184 = tpu.memref_squeeze %dma_wait3A_1183 : memref<1x200xi32, #tpu.memory_space<vmem>> -> memref<200xi32, #tpu.memory_space<vmem>>
      %dma_wait3A_1185 = arith.constant 0 : i32
      %dma_wait3A_1186 = tpu.memref_slice %arg7[%dma_wait3A_1185] : memref<1000000xf32, #tpu.memory_space<vmem_shared>> -> memref<1000000xf32, #tpu.memory_space<vmem_shared>>
      tpu.wait_indirect_dma semaphore(%arg14 : memref<!tpu.dma_semaphore, #tpu.memory_space<semaphore_mem>>) src(%dma_wait3A_1186 : memref<1000000xf32, #tpu.memory_space<vmem_shared>>) dst(%dma_wait3A_1181 : memref<200xf32, #tpu.memory_space<vmem>>)
      %dma_wait3A_1187 = arith.constant 0 : i32
      %dma_wait3A_1188 = arith.constant 0 : i32
      %dma_wait3A_1189 = arith.constant 1400 : i32
      %dma_wait3A_1190 = tpu.memref_slice %arg10[%dma_wait3A_1188, %dma_wait3A_1189] : memref<2x1600xf32, #tpu.memory_space<vmem>> -> memref<1x200xf32, #tpu.memory_space<vmem>>
      %dma_wait3A_1191 = tpu.memref_squeeze %dma_wait3A_1190 : memref<1x200xf32, #tpu.memory_space<vmem>> -> memref<200xf32, #tpu.memory_space<vmem>>
      %dma_wait3A_1192 = arith.constant 1400 : i32
      %dma_wait3A_1193 = tpu.memref_slice %arg9[%dma_wait3A_1187, %dma_wait3A_1192] : memref<2x1600xi32, #tpu.memory_space<vmem>> -> memref<1x200xi32, #tpu.memory_space<vmem>>
      %dma_wait3A_1194 = tpu.memref_squeeze %dma_wait3A_1193 : memref<1x200xi32, #tpu.memory_space<vmem>> -> memref<200xi32, #tpu.memory_space<vmem>>
      %dma_wait3A_1195 = arith.constant 0 : i32
      %dma_wait3A_1196 = tpu.memref_slice %arg7[%dma_wait3A_1195] : memref<1000000xf32, #tpu.memory_space<vmem_shared>> -> memref<1000000xf32, #tpu.memory_space<vmem_shared>>
      tpu.wait_indirect_dma semaphore(%arg14 : memref<!tpu.dma_semaphore, #tpu.memory_space<semaphore_mem>>) src(%dma_wait3A_1196 : memref<1000000xf32, #tpu.memory_space<vmem_shared>>) dst(%dma_wait3A_1191 : memref<200xf32, #tpu.memory_space<vmem>>)
      %add3A_1197 = arith.constant 2 : i32
      %add3A_1198 = arith.addi %add3A_1024, %add3A_1197 : i32
      %lt3A_1199 = arith.constant 64 : i32
      %lt3A_1200 = arith.cmpi slt, %add3A_1198, %lt3A_1199 : i32
      %convert_element_type3A_1201 = arith.extui %lt3A_1200 : i1 to i32
      %cond3A_1202 = arith.constant 0 : i32
      %cond3A_1203 = arith.cmpi ne, %convert_element_type3A_1201, %cond3A_1202 : i32
      scf.if %cond3A_1203 {
        %add3A_1477 = arith.constant 2 : i32
        %add3A_1478 = arith.addi %add3A_1024, %add3A_1477 : i32
        %mul3A_1479 = arith.constant 1600 : i32
        %mul3A_1480 = arith.muli %add3A_1478, %mul3A_1479 : i32
        %add3A_1481 = arith.addi %mul3A_182, %mul3A_1480 : i32
        %dma_start3A_1482 = arith.constant 0 : i32
        %dma_start3A_1483 = arith.constant 0 : i32
        %dma_start3A_1484 = tpu.memref_slice %arg9[%dma_start3A_1482, %dma_start3A_1483] : memref<2x1600xi32, #tpu.memory_space<vmem>> -> memref<1x1600xi32, #tpu.memory_space<vmem>>
        %dma_start3A_1485 = tpu.memref_squeeze %dma_start3A_1484 : memref<1x1600xi32, #tpu.memory_space<vmem>> -> memref<1600xi32, #tpu.memory_space<vmem>>
        %dma_start3A_1486 = tpu.memref_slice %arg5[%add3A_1481] : memref<3276800xi32, #tpu.memory_space<hbm>> -> memref<1600xi32, #tpu.memory_space<hbm>>
        %dma_start3A_1487 = arith.constant 0 : i32
        %dma_start3A_1488 = tpu.memref_slice %arg9[%dma_start3A_1482, %dma_start3A_1487] : memref<2x1600xi32, #tpu.memory_space<vmem>> -> memref<1x1600xi32, #tpu.memory_space<vmem>>
        %dma_start3A_1489 = tpu.memref_squeeze %dma_start3A_1488 : memref<1x1600xi32, #tpu.memory_space<vmem>> -> memref<1600xi32, #tpu.memory_space<vmem>>
        %dma_start3A_1490 = tpu.memref_slice %arg5[%add3A_1481] : memref<3276800xi32, #tpu.memory_space<hbm>> -> memref<1600xi32, #tpu.memory_space<hbm>>
        tpu.enqueue_dma source(%dma_start3A_1490 : memref<1600xi32, #tpu.memory_space<hbm>>) target(%dma_start3A_1489 : memref<1600xi32, #tpu.memory_space<vmem>>) target_semaphore(%arg12 : memref<!tpu.dma_semaphore, #tpu.memory_space<semaphore_mem>>)
      } else {
      }
      %mul3A_1204 = arith.constant 8 : i32
      %mul3A_1205 = arith.muli %add3A_1024, %mul3A_1204 : i32
      %add3A_1206 = arith.addi %mul3A_184, %mul3A_1205 : i32
      %dma_wait3A_1207 = arith.constant 0 : i32
      %dma_wait3A_1208 = arith.constant 0 : i32
      %dma_wait3A_1209 = arith.constant 0 : i32
      %dma_wait3A_1210 = arith.constant 0 : i32
      %dma_wait3A_1211 = tpu.memref_slice %arg11[%dma_wait3A_1207, %dma_wait3A_1208, %dma_wait3A_1209, %dma_wait3A_1210] : memref<2x8x200x3xf32, #tpu.memory_space<vmem>> -> memref<1x8x200x3xf32, #tpu.memory_space<vmem>>
      %dma_wait3A_1212 = tpu.memref_squeeze %dma_wait3A_1211 : memref<1x8x200x3xf32, #tpu.memory_space<vmem>> -> memref<8x200x3xf32, #tpu.memory_space<vmem>>
      %dma_wait3A_1213 = arith.constant 0 : i32
      %dma_wait3A_1214 = arith.constant 0 : i32
      %dma_wait3A_1215 = tpu.memref_slice %arg6[%add3A_1206, %dma_wait3A_1213, %dma_wait3A_1214] : memref<16384x200x3xf32, #tpu.memory_space<hbm>> -> memref<8x200x3xf32, #tpu.memory_space<hbm>>
      %dma_wait3A_1216 = arith.constant 0 : i32
      %dma_wait3A_1217 = arith.constant 0 : i32
      %dma_wait3A_1218 = tpu.memref_slice %arg6[%add3A_1206, %dma_wait3A_1216, %dma_wait3A_1217] : memref<16384x200x3xf32, #tpu.memory_space<hbm>> -> memref<8x200x3xf32, #tpu.memory_space<hbm>>
      %dma_wait3A_1219 = arith.constant 0 : i32
      %dma_wait3A_1220 = arith.constant 0 : i32
      %dma_wait3A_1221 = arith.constant 0 : i32
      %dma_wait3A_1222 = tpu.memref_slice %arg11[%dma_wait3A_1207, %dma_wait3A_1219, %dma_wait3A_1220, %dma_wait3A_1221] : memref<2x8x200x3xf32, #tpu.memory_space<vmem>> -> memref<1x8x200x3xf32, #tpu.memory_space<vmem>>
      %dma_wait3A_1223 = tpu.memref_squeeze %dma_wait3A_1222 : memref<1x8x200x3xf32, #tpu.memory_space<vmem>> -> memref<8x200x3xf32, #tpu.memory_space<vmem>>
      tpu.wait_dma2 semaphore(%arg15 : memref<!tpu.dma_semaphore, #tpu.memory_space<semaphore_mem>>) src(%dma_wait3A_1223 : memref<8x200x3xf32, #tpu.memory_space<vmem>>) dst(%dma_wait3A_1218 : memref<8x200x3xf32, #tpu.memory_space<hbm>>)
      %scan3A_1224 = arith.constant 0 : i32
      %scan3A_1225 = arith.constant 300 : i32
      %scan3A_1226 = arith.addi %scan3A_1224, %scan3A_1225 : i32
      %scan3A_1227 = arith.constant 1 : i32
      scf.for %scan3A_1477 = %scan3A_1224 to %scan3A_1226 step %scan3A_1227  : i32 {
        %mul3A_1478 = arith.constant 1 : i32
        %mul3A_1479 = arith.muli %scan3A_1477, %mul3A_1478 : i32
        %add3A_1480 = arith.constant 0 : i32
        %add3A_1481 = arith.addi %add3A_1480, %mul3A_1479 : i32
        %mul3A_1482 = arith.constant 16 : i32
        %mul3A_1483 = arith.muli %add3A_1481, %mul3A_1482 : i32
        %add3A_1484 = vector.broadcast %mul3A_1483 : i32 to vector<16xi32>
        %add3A_1485 = arith.addi %add3A_1484, %iota3A : vector<16xi32>
        %jit3A_1486 = arith.constant 600 : i32
        %div3A_1487 = vector.broadcast %jit3A_1486 : i32 to vector<16xi32>
        %div3A_1488 = arith.divsi %add3A_1485, %div3A_1487 : vector<16xi32>
        %sign3A_1489 = arith.constant 0 : i32
        %sign3A_1490 = vector.broadcast %sign3A_1489 : i32 to vector<16xi32>
        %sign3A_1491 = arith.cmpi sgt, %add3A_1485, %sign3A_1490 : vector<16xi32>
        %sign3A_1492 = arith.extui %sign3A_1491 : vector<16xi1> to vector<16xi32>
        %sign3A_1493 = arith.constant 0 : i32
        %sign3A_1494 = vector.broadcast %sign3A_1493 : i32 to vector<16xi32>
        %sign3A_1495 = arith.cmpi slt, %add3A_1485, %sign3A_1494 : vector<16xi32>
        %sign3A_1496 = arith.extui %sign3A_1495 : vector<16xi1> to vector<16xi32>
        %sign3A_1497 = arith.subi %sign3A_1492, %sign3A_1496 : vector<16xi32>
        %sign3A_1498 = arith.constant 0 : i32
        %sign3A_1499 = arith.cmpi sgt, %jit3A_1486, %sign3A_1498 : i32
        %sign3A_1500 = arith.extui %sign3A_1499 : i1 to i32
        %sign3A_1501 = arith.constant 0 : i32
        %sign3A_1502 = arith.cmpi slt, %jit3A_1486, %sign3A_1501 : i32
        %sign3A_1503 = arith.extui %sign3A_1502 : i1 to i32
        %sign3A_1504 = arith.subi %sign3A_1500, %sign3A_1503 : i32
        %ne3A_1505 = vector.broadcast %sign3A_1504 : i32 to vector<16xi32>
        %ne3A_1506 = arith.cmpi ne, %sign3A_1497, %ne3A_1505 : vector<16xi32>
        %rem3A_1507 = vector.broadcast %jit3A_1486 : i32 to vector<16xi32>
        %rem3A_1508 = arith.remsi %add3A_1485, %rem3A_1507 : vector<16xi32>
        %ne3A_1509 = arith.constant 0 : i32
        %ne3A_1510 = vector.broadcast %ne3A_1509 : i32 to vector<16xi32>
        %ne3A_1511 = arith.cmpi ne, %rem3A_1508, %ne3A_1510 : vector<16xi32>
        %and3A_1512 = arith.andi %ne3A_1506, %ne3A_1511 : vector<16xi1>
        %sub3A_1513 = arith.constant 1 : i32
        %sub3A_1514 = vector.broadcast %sub3A_1513 : i32 to vector<16xi32>
        %sub3A_1515 = arith.subi %div3A_1488, %sub3A_1514 : vector<16xi32>
        %select_n3A_1516 = arith.select %and3A_1512, %sub3A_1515, %div3A_1488 : vector<16xi1>, vector<16xi32>
        %jit3A_1517 = arith.constant 600 : i32
        %eq3A_1518 = arith.constant 0 : i32
        %eq3A_1519 = arith.cmpi eq, %jit3A_1517, %eq3A_1518 : i32
        %jit3A_1520 = arith.constant 1 : i32
        %select_n3A_1521 = arith.select %eq3A_1519, %jit3A_1520, %jit3A_1517 : i32
        %rem3A_1522 = vector.broadcast %select_n3A_1521 : i32 to vector<16xi32>
        %rem3A_1523 = arith.remsi %add3A_1485, %rem3A_1522 : vector<16xi32>
        %ne3A_1524 = arith.constant 0 : i32
        %ne3A_1525 = vector.broadcast %ne3A_1524 : i32 to vector<16xi32>
        %ne3A_1526 = arith.cmpi ne, %rem3A_1523, %ne3A_1525 : vector<16xi32>
        %lt3A_1527 = arith.constant 0 : i32
        %lt3A_1528 = vector.broadcast %lt3A_1527 : i32 to vector<16xi32>
        %lt3A_1529 = arith.cmpi slt, %rem3A_1523, %lt3A_1528 : vector<16xi32>
        %lt3A_1530 = arith.constant 0 : i32
        %lt3A_1531 = arith.cmpi slt, %select_n3A_1521, %lt3A_1530 : i32
        %ne3A_1532 = vector.broadcast %lt3A_1531 : i1 to vector<16xi1>
        %ne3A_1533 = vector.broadcast %ne3A_1532 : vector<16xi1> to vector<16xi1>
        %ne3A_1534 = arith.xori %lt3A_1529, %ne3A_1533 : vector<16xi1>
        %and3A_1535 = arith.andi %ne3A_1534, %ne3A_1526 : vector<16xi1>
        %add3A_1536 = vector.broadcast %select_n3A_1521 : i32 to vector<16xi32>
        %add3A_1537 = arith.addi %rem3A_1523, %add3A_1536 : vector<16xi32>
        %select_n3A_1538 = arith.select %and3A_1535, %add3A_1537, %rem3A_1523 : vector<16xi1>, vector<16xi32>
        %jit3A_1539 = arith.constant 3 : i32
        %div3A_1540 = vector.broadcast %jit3A_1539 : i32 to vector<16xi32>
        %div3A_1541 = arith.divsi %select_n3A_1538, %div3A_1540 : vector<16xi32>
        %sign3A_1542 = arith.constant 0 : i32
        %sign3A_1543 = vector.broadcast %sign3A_1542 : i32 to vector<16xi32>
        %sign3A_1544 = arith.cmpi sgt, %select_n3A_1538, %sign3A_1543 : vector<16xi32>
        %sign3A_1545 = arith.extui %sign3A_1544 : vector<16xi1> to vector<16xi32>
        %sign3A_1546 = arith.constant 0 : i32
        %sign3A_1547 = vector.broadcast %sign3A_1546 : i32 to vector<16xi32>
        %sign3A_1548 = arith.cmpi slt, %select_n3A_1538, %sign3A_1547 : vector<16xi32>
        %sign3A_1549 = arith.extui %sign3A_1548 : vector<16xi1> to vector<16xi32>
        %sign3A_1550 = arith.subi %sign3A_1545, %sign3A_1549 : vector<16xi32>
        %sign3A_1551 = arith.constant 0 : i32
        %sign3A_1552 = arith.cmpi sgt, %jit3A_1539, %sign3A_1551 : i32
        %sign3A_1553 = arith.extui %sign3A_1552 : i1 to i32
        %sign3A_1554 = arith.constant 0 : i32
        %sign3A_1555 = arith.cmpi slt, %jit3A_1539, %sign3A_1554 : i32
        %sign3A_1556 = arith.extui %sign3A_1555 : i1 to i32
        %sign3A_1557 = arith.subi %sign3A_1553, %sign3A_1556 : i32
        %ne3A_1558 = vector.broadcast %sign3A_1557 : i32 to vector<16xi32>
        %ne3A_1559 = arith.cmpi ne, %sign3A_1550, %ne3A_1558 : vector<16xi32>
        %rem3A_1560 = vector.broadcast %jit3A_1539 : i32 to vector<16xi32>
        %rem3A_1561 = arith.remsi %select_n3A_1538, %rem3A_1560 : vector<16xi32>
        %ne3A_1562 = arith.constant 0 : i32
        %ne3A_1563 = vector.broadcast %ne3A_1562 : i32 to vector<16xi32>
        %ne3A_1564 = arith.cmpi ne, %rem3A_1561, %ne3A_1563 : vector<16xi32>
        %and3A_1565 = arith.andi %ne3A_1559, %ne3A_1564 : vector<16xi1>
        %sub3A_1566 = arith.constant 1 : i32
        %sub3A_1567 = vector.broadcast %sub3A_1566 : i32 to vector<16xi32>
        %sub3A_1568 = arith.subi %div3A_1541, %sub3A_1567 : vector<16xi32>
        %select_n3A_1569 = arith.select %and3A_1565, %sub3A_1568, %div3A_1541 : vector<16xi1>, vector<16xi32>
        %jit3A_1570 = arith.constant 3 : i32
        %eq3A_1571 = arith.constant 0 : i32
        %eq3A_1572 = arith.cmpi eq, %jit3A_1570, %eq3A_1571 : i32
        %jit3A_1573 = arith.constant 1 : i32
        %select_n3A_1574 = arith.select %eq3A_1572, %jit3A_1573, %jit3A_1570 : i32
        %rem3A_1575 = vector.broadcast %select_n3A_1574 : i32 to vector<16xi32>
        %rem3A_1576 = arith.remsi %select_n3A_1538, %rem3A_1575 : vector<16xi32>
        %ne3A_1577 = arith.constant 0 : i32
        %ne3A_1578 = vector.broadcast %ne3A_1577 : i32 to vector<16xi32>
        %ne3A_1579 = arith.cmpi ne, %rem3A_1576, %ne3A_1578 : vector<16xi32>
        %lt3A_1580 = arith.constant 0 : i32
        %lt3A_1581 = vector.broadcast %lt3A_1580 : i32 to vector<16xi32>
        %lt3A_1582 = arith.cmpi slt, %rem3A_1576, %lt3A_1581 : vector<16xi32>
        %lt3A_1583 = arith.constant 0 : i32
        %lt3A_1584 = arith.cmpi slt, %select_n3A_1574, %lt3A_1583 : i32
        %ne3A_1585 = vector.broadcast %lt3A_1584 : i1 to vector<16xi1>
        %ne3A_1586 = vector.broadcast %ne3A_1585 : vector<16xi1> to vector<16xi1>
        %ne3A_1587 = arith.xori %lt3A_1582, %ne3A_1586 : vector<16xi1>
        %and3A_1588 = arith.andi %ne3A_1587, %ne3A_1579 : vector<16xi1>
        %add3A_1589 = vector.broadcast %select_n3A_1574 : i32 to vector<16xi32>
        %add3A_1590 = arith.addi %rem3A_1576, %add3A_1589 : vector<16xi32>
        %select_n3A_1591 = arith.select %and3A_1588, %add3A_1590, %rem3A_1576 : vector<16xi1>, vector<16xi32>
        %jit3A_1592 = arith.constant 3 : i32
        %div3A_1593 = vector.broadcast %jit3A_1592 : i32 to vector<16xi32>
        %div3A_1594 = arith.divsi %add3A_1485, %div3A_1593 : vector<16xi32>
        %sign3A_1595 = arith.constant 0 : i32
        %sign3A_1596 = vector.broadcast %sign3A_1595 : i32 to vector<16xi32>
        %sign3A_1597 = arith.cmpi sgt, %add3A_1485, %sign3A_1596 : vector<16xi32>
        %sign3A_1598 = arith.extui %sign3A_1597 : vector<16xi1> to vector<16xi32>
        %sign3A_1599 = arith.constant 0 : i32
        %sign3A_1600 = vector.broadcast %sign3A_1599 : i32 to vector<16xi32>
        %sign3A_1601 = arith.cmpi slt, %add3A_1485, %sign3A_1600 : vector<16xi32>
        %sign3A_1602 = arith.extui %sign3A_1601 : vector<16xi1> to vector<16xi32>
        %sign3A_1603 = arith.subi %sign3A_1598, %sign3A_1602 : vector<16xi32>
        %sign3A_1604 = arith.constant 0 : i32
        %sign3A_1605 = arith.cmpi sgt, %jit3A_1592, %sign3A_1604 : i32
        %sign3A_1606 = arith.extui %sign3A_1605 : i1 to i32
        %sign3A_1607 = arith.constant 0 : i32
        %sign3A_1608 = arith.cmpi slt, %jit3A_1592, %sign3A_1607 : i32
        %sign3A_1609 = arith.extui %sign3A_1608 : i1 to i32
        %sign3A_1610 = arith.subi %sign3A_1606, %sign3A_1609 : i32
        %ne3A_1611 = vector.broadcast %sign3A_1610 : i32 to vector<16xi32>
        %ne3A_1612 = arith.cmpi ne, %sign3A_1603, %ne3A_1611 : vector<16xi32>
        %rem3A_1613 = vector.broadcast %jit3A_1592 : i32 to vector<16xi32>
        %rem3A_1614 = arith.remsi %add3A_1485, %rem3A_1613 : vector<16xi32>
        %ne3A_1615 = arith.constant 0 : i32
        %ne3A_1616 = vector.broadcast %ne3A_1615 : i32 to vector<16xi32>
        %ne3A_1617 = arith.cmpi ne, %rem3A_1614, %ne3A_1616 : vector<16xi32>
        %and3A_1618 = arith.andi %ne3A_1612, %ne3A_1617 : vector<16xi1>
        %sub3A_1619 = arith.constant 1 : i32
        %sub3A_1620 = vector.broadcast %sub3A_1619 : i32 to vector<16xi32>
        %sub3A_1621 = arith.subi %div3A_1594, %sub3A_1620 : vector<16xi32>
        %select_n3A_1622 = arith.select %and3A_1618, %sub3A_1621, %div3A_1594 : vector<16xi1>, vector<16xi32>
        %gather3A_1623 = arith.constant 0 : i32
        %gather3A_1624 = arith.constant 0 : i32
        %gather3A_1625 = tpu.memref_slice %arg10[%gather3A_1623, %gather3A_1624] : memref<2x1600xf32, #tpu.memory_space<vmem>> -> memref<1x1600xf32, #tpu.memory_space<vmem>>
        %gather3A_1626 = tpu.memref_squeeze %gather3A_1625 : memref<1x1600xf32, #tpu.memory_space<vmem>> -> memref<1600xf32, #tpu.memory_space<vmem>>
        %gather3A_1627 = tpu.vector_load_idx %gather3A_1626[%select_n3A_1622] : memref<1600xf32, #tpu.memory_space<vmem>>[vector<16xi32>], vector<16xf32>,
        %gather3A_1628 = tpu.vector_load_idx %arg8[%select_n3A_1591] : memref<16xf32, #tpu.memory_space<vmem>>[vector<16xi32>], vector<16xf32>,
        %add3A_1629 = arith.constant 8 : i32
        %add3A_1630 = vector.broadcast %add3A_1629 : i32 to vector<16xi32>
        %add3A_1631 = arith.addi %select_n3A_1591, %add3A_1630 : vector<16xi32>
        %gather3A_1632 = tpu.vector_load_idx %arg8[%add3A_1631] : memref<16xf32, #tpu.memory_space<vmem>>[vector<16xi32>], vector<16xf32>,
        %mul3A_1633 = arith.mulf %gather3A_1627, %gather3A_1628 : vector<16xf32>
        %add3A_1634 = arith.addf %mul3A_1633, %gather3A_1632 : vector<16xf32>
        %scatter3A = arith.constant 0 : i32
        %scatter3A_1635 = arith.constant 0 : i32
        %scatter3A_1636 = arith.constant 0 : i32
        %scatter3A_1637 = arith.constant 0 : i32
        %scatter3A_1638 = tpu.memref_slice %arg11[%scatter3A, %scatter3A_1635, %scatter3A_1636, %scatter3A_1637] : memref<2x8x200x3xf32, #tpu.memory_space<vmem>> -> memref<1x8x200x3xf32, #tpu.memory_space<vmem>>
        %scatter3A_1639 = tpu.memref_squeeze %scatter3A_1638 : memref<1x8x200x3xf32, #tpu.memory_space<vmem>> -> memref<8x200x3xf32, #tpu.memory_space<vmem>>
        tpu.vector_store_idx %scatter3A_1639[%select_n3A_1516, %select_n3A_1569, %select_n3A_1591], %add3A_1634 : memref<8x200x3xf32, #tpu.memory_space<vmem>>[vector<16xi32>, vector<16xi32>, vector<16xi32>], vector<16xf32>,
      }
      %scan3A_1228 = arith.constant 300 : i32
      %mul3A_1229 = arith.constant 8 : i32
      %mul3A_1230 = arith.muli %add3A_1024, %mul3A_1229 : i32
      %add3A_1231 = arith.addi %mul3A_184, %mul3A_1230 : i32
      %dma_start3A_1232 = arith.constant 0 : i32
      %dma_start3A_1233 = arith.constant 0 : i32
      %dma_start3A_1234 = arith.constant 0 : i32
      %dma_start3A_1235 = arith.constant 0 : i32
      %dma_start3A_1236 = tpu.memref_slice %arg11[%dma_start3A_1232, %dma_start3A_1233, %dma_start3A_1234, %dma_start3A_1235] : memref<2x8x200x3xf32, #tpu.memory_space<vmem>> -> memref<1x8x200x3xf32, #tpu.memory_space<vmem>>
      %dma_start3A_1237 = tpu.memref_squeeze %dma_start3A_1236 : memref<1x8x200x3xf32, #tpu.memory_space<vmem>> -> memref<8x200x3xf32, #tpu.memory_space<vmem>>
      %dma_start3A_1238 = arith.constant 0 : i32
      %dma_start3A_1239 = arith.constant 0 : i32
      %dma_start3A_1240 = tpu.memref_slice %arg6[%add3A_1231, %dma_start3A_1238, %dma_start3A_1239] : memref<16384x200x3xf32, #tpu.memory_space<hbm>> -> memref<8x200x3xf32, #tpu.memory_space<hbm>>
      %dma_start3A_1241 = arith.constant 0 : i32
      %dma_start3A_1242 = arith.constant 0 : i32
      %dma_start3A_1243 = tpu.memref_slice %arg6[%add3A_1231, %dma_start3A_1241, %dma_start3A_1242] : memref<16384x200x3xf32, #tpu.memory_space<hbm>> -> memref<8x200x3xf32, #tpu.memory_space<hbm>>
      %dma_start3A_1244 = arith.constant 0 : i32
      %dma_start3A_1245 = arith.constant 0 : i32
      %dma_start3A_1246 = arith.constant 0 : i32
      %dma_start3A_1247 = tpu.memref_slice %arg11[%dma_start3A_1232, %dma_start3A_1244, %dma_start3A_1245, %dma_start3A_1246] : memref<2x8x200x3xf32, #tpu.memory_space<vmem>> -> memref<1x8x200x3xf32, #tpu.memory_space<vmem>>
      %dma_start3A_1248 = tpu.memref_squeeze %dma_start3A_1247 : memref<1x8x200x3xf32, #tpu.memory_space<vmem>> -> memref<8x200x3xf32, #tpu.memory_space<vmem>>
      tpu.enqueue_dma source(%dma_start3A_1248 : memref<8x200x3xf32, #tpu.memory_space<vmem>>) target(%dma_start3A_1243 : memref<8x200x3xf32, #tpu.memory_space<hbm>>) target_semaphore(%arg15 : memref<!tpu.dma_semaphore, #tpu.memory_space<semaphore_mem>>)
      %mul3A_1249 = arith.constant 2 : i32
      %mul3A_1250 = arith.muli %mul3A_1249, %add3A_1020 : i32
      %add3A_1251 = arith.constant 1 : i32
      %add3A_1252 = arith.addi %mul3A_1250, %add3A_1251 : i32
      %mul3A_1253 = arith.constant 1600 : i32
      %mul3A_1254 = arith.muli %add3A_1252, %mul3A_1253 : i32
      %add3A_1255 = arith.addi %mul3A_182, %mul3A_1254 : i32
      %dma_wait3A_1256 = arith.constant 1 : i32
      %dma_wait3A_1257 = arith.constant 0 : i32
      %dma_wait3A_1258 = tpu.memref_slice %arg9[%dma_wait3A_1256, %dma_wait3A_1257] : memref<2x1600xi32, #tpu.memory_space<vmem>> -> memref<1x1600xi32, #tpu.memory_space<vmem>>
      %dma_wait3A_1259 = tpu.memref_squeeze %dma_wait3A_1258 : memref<1x1600xi32, #tpu.memory_space<vmem>> -> memref<1600xi32, #tpu.memory_space<vmem>>
      %dma_wait3A_1260 = tpu.memref_slice %arg5[%add3A_1255] : memref<3276800xi32, #tpu.memory_space<hbm>> -> memref<1600xi32, #tpu.memory_space<hbm>>
      %dma_wait3A_1261 = arith.constant 0 : i32
      %dma_wait3A_1262 = tpu.memref_slice %arg9[%dma_wait3A_1256, %dma_wait3A_1261] : memref<2x1600xi32, #tpu.memory_space<vmem>> -> memref<1x1600xi32, #tpu.memory_space<vmem>>
      %dma_wait3A_1263 = tpu.memref_squeeze %dma_wait3A_1262 : memref<1x1600xi32, #tpu.memory_space<vmem>> -> memref<1600xi32, #tpu.memory_space<vmem>>
      %dma_wait3A_1264 = tpu.memref_slice %arg5[%add3A_1255] : memref<3276800xi32, #tpu.memory_space<hbm>> -> memref<1600xi32, #tpu.memory_space<hbm>>
      tpu.wait_dma2 semaphore(%arg13 : memref<!tpu.dma_semaphore, #tpu.memory_space<semaphore_mem>>) src(%dma_wait3A_1264 : memref<1600xi32, #tpu.memory_space<hbm>>) dst(%dma_wait3A_1263 : memref<1600xi32, #tpu.memory_space<vmem>>)
      %dma_start3A_1265 = arith.constant 1 : i32
      %dma_start3A_1266 = arith.constant 1 : i32
      %dma_start3A_1267 = arith.constant 0 : i32
      %dma_start3A_1268 = tpu.memref_slice %arg10[%dma_start3A_1266, %dma_start3A_1267] : memref<2x1600xf32, #tpu.memory_space<vmem>> -> memref<1x200xf32, #tpu.memory_space<vmem>>
      %dma_start3A_1269 = tpu.memref_squeeze %dma_start3A_1268 : memref<1x200xf32, #tpu.memory_space<vmem>> -> memref<200xf32, #tpu.memory_space<vmem>>
      %dma_start3A_1270 = arith.constant 0 : i32
      %dma_start3A_1271 = tpu.memref_slice %arg9[%dma_start3A_1265, %dma_start3A_1270] : memref<2x1600xi32, #tpu.memory_space<vmem>> -> memref<1x200xi32, #tpu.memory_space<vmem>>
      %dma_start3A_1272 = tpu.memref_squeeze %dma_start3A_1271 : memref<1x200xi32, #tpu.memory_space<vmem>> -> memref<200xi32, #tpu.memory_space<vmem>>
      %dma_start3A_1273 = arith.constant 0 : i32
      %dma_start3A_1274 = tpu.memref_slice %arg7[%dma_start3A_1273] : memref<1000000xf32, #tpu.memory_space<vmem_shared>> -> memref<1000000xf32, #tpu.memory_space<vmem_shared>>
      tpu.enqueue_indirect_dma source(%dma_start3A_1274 : memref<1000000xf32, #tpu.memory_space<vmem_shared>>) target(%dma_start3A_1269 : memref<200xf32, #tpu.memory_space<vmem>>) offsets(%dma_start3A_1272 : memref<200xi32, #tpu.memory_space<vmem>>) semaphore(%arg14 : memref<!tpu.dma_semaphore, #tpu.memory_space<semaphore_mem>>)
      %dma_start3A_1275 = arith.constant 1 : i32
      %dma_start3A_1276 = arith.constant 1 : i32
      %dma_start3A_1277 = arith.constant 200 : i32
      %dma_start3A_1278 = tpu.memref_slice %arg10[%dma_start3A_1276, %dma_start3A_1277] : memref<2x1600xf32, #tpu.memory_space<vmem>> -> memref<1x200xf32, #tpu.memory_space<vmem>>
      %dma_start3A_1279 = tpu.memref_squeeze %dma_start3A_1278 : memref<1x200xf32, #tpu.memory_space<vmem>> -> memref<200xf32, #tpu.memory_space<vmem>>
      %dma_start3A_1280 = arith.constant 200 : i32
      %dma_start3A_1281 = tpu.memref_slice %arg9[%dma_start3A_1275, %dma_start3A_1280] : memref<2x1600xi32, #tpu.memory_space<vmem>> -> memref<1x200xi32, #tpu.memory_space<vmem>>
      %dma_start3A_1282 = tpu.memref_squeeze %dma_start3A_1281 : memref<1x200xi32, #tpu.memory_space<vmem>> -> memref<200xi32, #tpu.memory_space<vmem>>
      %dma_start3A_1283 = arith.constant 0 : i32
      %dma_start3A_1284 = tpu.memref_slice %arg7[%dma_start3A_1283] : memref<1000000xf32, #tpu.memory_space<vmem_shared>> -> memref<1000000xf32, #tpu.memory_space<vmem_shared>>
      tpu.enqueue_indirect_dma source(%dma_start3A_1284 : memref<1000000xf32, #tpu.memory_space<vmem_shared>>) target(%dma_start3A_1279 : memref<200xf32, #tpu.memory_space<vmem>>) offsets(%dma_start3A_1282 : memref<200xi32, #tpu.memory_space<vmem>>) semaphore(%arg14 : memref<!tpu.dma_semaphore, #tpu.memory_space<semaphore_mem>>)
      %dma_start3A_1285 = arith.constant 1 : i32
      %dma_start3A_1286 = arith.constant 1 : i32
      %dma_start3A_1287 = arith.constant 400 : i32
      %dma_start3A_1288 = tpu.memref_slice %arg10[%dma_start3A_1286, %dma_start3A_1287] : memref<2x1600xf32, #tpu.memory_space<vmem>> -> memref<1x200xf32, #tpu.memory_space<vmem>>
      %dma_start3A_1289 = tpu.memref_squeeze %dma_start3A_1288 : memref<1x200xf32, #tpu.memory_space<vmem>> -> memref<200xf32, #tpu.memory_space<vmem>>
      %dma_start3A_1290 = arith.constant 400 : i32
      %dma_start3A_1291 = tpu.memref_slice %arg9[%dma_start3A_1285, %dma_start3A_1290] : memref<2x1600xi32, #tpu.memory_space<vmem>> -> memref<1x200xi32, #tpu.memory_space<vmem>>
      %dma_start3A_1292 = tpu.memref_squeeze %dma_start3A_1291 : memref<1x200xi32, #tpu.memory_space<vmem>> -> memref<200xi32, #tpu.memory_space<vmem>>
      %dma_start3A_1293 = arith.constant 0 : i32
      %dma_start3A_1294 = tpu.memref_slice %arg7[%dma_start3A_1293] : memref<1000000xf32, #tpu.memory_space<vmem_shared>> -> memref<1000000xf32, #tpu.memory_space<vmem_shared>>
      tpu.enqueue_indirect_dma source(%dma_start3A_1294 : memref<1000000xf32, #tpu.memory_space<vmem_shared>>) target(%dma_start3A_1289 : memref<200xf32, #tpu.memory_space<vmem>>) offsets(%dma_start3A_1292 : memref<200xi32, #tpu.memory_space<vmem>>) semaphore(%arg14 : memref<!tpu.dma_semaphore, #tpu.memory_space<semaphore_mem>>)
      %dma_start3A_1295 = arith.constant 1 : i32
      %dma_start3A_1296 = arith.constant 1 : i32
      %dma_start3A_1297 = arith.constant 600 : i32
      %dma_start3A_1298 = tpu.memref_slice %arg10[%dma_start3A_1296, %dma_start3A_1297] : memref<2x1600xf32, #tpu.memory_space<vmem>> -> memref<1x200xf32, #tpu.memory_space<vmem>>
      %dma_start3A_1299 = tpu.memref_squeeze %dma_start3A_1298 : memref<1x200xf32, #tpu.memory_space<vmem>> -> memref<200xf32, #tpu.memory_space<vmem>>
      %dma_start3A_1300 = arith.constant 600 : i32
      %dma_start3A_1301 = tpu.memref_slice %arg9[%dma_start3A_1295, %dma_start3A_1300] : memref<2x1600xi32, #tpu.memory_space<vmem>> -> memref<1x200xi32, #tpu.memory_space<vmem>>
      %dma_start3A_1302 = tpu.memref_squeeze %dma_start3A_1301 : memref<1x200xi32, #tpu.memory_space<vmem>> -> memref<200xi32, #tpu.memory_space<vmem>>
      %dma_start3A_1303 = arith.constant 0 : i32
      %dma_start3A_1304 = tpu.memref_slice %arg7[%dma_start3A_1303] : memref<1000000xf32, #tpu.memory_space<vmem_shared>> -> memref<1000000xf32, #tpu.memory_space<vmem_shared>>
      tpu.enqueue_indirect_dma source(%dma_start3A_1304 : memref<1000000xf32, #tpu.memory_space<vmem_shared>>) target(%dma_start3A_1299 : memref<200xf32, #tpu.memory_space<vmem>>) offsets(%dma_start3A_1302 : memref<200xi32, #tpu.memory_space<vmem>>) semaphore(%arg14 : memref<!tpu.dma_semaphore, #tpu.memory_space<semaphore_mem>>)
      %dma_start3A_1305 = arith.constant 1 : i32
      %dma_start3A_1306 = arith.constant 1 : i32
      %dma_start3A_1307 = arith.constant 800 : i32
      %dma_start3A_1308 = tpu.memref_slice %arg10[%dma_start3A_1306, %dma_start3A_1307] : memref<2x1600xf32, #tpu.memory_space<vmem>> -> memref<1x200xf32, #tpu.memory_space<vmem>>
      %dma_start3A_1309 = tpu.memref_squeeze %dma_start3A_1308 : memref<1x200xf32, #tpu.memory_space<vmem>> -> memref<200xf32, #tpu.memory_space<vmem>>
      %dma_start3A_1310 = arith.constant 800 : i32
      %dma_start3A_1311 = tpu.memref_slice %arg9[%dma_start3A_1305, %dma_start3A_1310] : memref<2x1600xi32, #tpu.memory_space<vmem>> -> memref<1x200xi32, #tpu.memory_space<vmem>>
      %dma_start3A_1312 = tpu.memref_squeeze %dma_start3A_1311 : memref<1x200xi32, #tpu.memory_space<vmem>> -> memref<200xi32, #tpu.memory_space<vmem>>
      %dma_start3A_1313 = arith.constant 0 : i32
      %dma_start3A_1314 = tpu.memref_slice %arg7[%dma_start3A_1313] : memref<1000000xf32, #tpu.memory_space<vmem_shared>> -> memref<1000000xf32, #tpu.memory_space<vmem_shared>>
      tpu.enqueue_indirect_dma source(%dma_start3A_1314 : memref<1000000xf32, #tpu.memory_space<vmem_shared>>) target(%dma_start3A_1309 : memref<200xf32, #tpu.memory_space<vmem>>) offsets(%dma_start3A_1312 : memref<200xi32, #tpu.memory_space<vmem>>) semaphore(%arg14 : memref<!tpu.dma_semaphore, #tpu.memory_space<semaphore_mem>>)
      %dma_start3A_1315 = arith.constant 1 : i32
      %dma_start3A_1316 = arith.constant 1 : i32
      %dma_start3A_1317 = arith.constant 1000 : i32
      %dma_start3A_1318 = tpu.memref_slice %arg10[%dma_start3A_1316, %dma_start3A_1317] : memref<2x1600xf32, #tpu.memory_space<vmem>> -> memref<1x200xf32, #tpu.memory_space<vmem>>
      %dma_start3A_1319 = tpu.memref_squeeze %dma_start3A_1318 : memref<1x200xf32, #tpu.memory_space<vmem>> -> memref<200xf32, #tpu.memory_space<vmem>>
      %dma_start3A_1320 = arith.constant 1000 : i32
      %dma_start3A_1321 = tpu.memref_slice %arg9[%dma_start3A_1315, %dma_start3A_1320] : memref<2x1600xi32, #tpu.memory_space<vmem>> -> memref<1x200xi32, #tpu.memory_space<vmem>>
      %dma_start3A_1322 = tpu.memref_squeeze %dma_start3A_1321 : memref<1x200xi32, #tpu.memory_space<vmem>> -> memref<200xi32, #tpu.memory_space<vmem>>
      %dma_start3A_1323 = arith.constant 0 : i32
      %dma_start3A_1324 = tpu.memref_slice %arg7[%dma_start3A_1323] : memref<1000000xf32, #tpu.memory_space<vmem_shared>> -> memref<1000000xf32, #tpu.memory_space<vmem_shared>>
      tpu.enqueue_indirect_dma source(%dma_start3A_1324 : memref<1000000xf32, #tpu.memory_space<vmem_shared>>) target(%dma_start3A_1319 : memref<200xf32, #tpu.memory_space<vmem>>) offsets(%dma_start3A_1322 : memref<200xi32, #tpu.memory_space<vmem>>) semaphore(%arg14 : memref<!tpu.dma_semaphore, #tpu.memory_space<semaphore_mem>>)
      %dma_start3A_1325 = arith.constant 1 : i32
      %dma_start3A_1326 = arith.constant 1 : i32
      %dma_start3A_1327 = arith.constant 1200 : i32
      %dma_start3A_1328 = tpu.memref_slice %arg10[%dma_start3A_1326, %dma_start3A_1327] : memref<2x1600xf32, #tpu.memory_space<vmem>> -> memref<1x200xf32, #tpu.memory_space<vmem>>
      %dma_start3A_1329 = tpu.memref_squeeze %dma_start3A_1328 : memref<1x200xf32, #tpu.memory_space<vmem>> -> memref<200xf32, #tpu.memory_space<vmem>>
      %dma_start3A_1330 = arith.constant 1200 : i32
      %dma_start3A_1331 = tpu.memref_slice %arg9[%dma_start3A_1325, %dma_start3A_1330] : memref<2x1600xi32, #tpu.memory_space<vmem>> -> memref<1x200xi32, #tpu.memory_space<vmem>>
      %dma_start3A_1332 = tpu.memref_squeeze %dma_start3A_1331 : memref<1x200xi32, #tpu.memory_space<vmem>> -> memref<200xi32, #tpu.memory_space<vmem>>
      %dma_start3A_1333 = arith.constant 0 : i32
      %dma_start3A_1334 = tpu.memref_slice %arg7[%dma_start3A_1333] : memref<1000000xf32, #tpu.memory_space<vmem_shared>> -> memref<1000000xf32, #tpu.memory_space<vmem_shared>>
      tpu.enqueue_indirect_dma source(%dma_start3A_1334 : memref<1000000xf32, #tpu.memory_space<vmem_shared>>) target(%dma_start3A_1329 : memref<200xf32, #tpu.memory_space<vmem>>) offsets(%dma_start3A_1332 : memref<200xi32, #tpu.memory_space<vmem>>) semaphore(%arg14 : memref<!tpu.dma_semaphore, #tpu.memory_space<semaphore_mem>>)
      %dma_start3A_1335 = arith.constant 1 : i32
      %dma_start3A_1336 = arith.constant 1 : i32
      %dma_start3A_1337 = arith.constant 1400 : i32
      %dma_start3A_1338 = tpu.memref_slice %arg10[%dma_start3A_1336, %dma_start3A_1337] : memref<2x1600xf32, #tpu.memory_space<vmem>> -> memref<1x200xf32, #tpu.memory_space<vmem>>
      %dma_start3A_1339 = tpu.memref_squeeze %dma_start3A_1338 : memref<1x200xf32, #tpu.memory_space<vmem>> -> memref<200xf32, #tpu.memory_space<vmem>>
      %dma_start3A_1340 = arith.constant 1400 : i32
      %dma_start3A_1341 = tpu.memref_slice %arg9[%dma_start3A_1335, %dma_start3A_1340] : memref<2x1600xi32, #tpu.memory_space<vmem>> -> memref<1x200xi32, #tpu.memory_space<vmem>>
      %dma_start3A_1342 = tpu.memref_squeeze %dma_start3A_1341 : memref<1x200xi32, #tpu.memory_space<vmem>> -> memref<200xi32, #tpu.memory_space<vmem>>
      %dma_start3A_1343 = arith.constant 0 : i32
      %dma_start3A_1344 = tpu.memref_slice %arg7[%dma_start3A_1343] : memref<1000000xf32, #tpu.memory_space<vmem_shared>> -> memref<1000000xf32, #tpu.memory_space<vmem_shared>>
      tpu.enqueue_indirect_dma source(%dma_start3A_1344 : memref<1000000xf32, #tpu.memory_space<vmem_shared>>) target(%dma_start3A_1339 : memref<200xf32, #tpu.memory_space<vmem>>) offsets(%dma_start3A_1342 : memref<200xi32, #tpu.memory_space<vmem>>) semaphore(%arg14 : memref<!tpu.dma_semaphore, #tpu.memory_space<semaphore_mem>>)
      %dma_wait3A_1345 = arith.constant 1 : i32
      %dma_wait3A_1346 = arith.constant 1 : i32
      %dma_wait3A_1347 = arith.constant 0 : i32
      %dma_wait3A_1348 = tpu.memref_slice %arg10[%dma_wait3A_1346, %dma_wait3A_1347] : memref<2x1600xf32, #tpu.memory_space<vmem>> -> memref<1x200xf32, #tpu.memory_space<vmem>>
      %dma_wait3A_1349 = tpu.memref_squeeze %dma_wait3A_1348 : memref<1x200xf32, #tpu.memory_space<vmem>> -> memref<200xf32, #tpu.memory_space<vmem>>
      %dma_wait3A_1350 = arith.constant 0 : i32
      %dma_wait3A_1351 = tpu.memref_slice %arg9[%dma_wait3A_1345, %dma_wait3A_1350] : memref<2x1600xi32, #tpu.memory_space<vmem>> -> memref<1x200xi32, #tpu.memory_space<vmem>>
      %dma_wait3A_1352 = tpu.memref_squeeze %dma_wait3A_1351 : memref<1x200xi32, #tpu.memory_space<vmem>> -> memref<200xi32, #tpu.memory_space<vmem>>
      %dma_wait3A_1353 = arith.constant 0 : i32
      %dma_wait3A_1354 = tpu.memref_slice %arg7[%dma_wait3A_1353] : memref<1000000xf32, #tpu.memory_space<vmem_shared>> -> memref<1000000xf32, #tpu.memory_space<vmem_shared>>
      tpu.wait_indirect_dma semaphore(%arg14 : memref<!tpu.dma_semaphore, #tpu.memory_space<semaphore_mem>>) src(%dma_wait3A_1354 : memref<1000000xf32, #tpu.memory_space<vmem_shared>>) dst(%dma_wait3A_1349 : memref<200xf32, #tpu.memory_space<vmem>>)
      %dma_wait3A_1355 = arith.constant 1 : i32
      %dma_wait3A_1356 = arith.constant 1 : i32
      %dma_wait3A_1357 = arith.constant 200 : i32
      %dma_wait3A_1358 = tpu.memref_slice %arg10[%dma_wait3A_1356, %dma_wait3A_1357] : memref<2x1600xf32, #tpu.memory_space<vmem>> -> memref<1x200xf32, #tpu.memory_space<vmem>>
      %dma_wait3A_1359 = tpu.memref_squeeze %dma_wait3A_1358 : memref<1x200xf32, #tpu.memory_space<vmem>> -> memref<200xf32, #tpu.memory_space<vmem>>
      %dma_wait3A_1360 = arith.constant 200 : i32
      %dma_wait3A_1361 = tpu.memref_slice %arg9[%dma_wait3A_1355, %dma_wait3A_1360] : memref<2x1600xi32, #tpu.memory_space<vmem>> -> memref<1x200xi32, #tpu.memory_space<vmem>>
      %dma_wait3A_1362 = tpu.memref_squeeze %dma_wait3A_1361 : memref<1x200xi32, #tpu.memory_space<vmem>> -> memref<200xi32, #tpu.memory_space<vmem>>
      %dma_wait3A_1363 = arith.constant 0 : i32
      %dma_wait3A_1364 = tpu.memref_slice %arg7[%dma_wait3A_1363] : memref<1000000xf32, #tpu.memory_space<vmem_shared>> -> memref<1000000xf32, #tpu.memory_space<vmem_shared>>
      tpu.wait_indirect_dma semaphore(%arg14 : memref<!tpu.dma_semaphore, #tpu.memory_space<semaphore_mem>>) src(%dma_wait3A_1364 : memref<1000000xf32, #tpu.memory_space<vmem_shared>>) dst(%dma_wait3A_1359 : memref<200xf32, #tpu.memory_space<vmem>>)
      %dma_wait3A_1365 = arith.constant 1 : i32
      %dma_wait3A_1366 = arith.constant 1 : i32
      %dma_wait3A_1367 = arith.constant 400 : i32
      %dma_wait3A_1368 = tpu.memref_slice %arg10[%dma_wait3A_1366, %dma_wait3A_1367] : memref<2x1600xf32, #tpu.memory_space<vmem>> -> memref<1x200xf32, #tpu.memory_space<vmem>>
      %dma_wait3A_1369 = tpu.memref_squeeze %dma_wait3A_1368 : memref<1x200xf32, #tpu.memory_space<vmem>> -> memref<200xf32, #tpu.memory_space<vmem>>
      %dma_wait3A_1370 = arith.constant 400 : i32
      %dma_wait3A_1371 = tpu.memref_slice %arg9[%dma_wait3A_1365, %dma_wait3A_1370] : memref<2x1600xi32, #tpu.memory_space<vmem>> -> memref<1x200xi32, #tpu.memory_space<vmem>>
      %dma_wait3A_1372 = tpu.memref_squeeze %dma_wait3A_1371 : memref<1x200xi32, #tpu.memory_space<vmem>> -> memref<200xi32, #tpu.memory_space<vmem>>
      %dma_wait3A_1373 = arith.constant 0 : i32
      %dma_wait3A_1374 = tpu.memref_slice %arg7[%dma_wait3A_1373] : memref<1000000xf32, #tpu.memory_space<vmem_shared>> -> memref<1000000xf32, #tpu.memory_space<vmem_shared>>
      tpu.wait_indirect_dma semaphore(%arg14 : memref<!tpu.dma_semaphore, #tpu.memory_space<semaphore_mem>>) src(%dma_wait3A_1374 : memref<1000000xf32, #tpu.memory_space<vmem_shared>>) dst(%dma_wait3A_1369 : memref<200xf32, #tpu.memory_space<vmem>>)
      %dma_wait3A_1375 = arith.constant 1 : i32
      %dma_wait3A_1376 = arith.constant 1 : i32
      %dma_wait3A_1377 = arith.constant 600 : i32
      %dma_wait3A_1378 = tpu.memref_slice %arg10[%dma_wait3A_1376, %dma_wait3A_1377] : memref<2x1600xf32, #tpu.memory_space<vmem>> -> memref<1x200xf32, #tpu.memory_space<vmem>>
      %dma_wait3A_1379 = tpu.memref_squeeze %dma_wait3A_1378 : memref<1x200xf32, #tpu.memory_space<vmem>> -> memref<200xf32, #tpu.memory_space<vmem>>
      %dma_wait3A_1380 = arith.constant 600 : i32
      %dma_wait3A_1381 = tpu.memref_slice %arg9[%dma_wait3A_1375, %dma_wait3A_1380] : memref<2x1600xi32, #tpu.memory_space<vmem>> -> memref<1x200xi32, #tpu.memory_space<vmem>>
      %dma_wait3A_1382 = tpu.memref_squeeze %dma_wait3A_1381 : memref<1x200xi32, #tpu.memory_space<vmem>> -> memref<200xi32, #tpu.memory_space<vmem>>
      %dma_wait3A_1383 = arith.constant 0 : i32
      %dma_wait3A_1384 = tpu.memref_slice %arg7[%dma_wait3A_1383] : memref<1000000xf32, #tpu.memory_space<vmem_shared>> -> memref<1000000xf32, #tpu.memory_space<vmem_shared>>
      tpu.wait_indirect_dma semaphore(%arg14 : memref<!tpu.dma_semaphore, #tpu.memory_space<semaphore_mem>>) src(%dma_wait3A_1384 : memref<1000000xf32, #tpu.memory_space<vmem_shared>>) dst(%dma_wait3A_1379 : memref<200xf32, #tpu.memory_space<vmem>>)
      %dma_wait3A_1385 = arith.constant 1 : i32
      %dma_wait3A_1386 = arith.constant 1 : i32
      %dma_wait3A_1387 = arith.constant 800 : i32
      %dma_wait3A_1388 = tpu.memref_slice %arg10[%dma_wait3A_1386, %dma_wait3A_1387] : memref<2x1600xf32, #tpu.memory_space<vmem>> -> memref<1x200xf32, #tpu.memory_space<vmem>>
      %dma_wait3A_1389 = tpu.memref_squeeze %dma_wait3A_1388 : memref<1x200xf32, #tpu.memory_space<vmem>> -> memref<200xf32, #tpu.memory_space<vmem>>
      %dma_wait3A_1390 = arith.constant 800 : i32
      %dma_wait3A_1391 = tpu.memref_slice %arg9[%dma_wait3A_1385, %dma_wait3A_1390] : memref<2x1600xi32, #tpu.memory_space<vmem>> -> memref<1x200xi32, #tpu.memory_space<vmem>>
      %dma_wait3A_1392 = tpu.memref_squeeze %dma_wait3A_1391 : memref<1x200xi32, #tpu.memory_space<vmem>> -> memref<200xi32, #tpu.memory_space<vmem>>
      %dma_wait3A_1393 = arith.constant 0 : i32
      %dma_wait3A_1394 = tpu.memref_slice %arg7[%dma_wait3A_1393] : memref<1000000xf32, #tpu.memory_space<vmem_shared>> -> memref<1000000xf32, #tpu.memory_space<vmem_shared>>
      tpu.wait_indirect_dma semaphore(%arg14 : memref<!tpu.dma_semaphore, #tpu.memory_space<semaphore_mem>>) src(%dma_wait3A_1394 : memref<1000000xf32, #tpu.memory_space<vmem_shared>>) dst(%dma_wait3A_1389 : memref<200xf32, #tpu.memory_space<vmem>>)
      %dma_wait3A_1395 = arith.constant 1 : i32
      %dma_wait3A_1396 = arith.constant 1 : i32
      %dma_wait3A_1397 = arith.constant 1000 : i32
      %dma_wait3A_1398 = tpu.memref_slice %arg10[%dma_wait3A_1396, %dma_wait3A_1397] : memref<2x1600xf32, #tpu.memory_space<vmem>> -> memref<1x200xf32, #tpu.memory_space<vmem>>
      %dma_wait3A_1399 = tpu.memref_squeeze %dma_wait3A_1398 : memref<1x200xf32, #tpu.memory_space<vmem>> -> memref<200xf32, #tpu.memory_space<vmem>>
      %dma_wait3A_1400 = arith.constant 1000 : i32
      %dma_wait3A_1401 = tpu.memref_slice %arg9[%dma_wait3A_1395, %dma_wait3A_1400] : memref<2x1600xi32, #tpu.memory_space<vmem>> -> memref<1x200xi32, #tpu.memory_space<vmem>>
      %dma_wait3A_1402 = tpu.memref_squeeze %dma_wait3A_1401 : memref<1x200xi32, #tpu.memory_space<vmem>> -> memref<200xi32, #tpu.memory_space<vmem>>
      %dma_wait3A_1403 = arith.constant 0 : i32
      %dma_wait3A_1404 = tpu.memref_slice %arg7[%dma_wait3A_1403] : memref<1000000xf32, #tpu.memory_space<vmem_shared>> -> memref<1000000xf32, #tpu.memory_space<vmem_shared>>
      tpu.wait_indirect_dma semaphore(%arg14 : memref<!tpu.dma_semaphore, #tpu.memory_space<semaphore_mem>>) src(%dma_wait3A_1404 : memref<1000000xf32, #tpu.memory_space<vmem_shared>>) dst(%dma_wait3A_1399 : memref<200xf32, #tpu.memory_space<vmem>>)
      %dma_wait3A_1405 = arith.constant 1 : i32
      %dma_wait3A_1406 = arith.constant 1 : i32
      %dma_wait3A_1407 = arith.constant 1200 : i32
      %dma_wait3A_1408 = tpu.memref_slice %arg10[%dma_wait3A_1406, %dma_wait3A_1407] : memref<2x1600xf32, #tpu.memory_space<vmem>> -> memref<1x200xf32, #tpu.memory_space<vmem>>
      %dma_wait3A_1409 = tpu.memref_squeeze %dma_wait3A_1408 : memref<1x200xf32, #tpu.memory_space<vmem>> -> memref<200xf32, #tpu.memory_space<vmem>>
      %dma_wait3A_1410 = arith.constant 1200 : i32
      %dma_wait3A_1411 = tpu.memref_slice %arg9[%dma_wait3A_1405, %dma_wait3A_1410] : memref<2x1600xi32, #tpu.memory_space<vmem>> -> memref<1x200xi32, #tpu.memory_space<vmem>>
      %dma_wait3A_1412 = tpu.memref_squeeze %dma_wait3A_1411 : memref<1x200xi32, #tpu.memory_space<vmem>> -> memref<200xi32, #tpu.memory_space<vmem>>
      %dma_wait3A_1413 = arith.constant 0 : i32
      %dma_wait3A_1414 = tpu.memref_slice %arg7[%dma_wait3A_1413] : memref<1000000xf32, #tpu.memory_space<vmem_shared>> -> memref<1000000xf32, #tpu.memory_space<vmem_shared>>
      tpu.wait_indirect_dma semaphore(%arg14 : memref<!tpu.dma_semaphore, #tpu.memory_space<semaphore_mem>>) src(%dma_wait3A_1414 : memref<1000000xf32, #tpu.memory_space<vmem_shared>>) dst(%dma_wait3A_1409 : memref<200xf32, #tpu.memory_space<vmem>>)
      %dma_wait3A_1415 = arith.constant 1 : i32
      %dma_wait3A_1416 = arith.constant 1 : i32
      %dma_wait3A_1417 = arith.constant 1400 : i32
      %dma_wait3A_1418 = tpu.memref_slice %arg10[%dma_wait3A_1416, %dma_wait3A_1417] : memref<2x1600xf32, #tpu.memory_space<vmem>> -> memref<1x200xf32, #tpu.memory_space<vmem>>
      %dma_wait3A_1419 = tpu.memref_squeeze %dma_wait3A_1418 : memref<1x200xf32, #tpu.memory_space<vmem>> -> memref<200xf32, #tpu.memory_space<vmem>>
      %dma_wait3A_1420 = arith.constant 1400 : i32
      %dma_wait3A_1421 = tpu.memref_slice %arg9[%dma_wait3A_1415, %dma_wait3A_1420] : memref<2x1600xi32, #tpu.memory_space<vmem>> -> memref<1x200xi32, #tpu.memory_space<vmem>>
      %dma_wait3A_1422 = tpu.memref_squeeze %dma_wait3A_1421 : memref<1x200xi32, #tpu.memory_space<vmem>> -> memref<200xi32, #tpu.memory_space<vmem>>
      %dma_wait3A_1423 = arith.constant 0 : i32
      %dma_wait3A_1424 = tpu.memref_slice %arg7[%dma_wait3A_1423] : memref<1000000xf32, #tpu.memory_space<vmem_shared>> -> memref<1000000xf32, #tpu.memory_space<vmem_shared>>
      tpu.wait_indirect_dma semaphore(%arg14 : memref<!tpu.dma_semaphore, #tpu.memory_space<semaphore_mem>>) src(%dma_wait3A_1424 : memref<1000000xf32, #tpu.memory_space<vmem_shared>>) dst(%dma_wait3A_1419 : memref<200xf32, #tpu.memory_space<vmem>>)
      %add3A_1425 = arith.constant 2 : i32
      %add3A_1426 = arith.addi %add3A_1252, %add3A_1425 : i32
      %lt3A_1427 = arith.constant 64 : i32
      %lt3A_1428 = arith.cmpi slt, %add3A_1426, %lt3A_1427 : i32
      %convert_element_type3A_1429 = arith.extui %lt3A_1428 : i1 to i32
      %cond3A_1430 = arith.constant 0 : i32
      %cond3A_1431 = arith.cmpi ne, %convert_element_type3A_1429, %cond3A_1430 : i32
      scf.if %cond3A_1431 {
        %add3A_1477 = arith.constant 2 : i32
        %add3A_1478 = arith.addi %add3A_1252, %add3A_1477 : i32
        %mul3A_1479 = arith.constant 1600 : i32
        %mul3A_1480 = arith.muli %add3A_1478, %mul3A_1479 : i32
        %add3A_1481 = arith.addi %mul3A_182, %mul3A_1480 : i32
        %dma_start3A_1482 = arith.constant 1 : i32
        %dma_start3A_1483 = arith.constant 0 : i32
        %dma_start3A_1484 = tpu.memref_slice %arg9[%dma_start3A_1482, %dma_start3A_1483] : memref<2x1600xi32, #tpu.memory_space<vmem>> -> memref<1x1600xi32, #tpu.memory_space<vmem>>
        %dma_start3A_1485 = tpu.memref_squeeze %dma_start3A_1484 : memref<1x1600xi32, #tpu.memory_space<vmem>> -> memref<1600xi32, #tpu.memory_space<vmem>>
        %dma_start3A_1486 = tpu.memref_slice %arg5[%add3A_1481] : memref<3276800xi32, #tpu.memory_space<hbm>> -> memref<1600xi32, #tpu.memory_space<hbm>>
        %dma_start3A_1487 = arith.constant 0 : i32
        %dma_start3A_1488 = tpu.memref_slice %arg9[%dma_start3A_1482, %dma_start3A_1487] : memref<2x1600xi32, #tpu.memory_space<vmem>> -> memref<1x1600xi32, #tpu.memory_space<vmem>>
        %dma_start3A_1489 = tpu.memref_squeeze %dma_start3A_1488 : memref<1x1600xi32, #tpu.memory_space<vmem>> -> memref<1600xi32, #tpu.memory_space<vmem>>
        %dma_start3A_1490 = tpu.memref_slice %arg5[%add3A_1481] : memref<3276800xi32, #tpu.memory_space<hbm>> -> memref<1600xi32, #tpu.memory_space<hbm>>
        tpu.enqueue_dma source(%dma_start3A_1490 : memref<1600xi32, #tpu.memory_space<hbm>>) target(%dma_start3A_1489 : memref<1600xi32, #tpu.memory_space<vmem>>) target_semaphore(%arg13 : memref<!tpu.dma_semaphore, #tpu.memory_space<semaphore_mem>>)
      } else {
      }
      %mul3A_1432 = arith.constant 8 : i32
      %mul3A_1433 = arith.muli %add3A_1252, %mul3A_1432 : i32
      %add3A_1434 = arith.addi %mul3A_184, %mul3A_1433 : i32
      %dma_wait3A_1435 = arith.constant 1 : i32
      %dma_wait3A_1436 = arith.constant 0 : i32
      %dma_wait3A_1437 = arith.constant 0 : i32
      %dma_wait3A_1438 = arith.constant 0 : i32
      %dma_wait3A_1439 = tpu.memref_slice %arg11[%dma_wait3A_1435, %dma_wait3A_1436, %dma_wait3A_1437, %dma_wait3A_1438] : memref<2x8x200x3xf32, #tpu.memory_space<vmem>> -> memref<1x8x200x3xf32, #tpu.memory_space<vmem>>
      %dma_wait3A_1440 = tpu.memref_squeeze %dma_wait3A_1439 : memref<1x8x200x3xf32, #tpu.memory_space<vmem>> -> memref<8x200x3xf32, #tpu.memory_space<vmem>>
      %dma_wait3A_1441 = arith.constant 0 : i32
      %dma_wait3A_1442 = arith.constant 0 : i32
      %dma_wait3A_1443 = tpu.memref_slice %arg6[%add3A_1434, %dma_wait3A_1441, %dma_wait3A_1442] : memref<16384x200x3xf32, #tpu.memory_space<hbm>> -> memref<8x200x3xf32, #tpu.memory_space<hbm>>
      %dma_wait3A_1444 = arith.constant 0 : i32
      %dma_wait3A_1445 = arith.constant 0 : i32
      %dma_wait3A_1446 = tpu.memref_slice %arg6[%add3A_1434, %dma_wait3A_1444, %dma_wait3A_1445] : memref<16384x200x3xf32, #tpu.memory_space<hbm>> -> memref<8x200x3xf32, #tpu.memory_space<hbm>>
      %dma_wait3A_1447 = arith.constant 0 : i32
      %dma_wait3A_1448 = arith.constant 0 : i32
      %dma_wait3A_1449 = arith.constant 0 : i32
      %dma_wait3A_1450 = tpu.memref_slice %arg11[%dma_wait3A_1435, %dma_wait3A_1447, %dma_wait3A_1448, %dma_wait3A_1449] : memref<2x8x200x3xf32, #tpu.memory_space<vmem>> -> memref<1x8x200x3xf32, #tpu.memory_space<vmem>>
      %dma_wait3A_1451 = tpu.memref_squeeze %dma_wait3A_1450 : memref<1x8x200x3xf32, #tpu.memory_space<vmem>> -> memref<8x200x3xf32, #tpu.memory_space<vmem>>
      tpu.wait_dma2 semaphore(%arg16 : memref<!tpu.dma_semaphore, #tpu.memory_space<semaphore_mem>>) src(%dma_wait3A_1451 : memref<8x200x3xf32, #tpu.memory_space<vmem>>) dst(%dma_wait3A_1446 : memref<8x200x3xf32, #tpu.memory_space<hbm>>)
      %scan3A_1452 = arith.constant 0 : i32
      %scan3A_1453 = arith.constant 300 : i32
      %scan3A_1454 = arith.addi %scan3A_1452, %scan3A_1453 : i32
      %scan3A_1455 = arith.constant 1 : i32
      scf.for %scan3A_1477 = %scan3A_1452 to %scan3A_1454 step %scan3A_1455  : i32 {
        %mul3A_1478 = arith.constant 1 : i32
        %mul3A_1479 = arith.muli %scan3A_1477, %mul3A_1478 : i32
        %add3A_1480 = arith.constant 0 : i32
        %add3A_1481 = arith.addi %add3A_1480, %mul3A_1479 : i32
        %mul3A_1482 = arith.constant 16 : i32
        %mul3A_1483 = arith.muli %add3A_1481, %mul3A_1482 : i32
        %add3A_1484 = vector.broadcast %mul3A_1483 : i32 to vector<16xi32>
        %add3A_1485 = arith.addi %add3A_1484, %iota3A : vector<16xi32>
        %jit3A_1486 = arith.constant 600 : i32
        %div3A_1487 = vector.broadcast %jit3A_1486 : i32 to vector<16xi32>
        %div3A_1488 = arith.divsi %add3A_1485, %div3A_1487 : vector<16xi32>
        %sign3A_1489 = arith.constant 0 : i32
        %sign3A_1490 = vector.broadcast %sign3A_1489 : i32 to vector<16xi32>
        %sign3A_1491 = arith.cmpi sgt, %add3A_1485, %sign3A_1490 : vector<16xi32>
        %sign3A_1492 = arith.extui %sign3A_1491 : vector<16xi1> to vector<16xi32>
        %sign3A_1493 = arith.constant 0 : i32
        %sign3A_1494 = vector.broadcast %sign3A_1493 : i32 to vector<16xi32>
        %sign3A_1495 = arith.cmpi slt, %add3A_1485, %sign3A_1494 : vector<16xi32>
        %sign3A_1496 = arith.extui %sign3A_1495 : vector<16xi1> to vector<16xi32>
        %sign3A_1497 = arith.subi %sign3A_1492, %sign3A_1496 : vector<16xi32>
        %sign3A_1498 = arith.constant 0 : i32
        %sign3A_1499 = arith.cmpi sgt, %jit3A_1486, %sign3A_1498 : i32
        %sign3A_1500 = arith.extui %sign3A_1499 : i1 to i32
        %sign3A_1501 = arith.constant 0 : i32
        %sign3A_1502 = arith.cmpi slt, %jit3A_1486, %sign3A_1501 : i32
        %sign3A_1503 = arith.extui %sign3A_1502 : i1 to i32
        %sign3A_1504 = arith.subi %sign3A_1500, %sign3A_1503 : i32
        %ne3A_1505 = vector.broadcast %sign3A_1504 : i32 to vector<16xi32>
        %ne3A_1506 = arith.cmpi ne, %sign3A_1497, %ne3A_1505 : vector<16xi32>
        %rem3A_1507 = vector.broadcast %jit3A_1486 : i32 to vector<16xi32>
        %rem3A_1508 = arith.remsi %add3A_1485, %rem3A_1507 : vector<16xi32>
        %ne3A_1509 = arith.constant 0 : i32
        %ne3A_1510 = vector.broadcast %ne3A_1509 : i32 to vector<16xi32>
        %ne3A_1511 = arith.cmpi ne, %rem3A_1508, %ne3A_1510 : vector<16xi32>
        %and3A_1512 = arith.andi %ne3A_1506, %ne3A_1511 : vector<16xi1>
        %sub3A_1513 = arith.constant 1 : i32
        %sub3A_1514 = vector.broadcast %sub3A_1513 : i32 to vector<16xi32>
        %sub3A_1515 = arith.subi %div3A_1488, %sub3A_1514 : vector<16xi32>
        %select_n3A_1516 = arith.select %and3A_1512, %sub3A_1515, %div3A_1488 : vector<16xi1>, vector<16xi32>
        %jit3A_1517 = arith.constant 600 : i32
        %eq3A_1518 = arith.constant 0 : i32
        %eq3A_1519 = arith.cmpi eq, %jit3A_1517, %eq3A_1518 : i32
        %jit3A_1520 = arith.constant 1 : i32
        %select_n3A_1521 = arith.select %eq3A_1519, %jit3A_1520, %jit3A_1517 : i32
        %rem3A_1522 = vector.broadcast %select_n3A_1521 : i32 to vector<16xi32>
        %rem3A_1523 = arith.remsi %add3A_1485, %rem3A_1522 : vector<16xi32>
        %ne3A_1524 = arith.constant 0 : i32
        %ne3A_1525 = vector.broadcast %ne3A_1524 : i32 to vector<16xi32>
        %ne3A_1526 = arith.cmpi ne, %rem3A_1523, %ne3A_1525 : vector<16xi32>
        %lt3A_1527 = arith.constant 0 : i32
        %lt3A_1528 = vector.broadcast %lt3A_1527 : i32 to vector<16xi32>
        %lt3A_1529 = arith.cmpi slt, %rem3A_1523, %lt3A_1528 : vector<16xi32>
        %lt3A_1530 = arith.constant 0 : i32
        %lt3A_1531 = arith.cmpi slt, %select_n3A_1521, %lt3A_1530 : i32
        %ne3A_1532 = vector.broadcast %lt3A_1531 : i1 to vector<16xi1>
        %ne3A_1533 = vector.broadcast %ne3A_1532 : vector<16xi1> to vector<16xi1>
        %ne3A_1534 = arith.xori %lt3A_1529, %ne3A_1533 : vector<16xi1>
        %and3A_1535 = arith.andi %ne3A_1534, %ne3A_1526 : vector<16xi1>
        %add3A_1536 = vector.broadcast %select_n3A_1521 : i32 to vector<16xi32>
        %add3A_1537 = arith.addi %rem3A_1523, %add3A_1536 : vector<16xi32>
        %select_n3A_1538 = arith.select %and3A_1535, %add3A_1537, %rem3A_1523 : vector<16xi1>, vector<16xi32>
        %jit3A_1539 = arith.constant 3 : i32
        %div3A_1540 = vector.broadcast %jit3A_1539 : i32 to vector<16xi32>
        %div3A_1541 = arith.divsi %select_n3A_1538, %div3A_1540 : vector<16xi32>
        %sign3A_1542 = arith.constant 0 : i32
        %sign3A_1543 = vector.broadcast %sign3A_1542 : i32 to vector<16xi32>
        %sign3A_1544 = arith.cmpi sgt, %select_n3A_1538, %sign3A_1543 : vector<16xi32>
        %sign3A_1545 = arith.extui %sign3A_1544 : vector<16xi1> to vector<16xi32>
        %sign3A_1546 = arith.constant 0 : i32
        %sign3A_1547 = vector.broadcast %sign3A_1546 : i32 to vector<16xi32>
        %sign3A_1548 = arith.cmpi slt, %select_n3A_1538, %sign3A_1547 : vector<16xi32>
        %sign3A_1549 = arith.extui %sign3A_1548 : vector<16xi1> to vector<16xi32>
        %sign3A_1550 = arith.subi %sign3A_1545, %sign3A_1549 : vector<16xi32>
        %sign3A_1551 = arith.constant 0 : i32
        %sign3A_1552 = arith.cmpi sgt, %jit3A_1539, %sign3A_1551 : i32
        %sign3A_1553 = arith.extui %sign3A_1552 : i1 to i32
        %sign3A_1554 = arith.constant 0 : i32
        %sign3A_1555 = arith.cmpi slt, %jit3A_1539, %sign3A_1554 : i32
        %sign3A_1556 = arith.extui %sign3A_1555 : i1 to i32
        %sign3A_1557 = arith.subi %sign3A_1553, %sign3A_1556 : i32
        %ne3A_1558 = vector.broadcast %sign3A_1557 : i32 to vector<16xi32>
        %ne3A_1559 = arith.cmpi ne, %sign3A_1550, %ne3A_1558 : vector<16xi32>
        %rem3A_1560 = vector.broadcast %jit3A_1539 : i32 to vector<16xi32>
        %rem3A_1561 = arith.remsi %select_n3A_1538, %rem3A_1560 : vector<16xi32>
        %ne3A_1562 = arith.constant 0 : i32
        %ne3A_1563 = vector.broadcast %ne3A_1562 : i32 to vector<16xi32>
        %ne3A_1564 = arith.cmpi ne, %rem3A_1561, %ne3A_1563 : vector<16xi32>
        %and3A_1565 = arith.andi %ne3A_1559, %ne3A_1564 : vector<16xi1>
        %sub3A_1566 = arith.constant 1 : i32
        %sub3A_1567 = vector.broadcast %sub3A_1566 : i32 to vector<16xi32>
        %sub3A_1568 = arith.subi %div3A_1541, %sub3A_1567 : vector<16xi32>
        %select_n3A_1569 = arith.select %and3A_1565, %sub3A_1568, %div3A_1541 : vector<16xi1>, vector<16xi32>
        %jit3A_1570 = arith.constant 3 : i32
        %eq3A_1571 = arith.constant 0 : i32
        %eq3A_1572 = arith.cmpi eq, %jit3A_1570, %eq3A_1571 : i32
        %jit3A_1573 = arith.constant 1 : i32
        %select_n3A_1574 = arith.select %eq3A_1572, %jit3A_1573, %jit3A_1570 : i32
        %rem3A_1575 = vector.broadcast %select_n3A_1574 : i32 to vector<16xi32>
        %rem3A_1576 = arith.remsi %select_n3A_1538, %rem3A_1575 : vector<16xi32>
        %ne3A_1577 = arith.constant 0 : i32
        %ne3A_1578 = vector.broadcast %ne3A_1577 : i32 to vector<16xi32>
        %ne3A_1579 = arith.cmpi ne, %rem3A_1576, %ne3A_1578 : vector<16xi32>
        %lt3A_1580 = arith.constant 0 : i32
        %lt3A_1581 = vector.broadcast %lt3A_1580 : i32 to vector<16xi32>
        %lt3A_1582 = arith.cmpi slt, %rem3A_1576, %lt3A_1581 : vector<16xi32>
        %lt3A_1583 = arith.constant 0 : i32
        %lt3A_1584 = arith.cmpi slt, %select_n3A_1574, %lt3A_1583 : i32
        %ne3A_1585 = vector.broadcast %lt3A_1584 : i1 to vector<16xi1>
        %ne3A_1586 = vector.broadcast %ne3A_1585 : vector<16xi1> to vector<16xi1>
        %ne3A_1587 = arith.xori %lt3A_1582, %ne3A_1586 : vector<16xi1>
        %and3A_1588 = arith.andi %ne3A_1587, %ne3A_1579 : vector<16xi1>
        %add3A_1589 = vector.broadcast %select_n3A_1574 : i32 to vector<16xi32>
        %add3A_1590 = arith.addi %rem3A_1576, %add3A_1589 : vector<16xi32>
        %select_n3A_1591 = arith.select %and3A_1588, %add3A_1590, %rem3A_1576 : vector<16xi1>, vector<16xi32>
        %jit3A_1592 = arith.constant 3 : i32
        %div3A_1593 = vector.broadcast %jit3A_1592 : i32 to vector<16xi32>
        %div3A_1594 = arith.divsi %add3A_1485, %div3A_1593 : vector<16xi32>
        %sign3A_1595 = arith.constant 0 : i32
        %sign3A_1596 = vector.broadcast %sign3A_1595 : i32 to vector<16xi32>
        %sign3A_1597 = arith.cmpi sgt, %add3A_1485, %sign3A_1596 : vector<16xi32>
        %sign3A_1598 = arith.extui %sign3A_1597 : vector<16xi1> to vector<16xi32>
        %sign3A_1599 = arith.constant 0 : i32
        %sign3A_1600 = vector.broadcast %sign3A_1599 : i32 to vector<16xi32>
        %sign3A_1601 = arith.cmpi slt, %add3A_1485, %sign3A_1600 : vector<16xi32>
        %sign3A_1602 = arith.extui %sign3A_1601 : vector<16xi1> to vector<16xi32>
        %sign3A_1603 = arith.subi %sign3A_1598, %sign3A_1602 : vector<16xi32>
        %sign3A_1604 = arith.constant 0 : i32
        %sign3A_1605 = arith.cmpi sgt, %jit3A_1592, %sign3A_1604 : i32
        %sign3A_1606 = arith.extui %sign3A_1605 : i1 to i32
        %sign3A_1607 = arith.constant 0 : i32
        %sign3A_1608 = arith.cmpi slt, %jit3A_1592, %sign3A_1607 : i32
        %sign3A_1609 = arith.extui %sign3A_1608 : i1 to i32
        %sign3A_1610 = arith.subi %sign3A_1606, %sign3A_1609 : i32
        %ne3A_1611 = vector.broadcast %sign3A_1610 : i32 to vector<16xi32>
        %ne3A_1612 = arith.cmpi ne, %sign3A_1603, %ne3A_1611 : vector<16xi32>
        %rem3A_1613 = vector.broadcast %jit3A_1592 : i32 to vector<16xi32>
        %rem3A_1614 = arith.remsi %add3A_1485, %rem3A_1613 : vector<16xi32>
        %ne3A_1615 = arith.constant 0 : i32
        %ne3A_1616 = vector.broadcast %ne3A_1615 : i32 to vector<16xi32>
        %ne3A_1617 = arith.cmpi ne, %rem3A_1614, %ne3A_1616 : vector<16xi32>
        %and3A_1618 = arith.andi %ne3A_1612, %ne3A_1617 : vector<16xi1>
        %sub3A_1619 = arith.constant 1 : i32
        %sub3A_1620 = vector.broadcast %sub3A_1619 : i32 to vector<16xi32>
        %sub3A_1621 = arith.subi %div3A_1594, %sub3A_1620 : vector<16xi32>
        %select_n3A_1622 = arith.select %and3A_1618, %sub3A_1621, %div3A_1594 : vector<16xi1>, vector<16xi32>
        %gather3A_1623 = arith.constant 1 : i32
        %gather3A_1624 = arith.constant 0 : i32
        %gather3A_1625 = tpu.memref_slice %arg10[%gather3A_1623, %gather3A_1624] : memref<2x1600xf32, #tpu.memory_space<vmem>> -> memref<1x1600xf32, #tpu.memory_space<vmem>>
        %gather3A_1626 = tpu.memref_squeeze %gather3A_1625 : memref<1x1600xf32, #tpu.memory_space<vmem>> -> memref<1600xf32, #tpu.memory_space<vmem>>
        %gather3A_1627 = tpu.vector_load_idx %gather3A_1626[%select_n3A_1622] : memref<1600xf32, #tpu.memory_space<vmem>>[vector<16xi32>], vector<16xf32>,
        %gather3A_1628 = tpu.vector_load_idx %arg8[%select_n3A_1591] : memref<16xf32, #tpu.memory_space<vmem>>[vector<16xi32>], vector<16xf32>,
        %add3A_1629 = arith.constant 8 : i32
        %add3A_1630 = vector.broadcast %add3A_1629 : i32 to vector<16xi32>
        %add3A_1631 = arith.addi %select_n3A_1591, %add3A_1630 : vector<16xi32>
        %gather3A_1632 = tpu.vector_load_idx %arg8[%add3A_1631] : memref<16xf32, #tpu.memory_space<vmem>>[vector<16xi32>], vector<16xf32>,
        %mul3A_1633 = arith.mulf %gather3A_1627, %gather3A_1628 : vector<16xf32>
        %add3A_1634 = arith.addf %mul3A_1633, %gather3A_1632 : vector<16xf32>
        %scatter3A = arith.constant 1 : i32
        %scatter3A_1635 = arith.constant 0 : i32
        %scatter3A_1636 = arith.constant 0 : i32
        %scatter3A_1637 = arith.constant 0 : i32
        %scatter3A_1638 = tpu.memref_slice %arg11[%scatter3A, %scatter3A_1635, %scatter3A_1636, %scatter3A_1637] : memref<2x8x200x3xf32, #tpu.memory_space<vmem>> -> memref<1x8x200x3xf32, #tpu.memory_space<vmem>>
        %scatter3A_1639 = tpu.memref_squeeze %scatter3A_1638 : memref<1x8x200x3xf32, #tpu.memory_space<vmem>> -> memref<8x200x3xf32, #tpu.memory_space<vmem>>
        tpu.vector_store_idx %scatter3A_1639[%select_n3A_1516, %select_n3A_1569, %select_n3A_1591], %add3A_1634 : memref<8x200x3xf32, #tpu.memory_space<vmem>>[vector<16xi32>, vector<16xi32>, vector<16xi32>], vector<16xf32>,
      }
      %scan3A_1456 = arith.constant 300 : i32
      %mul3A_1457 = arith.constant 8 : i32
      %mul3A_1458 = arith.muli %add3A_1252, %mul3A_1457 : i32
      %add3A_1459 = arith.addi %mul3A_184, %mul3A_1458 : i32
      %dma_start3A_1460 = arith.constant 1 : i32
      %dma_start3A_1461 = arith.constant 0 : i32
      %dma_start3A_1462 = arith.constant 0 : i32
      %dma_start3A_1463 = arith.constant 0 : i32
      %dma_start3A_1464 = tpu.memref_slice %arg11[%dma_start3A_1460, %dma_start3A_1461, %dma_start3A_1462, %dma_start3A_1463] : memref<2x8x200x3xf32, #tpu.memory_space<vmem>> -> memref<1x8x200x3xf32, #tpu.memory_space<vmem>>
      %dma_start3A_1465 = tpu.memref_squeeze %dma_start3A_1464 : memref<1x8x200x3xf32, #tpu.memory_space<vmem>> -> memref<8x200x3xf32, #tpu.memory_space<vmem>>
      %dma_start3A_1466 = arith.constant 0 : i32
      %dma_start3A_1467 = arith.constant 0 : i32
      %dma_start3A_1468 = tpu.memref_slice %arg6[%add3A_1459, %dma_start3A_1466, %dma_start3A_1467] : memref<16384x200x3xf32, #tpu.memory_space<hbm>> -> memref<8x200x3xf32, #tpu.memory_space<hbm>>
      %dma_start3A_1469 = arith.constant 0 : i32
      %dma_start3A_1470 = arith.constant 0 : i32
      %dma_start3A_1471 = tpu.memref_slice %arg6[%add3A_1459, %dma_start3A_1469, %dma_start3A_1470] : memref<16384x200x3xf32, #tpu.memory_space<hbm>> -> memref<8x200x3xf32, #tpu.memory_space<hbm>>
      %dma_start3A_1472 = arith.constant 0 : i32
      %dma_start3A_1473 = arith.constant 0 : i32
      %dma_start3A_1474 = arith.constant 0 : i32
      %dma_start3A_1475 = tpu.memref_slice %arg11[%dma_start3A_1460, %dma_start3A_1472, %dma_start3A_1473, %dma_start3A_1474] : memref<2x8x200x3xf32, #tpu.memory_space<vmem>> -> memref<1x8x200x3xf32, #tpu.memory_space<vmem>>
      %dma_start3A_1476 = tpu.memref_squeeze %dma_start3A_1475 : memref<1x8x200x3xf32, #tpu.memory_space<vmem>> -> memref<8x200x3xf32, #tpu.memory_space<vmem>>
      tpu.enqueue_dma source(%dma_start3A_1476 : memref<8x200x3xf32, #tpu.memory_space<vmem>>) target(%dma_start3A_1471 : memref<8x200x3xf32, #tpu.memory_space<hbm>>) target_semaphore(%arg16 : memref<!tpu.dma_semaphore, #tpu.memory_space<semaphore_mem>>)
    }
    %scan3A_620 = arith.constant 30 : i32
    %add3A_621 = arith.constant 99200 : i32
    %add3A_622 = arith.addi %mul3A_182, %add3A_621 : i32
    %dma_wait3A_623 = arith.constant 0 : i32
    %dma_wait3A_624 = arith.constant 0 : i32
    %dma_wait3A_625 = tpu.memref_slice %arg9[%dma_wait3A_623, %dma_wait3A_624] : memref<2x1600xi32, #tpu.memory_space<vmem>> -> memref<1x1600xi32, #tpu.memory_space<vmem>>
    %dma_wait3A_626 = tpu.memref_squeeze %dma_wait3A_625 : memref<1x1600xi32, #tpu.memory_space<vmem>> -> memref<1600xi32, #tpu.memory_space<vmem>>
    %dma_wait3A_627 = tpu.memref_slice %arg5[%add3A_622] : memref<3276800xi32, #tpu.memory_space<hbm>> -> memref<1600xi32, #tpu.memory_space<hbm>>
    %dma_wait3A_628 = arith.constant 0 : i32
    %dma_wait3A_629 = tpu.memref_slice %arg9[%dma_wait3A_623, %dma_wait3A_628] : memref<2x1600xi32, #tpu.memory_space<vmem>> -> memref<1x1600xi32, #tpu.memory_space<vmem>>
    %dma_wait3A_630 = tpu.memref_squeeze %dma_wait3A_629 : memref<1x1600xi32, #tpu.memory_space<vmem>> -> memref<1600xi32, #tpu.memory_space<vmem>>
    %dma_wait3A_631 = tpu.memref_slice %arg5[%add3A_622] : memref<3276800xi32, #tpu.memory_space<hbm>> -> memref<1600xi32, #tpu.memory_space<hbm>>
    tpu.wait_dma2 semaphore(%arg12 : memref<!tpu.dma_semaphore, #tpu.memory_space<semaphore_mem>>) src(%dma_wait3A_631 : memref<1600xi32, #tpu.memory_space<hbm>>) dst(%dma_wait3A_630 : memref<1600xi32, #tpu.memory_space<vmem>>)
    %dma_start3A_632 = arith.constant 0 : i32
    %dma_start3A_633 = arith.constant 0 : i32
    %dma_start3A_634 = arith.constant 0 : i32
    %dma_start3A_635 = tpu.memref_slice %arg10[%dma_start3A_633, %dma_start3A_634] : memref<2x1600xf32, #tpu.memory_space<vmem>> -> memref<1x200xf32, #tpu.memory_space<vmem>>
    %dma_start3A_636 = tpu.memref_squeeze %dma_start3A_635 : memref<1x200xf32, #tpu.memory_space<vmem>> -> memref<200xf32, #tpu.memory_space<vmem>>
    %dma_start3A_637 = arith.constant 0 : i32
    %dma_start3A_638 = tpu.memref_slice %arg9[%dma_start3A_632, %dma_start3A_637] : memref<2x1600xi32, #tpu.memory_space<vmem>> -> memref<1x200xi32, #tpu.memory_space<vmem>>
    %dma_start3A_639 = tpu.memref_squeeze %dma_start3A_638 : memref<1x200xi32, #tpu.memory_space<vmem>> -> memref<200xi32, #tpu.memory_space<vmem>>
    %dma_start3A_640 = arith.constant 0 : i32
    %dma_start3A_641 = tpu.memref_slice %arg7[%dma_start3A_640] : memref<1000000xf32, #tpu.memory_space<vmem_shared>> -> memref<1000000xf32, #tpu.memory_space<vmem_shared>>
    tpu.enqueue_indirect_dma source(%dma_start3A_641 : memref<1000000xf32, #tpu.memory_space<vmem_shared>>) target(%dma_start3A_636 : memref<200xf32, #tpu.memory_space<vmem>>) offsets(%dma_start3A_639 : memref<200xi32, #tpu.memory_space<vmem>>) semaphore(%arg14 : memref<!tpu.dma_semaphore, #tpu.memory_space<semaphore_mem>>)
    %dma_start3A_642 = arith.constant 0 : i32
    %dma_start3A_643 = arith.constant 0 : i32
    %dma_start3A_644 = arith.constant 200 : i32
    %dma_start3A_645 = tpu.memref_slice %arg10[%dma_start3A_643, %dma_start3A_644] : memref<2x1600xf32, #tpu.memory_space<vmem>> -> memref<1x200xf32, #tpu.memory_space<vmem>>
    %dma_start3A_646 = tpu.memref_squeeze %dma_start3A_645 : memref<1x200xf32, #tpu.memory_space<vmem>> -> memref<200xf32, #tpu.memory_space<vmem>>
    %dma_start3A_647 = arith.constant 200 : i32
    %dma_start3A_648 = tpu.memref_slice %arg9[%dma_start3A_642, %dma_start3A_647] : memref<2x1600xi32, #tpu.memory_space<vmem>> -> memref<1x200xi32, #tpu.memory_space<vmem>>
    %dma_start3A_649 = tpu.memref_squeeze %dma_start3A_648 : memref<1x200xi32, #tpu.memory_space<vmem>> -> memref<200xi32, #tpu.memory_space<vmem>>
    %dma_start3A_650 = arith.constant 0 : i32
    %dma_start3A_651 = tpu.memref_slice %arg7[%dma_start3A_650] : memref<1000000xf32, #tpu.memory_space<vmem_shared>> -> memref<1000000xf32, #tpu.memory_space<vmem_shared>>
    tpu.enqueue_indirect_dma source(%dma_start3A_651 : memref<1000000xf32, #tpu.memory_space<vmem_shared>>) target(%dma_start3A_646 : memref<200xf32, #tpu.memory_space<vmem>>) offsets(%dma_start3A_649 : memref<200xi32, #tpu.memory_space<vmem>>) semaphore(%arg14 : memref<!tpu.dma_semaphore, #tpu.memory_space<semaphore_mem>>)
    %dma_start3A_652 = arith.constant 0 : i32
    %dma_start3A_653 = arith.constant 0 : i32
    %dma_start3A_654 = arith.constant 400 : i32
    %dma_start3A_655 = tpu.memref_slice %arg10[%dma_start3A_653, %dma_start3A_654] : memref<2x1600xf32, #tpu.memory_space<vmem>> -> memref<1x200xf32, #tpu.memory_space<vmem>>
    %dma_start3A_656 = tpu.memref_squeeze %dma_start3A_655 : memref<1x200xf32, #tpu.memory_space<vmem>> -> memref<200xf32, #tpu.memory_space<vmem>>
    %dma_start3A_657 = arith.constant 400 : i32
    %dma_start3A_658 = tpu.memref_slice %arg9[%dma_start3A_652, %dma_start3A_657] : memref<2x1600xi32, #tpu.memory_space<vmem>> -> memref<1x200xi32, #tpu.memory_space<vmem>>
    %dma_start3A_659 = tpu.memref_squeeze %dma_start3A_658 : memref<1x200xi32, #tpu.memory_space<vmem>> -> memref<200xi32, #tpu.memory_space<vmem>>
    %dma_start3A_660 = arith.constant 0 : i32
    %dma_start3A_661 = tpu.memref_slice %arg7[%dma_start3A_660] : memref<1000000xf32, #tpu.memory_space<vmem_shared>> -> memref<1000000xf32, #tpu.memory_space<vmem_shared>>
    tpu.enqueue_indirect_dma source(%dma_start3A_661 : memref<1000000xf32, #tpu.memory_space<vmem_shared>>) target(%dma_start3A_656 : memref<200xf32, #tpu.memory_space<vmem>>) offsets(%dma_start3A_659 : memref<200xi32, #tpu.memory_space<vmem>>) semaphore(%arg14 : memref<!tpu.dma_semaphore, #tpu.memory_space<semaphore_mem>>)
    %dma_start3A_662 = arith.constant 0 : i32
    %dma_start3A_663 = arith.constant 0 : i32
    %dma_start3A_664 = arith.constant 600 : i32
    %dma_start3A_665 = tpu.memref_slice %arg10[%dma_start3A_663, %dma_start3A_664] : memref<2x1600xf32, #tpu.memory_space<vmem>> -> memref<1x200xf32, #tpu.memory_space<vmem>>
    %dma_start3A_666 = tpu.memref_squeeze %dma_start3A_665 : memref<1x200xf32, #tpu.memory_space<vmem>> -> memref<200xf32, #tpu.memory_space<vmem>>
    %dma_start3A_667 = arith.constant 600 : i32
    %dma_start3A_668 = tpu.memref_slice %arg9[%dma_start3A_662, %dma_start3A_667] : memref<2x1600xi32, #tpu.memory_space<vmem>> -> memref<1x200xi32, #tpu.memory_space<vmem>>
    %dma_start3A_669 = tpu.memref_squeeze %dma_start3A_668 : memref<1x200xi32, #tpu.memory_space<vmem>> -> memref<200xi32, #tpu.memory_space<vmem>>
    %dma_start3A_670 = arith.constant 0 : i32
    %dma_start3A_671 = tpu.memref_slice %arg7[%dma_start3A_670] : memref<1000000xf32, #tpu.memory_space<vmem_shared>> -> memref<1000000xf32, #tpu.memory_space<vmem_shared>>
    tpu.enqueue_indirect_dma source(%dma_start3A_671 : memref<1000000xf32, #tpu.memory_space<vmem_shared>>) target(%dma_start3A_666 : memref<200xf32, #tpu.memory_space<vmem>>) offsets(%dma_start3A_669 : memref<200xi32, #tpu.memory_space<vmem>>) semaphore(%arg14 : memref<!tpu.dma_semaphore, #tpu.memory_space<semaphore_mem>>)
    %dma_start3A_672 = arith.constant 0 : i32
    %dma_start3A_673 = arith.constant 0 : i32
    %dma_start3A_674 = arith.constant 800 : i32
    %dma_start3A_675 = tpu.memref_slice %arg10[%dma_start3A_673, %dma_start3A_674] : memref<2x1600xf32, #tpu.memory_space<vmem>> -> memref<1x200xf32, #tpu.memory_space<vmem>>
    %dma_start3A_676 = tpu.memref_squeeze %dma_start3A_675 : memref<1x200xf32, #tpu.memory_space<vmem>> -> memref<200xf32, #tpu.memory_space<vmem>>
    %dma_start3A_677 = arith.constant 800 : i32
    %dma_start3A_678 = tpu.memref_slice %arg9[%dma_start3A_672, %dma_start3A_677] : memref<2x1600xi32, #tpu.memory_space<vmem>> -> memref<1x200xi32, #tpu.memory_space<vmem>>
    %dma_start3A_679 = tpu.memref_squeeze %dma_start3A_678 : memref<1x200xi32, #tpu.memory_space<vmem>> -> memref<200xi32, #tpu.memory_space<vmem>>
    %dma_start3A_680 = arith.constant 0 : i32
    %dma_start3A_681 = tpu.memref_slice %arg7[%dma_start3A_680] : memref<1000000xf32, #tpu.memory_space<vmem_shared>> -> memref<1000000xf32, #tpu.memory_space<vmem_shared>>
    tpu.enqueue_indirect_dma source(%dma_start3A_681 : memref<1000000xf32, #tpu.memory_space<vmem_shared>>) target(%dma_start3A_676 : memref<200xf32, #tpu.memory_space<vmem>>) offsets(%dma_start3A_679 : memref<200xi32, #tpu.memory_space<vmem>>) semaphore(%arg14 : memref<!tpu.dma_semaphore, #tpu.memory_space<semaphore_mem>>)
    %dma_start3A_682 = arith.constant 0 : i32
    %dma_start3A_683 = arith.constant 0 : i32
    %dma_start3A_684 = arith.constant 1000 : i32
    %dma_start3A_685 = tpu.memref_slice %arg10[%dma_start3A_683, %dma_start3A_684] : memref<2x1600xf32, #tpu.memory_space<vmem>> -> memref<1x200xf32, #tpu.memory_space<vmem>>
    %dma_start3A_686 = tpu.memref_squeeze %dma_start3A_685 : memref<1x200xf32, #tpu.memory_space<vmem>> -> memref<200xf32, #tpu.memory_space<vmem>>
    %dma_start3A_687 = arith.constant 1000 : i32
    %dma_start3A_688 = tpu.memref_slice %arg9[%dma_start3A_682, %dma_start3A_687] : memref<2x1600xi32, #tpu.memory_space<vmem>> -> memref<1x200xi32, #tpu.memory_space<vmem>>
    %dma_start3A_689 = tpu.memref_squeeze %dma_start3A_688 : memref<1x200xi32, #tpu.memory_space<vmem>> -> memref<200xi32, #tpu.memory_space<vmem>>
    %dma_start3A_690 = arith.constant 0 : i32
    %dma_start3A_691 = tpu.memref_slice %arg7[%dma_start3A_690] : memref<1000000xf32, #tpu.memory_space<vmem_shared>> -> memref<1000000xf32, #tpu.memory_space<vmem_shared>>
    tpu.enqueue_indirect_dma source(%dma_start3A_691 : memref<1000000xf32, #tpu.memory_space<vmem_shared>>) target(%dma_start3A_686 : memref<200xf32, #tpu.memory_space<vmem>>) offsets(%dma_start3A_689 : memref<200xi32, #tpu.memory_space<vmem>>) semaphore(%arg14 : memref<!tpu.dma_semaphore, #tpu.memory_space<semaphore_mem>>)
    %dma_start3A_692 = arith.constant 0 : i32
    %dma_start3A_693 = arith.constant 0 : i32
    %dma_start3A_694 = arith.constant 1200 : i32
    %dma_start3A_695 = tpu.memref_slice %arg10[%dma_start3A_693, %dma_start3A_694] : memref<2x1600xf32, #tpu.memory_space<vmem>> -> memref<1x200xf32, #tpu.memory_space<vmem>>
    %dma_start3A_696 = tpu.memref_squeeze %dma_start3A_695 : memref<1x200xf32, #tpu.memory_space<vmem>> -> memref<200xf32, #tpu.memory_space<vmem>>
    %dma_start3A_697 = arith.constant 1200 : i32
    %dma_start3A_698 = tpu.memref_slice %arg9[%dma_start3A_692, %dma_start3A_697] : memref<2x1600xi32, #tpu.memory_space<vmem>> -> memref<1x200xi32, #tpu.memory_space<vmem>>
    %dma_start3A_699 = tpu.memref_squeeze %dma_start3A_698 : memref<1x200xi32, #tpu.memory_space<vmem>> -> memref<200xi32, #tpu.memory_space<vmem>>
    %dma_start3A_700 = arith.constant 0 : i32
    %dma_start3A_701 = tpu.memref_slice %arg7[%dma_start3A_700] : memref<1000000xf32, #tpu.memory_space<vmem_shared>> -> memref<1000000xf32, #tpu.memory_space<vmem_shared>>
    tpu.enqueue_indirect_dma source(%dma_start3A_701 : memref<1000000xf32, #tpu.memory_space<vmem_shared>>) target(%dma_start3A_696 : memref<200xf32, #tpu.memory_space<vmem>>) offsets(%dma_start3A_699 : memref<200xi32, #tpu.memory_space<vmem>>) semaphore(%arg14 : memref<!tpu.dma_semaphore, #tpu.memory_space<semaphore_mem>>)
    %dma_start3A_702 = arith.constant 0 : i32
    %dma_start3A_703 = arith.constant 0 : i32
    %dma_start3A_704 = arith.constant 1400 : i32
    %dma_start3A_705 = tpu.memref_slice %arg10[%dma_start3A_703, %dma_start3A_704] : memref<2x1600xf32, #tpu.memory_space<vmem>> -> memref<1x200xf32, #tpu.memory_space<vmem>>
    %dma_start3A_706 = tpu.memref_squeeze %dma_start3A_705 : memref<1x200xf32, #tpu.memory_space<vmem>> -> memref<200xf32, #tpu.memory_space<vmem>>
    %dma_start3A_707 = arith.constant 1400 : i32
    %dma_start3A_708 = tpu.memref_slice %arg9[%dma_start3A_702, %dma_start3A_707] : memref<2x1600xi32, #tpu.memory_space<vmem>> -> memref<1x200xi32, #tpu.memory_space<vmem>>
    %dma_start3A_709 = tpu.memref_squeeze %dma_start3A_708 : memref<1x200xi32, #tpu.memory_space<vmem>> -> memref<200xi32, #tpu.memory_space<vmem>>
    %dma_start3A_710 = arith.constant 0 : i32
    %dma_start3A_711 = tpu.memref_slice %arg7[%dma_start3A_710] : memref<1000000xf32, #tpu.memory_space<vmem_shared>> -> memref<1000000xf32, #tpu.memory_space<vmem_shared>>
    tpu.enqueue_indirect_dma source(%dma_start3A_711 : memref<1000000xf32, #tpu.memory_space<vmem_shared>>) target(%dma_start3A_706 : memref<200xf32, #tpu.memory_space<vmem>>) offsets(%dma_start3A_709 : memref<200xi32, #tpu.memory_space<vmem>>) semaphore(%arg14 : memref<!tpu.dma_semaphore, #tpu.memory_space<semaphore_mem>>)
    %dma_wait3A_712 = arith.constant 0 : i32
    %dma_wait3A_713 = arith.constant 0 : i32
    %dma_wait3A_714 = arith.constant 0 : i32
    %dma_wait3A_715 = tpu.memref_slice %arg10[%dma_wait3A_713, %dma_wait3A_714] : memref<2x1600xf32, #tpu.memory_space<vmem>> -> memref<1x200xf32, #tpu.memory_space<vmem>>
    %dma_wait3A_716 = tpu.memref_squeeze %dma_wait3A_715 : memref<1x200xf32, #tpu.memory_space<vmem>> -> memref<200xf32, #tpu.memory_space<vmem>>
    %dma_wait3A_717 = arith.constant 0 : i32
    %dma_wait3A_718 = tpu.memref_slice %arg9[%dma_wait3A_712, %dma_wait3A_717] : memref<2x1600xi32, #tpu.memory_space<vmem>> -> memref<1x200xi32, #tpu.memory_space<vmem>>
    %dma_wait3A_719 = tpu.memref_squeeze %dma_wait3A_718 : memref<1x200xi32, #tpu.memory_space<vmem>> -> memref<200xi32, #tpu.memory_space<vmem>>
    %dma_wait3A_720 = arith.constant 0 : i32
    %dma_wait3A_721 = tpu.memref_slice %arg7[%dma_wait3A_720] : memref<1000000xf32, #tpu.memory_space<vmem_shared>> -> memref<1000000xf32, #tpu.memory_space<vmem_shared>>
    tpu.wait_indirect_dma semaphore(%arg14 : memref<!tpu.dma_semaphore, #tpu.memory_space<semaphore_mem>>) src(%dma_wait3A_721 : memref<1000000xf32, #tpu.memory_space<vmem_shared>>) dst(%dma_wait3A_716 : memref<200xf32, #tpu.memory_space<vmem>>)
    %dma_wait3A_722 = arith.constant 0 : i32
    %dma_wait3A_723 = arith.constant 0 : i32
    %dma_wait3A_724 = arith.constant 200 : i32
    %dma_wait3A_725 = tpu.memref_slice %arg10[%dma_wait3A_723, %dma_wait3A_724] : memref<2x1600xf32, #tpu.memory_space<vmem>> -> memref<1x200xf32, #tpu.memory_space<vmem>>
    %dma_wait3A_726 = tpu.memref_squeeze %dma_wait3A_725 : memref<1x200xf32, #tpu.memory_space<vmem>> -> memref<200xf32, #tpu.memory_space<vmem>>
    %dma_wait3A_727 = arith.constant 200 : i32
    %dma_wait3A_728 = tpu.memref_slice %arg9[%dma_wait3A_722, %dma_wait3A_727] : memref<2x1600xi32, #tpu.memory_space<vmem>> -> memref<1x200xi32, #tpu.memory_space<vmem>>
    %dma_wait3A_729 = tpu.memref_squeeze %dma_wait3A_728 : memref<1x200xi32, #tpu.memory_space<vmem>> -> memref<200xi32, #tpu.memory_space<vmem>>
    %dma_wait3A_730 = arith.constant 0 : i32
    %dma_wait3A_731 = tpu.memref_slice %arg7[%dma_wait3A_730] : memref<1000000xf32, #tpu.memory_space<vmem_shared>> -> memref<1000000xf32, #tpu.memory_space<vmem_shared>>
    tpu.wait_indirect_dma semaphore(%arg14 : memref<!tpu.dma_semaphore, #tpu.memory_space<semaphore_mem>>) src(%dma_wait3A_731 : memref<1000000xf32, #tpu.memory_space<vmem_shared>>) dst(%dma_wait3A_726 : memref<200xf32, #tpu.memory_space<vmem>>)
    %dma_wait3A_732 = arith.constant 0 : i32
    %dma_wait3A_733 = arith.constant 0 : i32
    %dma_wait3A_734 = arith.constant 400 : i32
    %dma_wait3A_735 = tpu.memref_slice %arg10[%dma_wait3A_733, %dma_wait3A_734] : memref<2x1600xf32, #tpu.memory_space<vmem>> -> memref<1x200xf32, #tpu.memory_space<vmem>>
    %dma_wait3A_736 = tpu.memref_squeeze %dma_wait3A_735 : memref<1x200xf32, #tpu.memory_space<vmem>> -> memref<200xf32, #tpu.memory_space<vmem>>
    %dma_wait3A_737 = arith.constant 400 : i32
    %dma_wait3A_738 = tpu.memref_slice %arg9[%dma_wait3A_732, %dma_wait3A_737] : memref<2x1600xi32, #tpu.memory_space<vmem>> -> memref<1x200xi32, #tpu.memory_space<vmem>>
    %dma_wait3A_739 = tpu.memref_squeeze %dma_wait3A_738 : memref<1x200xi32, #tpu.memory_space<vmem>> -> memref<200xi32, #tpu.memory_space<vmem>>
    %dma_wait3A_740 = arith.constant 0 : i32
    %dma_wait3A_741 = tpu.memref_slice %arg7[%dma_wait3A_740] : memref<1000000xf32, #tpu.memory_space<vmem_shared>> -> memref<1000000xf32, #tpu.memory_space<vmem_shared>>
    tpu.wait_indirect_dma semaphore(%arg14 : memref<!tpu.dma_semaphore, #tpu.memory_space<semaphore_mem>>) src(%dma_wait3A_741 : memref<1000000xf32, #tpu.memory_space<vmem_shared>>) dst(%dma_wait3A_736 : memref<200xf32, #tpu.memory_space<vmem>>)
    %dma_wait3A_742 = arith.constant 0 : i32
    %dma_wait3A_743 = arith.constant 0 : i32
    %dma_wait3A_744 = arith.constant 600 : i32
    %dma_wait3A_745 = tpu.memref_slice %arg10[%dma_wait3A_743, %dma_wait3A_744] : memref<2x1600xf32, #tpu.memory_space<vmem>> -> memref<1x200xf32, #tpu.memory_space<vmem>>
    %dma_wait3A_746 = tpu.memref_squeeze %dma_wait3A_745 : memref<1x200xf32, #tpu.memory_space<vmem>> -> memref<200xf32, #tpu.memory_space<vmem>>
    %dma_wait3A_747 = arith.constant 600 : i32
    %dma_wait3A_748 = tpu.memref_slice %arg9[%dma_wait3A_742, %dma_wait3A_747] : memref<2x1600xi32, #tpu.memory_space<vmem>> -> memref<1x200xi32, #tpu.memory_space<vmem>>
    %dma_wait3A_749 = tpu.memref_squeeze %dma_wait3A_748 : memref<1x200xi32, #tpu.memory_space<vmem>> -> memref<200xi32, #tpu.memory_space<vmem>>
    %dma_wait3A_750 = arith.constant 0 : i32
    %dma_wait3A_751 = tpu.memref_slice %arg7[%dma_wait3A_750] : memref<1000000xf32, #tpu.memory_space<vmem_shared>> -> memref<1000000xf32, #tpu.memory_space<vmem_shared>>
    tpu.wait_indirect_dma semaphore(%arg14 : memref<!tpu.dma_semaphore, #tpu.memory_space<semaphore_mem>>) src(%dma_wait3A_751 : memref<1000000xf32, #tpu.memory_space<vmem_shared>>) dst(%dma_wait3A_746 : memref<200xf32, #tpu.memory_space<vmem>>)
    %dma_wait3A_752 = arith.constant 0 : i32
    %dma_wait3A_753 = arith.constant 0 : i32
    %dma_wait3A_754 = arith.constant 800 : i32
    %dma_wait3A_755 = tpu.memref_slice %arg10[%dma_wait3A_753, %dma_wait3A_754] : memref<2x1600xf32, #tpu.memory_space<vmem>> -> memref<1x200xf32, #tpu.memory_space<vmem>>
    %dma_wait3A_756 = tpu.memref_squeeze %dma_wait3A_755 : memref<1x200xf32, #tpu.memory_space<vmem>> -> memref<200xf32, #tpu.memory_space<vmem>>
    %dma_wait3A_757 = arith.constant 800 : i32
    %dma_wait3A_758 = tpu.memref_slice %arg9[%dma_wait3A_752, %dma_wait3A_757] : memref<2x1600xi32, #tpu.memory_space<vmem>> -> memref<1x200xi32, #tpu.memory_space<vmem>>
    %dma_wait3A_759 = tpu.memref_squeeze %dma_wait3A_758 : memref<1x200xi32, #tpu.memory_space<vmem>> -> memref<200xi32, #tpu.memory_space<vmem>>
    %dma_wait3A_760 = arith.constant 0 : i32
    %dma_wait3A_761 = tpu.memref_slice %arg7[%dma_wait3A_760] : memref<1000000xf32, #tpu.memory_space<vmem_shared>> -> memref<1000000xf32, #tpu.memory_space<vmem_shared>>
    tpu.wait_indirect_dma semaphore(%arg14 : memref<!tpu.dma_semaphore, #tpu.memory_space<semaphore_mem>>) src(%dma_wait3A_761 : memref<1000000xf32, #tpu.memory_space<vmem_shared>>) dst(%dma_wait3A_756 : memref<200xf32, #tpu.memory_space<vmem>>)
    %dma_wait3A_762 = arith.constant 0 : i32
    %dma_wait3A_763 = arith.constant 0 : i32
    %dma_wait3A_764 = arith.constant 1000 : i32
    %dma_wait3A_765 = tpu.memref_slice %arg10[%dma_wait3A_763, %dma_wait3A_764] : memref<2x1600xf32, #tpu.memory_space<vmem>> -> memref<1x200xf32, #tpu.memory_space<vmem>>
    %dma_wait3A_766 = tpu.memref_squeeze %dma_wait3A_765 : memref<1x200xf32, #tpu.memory_space<vmem>> -> memref<200xf32, #tpu.memory_space<vmem>>
    %dma_wait3A_767 = arith.constant 1000 : i32
    %dma_wait3A_768 = tpu.memref_slice %arg9[%dma_wait3A_762, %dma_wait3A_767] : memref<2x1600xi32, #tpu.memory_space<vmem>> -> memref<1x200xi32, #tpu.memory_space<vmem>>
    %dma_wait3A_769 = tpu.memref_squeeze %dma_wait3A_768 : memref<1x200xi32, #tpu.memory_space<vmem>> -> memref<200xi32, #tpu.memory_space<vmem>>
    %dma_wait3A_770 = arith.constant 0 : i32
    %dma_wait3A_771 = tpu.memref_slice %arg7[%dma_wait3A_770] : memref<1000000xf32, #tpu.memory_space<vmem_shared>> -> memref<1000000xf32, #tpu.memory_space<vmem_shared>>
    tpu.wait_indirect_dma semaphore(%arg14 : memref<!tpu.dma_semaphore, #tpu.memory_space<semaphore_mem>>) src(%dma_wait3A_771 : memref<1000000xf32, #tpu.memory_space<vmem_shared>>) dst(%dma_wait3A_766 : memref<200xf32, #tpu.memory_space<vmem>>)
    %dma_wait3A_772 = arith.constant 0 : i32
    %dma_wait3A_773 = arith.constant 0 : i32
    %dma_wait3A_774 = arith.constant 1200 : i32
    %dma_wait3A_775 = tpu.memref_slice %arg10[%dma_wait3A_773, %dma_wait3A_774] : memref<2x1600xf32, #tpu.memory_space<vmem>> -> memref<1x200xf32, #tpu.memory_space<vmem>>
    %dma_wait3A_776 = tpu.memref_squeeze %dma_wait3A_775 : memref<1x200xf32, #tpu.memory_space<vmem>> -> memref<200xf32, #tpu.memory_space<vmem>>
    %dma_wait3A_777 = arith.constant 1200 : i32
    %dma_wait3A_778 = tpu.memref_slice %arg9[%dma_wait3A_772, %dma_wait3A_777] : memref<2x1600xi32, #tpu.memory_space<vmem>> -> memref<1x200xi32, #tpu.memory_space<vmem>>
    %dma_wait3A_779 = tpu.memref_squeeze %dma_wait3A_778 : memref<1x200xi32, #tpu.memory_space<vmem>> -> memref<200xi32, #tpu.memory_space<vmem>>
    %dma_wait3A_780 = arith.constant 0 : i32
    %dma_wait3A_781 = tpu.memref_slice %arg7[%dma_wait3A_780] : memref<1000000xf32, #tpu.memory_space<vmem_shared>> -> memref<1000000xf32, #tpu.memory_space<vmem_shared>>
    tpu.wait_indirect_dma semaphore(%arg14 : memref<!tpu.dma_semaphore, #tpu.memory_space<semaphore_mem>>) src(%dma_wait3A_781 : memref<1000000xf32, #tpu.memory_space<vmem_shared>>) dst(%dma_wait3A_776 : memref<200xf32, #tpu.memory_space<vmem>>)
    %dma_wait3A_782 = arith.constant 0 : i32
    %dma_wait3A_783 = arith.constant 0 : i32
    %dma_wait3A_784 = arith.constant 1400 : i32
    %dma_wait3A_785 = tpu.memref_slice %arg10[%dma_wait3A_783, %dma_wait3A_784] : memref<2x1600xf32, #tpu.memory_space<vmem>> -> memref<1x200xf32, #tpu.memory_space<vmem>>
    %dma_wait3A_786 = tpu.memref_squeeze %dma_wait3A_785 : memref<1x200xf32, #tpu.memory_space<vmem>> -> memref<200xf32, #tpu.memory_space<vmem>>
    %dma_wait3A_787 = arith.constant 1400 : i32
    %dma_wait3A_788 = tpu.memref_slice %arg9[%dma_wait3A_782, %dma_wait3A_787] : memref<2x1600xi32, #tpu.memory_space<vmem>> -> memref<1x200xi32, #tpu.memory_space<vmem>>
    %dma_wait3A_789 = tpu.memref_squeeze %dma_wait3A_788 : memref<1x200xi32, #tpu.memory_space<vmem>> -> memref<200xi32, #tpu.memory_space<vmem>>
    %dma_wait3A_790 = arith.constant 0 : i32
    %dma_wait3A_791 = tpu.memref_slice %arg7[%dma_wait3A_790] : memref<1000000xf32, #tpu.memory_space<vmem_shared>> -> memref<1000000xf32, #tpu.memory_space<vmem_shared>>
    tpu.wait_indirect_dma semaphore(%arg14 : memref<!tpu.dma_semaphore, #tpu.memory_space<semaphore_mem>>) src(%dma_wait3A_791 : memref<1000000xf32, #tpu.memory_space<vmem_shared>>) dst(%dma_wait3A_786 : memref<200xf32, #tpu.memory_space<vmem>>)
    %add3A_792 = arith.constant 496 : i32
    %add3A_793 = arith.addi %mul3A_184, %add3A_792 : i32
    %dma_wait3A_794 = arith.constant 0 : i32
    %dma_wait3A_795 = arith.constant 0 : i32
    %dma_wait3A_796 = arith.constant 0 : i32
    %dma_wait3A_797 = arith.constant 0 : i32
    %dma_wait3A_798 = tpu.memref_slice %arg11[%dma_wait3A_794, %dma_wait3A_795, %dma_wait3A_796, %dma_wait3A_797] : memref<2x8x200x3xf32, #tpu.memory_space<vmem>> -> memref<1x8x200x3xf32, #tpu.memory_space<vmem>>
    %dma_wait3A_799 = tpu.memref_squeeze %dma_wait3A_798 : memref<1x8x200x3xf32, #tpu.memory_space<vmem>> -> memref<8x200x3xf32, #tpu.memory_space<vmem>>
    %dma_wait3A_800 = arith.constant 0 : i32
    %dma_wait3A_801 = arith.constant 0 : i32
    %dma_wait3A_802 = tpu.memref_slice %arg6[%add3A_793, %dma_wait3A_800, %dma_wait3A_801] : memref<16384x200x3xf32, #tpu.memory_space<hbm>> -> memref<8x200x3xf32, #tpu.memory_space<hbm>>
    %dma_wait3A_803 = arith.constant 0 : i32
    %dma_wait3A_804 = arith.constant 0 : i32
    %dma_wait3A_805 = tpu.memref_slice %arg6[%add3A_793, %dma_wait3A_803, %dma_wait3A_804] : memref<16384x200x3xf32, #tpu.memory_space<hbm>> -> memref<8x200x3xf32, #tpu.memory_space<hbm>>
    %dma_wait3A_806 = arith.constant 0 : i32
    %dma_wait3A_807 = arith.constant 0 : i32
    %dma_wait3A_808 = arith.constant 0 : i32
    %dma_wait3A_809 = tpu.memref_slice %arg11[%dma_wait3A_794, %dma_wait3A_806, %dma_wait3A_807, %dma_wait3A_808] : memref<2x8x200x3xf32, #tpu.memory_space<vmem>> -> memref<1x8x200x3xf32, #tpu.memory_space<vmem>>
    %dma_wait3A_810 = tpu.memref_squeeze %dma_wait3A_809 : memref<1x8x200x3xf32, #tpu.memory_space<vmem>> -> memref<8x200x3xf32, #tpu.memory_space<vmem>>
    tpu.wait_dma2 semaphore(%arg15 : memref<!tpu.dma_semaphore, #tpu.memory_space<semaphore_mem>>) src(%dma_wait3A_810 : memref<8x200x3xf32, #tpu.memory_space<vmem>>) dst(%dma_wait3A_805 : memref<8x200x3xf32, #tpu.memory_space<hbm>>)
    %scan3A_811 = arith.constant 0 : i32
    %scan3A_812 = arith.constant 300 : i32
    %scan3A_813 = arith.addi %scan3A_811, %scan3A_812 : i32
    %scan3A_814 = arith.constant 1 : i32
    scf.for %scan3A_1016 = %scan3A_811 to %scan3A_813 step %scan3A_814  : i32 {
      %mul3A_1017 = arith.constant 1 : i32
      %mul3A_1018 = arith.muli %scan3A_1016, %mul3A_1017 : i32
      %add3A_1019 = arith.constant 0 : i32
      %add3A_1020 = arith.addi %add3A_1019, %mul3A_1018 : i32
      %mul3A_1021 = arith.constant 16 : i32
      %mul3A_1022 = arith.muli %add3A_1020, %mul3A_1021 : i32
      %add3A_1023 = vector.broadcast %mul3A_1022 : i32 to vector<16xi32>
      %add3A_1024 = arith.addi %add3A_1023, %iota3A : vector<16xi32>
      %jit3A_1025 = arith.constant 600 : i32
      %div3A_1026 = vector.broadcast %jit3A_1025 : i32 to vector<16xi32>
      %div3A_1027 = arith.divsi %add3A_1024, %div3A_1026 : vector<16xi32>
      %sign3A_1028 = arith.constant 0 : i32
      %sign3A_1029 = vector.broadcast %sign3A_1028 : i32 to vector<16xi32>
      %sign3A_1030 = arith.cmpi sgt, %add3A_1024, %sign3A_1029 : vector<16xi32>
      %sign3A_1031 = arith.extui %sign3A_1030 : vector<16xi1> to vector<16xi32>
      %sign3A_1032 = arith.constant 0 : i32
      %sign3A_1033 = vector.broadcast %sign3A_1032 : i32 to vector<16xi32>
      %sign3A_1034 = arith.cmpi slt, %add3A_1024, %sign3A_1033 : vector<16xi32>
      %sign3A_1035 = arith.extui %sign3A_1034 : vector<16xi1> to vector<16xi32>
      %sign3A_1036 = arith.subi %sign3A_1031, %sign3A_1035 : vector<16xi32>
      %sign3A_1037 = arith.constant 0 : i32
      %sign3A_1038 = arith.cmpi sgt, %jit3A_1025, %sign3A_1037 : i32
      %sign3A_1039 = arith.extui %sign3A_1038 : i1 to i32
      %sign3A_1040 = arith.constant 0 : i32
      %sign3A_1041 = arith.cmpi slt, %jit3A_1025, %sign3A_1040 : i32
      %sign3A_1042 = arith.extui %sign3A_1041 : i1 to i32
      %sign3A_1043 = arith.subi %sign3A_1039, %sign3A_1042 : i32
      %ne3A_1044 = vector.broadcast %sign3A_1043 : i32 to vector<16xi32>
      %ne3A_1045 = arith.cmpi ne, %sign3A_1036, %ne3A_1044 : vector<16xi32>
      %rem3A_1046 = vector.broadcast %jit3A_1025 : i32 to vector<16xi32>
      %rem3A_1047 = arith.remsi %add3A_1024, %rem3A_1046 : vector<16xi32>
      %ne3A_1048 = arith.constant 0 : i32
      %ne3A_1049 = vector.broadcast %ne3A_1048 : i32 to vector<16xi32>
      %ne3A_1050 = arith.cmpi ne, %rem3A_1047, %ne3A_1049 : vector<16xi32>
      %and3A_1051 = arith.andi %ne3A_1045, %ne3A_1050 : vector<16xi1>
      %sub3A_1052 = arith.constant 1 : i32
      %sub3A_1053 = vector.broadcast %sub3A_1052 : i32 to vector<16xi32>
      %sub3A_1054 = arith.subi %div3A_1027, %sub3A_1053 : vector<16xi32>
      %select_n3A_1055 = arith.select %and3A_1051, %sub3A_1054, %div3A_1027 : vector<16xi1>, vector<16xi32>
      %jit3A_1056 = arith.constant 600 : i32
      %eq3A_1057 = arith.constant 0 : i32
      %eq3A_1058 = arith.cmpi eq, %jit3A_1056, %eq3A_1057 : i32
      %jit3A_1059 = arith.constant 1 : i32
      %select_n3A_1060 = arith.select %eq3A_1058, %jit3A_1059, %jit3A_1056 : i32
      %rem3A_1061 = vector.broadcast %select_n3A_1060 : i32 to vector<16xi32>
      %rem3A_1062 = arith.remsi %add3A_1024, %rem3A_1061 : vector<16xi32>
      %ne3A_1063 = arith.constant 0 : i32
      %ne3A_1064 = vector.broadcast %ne3A_1063 : i32 to vector<16xi32>
      %ne3A_1065 = arith.cmpi ne, %rem3A_1062, %ne3A_1064 : vector<16xi32>
      %lt3A_1066 = arith.constant 0 : i32
      %lt3A_1067 = vector.broadcast %lt3A_1066 : i32 to vector<16xi32>
      %lt3A_1068 = arith.cmpi slt, %rem3A_1062, %lt3A_1067 : vector<16xi32>
      %lt3A_1069 = arith.constant 0 : i32
      %lt3A_1070 = arith.cmpi slt, %select_n3A_1060, %lt3A_1069 : i32
      %ne3A_1071 = vector.broadcast %lt3A_1070 : i1 to vector<16xi1>
      %ne3A_1072 = vector.broadcast %ne3A_1071 : vector<16xi1> to vector<16xi1>
      %ne3A_1073 = arith.xori %lt3A_1068, %ne3A_1072 : vector<16xi1>
      %and3A_1074 = arith.andi %ne3A_1073, %ne3A_1065 : vector<16xi1>
      %add3A_1075 = vector.broadcast %select_n3A_1060 : i32 to vector<16xi32>
      %add3A_1076 = arith.addi %rem3A_1062, %add3A_1075 : vector<16xi32>
      %select_n3A_1077 = arith.select %and3A_1074, %add3A_1076, %rem3A_1062 : vector<16xi1>, vector<16xi32>
      %jit3A_1078 = arith.constant 3 : i32
      %div3A_1079 = vector.broadcast %jit3A_1078 : i32 to vector<16xi32>
      %div3A_1080 = arith.divsi %select_n3A_1077, %div3A_1079 : vector<16xi32>
      %sign3A_1081 = arith.constant 0 : i32
      %sign3A_1082 = vector.broadcast %sign3A_1081 : i32 to vector<16xi32>
      %sign3A_1083 = arith.cmpi sgt, %select_n3A_1077, %sign3A_1082 : vector<16xi32>
      %sign3A_1084 = arith.extui %sign3A_1083 : vector<16xi1> to vector<16xi32>
      %sign3A_1085 = arith.constant 0 : i32
      %sign3A_1086 = vector.broadcast %sign3A_1085 : i32 to vector<16xi32>
      %sign3A_1087 = arith.cmpi slt, %select_n3A_1077, %sign3A_1086 : vector<16xi32>
      %sign3A_1088 = arith.extui %sign3A_1087 : vector<16xi1> to vector<16xi32>
      %sign3A_1089 = arith.subi %sign3A_1084, %sign3A_1088 : vector<16xi32>
      %sign3A_1090 = arith.constant 0 : i32
      %sign3A_1091 = arith.cmpi sgt, %jit3A_1078, %sign3A_1090 : i32
      %sign3A_1092 = arith.extui %sign3A_1091 : i1 to i32
      %sign3A_1093 = arith.constant 0 : i32
      %sign3A_1094 = arith.cmpi slt, %jit3A_1078, %sign3A_1093 : i32
      %sign3A_1095 = arith.extui %sign3A_1094 : i1 to i32
      %sign3A_1096 = arith.subi %sign3A_1092, %sign3A_1095 : i32
      %ne3A_1097 = vector.broadcast %sign3A_1096 : i32 to vector<16xi32>
      %ne3A_1098 = arith.cmpi ne, %sign3A_1089, %ne3A_1097 : vector<16xi32>
      %rem3A_1099 = vector.broadcast %jit3A_1078 : i32 to vector<16xi32>
      %rem3A_1100 = arith.remsi %select_n3A_1077, %rem3A_1099 : vector<16xi32>
      %ne3A_1101 = arith.constant 0 : i32
      %ne3A_1102 = vector.broadcast %ne3A_1101 : i32 to vector<16xi32>
      %ne3A_1103 = arith.cmpi ne, %rem3A_1100, %ne3A_1102 : vector<16xi32>
      %and3A_1104 = arith.andi %ne3A_1098, %ne3A_1103 : vector<16xi1>
      %sub3A_1105 = arith.constant 1 : i32
      %sub3A_1106 = vector.broadcast %sub3A_1105 : i32 to vector<16xi32>
      %sub3A_1107 = arith.subi %div3A_1080, %sub3A_1106 : vector<16xi32>
      %select_n3A_1108 = arith.select %and3A_1104, %sub3A_1107, %div3A_1080 : vector<16xi1>, vector<16xi32>
      %jit3A_1109 = arith.constant 3 : i32
      %eq3A_1110 = arith.constant 0 : i32
      %eq3A_1111 = arith.cmpi eq, %jit3A_1109, %eq3A_1110 : i32
      %jit3A_1112 = arith.constant 1 : i32
      %select_n3A_1113 = arith.select %eq3A_1111, %jit3A_1112, %jit3A_1109 : i32
      %rem3A_1114 = vector.broadcast %select_n3A_1113 : i32 to vector<16xi32>
      %rem3A_1115 = arith.remsi %select_n3A_1077, %rem3A_1114 : vector<16xi32>
      %ne3A_1116 = arith.constant 0 : i32
      %ne3A_1117 = vector.broadcast %ne3A_1116 : i32 to vector<16xi32>
      %ne3A_1118 = arith.cmpi ne, %rem3A_1115, %ne3A_1117 : vector<16xi32>
      %lt3A_1119 = arith.constant 0 : i32
      %lt3A_1120 = vector.broadcast %lt3A_1119 : i32 to vector<16xi32>
      %lt3A_1121 = arith.cmpi slt, %rem3A_1115, %lt3A_1120 : vector<16xi32>
      %lt3A_1122 = arith.constant 0 : i32
      %lt3A_1123 = arith.cmpi slt, %select_n3A_1113, %lt3A_1122 : i32
      %ne3A_1124 = vector.broadcast %lt3A_1123 : i1 to vector<16xi1>
      %ne3A_1125 = vector.broadcast %ne3A_1124 : vector<16xi1> to vector<16xi1>
      %ne3A_1126 = arith.xori %lt3A_1121, %ne3A_1125 : vector<16xi1>
      %and3A_1127 = arith.andi %ne3A_1126, %ne3A_1118 : vector<16xi1>
      %add3A_1128 = vector.broadcast %select_n3A_1113 : i32 to vector<16xi32>
      %add3A_1129 = arith.addi %rem3A_1115, %add3A_1128 : vector<16xi32>
      %select_n3A_1130 = arith.select %and3A_1127, %add3A_1129, %rem3A_1115 : vector<16xi1>, vector<16xi32>
      %jit3A_1131 = arith.constant 3 : i32
      %div3A_1132 = vector.broadcast %jit3A_1131 : i32 to vector<16xi32>
      %div3A_1133 = arith.divsi %add3A_1024, %div3A_1132 : vector<16xi32>
      %sign3A_1134 = arith.constant 0 : i32
      %sign3A_1135 = vector.broadcast %sign3A_1134 : i32 to vector<16xi32>
      %sign3A_1136 = arith.cmpi sgt, %add3A_1024, %sign3A_1135 : vector<16xi32>
      %sign3A_1137 = arith.extui %sign3A_1136 : vector<16xi1> to vector<16xi32>
      %sign3A_1138 = arith.constant 0 : i32
      %sign3A_1139 = vector.broadcast %sign3A_1138 : i32 to vector<16xi32>
      %sign3A_1140 = arith.cmpi slt, %add3A_1024, %sign3A_1139 : vector<16xi32>
      %sign3A_1141 = arith.extui %sign3A_1140 : vector<16xi1> to vector<16xi32>
      %sign3A_1142 = arith.subi %sign3A_1137, %sign3A_1141 : vector<16xi32>
      %sign3A_1143 = arith.constant 0 : i32
      %sign3A_1144 = arith.cmpi sgt, %jit3A_1131, %sign3A_1143 : i32
      %sign3A_1145 = arith.extui %sign3A_1144 : i1 to i32
      %sign3A_1146 = arith.constant 0 : i32
      %sign3A_1147 = arith.cmpi slt, %jit3A_1131, %sign3A_1146 : i32
      %sign3A_1148 = arith.extui %sign3A_1147 : i1 to i32
      %sign3A_1149 = arith.subi %sign3A_1145, %sign3A_1148 : i32
      %ne3A_1150 = vector.broadcast %sign3A_1149 : i32 to vector<16xi32>
      %ne3A_1151 = arith.cmpi ne, %sign3A_1142, %ne3A_1150 : vector<16xi32>
      %rem3A_1152 = vector.broadcast %jit3A_1131 : i32 to vector<16xi32>
      %rem3A_1153 = arith.remsi %add3A_1024, %rem3A_1152 : vector<16xi32>
      %ne3A_1154 = arith.constant 0 : i32
      %ne3A_1155 = vector.broadcast %ne3A_1154 : i32 to vector<16xi32>
      %ne3A_1156 = arith.cmpi ne, %rem3A_1153, %ne3A_1155 : vector<16xi32>
      %and3A_1157 = arith.andi %ne3A_1151, %ne3A_1156 : vector<16xi1>
      %sub3A_1158 = arith.constant 1 : i32
      %sub3A_1159 = vector.broadcast %sub3A_1158 : i32 to vector<16xi32>
      %sub3A_1160 = arith.subi %div3A_1133, %sub3A_1159 : vector<16xi32>
      %select_n3A_1161 = arith.select %and3A_1157, %sub3A_1160, %div3A_1133 : vector<16xi1>, vector<16xi32>
      %gather3A_1162 = arith.constant 0 : i32
      %gather3A_1163 = arith.constant 0 : i32
      %gather3A_1164 = tpu.memref_slice %arg10[%gather3A_1162, %gather3A_1163] : memref<2x1600xf32, #tpu.memory_space<vmem>> -> memref<1x1600xf32, #tpu.memory_space<vmem>>
      %gather3A_1165 = tpu.memref_squeeze %gather3A_1164 : memref<1x1600xf32, #tpu.memory_space<vmem>> -> memref<1600xf32, #tpu.memory_space<vmem>>
      %gather3A_1166 = tpu.vector_load_idx %gather3A_1165[%select_n3A_1161] : memref<1600xf32, #tpu.memory_space<vmem>>[vector<16xi32>], vector<16xf32>,
      %gather3A_1167 = tpu.vector_load_idx %arg8[%select_n3A_1130] : memref<16xf32, #tpu.memory_space<vmem>>[vector<16xi32>], vector<16xf32>,
      %add3A_1168 = arith.constant 8 : i32
      %add3A_1169 = vector.broadcast %add3A_1168 : i32 to vector<16xi32>
      %add3A_1170 = arith.addi %select_n3A_1130, %add3A_1169 : vector<16xi32>
      %gather3A_1171 = tpu.vector_load_idx %arg8[%add3A_1170] : memref<16xf32, #tpu.memory_space<vmem>>[vector<16xi32>], vector<16xf32>,
      %mul3A_1172 = arith.mulf %gather3A_1166, %gather3A_1167 : vector<16xf32>
      %add3A_1173 = arith.addf %mul3A_1172, %gather3A_1171 : vector<16xf32>
      %scatter3A = arith.constant 0 : i32
      %scatter3A_1174 = arith.constant 0 : i32
      %scatter3A_1175 = arith.constant 0 : i32
      %scatter3A_1176 = arith.constant 0 : i32
      %scatter3A_1177 = tpu.memref_slice %arg11[%scatter3A, %scatter3A_1174, %scatter3A_1175, %scatter3A_1176] : memref<2x8x200x3xf32, #tpu.memory_space<vmem>> -> memref<1x8x200x3xf32, #tpu.memory_space<vmem>>
      %scatter3A_1178 = tpu.memref_squeeze %scatter3A_1177 : memref<1x8x200x3xf32, #tpu.memory_space<vmem>> -> memref<8x200x3xf32, #tpu.memory_space<vmem>>
      tpu.vector_store_idx %scatter3A_1178[%select_n3A_1055, %select_n3A_1108, %select_n3A_1130], %add3A_1173 : memref<8x200x3xf32, #tpu.memory_space<vmem>>[vector<16xi32>, vector<16xi32>, vector<16xi32>], vector<16xf32>,
    }
    %scan3A_815 = arith.constant 300 : i32
    %add3A_816 = arith.constant 496 : i32
    %add3A_817 = arith.addi %mul3A_184, %add3A_816 : i32
    %run_scoped3A = arith.constant 0 : i32
    "tpu.region"() ({
      %run_scoped3A_1016 = tpu.sem_alloc : memref<!tpu.dma_semaphore, #tpu.memory_space<semaphore_mem>>
      %dma_start3A_1017 = arith.constant 0 : i32
      %dma_start3A_1018 = arith.constant 0 : i32
      %dma_start3A_1019 = arith.constant 0 : i32
      %dma_start3A_1020 = tpu.memref_slice %arg11[%run_scoped3A, %dma_start3A_1017, %dma_start3A_1018, %dma_start3A_1019] : memref<2x8x200x3xf32, #tpu.memory_space<vmem>> -> memref<1x8x200x3xf32, #tpu.memory_space<vmem>>
      %dma_start3A_1021 = tpu.memref_squeeze %dma_start3A_1020 : memref<1x8x200x3xf32, #tpu.memory_space<vmem>> -> memref<8x200x3xf32, #tpu.memory_space<vmem>>
      %dma_start3A_1022 = arith.constant 0 : i32
      %dma_start3A_1023 = arith.constant 0 : i32
      %dma_start3A_1024 = tpu.memref_slice %arg6[%add3A_817, %dma_start3A_1022, %dma_start3A_1023] : memref<16384x200x3xf32, #tpu.memory_space<hbm>> -> memref<8x200x3xf32, #tpu.memory_space<hbm>>
      %dma_start3A_1025 = arith.constant 0 : i32
      %dma_start3A_1026 = arith.constant 0 : i32
      %dma_start3A_1027 = tpu.memref_slice %arg6[%add3A_817, %dma_start3A_1025, %dma_start3A_1026] : memref<16384x200x3xf32, #tpu.memory_space<hbm>> -> memref<8x200x3xf32, #tpu.memory_space<hbm>>
      %dma_start3A_1028 = arith.constant 0 : i32
      %dma_start3A_1029 = arith.constant 0 : i32
      %dma_start3A_1030 = arith.constant 0 : i32
      %dma_start3A_1031 = tpu.memref_slice %arg11[%run_scoped3A, %dma_start3A_1028, %dma_start3A_1029, %dma_start3A_1030] : memref<2x8x200x3xf32, #tpu.memory_space<vmem>> -> memref<1x8x200x3xf32, #tpu.memory_space<vmem>>
      %dma_start3A_1032 = tpu.memref_squeeze %dma_start3A_1031 : memref<1x8x200x3xf32, #tpu.memory_space<vmem>> -> memref<8x200x3xf32, #tpu.memory_space<vmem>>
      tpu.enqueue_dma source(%dma_start3A_1032 : memref<8x200x3xf32, #tpu.memory_space<vmem>>) target(%dma_start3A_1027 : memref<8x200x3xf32, #tpu.memory_space<hbm>>) target_semaphore(%run_scoped3A_1016 : memref<!tpu.dma_semaphore, #tpu.memory_space<semaphore_mem>>)
      %dma_wait3A_1033 = arith.constant 0 : i32
      %dma_wait3A_1034 = arith.constant 0 : i32
      %dma_wait3A_1035 = arith.constant 0 : i32
      %dma_wait3A_1036 = tpu.memref_slice %arg11[%run_scoped3A, %dma_wait3A_1033, %dma_wait3A_1034, %dma_wait3A_1035] : memref<2x8x200x3xf32, #tpu.memory_space<vmem>> -> memref<1x8x200x3xf32, #tpu.memory_space<vmem>>
      %dma_wait3A_1037 = tpu.memref_squeeze %dma_wait3A_1036 : memref<1x8x200x3xf32, #tpu.memory_space<vmem>> -> memref<8x200x3xf32, #tpu.memory_space<vmem>>
      %dma_wait3A_1038 = arith.constant 0 : i32
      %dma_wait3A_1039 = arith.constant 0 : i32
      %dma_wait3A_1040 = tpu.memref_slice %arg6[%add3A_817, %dma_wait3A_1038, %dma_wait3A_1039] : memref<16384x200x3xf32, #tpu.memory_space<hbm>> -> memref<8x200x3xf32, #tpu.memory_space<hbm>>
      %dma_wait3A_1041 = arith.constant 0 : i32
      %dma_wait3A_1042 = arith.constant 0 : i32
      %dma_wait3A_1043 = tpu.memref_slice %arg6[%add3A_817, %dma_wait3A_1041, %dma_wait3A_1042] : memref<16384x200x3xf32, #tpu.memory_space<hbm>> -> memref<8x200x3xf32, #tpu.memory_space<hbm>>
      %dma_wait3A_1044 = arith.constant 0 : i32
      %dma_wait3A_1045 = arith.constant 0 : i32
      %dma_wait3A_1046 = arith.constant 0 : i32
      %dma_wait3A_1047 = tpu.memref_slice %arg11[%run_scoped3A, %dma_wait3A_1044, %dma_wait3A_1045, %dma_wait3A_1046] : memref<2x8x200x3xf32, #tpu.memory_space<vmem>> -> memref<1x8x200x3xf32, #tpu.memory_space<vmem>>
      %dma_wait3A_1048 = tpu.memref_squeeze %dma_wait3A_1047 : memref<1x8x200x3xf32, #tpu.memory_space<vmem>> -> memref<8x200x3xf32, #tpu.memory_space<vmem>>
      tpu.wait_dma2 semaphore(%run_scoped3A_1016 : memref<!tpu.dma_semaphore, #tpu.memory_space<semaphore_mem>>) src(%dma_wait3A_1048 : memref<8x200x3xf32, #tpu.memory_space<vmem>>) dst(%dma_wait3A_1043 : memref<8x200x3xf32, #tpu.memory_space<hbm>>)
      tpu.yield
    }) : () -> ()
    %add3A_818 = arith.constant 100800 : i32
    %add3A_819 = arith.addi %mul3A_182, %add3A_818 : i32
    %dma_wait3A_820 = arith.constant 1 : i32
    %dma_wait3A_821 = arith.constant 0 : i32
    %dma_wait3A_822 = tpu.memref_slice %arg9[%dma_wait3A_820, %dma_wait3A_821] : memref<2x1600xi32, #tpu.memory_space<vmem>> -> memref<1x1600xi32, #tpu.memory_space<vmem>>
    %dma_wait3A_823 = tpu.memref_squeeze %dma_wait3A_822 : memref<1x1600xi32, #tpu.memory_space<vmem>> -> memref<1600xi32, #tpu.memory_space<vmem>>
    %dma_wait3A_824 = tpu.memref_slice %arg5[%add3A_819] : memref<3276800xi32, #tpu.memory_space<hbm>> -> memref<1600xi32, #tpu.memory_space<hbm>>
    %dma_wait3A_825 = arith.constant 0 : i32
    %dma_wait3A_826 = tpu.memref_slice %arg9[%dma_wait3A_820, %dma_wait3A_825] : memref<2x1600xi32, #tpu.memory_space<vmem>> -> memref<1x1600xi32, #tpu.memory_space<vmem>>
    %dma_wait3A_827 = tpu.memref_squeeze %dma_wait3A_826 : memref<1x1600xi32, #tpu.memory_space<vmem>> -> memref<1600xi32, #tpu.memory_space<vmem>>
    %dma_wait3A_828 = tpu.memref_slice %arg5[%add3A_819] : memref<3276800xi32, #tpu.memory_space<hbm>> -> memref<1600xi32, #tpu.memory_space<hbm>>
    tpu.wait_dma2 semaphore(%arg13 : memref<!tpu.dma_semaphore, #tpu.memory_space<semaphore_mem>>) src(%dma_wait3A_828 : memref<1600xi32, #tpu.memory_space<hbm>>) dst(%dma_wait3A_827 : memref<1600xi32, #tpu.memory_space<vmem>>)
    %dma_start3A_829 = arith.constant 1 : i32
    %dma_start3A_830 = arith.constant 1 : i32
    %dma_start3A_831 = arith.constant 0 : i32
    %dma_start3A_832 = tpu.memref_slice %arg10[%dma_start3A_830, %dma_start3A_831] : memref<2x1600xf32, #tpu.memory_space<vmem>> -> memref<1x200xf32, #tpu.memory_space<vmem>>
    %dma_start3A_833 = tpu.memref_squeeze %dma_start3A_832 : memref<1x200xf32, #tpu.memory_space<vmem>> -> memref<200xf32, #tpu.memory_space<vmem>>
    %dma_start3A_834 = arith.constant 0 : i32
    %dma_start3A_835 = tpu.memref_slice %arg9[%dma_start3A_829, %dma_start3A_834] : memref<2x1600xi32, #tpu.memory_space<vmem>> -> memref<1x200xi32, #tpu.memory_space<vmem>>
    %dma_start3A_836 = tpu.memref_squeeze %dma_start3A_835 : memref<1x200xi32, #tpu.memory_space<vmem>> -> memref<200xi32, #tpu.memory_space<vmem>>
    %dma_start3A_837 = arith.constant 0 : i32
    %dma_start3A_838 = tpu.memref_slice %arg7[%dma_start3A_837] : memref<1000000xf32, #tpu.memory_space<vmem_shared>> -> memref<1000000xf32, #tpu.memory_space<vmem_shared>>
    tpu.enqueue_indirect_dma source(%dma_start3A_838 : memref<1000000xf32, #tpu.memory_space<vmem_shared>>) target(%dma_start3A_833 : memref<200xf32, #tpu.memory_space<vmem>>) offsets(%dma_start3A_836 : memref<200xi32, #tpu.memory_space<vmem>>) semaphore(%arg14 : memref<!tpu.dma_semaphore, #tpu.memory_space<semaphore_mem>>)
    %dma_start3A_839 = arith.constant 1 : i32
    %dma_start3A_840 = arith.constant 1 : i32
    %dma_start3A_841 = arith.constant 200 : i32
    %dma_start3A_842 = tpu.memref_slice %arg10[%dma_start3A_840, %dma_start3A_841] : memref<2x1600xf32, #tpu.memory_space<vmem>> -> memref<1x200xf32, #tpu.memory_space<vmem>>
    %dma_start3A_843 = tpu.memref_squeeze %dma_start3A_842 : memref<1x200xf32, #tpu.memory_space<vmem>> -> memref<200xf32, #tpu.memory_space<vmem>>
    %dma_start3A_844 = arith.constant 200 : i32
    %dma_start3A_845 = tpu.memref_slice %arg9[%dma_start3A_839, %dma_start3A_844] : memref<2x1600xi32, #tpu.memory_space<vmem>> -> memref<1x200xi32, #tpu.memory_space<vmem>>
    %dma_start3A_846 = tpu.memref_squeeze %dma_start3A_845 : memref<1x200xi32, #tpu.memory_space<vmem>> -> memref<200xi32, #tpu.memory_space<vmem>>
    %dma_start3A_847 = arith.constant 0 : i32
    %dma_start3A_848 = tpu.memref_slice %arg7[%dma_start3A_847] : memref<1000000xf32, #tpu.memory_space<vmem_shared>> -> memref<1000000xf32, #tpu.memory_space<vmem_shared>>
    tpu.enqueue_indirect_dma source(%dma_start3A_848 : memref<1000000xf32, #tpu.memory_space<vmem_shared>>) target(%dma_start3A_843 : memref<200xf32, #tpu.memory_space<vmem>>) offsets(%dma_start3A_846 : memref<200xi32, #tpu.memory_space<vmem>>) semaphore(%arg14 : memref<!tpu.dma_semaphore, #tpu.memory_space<semaphore_mem>>)
    %dma_start3A_849 = arith.constant 1 : i32
    %dma_start3A_850 = arith.constant 1 : i32
    %dma_start3A_851 = arith.constant 400 : i32
    %dma_start3A_852 = tpu.memref_slice %arg10[%dma_start3A_850, %dma_start3A_851] : memref<2x1600xf32, #tpu.memory_space<vmem>> -> memref<1x200xf32, #tpu.memory_space<vmem>>
    %dma_start3A_853 = tpu.memref_squeeze %dma_start3A_852 : memref<1x200xf32, #tpu.memory_space<vmem>> -> memref<200xf32, #tpu.memory_space<vmem>>
    %dma_start3A_854 = arith.constant 400 : i32
    %dma_start3A_855 = tpu.memref_slice %arg9[%dma_start3A_849, %dma_start3A_854] : memref<2x1600xi32, #tpu.memory_space<vmem>> -> memref<1x200xi32, #tpu.memory_space<vmem>>
    %dma_start3A_856 = tpu.memref_squeeze %dma_start3A_855 : memref<1x200xi32, #tpu.memory_space<vmem>> -> memref<200xi32, #tpu.memory_space<vmem>>
    %dma_start3A_857 = arith.constant 0 : i32
    %dma_start3A_858 = tpu.memref_slice %arg7[%dma_start3A_857] : memref<1000000xf32, #tpu.memory_space<vmem_shared>> -> memref<1000000xf32, #tpu.memory_space<vmem_shared>>
    tpu.enqueue_indirect_dma source(%dma_start3A_858 : memref<1000000xf32, #tpu.memory_space<vmem_shared>>) target(%dma_start3A_853 : memref<200xf32, #tpu.memory_space<vmem>>) offsets(%dma_start3A_856 : memref<200xi32, #tpu.memory_space<vmem>>) semaphore(%arg14 : memref<!tpu.dma_semaphore, #tpu.memory_space<semaphore_mem>>)
    %dma_start3A_859 = arith.constant 1 : i32
    %dma_start3A_860 = arith.constant 1 : i32
    %dma_start3A_861 = arith.constant 600 : i32
    %dma_start3A_862 = tpu.memref_slice %arg10[%dma_start3A_860, %dma_start3A_861] : memref<2x1600xf32, #tpu.memory_space<vmem>> -> memref<1x200xf32, #tpu.memory_space<vmem>>
    %dma_start3A_863 = tpu.memref_squeeze %dma_start3A_862 : memref<1x200xf32, #tpu.memory_space<vmem>> -> memref<200xf32, #tpu.memory_space<vmem>>
    %dma_start3A_864 = arith.constant 600 : i32
    %dma_start3A_865 = tpu.memref_slice %arg9[%dma_start3A_859, %dma_start3A_864] : memref<2x1600xi32, #tpu.memory_space<vmem>> -> memref<1x200xi32, #tpu.memory_space<vmem>>
    %dma_start3A_866 = tpu.memref_squeeze %dma_start3A_865 : memref<1x200xi32, #tpu.memory_space<vmem>> -> memref<200xi32, #tpu.memory_space<vmem>>
    %dma_start3A_867 = arith.constant 0 : i32
    %dma_start3A_868 = tpu.memref_slice %arg7[%dma_start3A_867] : memref<1000000xf32, #tpu.memory_space<vmem_shared>> -> memref<1000000xf32, #tpu.memory_space<vmem_shared>>
    tpu.enqueue_indirect_dma source(%dma_start3A_868 : memref<1000000xf32, #tpu.memory_space<vmem_shared>>) target(%dma_start3A_863 : memref<200xf32, #tpu.memory_space<vmem>>) offsets(%dma_start3A_866 : memref<200xi32, #tpu.memory_space<vmem>>) semaphore(%arg14 : memref<!tpu.dma_semaphore, #tpu.memory_space<semaphore_mem>>)
    %dma_start3A_869 = arith.constant 1 : i32
    %dma_start3A_870 = arith.constant 1 : i32
    %dma_start3A_871 = arith.constant 800 : i32
    %dma_start3A_872 = tpu.memref_slice %arg10[%dma_start3A_870, %dma_start3A_871] : memref<2x1600xf32, #tpu.memory_space<vmem>> -> memref<1x200xf32, #tpu.memory_space<vmem>>
    %dma_start3A_873 = tpu.memref_squeeze %dma_start3A_872 : memref<1x200xf32, #tpu.memory_space<vmem>> -> memref<200xf32, #tpu.memory_space<vmem>>
    %dma_start3A_874 = arith.constant 800 : i32
    %dma_start3A_875 = tpu.memref_slice %arg9[%dma_start3A_869, %dma_start3A_874] : memref<2x1600xi32, #tpu.memory_space<vmem>> -> memref<1x200xi32, #tpu.memory_space<vmem>>
    %dma_start3A_876 = tpu.memref_squeeze %dma_start3A_875 : memref<1x200xi32, #tpu.memory_space<vmem>> -> memref<200xi32, #tpu.memory_space<vmem>>
    %dma_start3A_877 = arith.constant 0 : i32
    %dma_start3A_878 = tpu.memref_slice %arg7[%dma_start3A_877] : memref<1000000xf32, #tpu.memory_space<vmem_shared>> -> memref<1000000xf32, #tpu.memory_space<vmem_shared>>
    tpu.enqueue_indirect_dma source(%dma_start3A_878 : memref<1000000xf32, #tpu.memory_space<vmem_shared>>) target(%dma_start3A_873 : memref<200xf32, #tpu.memory_space<vmem>>) offsets(%dma_start3A_876 : memref<200xi32, #tpu.memory_space<vmem>>) semaphore(%arg14 : memref<!tpu.dma_semaphore, #tpu.memory_space<semaphore_mem>>)
    %dma_start3A_879 = arith.constant 1 : i32
    %dma_start3A_880 = arith.constant 1 : i32
    %dma_start3A_881 = arith.constant 1000 : i32
    %dma_start3A_882 = tpu.memref_slice %arg10[%dma_start3A_880, %dma_start3A_881] : memref<2x1600xf32, #tpu.memory_space<vmem>> -> memref<1x200xf32, #tpu.memory_space<vmem>>
    %dma_start3A_883 = tpu.memref_squeeze %dma_start3A_882 : memref<1x200xf32, #tpu.memory_space<vmem>> -> memref<200xf32, #tpu.memory_space<vmem>>
    %dma_start3A_884 = arith.constant 1000 : i32
    %dma_start3A_885 = tpu.memref_slice %arg9[%dma_start3A_879, %dma_start3A_884] : memref<2x1600xi32, #tpu.memory_space<vmem>> -> memref<1x200xi32, #tpu.memory_space<vmem>>
    %dma_start3A_886 = tpu.memref_squeeze %dma_start3A_885 : memref<1x200xi32, #tpu.memory_space<vmem>> -> memref<200xi32, #tpu.memory_space<vmem>>
    %dma_start3A_887 = arith.constant 0 : i32
    %dma_start3A_888 = tpu.memref_slice %arg7[%dma_start3A_887] : memref<1000000xf32, #tpu.memory_space<vmem_shared>> -> memref<1000000xf32, #tpu.memory_space<vmem_shared>>
    tpu.enqueue_indirect_dma source(%dma_start3A_888 : memref<1000000xf32, #tpu.memory_space<vmem_shared>>) target(%dma_start3A_883 : memref<200xf32, #tpu.memory_space<vmem>>) offsets(%dma_start3A_886 : memref<200xi32, #tpu.memory_space<vmem>>) semaphore(%arg14 : memref<!tpu.dma_semaphore, #tpu.memory_space<semaphore_mem>>)
    %dma_start3A_889 = arith.constant 1 : i32
    %dma_start3A_890 = arith.constant 1 : i32
    %dma_start3A_891 = arith.constant 1200 : i32
    %dma_start3A_892 = tpu.memref_slice %arg10[%dma_start3A_890, %dma_start3A_891] : memref<2x1600xf32, #tpu.memory_space<vmem>> -> memref<1x200xf32, #tpu.memory_space<vmem>>
    %dma_start3A_893 = tpu.memref_squeeze %dma_start3A_892 : memref<1x200xf32, #tpu.memory_space<vmem>> -> memref<200xf32, #tpu.memory_space<vmem>>
    %dma_start3A_894 = arith.constant 1200 : i32
    %dma_start3A_895 = tpu.memref_slice %arg9[%dma_start3A_889, %dma_start3A_894] : memref<2x1600xi32, #tpu.memory_space<vmem>> -> memref<1x200xi32, #tpu.memory_space<vmem>>
    %dma_start3A_896 = tpu.memref_squeeze %dma_start3A_895 : memref<1x200xi32, #tpu.memory_space<vmem>> -> memref<200xi32, #tpu.memory_space<vmem>>
    %dma_start3A_897 = arith.constant 0 : i32
    %dma_start3A_898 = tpu.memref_slice %arg7[%dma_start3A_897] : memref<1000000xf32, #tpu.memory_space<vmem_shared>> -> memref<1000000xf32, #tpu.memory_space<vmem_shared>>
    tpu.enqueue_indirect_dma source(%dma_start3A_898 : memref<1000000xf32, #tpu.memory_space<vmem_shared>>) target(%dma_start3A_893 : memref<200xf32, #tpu.memory_space<vmem>>) offsets(%dma_start3A_896 : memref<200xi32, #tpu.memory_space<vmem>>) semaphore(%arg14 : memref<!tpu.dma_semaphore, #tpu.memory_space<semaphore_mem>>)
    %dma_start3A_899 = arith.constant 1 : i32
    %dma_start3A_900 = arith.constant 1 : i32
    %dma_start3A_901 = arith.constant 1400 : i32
    %dma_start3A_902 = tpu.memref_slice %arg10[%dma_start3A_900, %dma_start3A_901] : memref<2x1600xf32, #tpu.memory_space<vmem>> -> memref<1x200xf32, #tpu.memory_space<vmem>>
    %dma_start3A_903 = tpu.memref_squeeze %dma_start3A_902 : memref<1x200xf32, #tpu.memory_space<vmem>> -> memref<200xf32, #tpu.memory_space<vmem>>
    %dma_start3A_904 = arith.constant 1400 : i32
    %dma_start3A_905 = tpu.memref_slice %arg9[%dma_start3A_899, %dma_start3A_904] : memref<2x1600xi32, #tpu.memory_space<vmem>> -> memref<1x200xi32, #tpu.memory_space<vmem>>
    %dma_start3A_906 = tpu.memref_squeeze %dma_start3A_905 : memref<1x200xi32, #tpu.memory_space<vmem>> -> memref<200xi32, #tpu.memory_space<vmem>>
    %dma_start3A_907 = arith.constant 0 : i32
    %dma_start3A_908 = tpu.memref_slice %arg7[%dma_start3A_907] : memref<1000000xf32, #tpu.memory_space<vmem_shared>> -> memref<1000000xf32, #tpu.memory_space<vmem_shared>>
    tpu.enqueue_indirect_dma source(%dma_start3A_908 : memref<1000000xf32, #tpu.memory_space<vmem_shared>>) target(%dma_start3A_903 : memref<200xf32, #tpu.memory_space<vmem>>) offsets(%dma_start3A_906 : memref<200xi32, #tpu.memory_space<vmem>>) semaphore(%arg14 : memref<!tpu.dma_semaphore, #tpu.memory_space<semaphore_mem>>)
    %dma_wait3A_909 = arith.constant 1 : i32
    %dma_wait3A_910 = arith.constant 1 : i32
    %dma_wait3A_911 = arith.constant 0 : i32
    %dma_wait3A_912 = tpu.memref_slice %arg10[%dma_wait3A_910, %dma_wait3A_911] : memref<2x1600xf32, #tpu.memory_space<vmem>> -> memref<1x200xf32, #tpu.memory_space<vmem>>
    %dma_wait3A_913 = tpu.memref_squeeze %dma_wait3A_912 : memref<1x200xf32, #tpu.memory_space<vmem>> -> memref<200xf32, #tpu.memory_space<vmem>>
    %dma_wait3A_914 = arith.constant 0 : i32
    %dma_wait3A_915 = tpu.memref_slice %arg9[%dma_wait3A_909, %dma_wait3A_914] : memref<2x1600xi32, #tpu.memory_space<vmem>> -> memref<1x200xi32, #tpu.memory_space<vmem>>
    %dma_wait3A_916 = tpu.memref_squeeze %dma_wait3A_915 : memref<1x200xi32, #tpu.memory_space<vmem>> -> memref<200xi32, #tpu.memory_space<vmem>>
    %dma_wait3A_917 = arith.constant 0 : i32
    %dma_wait3A_918 = tpu.memref_slice %arg7[%dma_wait3A_917] : memref<1000000xf32, #tpu.memory_space<vmem_shared>> -> memref<1000000xf32, #tpu.memory_space<vmem_shared>>
    tpu.wait_indirect_dma semaphore(%arg14 : memref<!tpu.dma_semaphore, #tpu.memory_space<semaphore_mem>>) src(%dma_wait3A_918 : memref<1000000xf32, #tpu.memory_space<vmem_shared>>) dst(%dma_wait3A_913 : memref<200xf32, #tpu.memory_space<vmem>>)
    %dma_wait3A_919 = arith.constant 1 : i32
    %dma_wait3A_920 = arith.constant 1 : i32
    %dma_wait3A_921 = arith.constant 200 : i32
    %dma_wait3A_922 = tpu.memref_slice %arg10[%dma_wait3A_920, %dma_wait3A_921] : memref<2x1600xf32, #tpu.memory_space<vmem>> -> memref<1x200xf32, #tpu.memory_space<vmem>>
    %dma_wait3A_923 = tpu.memref_squeeze %dma_wait3A_922 : memref<1x200xf32, #tpu.memory_space<vmem>> -> memref<200xf32, #tpu.memory_space<vmem>>
    %dma_wait3A_924 = arith.constant 200 : i32
    %dma_wait3A_925 = tpu.memref_slice %arg9[%dma_wait3A_919, %dma_wait3A_924] : memref<2x1600xi32, #tpu.memory_space<vmem>> -> memref<1x200xi32, #tpu.memory_space<vmem>>
    %dma_wait3A_926 = tpu.memref_squeeze %dma_wait3A_925 : memref<1x200xi32, #tpu.memory_space<vmem>> -> memref<200xi32, #tpu.memory_space<vmem>>
    %dma_wait3A_927 = arith.constant 0 : i32
    %dma_wait3A_928 = tpu.memref_slice %arg7[%dma_wait3A_927] : memref<1000000xf32, #tpu.memory_space<vmem_shared>> -> memref<1000000xf32, #tpu.memory_space<vmem_shared>>
    tpu.wait_indirect_dma semaphore(%arg14 : memref<!tpu.dma_semaphore, #tpu.memory_space<semaphore_mem>>) src(%dma_wait3A_928 : memref<1000000xf32, #tpu.memory_space<vmem_shared>>) dst(%dma_wait3A_923 : memref<200xf32, #tpu.memory_space<vmem>>)
    %dma_wait3A_929 = arith.constant 1 : i32
    %dma_wait3A_930 = arith.constant 1 : i32
    %dma_wait3A_931 = arith.constant 400 : i32
    %dma_wait3A_932 = tpu.memref_slice %arg10[%dma_wait3A_930, %dma_wait3A_931] : memref<2x1600xf32, #tpu.memory_space<vmem>> -> memref<1x200xf32, #tpu.memory_space<vmem>>
    %dma_wait3A_933 = tpu.memref_squeeze %dma_wait3A_932 : memref<1x200xf32, #tpu.memory_space<vmem>> -> memref<200xf32, #tpu.memory_space<vmem>>
    %dma_wait3A_934 = arith.constant 400 : i32
    %dma_wait3A_935 = tpu.memref_slice %arg9[%dma_wait3A_929, %dma_wait3A_934] : memref<2x1600xi32, #tpu.memory_space<vmem>> -> memref<1x200xi32, #tpu.memory_space<vmem>>
    %dma_wait3A_936 = tpu.memref_squeeze %dma_wait3A_935 : memref<1x200xi32, #tpu.memory_space<vmem>> -> memref<200xi32, #tpu.memory_space<vmem>>
    %dma_wait3A_937 = arith.constant 0 : i32
    %dma_wait3A_938 = tpu.memref_slice %arg7[%dma_wait3A_937] : memref<1000000xf32, #tpu.memory_space<vmem_shared>> -> memref<1000000xf32, #tpu.memory_space<vmem_shared>>
    tpu.wait_indirect_dma semaphore(%arg14 : memref<!tpu.dma_semaphore, #tpu.memory_space<semaphore_mem>>) src(%dma_wait3A_938 : memref<1000000xf32, #tpu.memory_space<vmem_shared>>) dst(%dma_wait3A_933 : memref<200xf32, #tpu.memory_space<vmem>>)
    %dma_wait3A_939 = arith.constant 1 : i32
    %dma_wait3A_940 = arith.constant 1 : i32
    %dma_wait3A_941 = arith.constant 600 : i32
    %dma_wait3A_942 = tpu.memref_slice %arg10[%dma_wait3A_940, %dma_wait3A_941] : memref<2x1600xf32, #tpu.memory_space<vmem>> -> memref<1x200xf32, #tpu.memory_space<vmem>>
    %dma_wait3A_943 = tpu.memref_squeeze %dma_wait3A_942 : memref<1x200xf32, #tpu.memory_space<vmem>> -> memref<200xf32, #tpu.memory_space<vmem>>
    %dma_wait3A_944 = arith.constant 600 : i32
    %dma_wait3A_945 = tpu.memref_slice %arg9[%dma_wait3A_939, %dma_wait3A_944] : memref<2x1600xi32, #tpu.memory_space<vmem>> -> memref<1x200xi32, #tpu.memory_space<vmem>>
    %dma_wait3A_946 = tpu.memref_squeeze %dma_wait3A_945 : memref<1x200xi32, #tpu.memory_space<vmem>> -> memref<200xi32, #tpu.memory_space<vmem>>
    %dma_wait3A_947 = arith.constant 0 : i32
    %dma_wait3A_948 = tpu.memref_slice %arg7[%dma_wait3A_947] : memref<1000000xf32, #tpu.memory_space<vmem_shared>> -> memref<1000000xf32, #tpu.memory_space<vmem_shared>>
    tpu.wait_indirect_dma semaphore(%arg14 : memref<!tpu.dma_semaphore, #tpu.memory_space<semaphore_mem>>) src(%dma_wait3A_948 : memref<1000000xf32, #tpu.memory_space<vmem_shared>>) dst(%dma_wait3A_943 : memref<200xf32, #tpu.memory_space<vmem>>)
    %dma_wait3A_949 = arith.constant 1 : i32
    %dma_wait3A_950 = arith.constant 1 : i32
    %dma_wait3A_951 = arith.constant 800 : i32
    %dma_wait3A_952 = tpu.memref_slice %arg10[%dma_wait3A_950, %dma_wait3A_951] : memref<2x1600xf32, #tpu.memory_space<vmem>> -> memref<1x200xf32, #tpu.memory_space<vmem>>
    %dma_wait3A_953 = tpu.memref_squeeze %dma_wait3A_952 : memref<1x200xf32, #tpu.memory_space<vmem>> -> memref<200xf32, #tpu.memory_space<vmem>>
    %dma_wait3A_954 = arith.constant 800 : i32
    %dma_wait3A_955 = tpu.memref_slice %arg9[%dma_wait3A_949, %dma_wait3A_954] : memref<2x1600xi32, #tpu.memory_space<vmem>> -> memref<1x200xi32, #tpu.memory_space<vmem>>
    %dma_wait3A_956 = tpu.memref_squeeze %dma_wait3A_955 : memref<1x200xi32, #tpu.memory_space<vmem>> -> memref<200xi32, #tpu.memory_space<vmem>>
    %dma_wait3A_957 = arith.constant 0 : i32
    %dma_wait3A_958 = tpu.memref_slice %arg7[%dma_wait3A_957] : memref<1000000xf32, #tpu.memory_space<vmem_shared>> -> memref<1000000xf32, #tpu.memory_space<vmem_shared>>
    tpu.wait_indirect_dma semaphore(%arg14 : memref<!tpu.dma_semaphore, #tpu.memory_space<semaphore_mem>>) src(%dma_wait3A_958 : memref<1000000xf32, #tpu.memory_space<vmem_shared>>) dst(%dma_wait3A_953 : memref<200xf32, #tpu.memory_space<vmem>>)
    %dma_wait3A_959 = arith.constant 1 : i32
    %dma_wait3A_960 = arith.constant 1 : i32
    %dma_wait3A_961 = arith.constant 1000 : i32
    %dma_wait3A_962 = tpu.memref_slice %arg10[%dma_wait3A_960, %dma_wait3A_961] : memref<2x1600xf32, #tpu.memory_space<vmem>> -> memref<1x200xf32, #tpu.memory_space<vmem>>
    %dma_wait3A_963 = tpu.memref_squeeze %dma_wait3A_962 : memref<1x200xf32, #tpu.memory_space<vmem>> -> memref<200xf32, #tpu.memory_space<vmem>>
    %dma_wait3A_964 = arith.constant 1000 : i32
    %dma_wait3A_965 = tpu.memref_slice %arg9[%dma_wait3A_959, %dma_wait3A_964] : memref<2x1600xi32, #tpu.memory_space<vmem>> -> memref<1x200xi32, #tpu.memory_space<vmem>>
    %dma_wait3A_966 = tpu.memref_squeeze %dma_wait3A_965 : memref<1x200xi32, #tpu.memory_space<vmem>> -> memref<200xi32, #tpu.memory_space<vmem>>
    %dma_wait3A_967 = arith.constant 0 : i32
    %dma_wait3A_968 = tpu.memref_slice %arg7[%dma_wait3A_967] : memref<1000000xf32, #tpu.memory_space<vmem_shared>> -> memref<1000000xf32, #tpu.memory_space<vmem_shared>>
    tpu.wait_indirect_dma semaphore(%arg14 : memref<!tpu.dma_semaphore, #tpu.memory_space<semaphore_mem>>) src(%dma_wait3A_968 : memref<1000000xf32, #tpu.memory_space<vmem_shared>>) dst(%dma_wait3A_963 : memref<200xf32, #tpu.memory_space<vmem>>)
    %dma_wait3A_969 = arith.constant 1 : i32
    %dma_wait3A_970 = arith.constant 1 : i32
    %dma_wait3A_971 = arith.constant 1200 : i32
    %dma_wait3A_972 = tpu.memref_slice %arg10[%dma_wait3A_970, %dma_wait3A_971] : memref<2x1600xf32, #tpu.memory_space<vmem>> -> memref<1x200xf32, #tpu.memory_space<vmem>>
    %dma_wait3A_973 = tpu.memref_squeeze %dma_wait3A_972 : memref<1x200xf32, #tpu.memory_space<vmem>> -> memref<200xf32, #tpu.memory_space<vmem>>
    %dma_wait3A_974 = arith.constant 1200 : i32
    %dma_wait3A_975 = tpu.memref_slice %arg9[%dma_wait3A_969, %dma_wait3A_974] : memref<2x1600xi32, #tpu.memory_space<vmem>> -> memref<1x200xi32, #tpu.memory_space<vmem>>
    %dma_wait3A_976 = tpu.memref_squeeze %dma_wait3A_975 : memref<1x200xi32, #tpu.memory_space<vmem>> -> memref<200xi32, #tpu.memory_space<vmem>>
    %dma_wait3A_977 = arith.constant 0 : i32
    %dma_wait3A_978 = tpu.memref_slice %arg7[%dma_wait3A_977] : memref<1000000xf32, #tpu.memory_space<vmem_shared>> -> memref<1000000xf32, #tpu.memory_space<vmem_shared>>
    tpu.wait_indirect_dma semaphore(%arg14 : memref<!tpu.dma_semaphore, #tpu.memory_space<semaphore_mem>>) src(%dma_wait3A_978 : memref<1000000xf32, #tpu.memory_space<vmem_shared>>) dst(%dma_wait3A_973 : memref<200xf32, #tpu.memory_space<vmem>>)
    %dma_wait3A_979 = arith.constant 1 : i32
    %dma_wait3A_980 = arith.constant 1 : i32
    %dma_wait3A_981 = arith.constant 1400 : i32
    %dma_wait3A_982 = tpu.memref_slice %arg10[%dma_wait3A_980, %dma_wait3A_981] : memref<2x1600xf32, #tpu.memory_space<vmem>> -> memref<1x200xf32, #tpu.memory_space<vmem>>
    %dma_wait3A_983 = tpu.memref_squeeze %dma_wait3A_982 : memref<1x200xf32, #tpu.memory_space<vmem>> -> memref<200xf32, #tpu.memory_space<vmem>>
    %dma_wait3A_984 = arith.constant 1400 : i32
    %dma_wait3A_985 = tpu.memref_slice %arg9[%dma_wait3A_979, %dma_wait3A_984] : memref<2x1600xi32, #tpu.memory_space<vmem>> -> memref<1x200xi32, #tpu.memory_space<vmem>>
    %dma_wait3A_986 = tpu.memref_squeeze %dma_wait3A_985 : memref<1x200xi32, #tpu.memory_space<vmem>> -> memref<200xi32, #tpu.memory_space<vmem>>
    %dma_wait3A_987 = arith.constant 0 : i32
    %dma_wait3A_988 = tpu.memref_slice %arg7[%dma_wait3A_987] : memref<1000000xf32, #tpu.memory_space<vmem_shared>> -> memref<1000000xf32, #tpu.memory_space<vmem_shared>>
    tpu.wait_indirect_dma semaphore(%arg14 : memref<!tpu.dma_semaphore, #tpu.memory_space<semaphore_mem>>) src(%dma_wait3A_988 : memref<1000000xf32, #tpu.memory_space<vmem_shared>>) dst(%dma_wait3A_983 : memref<200xf32, #tpu.memory_space<vmem>>)
    %add3A_989 = arith.constant 504 : i32
    %add3A_990 = arith.addi %mul3A_184, %add3A_989 : i32
    %dma_wait3A_991 = arith.constant 1 : i32
    %dma_wait3A_992 = arith.constant 0 : i32
    %dma_wait3A_993 = arith.constant 0 : i32
    %dma_wait3A_994 = arith.constant 0 : i32
    %dma_wait3A_995 = tpu.memref_slice %arg11[%dma_wait3A_991, %dma_wait3A_992, %dma_wait3A_993, %dma_wait3A_994] : memref<2x8x200x3xf32, #tpu.memory_space<vmem>> -> memref<1x8x200x3xf32, #tpu.memory_space<vmem>>
    %dma_wait3A_996 = tpu.memref_squeeze %dma_wait3A_995 : memref<1x8x200x3xf32, #tpu.memory_space<vmem>> -> memref<8x200x3xf32, #tpu.memory_space<vmem>>
    %dma_wait3A_997 = arith.constant 0 : i32
    %dma_wait3A_998 = arith.constant 0 : i32
    %dma_wait3A_999 = tpu.memref_slice %arg6[%add3A_990, %dma_wait3A_997, %dma_wait3A_998] : memref<16384x200x3xf32, #tpu.memory_space<hbm>> -> memref<8x200x3xf32, #tpu.memory_space<hbm>>
    %dma_wait3A_1000 = arith.constant 0 : i32
    %dma_wait3A_1001 = arith.constant 0 : i32
    %dma_wait3A_1002 = tpu.memref_slice %arg6[%add3A_990, %dma_wait3A_1000, %dma_wait3A_1001] : memref<16384x200x3xf32, #tpu.memory_space<hbm>> -> memref<8x200x3xf32, #tpu.memory_space<hbm>>
    %dma_wait3A_1003 = arith.constant 0 : i32
    %dma_wait3A_1004 = arith.constant 0 : i32
    %dma_wait3A_1005 = arith.constant 0 : i32
    %dma_wait3A_1006 = tpu.memref_slice %arg11[%dma_wait3A_991, %dma_wait3A_1003, %dma_wait3A_1004, %dma_wait3A_1005] : memref<2x8x200x3xf32, #tpu.memory_space<vmem>> -> memref<1x8x200x3xf32, #tpu.memory_space<vmem>>
    %dma_wait3A_1007 = tpu.memref_squeeze %dma_wait3A_1006 : memref<1x8x200x3xf32, #tpu.memory_space<vmem>> -> memref<8x200x3xf32, #tpu.memory_space<vmem>>
    tpu.wait_dma2 semaphore(%arg16 : memref<!tpu.dma_semaphore, #tpu.memory_space<semaphore_mem>>) src(%dma_wait3A_1007 : memref<8x200x3xf32, #tpu.memory_space<vmem>>) dst(%dma_wait3A_1002 : memref<8x200x3xf32, #tpu.memory_space<hbm>>)
    %scan3A_1008 = arith.constant 0 : i32
    %scan3A_1009 = arith.constant 300 : i32
    %scan3A_1010 = arith.addi %scan3A_1008, %scan3A_1009 : i32
    %scan3A_1011 = arith.constant 1 : i32
    scf.for %scan3A_1016 = %scan3A_1008 to %scan3A_1010 step %scan3A_1011  : i32 {
      %mul3A_1017 = arith.constant 1 : i32
      %mul3A_1018 = arith.muli %scan3A_1016, %mul3A_1017 : i32
      %add3A_1019 = arith.constant 0 : i32
      %add3A_1020 = arith.addi %add3A_1019, %mul3A_1018 : i32
      %mul3A_1021 = arith.constant 16 : i32
      %mul3A_1022 = arith.muli %add3A_1020, %mul3A_1021 : i32
      %add3A_1023 = vector.broadcast %mul3A_1022 : i32 to vector<16xi32>
      %add3A_1024 = arith.addi %add3A_1023, %iota3A : vector<16xi32>
      %jit3A_1025 = arith.constant 600 : i32
      %div3A_1026 = vector.broadcast %jit3A_1025 : i32 to vector<16xi32>
      %div3A_1027 = arith.divsi %add3A_1024, %div3A_1026 : vector<16xi32>
      %sign3A_1028 = arith.constant 0 : i32
      %sign3A_1029 = vector.broadcast %sign3A_1028 : i32 to vector<16xi32>
      %sign3A_1030 = arith.cmpi sgt, %add3A_1024, %sign3A_1029 : vector<16xi32>
      %sign3A_1031 = arith.extui %sign3A_1030 : vector<16xi1> to vector<16xi32>
      %sign3A_1032 = arith.constant 0 : i32
      %sign3A_1033 = vector.broadcast %sign3A_1032 : i32 to vector<16xi32>
      %sign3A_1034 = arith.cmpi slt, %add3A_1024, %sign3A_1033 : vector<16xi32>
      %sign3A_1035 = arith.extui %sign3A_1034 : vector<16xi1> to vector<16xi32>
      %sign3A_1036 = arith.subi %sign3A_1031, %sign3A_1035 : vector<16xi32>
      %sign3A_1037 = arith.constant 0 : i32
      %sign3A_1038 = arith.cmpi sgt, %jit3A_1025, %sign3A_1037 : i32
      %sign3A_1039 = arith.extui %sign3A_1038 : i1 to i32
      %sign3A_1040 = arith.constant 0 : i32
      %sign3A_1041 = arith.cmpi slt, %jit3A_1025, %sign3A_1040 : i32
      %sign3A_1042 = arith.extui %sign3A_1041 : i1 to i32
      %sign3A_1043 = arith.subi %sign3A_1039, %sign3A_1042 : i32
      %ne3A_1044 = vector.broadcast %sign3A_1043 : i32 to vector<16xi32>
      %ne3A_1045 = arith.cmpi ne, %sign3A_1036, %ne3A_1044 : vector<16xi32>
      %rem3A_1046 = vector.broadcast %jit3A_1025 : i32 to vector<16xi32>
      %rem3A_1047 = arith.remsi %add3A_1024, %rem3A_1046 : vector<16xi32>
      %ne3A_1048 = arith.constant 0 : i32
      %ne3A_1049 = vector.broadcast %ne3A_1048 : i32 to vector<16xi32>
      %ne3A_1050 = arith.cmpi ne, %rem3A_1047, %ne3A_1049 : vector<16xi32>
      %and3A_1051 = arith.andi %ne3A_1045, %ne3A_1050 : vector<16xi1>
      %sub3A_1052 = arith.constant 1 : i32
      %sub3A_1053 = vector.broadcast %sub3A_1052 : i32 to vector<16xi32>
      %sub3A_1054 = arith.subi %div3A_1027, %sub3A_1053 : vector<16xi32>
      %select_n3A_1055 = arith.select %and3A_1051, %sub3A_1054, %div3A_1027 : vector<16xi1>, vector<16xi32>
      %jit3A_1056 = arith.constant 600 : i32
      %eq3A_1057 = arith.constant 0 : i32
      %eq3A_1058 = arith.cmpi eq, %jit3A_1056, %eq3A_1057 : i32
      %jit3A_1059 = arith.constant 1 : i32
      %select_n3A_1060 = arith.select %eq3A_1058, %jit3A_1059, %jit3A_1056 : i32
      %rem3A_1061 = vector.broadcast %select_n3A_1060 : i32 to vector<16xi32>
      %rem3A_1062 = arith.remsi %add3A_1024, %rem3A_1061 : vector<16xi32>
      %ne3A_1063 = arith.constant 0 : i32
      %ne3A_1064 = vector.broadcast %ne3A_1063 : i32 to vector<16xi32>
      %ne3A_1065 = arith.cmpi ne, %rem3A_1062, %ne3A_1064 : vector<16xi32>
      %lt3A_1066 = arith.constant 0 : i32
      %lt3A_1067 = vector.broadcast %lt3A_1066 : i32 to vector<16xi32>
      %lt3A_1068 = arith.cmpi slt, %rem3A_1062, %lt3A_1067 : vector<16xi32>
      %lt3A_1069 = arith.constant 0 : i32
      %lt3A_1070 = arith.cmpi slt, %select_n3A_1060, %lt3A_1069 : i32
      %ne3A_1071 = vector.broadcast %lt3A_1070 : i1 to vector<16xi1>
      %ne3A_1072 = vector.broadcast %ne3A_1071 : vector<16xi1> to vector<16xi1>
      %ne3A_1073 = arith.xori %lt3A_1068, %ne3A_1072 : vector<16xi1>
      %and3A_1074 = arith.andi %ne3A_1073, %ne3A_1065 : vector<16xi1>
      %add3A_1075 = vector.broadcast %select_n3A_1060 : i32 to vector<16xi32>
      %add3A_1076 = arith.addi %rem3A_1062, %add3A_1075 : vector<16xi32>
      %select_n3A_1077 = arith.select %and3A_1074, %add3A_1076, %rem3A_1062 : vector<16xi1>, vector<16xi32>
      %jit3A_1078 = arith.constant 3 : i32
      %div3A_1079 = vector.broadcast %jit3A_1078 : i32 to vector<16xi32>
      %div3A_1080 = arith.divsi %select_n3A_1077, %div3A_1079 : vector<16xi32>
      %sign3A_1081 = arith.constant 0 : i32
      %sign3A_1082 = vector.broadcast %sign3A_1081 : i32 to vector<16xi32>
      %sign3A_1083 = arith.cmpi sgt, %select_n3A_1077, %sign3A_1082 : vector<16xi32>
      %sign3A_1084 = arith.extui %sign3A_1083 : vector<16xi1> to vector<16xi32>
      %sign3A_1085 = arith.constant 0 : i32
      %sign3A_1086 = vector.broadcast %sign3A_1085 : i32 to vector<16xi32>
      %sign3A_1087 = arith.cmpi slt, %select_n3A_1077, %sign3A_1086 : vector<16xi32>
      %sign3A_1088 = arith.extui %sign3A_1087 : vector<16xi1> to vector<16xi32>
      %sign3A_1089 = arith.subi %sign3A_1084, %sign3A_1088 : vector<16xi32>
      %sign3A_1090 = arith.constant 0 : i32
      %sign3A_1091 = arith.cmpi sgt, %jit3A_1078, %sign3A_1090 : i32
      %sign3A_1092 = arith.extui %sign3A_1091 : i1 to i32
      %sign3A_1093 = arith.constant 0 : i32
      %sign3A_1094 = arith.cmpi slt, %jit3A_1078, %sign3A_1093 : i32
      %sign3A_1095 = arith.extui %sign3A_1094 : i1 to i32
      %sign3A_1096 = arith.subi %sign3A_1092, %sign3A_1095 : i32
      %ne3A_1097 = vector.broadcast %sign3A_1096 : i32 to vector<16xi32>
      %ne3A_1098 = arith.cmpi ne, %sign3A_1089, %ne3A_1097 : vector<16xi32>
      %rem3A_1099 = vector.broadcast %jit3A_1078 : i32 to vector<16xi32>
      %rem3A_1100 = arith.remsi %select_n3A_1077, %rem3A_1099 : vector<16xi32>
      %ne3A_1101 = arith.constant 0 : i32
      %ne3A_1102 = vector.broadcast %ne3A_1101 : i32 to vector<16xi32>
      %ne3A_1103 = arith.cmpi ne, %rem3A_1100, %ne3A_1102 : vector<16xi32>
      %and3A_1104 = arith.andi %ne3A_1098, %ne3A_1103 : vector<16xi1>
      %sub3A_1105 = arith.constant 1 : i32
      %sub3A_1106 = vector.broadcast %sub3A_1105 : i32 to vector<16xi32>
      %sub3A_1107 = arith.subi %div3A_1080, %sub3A_1106 : vector<16xi32>
      %select_n3A_1108 = arith.select %and3A_1104, %sub3A_1107, %div3A_1080 : vector<16xi1>, vector<16xi32>
      %jit3A_1109 = arith.constant 3 : i32
      %eq3A_1110 = arith.constant 0 : i32
      %eq3A_1111 = arith.cmpi eq, %jit3A_1109, %eq3A_1110 : i32
      %jit3A_1112 = arith.constant 1 : i32
      %select_n3A_1113 = arith.select %eq3A_1111, %jit3A_1112, %jit3A_1109 : i32
      %rem3A_1114 = vector.broadcast %select_n3A_1113 : i32 to vector<16xi32>
      %rem3A_1115 = arith.remsi %select_n3A_1077, %rem3A_1114 : vector<16xi32>
      %ne3A_1116 = arith.constant 0 : i32
      %ne3A_1117 = vector.broadcast %ne3A_1116 : i32 to vector<16xi32>
      %ne3A_1118 = arith.cmpi ne, %rem3A_1115, %ne3A_1117 : vector<16xi32>
      %lt3A_1119 = arith.constant 0 : i32
      %lt3A_1120 = vector.broadcast %lt3A_1119 : i32 to vector<16xi32>
      %lt3A_1121 = arith.cmpi slt, %rem3A_1115, %lt3A_1120 : vector<16xi32>
      %lt3A_1122 = arith.constant 0 : i32
      %lt3A_1123 = arith.cmpi slt, %select_n3A_1113, %lt3A_1122 : i32
      %ne3A_1124 = vector.broadcast %lt3A_1123 : i1 to vector<16xi1>
      %ne3A_1125 = vector.broadcast %ne3A_1124 : vector<16xi1> to vector<16xi1>
      %ne3A_1126 = arith.xori %lt3A_1121, %ne3A_1125 : vector<16xi1>
      %and3A_1127 = arith.andi %ne3A_1126, %ne3A_1118 : vector<16xi1>
      %add3A_1128 = vector.broadcast %select_n3A_1113 : i32 to vector<16xi32>
      %add3A_1129 = arith.addi %rem3A_1115, %add3A_1128 : vector<16xi32>
      %select_n3A_1130 = arith.select %and3A_1127, %add3A_1129, %rem3A_1115 : vector<16xi1>, vector<16xi32>
      %jit3A_1131 = arith.constant 3 : i32
      %div3A_1132 = vector.broadcast %jit3A_1131 : i32 to vector<16xi32>
      %div3A_1133 = arith.divsi %add3A_1024, %div3A_1132 : vector<16xi32>
      %sign3A_1134 = arith.constant 0 : i32
      %sign3A_1135 = vector.broadcast %sign3A_1134 : i32 to vector<16xi32>
      %sign3A_1136 = arith.cmpi sgt, %add3A_1024, %sign3A_1135 : vector<16xi32>
      %sign3A_1137 = arith.extui %sign3A_1136 : vector<16xi1> to vector<16xi32>
      %sign3A_1138 = arith.constant 0 : i32
      %sign3A_1139 = vector.broadcast %sign3A_1138 : i32 to vector<16xi32>
      %sign3A_1140 = arith.cmpi slt, %add3A_1024, %sign3A_1139 : vector<16xi32>
      %sign3A_1141 = arith.extui %sign3A_1140 : vector<16xi1> to vector<16xi32>
      %sign3A_1142 = arith.subi %sign3A_1137, %sign3A_1141 : vector<16xi32>
      %sign3A_1143 = arith.constant 0 : i32
      %sign3A_1144 = arith.cmpi sgt, %jit3A_1131, %sign3A_1143 : i32
      %sign3A_1145 = arith.extui %sign3A_1144 : i1 to i32
      %sign3A_1146 = arith.constant 0 : i32
      %sign3A_1147 = arith.cmpi slt, %jit3A_1131, %sign3A_1146 : i32
      %sign3A_1148 = arith.extui %sign3A_1147 : i1 to i32
      %sign3A_1149 = arith.subi %sign3A_1145, %sign3A_1148 : i32
      %ne3A_1150 = vector.broadcast %sign3A_1149 : i32 to vector<16xi32>
      %ne3A_1151 = arith.cmpi ne, %sign3A_1142, %ne3A_1150 : vector<16xi32>
      %rem3A_1152 = vector.broadcast %jit3A_1131 : i32 to vector<16xi32>
      %rem3A_1153 = arith.remsi %add3A_1024, %rem3A_1152 : vector<16xi32>
      %ne3A_1154 = arith.constant 0 : i32
      %ne3A_1155 = vector.broadcast %ne3A_1154 : i32 to vector<16xi32>
      %ne3A_1156 = arith.cmpi ne, %rem3A_1153, %ne3A_1155 : vector<16xi32>
      %and3A_1157 = arith.andi %ne3A_1151, %ne3A_1156 : vector<16xi1>
      %sub3A_1158 = arith.constant 1 : i32
      %sub3A_1159 = vector.broadcast %sub3A_1158 : i32 to vector<16xi32>
      %sub3A_1160 = arith.subi %div3A_1133, %sub3A_1159 : vector<16xi32>
      %select_n3A_1161 = arith.select %and3A_1157, %sub3A_1160, %div3A_1133 : vector<16xi1>, vector<16xi32>
      %gather3A_1162 = arith.constant 1 : i32
      %gather3A_1163 = arith.constant 0 : i32
      %gather3A_1164 = tpu.memref_slice %arg10[%gather3A_1162, %gather3A_1163] : memref<2x1600xf32, #tpu.memory_space<vmem>> -> memref<1x1600xf32, #tpu.memory_space<vmem>>
      %gather3A_1165 = tpu.memref_squeeze %gather3A_1164 : memref<1x1600xf32, #tpu.memory_space<vmem>> -> memref<1600xf32, #tpu.memory_space<vmem>>
      %gather3A_1166 = tpu.vector_load_idx %gather3A_1165[%select_n3A_1161] : memref<1600xf32, #tpu.memory_space<vmem>>[vector<16xi32>], vector<16xf32>,
      %gather3A_1167 = tpu.vector_load_idx %arg8[%select_n3A_1130] : memref<16xf32, #tpu.memory_space<vmem>>[vector<16xi32>], vector<16xf32>,
      %add3A_1168 = arith.constant 8 : i32
      %add3A_1169 = vector.broadcast %add3A_1168 : i32 to vector<16xi32>
      %add3A_1170 = arith.addi %select_n3A_1130, %add3A_1169 : vector<16xi32>
      %gather3A_1171 = tpu.vector_load_idx %arg8[%add3A_1170] : memref<16xf32, #tpu.memory_space<vmem>>[vector<16xi32>], vector<16xf32>,
      %mul3A_1172 = arith.mulf %gather3A_1166, %gather3A_1167 : vector<16xf32>
      %add3A_1173 = arith.addf %mul3A_1172, %gather3A_1171 : vector<16xf32>
      %scatter3A = arith.constant 1 : i32
      %scatter3A_1174 = arith.constant 0 : i32
      %scatter3A_1175 = arith.constant 0 : i32
      %scatter3A_1176 = arith.constant 0 : i32
      %scatter3A_1177 = tpu.memref_slice %arg11[%scatter3A, %scatter3A_1174, %scatter3A_1175, %scatter3A_1176] : memref<2x8x200x3xf32, #tpu.memory_space<vmem>> -> memref<1x8x200x3xf32, #tpu.memory_space<vmem>>
      %scatter3A_1178 = tpu.memref_squeeze %scatter3A_1177 : memref<1x8x200x3xf32, #tpu.memory_space<vmem>> -> memref<8x200x3xf32, #tpu.memory_space<vmem>>
      tpu.vector_store_idx %scatter3A_1178[%select_n3A_1055, %select_n3A_1108, %select_n3A_1130], %add3A_1173 : memref<8x200x3xf32, #tpu.memory_space<vmem>>[vector<16xi32>, vector<16xi32>, vector<16xi32>], vector<16xf32>,
    }
    %scan3A_1012 = arith.constant 300 : i32
    %add3A_1013 = arith.constant 504 : i32
    %add3A_1014 = arith.addi %mul3A_184, %add3A_1013 : i32
    %run_scoped3A_1015 = arith.constant 1 : i32
    "tpu.region"() ({
      %run_scoped3A_1016 = tpu.sem_alloc : memref<!tpu.dma_semaphore, #tpu.memory_space<semaphore_mem>>
      %dma_start3A_1017 = arith.constant 0 : i32
      %dma_start3A_1018 = arith.constant 0 : i32
      %dma_start3A_1019 = arith.constant 0 : i32
      %dma_start3A_1020 = tpu.memref_slice %arg11[%run_scoped3A_1015, %dma_start3A_1017, %dma_start3A_1018, %dma_start3A_1019] : memref<2x8x200x3xf32, #tpu.memory_space<vmem>> -> memref<1x8x200x3xf32, #tpu.memory_space<vmem>>
      %dma_start3A_1021 = tpu.memref_squeeze %dma_start3A_1020 : memref<1x8x200x3xf32, #tpu.memory_space<vmem>> -> memref<8x200x3xf32, #tpu.memory_space<vmem>>
      %dma_start3A_1022 = arith.constant 0 : i32
      %dma_start3A_1023 = arith.constant 0 : i32
      %dma_start3A_1024 = tpu.memref_slice %arg6[%add3A_1014, %dma_start3A_1022, %dma_start3A_1023] : memref<16384x200x3xf32, #tpu.memory_space<hbm>> -> memref<8x200x3xf32, #tpu.memory_space<hbm>>
      %dma_start3A_1025 = arith.constant 0 : i32
      %dma_start3A_1026 = arith.constant 0 : i32
      %dma_start3A_1027 = tpu.memref_slice %arg6[%add3A_1014, %dma_start3A_1025, %dma_start3A_1026] : memref<16384x200x3xf32, #tpu.memory_space<hbm>> -> memref<8x200x3xf32, #tpu.memory_space<hbm>>
      %dma_start3A_1028 = arith.constant 0 : i32
      %dma_start3A_1029 = arith.constant 0 : i32
      %dma_start3A_1030 = arith.constant 0 : i32
      %dma_start3A_1031 = tpu.memref_slice %arg11[%run_scoped3A_1015, %dma_start3A_1028, %dma_start3A_1029, %dma_start3A_1030] : memref<2x8x200x3xf32, #tpu.memory_space<vmem>> -> memref<1x8x200x3xf32, #tpu.memory_space<vmem>>
      %dma_start3A_1032 = tpu.memref_squeeze %dma_start3A_1031 : memref<1x8x200x3xf32, #tpu.memory_space<vmem>> -> memref<8x200x3xf32, #tpu.memory_space<vmem>>
      tpu.enqueue_dma source(%dma_start3A_1032 : memref<8x200x3xf32, #tpu.memory_space<vmem>>) target(%dma_start3A_1027 : memref<8x200x3xf32, #tpu.memory_space<hbm>>) target_semaphore(%run_scoped3A_1016 : memref<!tpu.dma_semaphore, #tpu.memory_space<semaphore_mem>>)
      %dma_wait3A_1033 = arith.constant 0 : i32
      %dma_wait3A_1034 = arith.constant 0 : i32
      %dma_wait3A_1035 = arith.constant 0 : i32
      %dma_wait3A_1036 = tpu.memref_slice %arg11[%run_scoped3A_1015, %dma_wait3A_1033, %dma_wait3A_1034, %dma_wait3A_1035] : memref<2x8x200x3xf32, #tpu.memory_space<vmem>> -> memref<1x8x200x3xf32, #tpu.memory_space<vmem>>
      %dma_wait3A_1037 = tpu.memref_squeeze %dma_wait3A_1036 : memref<1x8x200x3xf32, #tpu.memory_space<vmem>> -> memref<8x200x3xf32, #tpu.memory_space<vmem>>
      %dma_wait3A_1038 = arith.constant 0 : i32
      %dma_wait3A_1039 = arith.constant 0 : i32
      %dma_wait3A_1040 = tpu.memref_slice %arg6[%add3A_1014, %dma_wait3A_1038, %dma_wait3A_1039] : memref<16384x200x3xf32, #tpu.memory_space<hbm>> -> memref<8x200x3xf32, #tpu.memory_space<hbm>>
      %dma_wait3A_1041 = arith.constant 0 : i32
      %dma_wait3A_1042 = arith.constant 0 : i32
      %dma_wait3A_1043 = tpu.memref_slice %arg6[%add3A_1014, %dma_wait3A_1041, %dma_wait3A_1042] : memref<16384x200x3xf32, #tpu.memory_space<hbm>> -> memref<8x200x3xf32, #tpu.memory_space<hbm>>
      %dma_wait3A_1044 = arith.constant 0 : i32
      %dma_wait3A_1045 = arith.constant 0 : i32
      %dma_wait3A_1046 = arith.constant 0 : i32
      %dma_wait3A_1047 = tpu.memref_slice %arg11[%run_scoped3A_1015, %dma_wait3A_1044, %dma_wait3A_1045, %dma_wait3A_1046] : memref<2x8x200x3xf32, #tpu.memory_space<vmem>> -> memref<1x8x200x3xf32, #tpu.memory_space<vmem>>
      %dma_wait3A_1048 = tpu.memref_squeeze %dma_wait3A_1047 : memref<1x8x200x3xf32, #tpu.memory_space<vmem>> -> memref<8x200x3xf32, #tpu.memory_space<vmem>>
      tpu.wait_dma2 semaphore(%run_scoped3A_1016 : memref<!tpu.dma_semaphore, #tpu.memory_space<semaphore_mem>>) src(%dma_wait3A_1048 : memref<8x200x3xf32, #tpu.memory_space<vmem>>) dst(%dma_wait3A_1043 : memref<8x200x3xf32, #tpu.memory_space<hbm>>)
      tpu.yield
    }) : () -> ()
    return
  }
}

</mosaic_0001>

<sc_bundles>
// kernel: kernel.3.cloned.1.call-start
scs
__scs_entry_jumppad:
0x0: {  	(pc) =	sbr.rel $0x88, $3  }
0x1: {  	(tag) =	ssettag $0x0;
	lr =	simm.s32 $0x1  }
0x2: {  	[smem:$0x3F9D] =	sst lr;
	_ =	strace $0xD0000000  }
0x3: {  	_ = 	snop  }
0x4: {  	_ = 	snop  }
0x5: {  	_ = 	snop  }
0x6: {  	_ = 	snop  }
0x7: {  	_ = 	snop  }
__scs_overlays_trampoline_lowered:
0x8: {  	[smem:$0x3FAC] =	sst s0  }
0x9: {  	[smem:$0x3FAD] =	sst s1  }
0xa: {  	[smem:$0x3FAE] =	sst s2  }
0xb: {  	[smem:$0x3FAF] =	sst s3  }
0xc: {  	[smem:$0x3FB0] =	sst s4  }
0xd: {  	[smem:$0x3FB1] =	sst s5  }
0xe: {  	[smem:$0x3FB2] =	sst s6  }
0xf: {  	[smem:$0x3FB3] =	sst s7  }
0x10: {  	[smem:$0x3FB4] =	sst s8  }
0x11: {  	[smem:$0x3FB5] =	sst s9;
	s0 =	simm.s32 @!p0 $0x0  }
0x12: {  	s1 =	sld [smem:$0x3F9B];
	s0 =	simm.s32 @p0 $0x1  }
0x13: {  	[smem:$0x3FB6] =	sst s0;
	s0 =	simm.s32 @!p1 $0x0  }
0x14: {  	s2 =	sld [smem:$0x3F9A];
	s0 =	simm.s32 @p1 $0x1  }
0x15: {  	[smem:$0x3FB7] =	sst s0;
	s0 =	simm.s32 @!p2 $0x0  }
0x16: {  	s3 =	sld [smem:$0x3FDB];
	s0 =	simm.s32 @p2 $0x1  }
0x17: {  	s4 =	simm.s32 $0x1BF5;
	[smem:$0x3FB9] =	sst s0  }
0x18: {  	s0 =	sld [smem:$0x3F9C];
	_ =	swait.ge [sflag:s4], $0x0  }
0x19: {  	s7 =	sld [smem:$0x3F9D]  }
0x1a: {  	s8 =	sadd.s32 $0xFFFFE003, lr  }
0x1b: {  	s9 =	sadd.s32 $0xFFFFFEF7, lr;
	s5 =	simm.s32 $0xFFFFFFFF;
	p2 =	slt.u32 s8, $0xFFFFF086  }
0x1c: {  	p1 =	slt.u32 s9, $0xF7A;
	s5 =	simm.s32 @!p2 $0x0  }
0x1d: {  	s5 =	simm.s32 @p1 $0x1;
	p0 =	seq.s32 s7, s2  }
0x1e: {  	s7 =	smul.u32 @!p0 $0xF7A, s2;
	p2 =	seq.s32 @!p0 s5, $0x0  }
0x1f: {  	s9 =	smul.u32 $0xF7A, s1;
	s8 =	simm.s32 @!p0 $0x1BF5;
	p2 =	por !p2, p0  }
0x20: {  	[sflag:s8] =	ssyncset.s32 @!p0 $0xFFFFF086;
	s6 =	sadd.s32 @!p0 s3, s7;
	s7 =	simm.s32 @!p0 $0x108  }
0x21: {  	s3 =	sadd.s32 s3, s9;
	s6 =	sadd.s32 @!p0 $0x88, s6;
	s7 =	simm.s32 @p2 $0x1082  }
0x22: {  	[simem:s7], [sflag:s8] =	dma.local @!p0 [hbm:s6], $0xF7A  }
0x23: {  	s9 =	sor.u32 $0xD0000000, s2;
	s6 =	simm.s32 $0x108;
	_ =	swait.ge @!p0 [sflag:s8], $0x0  }
0x24: {  	s3 =	sadd.s32 $0x88, s3;
	s6 =	simm.s32 @!p1 $0x1082;
	[sflag:s4] =	ssyncset.s32 $0xFFFFF086  }
0x25: {  	[simem:s6], [sflag:s4] =	dma.local [hbm:s3], $0xF7A  }
0x26: {  	[smem:$0x3F9D] =	sst s1;
	(tag) =	ssettag s2;
	_ =	strace s9  }
0x27: {  	s1 =	sld [smem:$0x3FAD]  }
0x28: {  	s2 =	sld [smem:$0x3FAE]  }
0x29: {  	s4 =	sld [smem:$0x3FB0]  }
0x2a: {  	p0 =	seq.s32 s5, $0x0;
	s5 =	sld [smem:$0x3FB1]  }
0x2b: {  	s6 =	sld [smem:$0x3FB2]  }
0x2c: {  	s7 =	sld [smem:$0x3FB3]  }
0x2d: {  	s3 =	simm.s32 $0x108;
	s8 =	sld [smem:$0x3FB4]  }
0x2e: {  	s3 =	simm.s32 @!p0 $0x1082;
	s9 =	sld [smem:$0x3FB5]  }
0x2f: {  	lr =	sadd.s32 s0, s3;
	s0 =	sld [smem:$0x3FAC]  }
0x30: {  	s3 =	sld [smem:$0x3FAF]  }
0x31: {  	[smem:$0x3FB8] =	sst s10  }
0x32: {  	s10 =	sld [smem:$0x3FB6];
	_ =	sdelay $0x3  }
0x33: {  	p0 =	seq.s32 s10, $0x1;
	s10 =	sld [smem:$0x3FB8];
	_ =	sdelay $0x3  }
0x34: {  	[smem:$0x3FB8] =	sst s10  }
0x35: {  	s10 =	sld [smem:$0x3FB7];
	_ =	sdelay $0x3  }
0x36: {  	p1 =	seq.s32 s10, $0x1;
	s10 =	sld [smem:$0x3FB8];
	_ =	sdelay $0x3  }
0x37: {  	[smem:$0x3FB8] =	sst s10  }
0x38: {  	s10 =	sld [smem:$0x3FB9]  }
0x39: {  	_ = 	snop;
	(pc) =	sbr.ind lr, $3  }
0x3a: {  	_ = 	snop  }
0x3b: {  	_ = 	snop  }
0x3c: {  	p2 =	seq.s32 s10, $0x1;
	s10 =	sld [smem:$0x3FB8]  }
0x3d: {  	_ =	shalt  }
0x3e: {  	_ =	shalt  }
0x3f: {  	_ =	shalt  }
0x40: {  	_ =	shalt  }
0x41: {  	_ =	shalt  }
0x42: {  	_ =	shalt  }
0x43: {  	_ =	shalt  }
0x44: {  	_ =	shalt  }
0x45: {  	_ =	shalt  }
0x46: {  	_ =	shalt  }
0x47: {  	_ =	shalt  }
0x48: {  	_ =	shalt  }
0x49: {  	_ =	shalt  }
0x4a: {  	_ =	shalt  }
0x4b: {  	_ =	shalt  }
0x4c: {  	_ =	shalt  }
0x4d: {  	_ =	shalt  }
0x4e: {  	_ =	shalt  }
0x4f: {  	_ =	shalt  }
0x50: {  	_ =	shalt  }
0x51: {  	_ =	shalt  }
0x52: {  	_ =	shalt  }
0x53: {  	_ =	shalt  }
0x54: {  	_ =	shalt  }
0x55: {  	_ =	shalt  }
0x56: {  	_ =	shalt  }
0x57: {  	_ =	shalt  }
0x58: {  	_ =	shalt  }
0x59: {  	_ =	shalt  }
0x5a: {  	_ =	shalt  }
0x5b: {  	_ =	shalt  }
0x5c: {  	_ =	shalt  }
0x5d: {  	_ =	shalt  }
0x5e: {  	_ =	shalt  }
0x5f: {  	_ =	shalt  }
0x60: {  	_ =	shalt  }
0x61: {  	_ =	shalt  }
0x62: {  	_ =	shalt  }
0x63: {  	_ =	shalt  }
0x64: {  	_ =	shalt  }
0x65: {  	_ =	shalt  }
0x66: {  	_ =	shalt  }
0x67: {  	_ =	shalt  }
0x68: {  	_ =	shalt  }
0x69: {  	_ =	shalt  }
0x6a: {  	_ =	shalt  }
0x6b: {  	_ =	shalt  }
0x6c: {  	_ =	shalt  }
0x6d: {  	_ =	shalt  }
0x6e: {  	_ =	shalt  }
0x6f: {  	_ =	shalt  }
0x70: {  	_ =	shalt  }
0x71: {  	_ =	shalt  }
0x72: {  	_ =	shalt  }
0x73: {  	_ =	shalt  }
0x74: {  	_ =	shalt  }
0x75: {  	_ =	shalt  }
0x76: {  	_ =	shalt  }
0x77: {  	_ =	shalt  }
0x78: {  	_ =	shalt  }
0x79: {  	_ =	shalt  }
0x7a: {  	_ =	shalt  }
0x7b: {  	_ =	shalt  }
0x7c: {  	_ =	shalt  }
0x7d: {  	_ =	shalt  }
0x7e: {  	_ =	shalt  }
0x7f: {  	_ =	shalt  }
0x80: {  	_ =	shalt  }
0x81: {  	_ =	shalt  }
0x82: {  	_ =	shalt  }
0x83: {  	_ =	shalt  }
0x84: {  	_ =	shalt  }
0x85: {  	_ =	shalt  }
0x86: {  	_ =	shalt  }
0x87: {  	_ =	shalt  }
.Lfunc_end0:
.L_simem_size_0:
called_computation.1_lowered:
.L_overlay_start_0:
0x88: {  	s2 =	sld [smem:$0x3FD9]  }
0x89: {  	s3 =	sld [smem:$0x3FFE];
	_ =	sdelay $0x1  }
0x8a: {  	s1 =	srdreg.scid  }
0x8b: {  	s0 =	sand.u32 $0x1, s1  }
0x8c: {  	s17 =	sshll.u32 s0, $0xA;
	s2 =	sadd.s32 s3, s2  }
0x8d: {  	s2 =	sadd.s32 s2, s17  }
0x8e: {  	[smem:$0x3FC4] =	sst s2  }
0x8f: {  	_ = 	snop  }
0x90: {  	s2 =	sld [smem:$0x3FC7]  }
0x91: {  	s18 =	sld [smem:$0x3FC6]  }
0x92: {  	s4 =	sld [smem:$0x3FD0];
	(tm) =	ssettm $0x1  }
0x93: {  	s5 =	sld [smem:$0x3FFB];
	_ =	sdelay $0x3  }
0x94: {  	_ =	strace s5  }
0x95: {  	s5 =	sld [smem:$0x3FFC];
	_ =	sdelay $0x3  }
0x96: {  	_ =	strace s5  }
0x97: {  	s5 =	sld [smem:$0x3FFD];
	_ =	sdelay $0x3  }
0x98: {  	_ =	strace s5  }
0x99: {  	_ =	strace $0x8FFFFFFF  }
0x9a: {  	s19 =	sld [smem:$0x3FDB];
	_ =	sdelay $0x1  }
0x9b: {  	s6 =	simm.s32 $_scs_section_size  }
0x9c: {  	s7 =	simm.s32 $_size__tile_overlayer_lowered;
	s8 =	simm.s32 $_tile_overlayer_lowered  }
0x9d: {  	s22 =	simm.s32 $0x1BFF;
	s21 =	sshll.u32 s8, $0x1;
	s5 =	sadd.s32 s6, s19  }
0x9e: {  	s9 =	simm.s32 $0x0;
	s20 =	sshll.u32 s7, $0x1;
	s7 =	sadd.s32 s21, s5  }
0x9f: {  	[timem:s9], [sflag:s22] =	dma.local [hbm:s7], s20  }
0xa0: {  	_ =	swait.ge [sflag:s22], s20  }
0xa1: {  	s6 =	ssub.s32 $0x0, s20;
	[sflag:s22] =	ssyncset.done $0x0  }
0xa2: {  	[sflag:s22] =	ssyncadd.s32 s6;
	_ =	sdelay $0x1  }
0xa3: {  	s23 =	simm.s32 $0x1B8B  }
0xa4: {  	_ =	swait.ge [sflag:s23], $0x1  }
0xa5: {  	[sflag:s23] =	ssyncset.done $0x0  }
0xa6: {  	s25 =	simm.s32 $0x1B8E;
	s24 =	sld [smem:$0x3FFE];
	[sflag:s23] =	ssyncadd.s32 $0xFFFFFFFF  }
0xa7: {  	s26 =	simm.s32 $execute0_lowered;
	[smem:$0x3FD2] =	sst s25  }
0xa8: {  	s7 =	sshll.u32 s26, $0x1;
	_ =	strace $0x80000046;
	[dreg:$0x1] =	wrdreg $0xFFFFFFFF  }
0xa9: {  	s28 =	simm.s32 $_size_execute0_lowered;
	s5 =	sadd.s32 s5, s7;
	[dreg:$0x0] =	wrdreg $0x0  }
0xaa: {  	s7 =	sshll.u32 s28, $0x1;
	[dreg:$0x2] =	wrdreg s5  }
0xab: {  	[dreg:$0x3] =	wrdreg s7  }
0xac: {  	[dreg:$0x4] =	wrdreg $0xC0  }
0xad: {  	_ =	task [dreg:s9], $0x5FFFF  }
0xae: {  	[dreg:$0x1] =	wrdreg $0xFFFFFFFF  }
0xaf: {  	[dreg:$0x0] =	wrdreg $0x60  }
0xb0: {  	[dreg:$0x2] =	wrdreg s24  }
0xb1: {  	[dreg:$0x3] =	wrdreg s2  }
0xb2: {  	[dreg:$0x4] =	wrdreg s18  }
0xb3: {  	[dreg:$0x5] =	wrdreg s4  }
0xb4: {  	[dreg:$0x6] =	wrdreg $0x0  }
0xb5: {  	[dreg:$0x7] =	wrdreg $0x9  }
0xb6: {  	_ =	task.clear_ibuf [dreg:s9], $0x8FFFF;
	_ =	strace $0x90000046  }
0xb7: {  	s29 =	simm.s32 $0x9;
	_ =	strace $0x80000048  }
0xb8: {  	_ =	swait.ge [sflag:s29], $0x1  }
0xb9: {  	[sflag:s29] =	ssyncadd.s32 $0xFFFFFFFF  }
0xba: {  	_ =	strace $0x90000048  }
0xbb: {  	_ =	sfence  }
0xbc: {  	s30 =	sld [smem:$0x0];
	_ =	sdelay $0x2  }
0xbd: {  	s31 =	sshll.u32 s1, $0xD;
	s1 =	sshrl.u32 s1, $0x2  }
0xbe: {  	s3 =	sand.u32 $0x4000, s31;
	s1 =	sadd.s32 s1, s30  }
0xbf: {  	s0 =	sor.u32 s3, s0;
	s1 =	sshll.u32 s1, $0x11  }
0xc0: {  	s0 =	sor.u32 s1, s0  }
0xc1: {  	s0 =	sadd.s32 $0x8F2B, s0  }
0xc2: {  	[sflag:s0] =	ssyncadd.remote.s32 $0x1  }
0xc3: {  	_ =	sfence.sel $0xFFFF  }
0xc4: {  	[dreg:$0x0] =	wrdreg $0xFFFFFFFF;
	(pc) =	sbr.abs _section_cstart, $3  }
0xc5: {  	[dreg:$0x1] =	wrdreg $0xFFFFFFFF  }
0xc6: {  	_ =	task.clear_ibuf [dreg:s9], $0x2FFFF;
	_ =	strace $0x9FFFFFFF  }
0xc7: {  	(tm) =	ssettm $0x7FFFFFFF  }
tec
execute0_lowered:
.L_overlay_start_1:
0x0: {  	(tag) =	ssettag $0x1  }
0x1: {  	s0 =	rddreg [dreg:$0x0]  }
0x2: {  	s3 =	rddreg [dreg:$0x3]  }
0x3: {  	s5 =	rddreg [dreg:$0x4]  }
0x4: {  	s6 =	simm.s32 $0x0;
	s11 =	stileid.u32;
	s1 =	srdreg.scid  }
0x5: {  	s29 =	simm.s32 $0xF438;
	s30 =	simm.s32 $0xFA78;
	s31 =	simm.s32 $0x1  }
0x6: {  	s15 =	simm.s32 $0x3;
	s28 =	simm.s32 $0x10C70;
	s14 =	simm.s32 $0x0  }
0x7: {  	[smem:$0x7FF] =	sst s6;
	s2 =	sshll.u32 s11, $0xD;
	s1 =	sand.u32 $0x1, s1  }
0x8: {  	s8 =	sshll.u32 s11, $0x1;
	s7 =	sadd.s32 $0x1F000, s0;
	s16 =	sshll.u32 s11, $0x10  }
0x9: {  	p0 =	seq.s32 s11, $0xF;
	s11 =	simm.s32 $0x10D38;
	_ =	strace $0x80000047  }
0xa: {  	s2 =	sadd.s32 s2, s0;
	s4 =	ssub.s32 $0x2, s1;
	s1 =	sor.u32 s1, s8  }
0xb: {  	s8 =	sadd.s32 s16, s5;
	s0 =	sadd.s32 $0x1E600, s0;
	s9 =	sshrl.u32 s4, $0x1  }
0xc: {  	s17 =	smul.u32 $0x19000, s1;
	s2 =	sadd.s32 $0x600, s2;
	[dreg:$0x7] =	wrdreg s0  }
0xd: {  	s10 =	sshll.u32 s1, $0x9;
	s19 =	smul.u32 $0xC8000, s1;
	s4 =	ssub.s32 s4, s9  }
0xe: {  	[dreg:$0x6] =	wrdreg s2;
	s2 =	sadd.s32 $0xF0000, s5;
	s9 =	simm.s32 $0x5  }
0xf: {  	s18 =	sshrl.u32 s17, $0x3;
	s12 =	sadd.s32 $0x12C0, s17;
	s23 =	sadd.s32 s7, s17  }
0x10: {  	s0 =	sshrl.u32 s19, $0x3;
	s26 =	smax.u32 s4, $0x1;
	[dreg:$0xb] =	wrdreg s23  }
0x11: {  	s19 =	sor.u32 $0x8, s10;
	s13 =	sadd.s32 s3, s18;
	[dreg:$0x10] =	wrdreg s26  }
0x12: {  	s4 =	simm.s32 $0x13F38;
	s24 =	sadd.s32 $0x640, s23;
	[dreg:$0x8] =	wrdreg s13  }
0x13: {  	s22 =	sshrl.u32 s12, $0x3;
	s20 =	sadd.s32 $0xC8, s13;
	[dreg:$0xd] =	wrdreg s24  }
0x14: {  	s18 =	sor.u32 $0xC80, s17;
	s21 =	sadd.s32 $0x190, s13;
	[dreg:$0x9] =	wrdreg s20  }
0x15: {  	s0 =	sadd.s32 s7, s0;
	s1 =	sadd.s32 s3, s22;
	[dreg:$0xa] =	wrdreg s21  }
0x16: {  	s17 =	simm.s32 $0x6;
	s25 =	sadd.s32 $0x18380, s0;
	[dreg:$0xc] =	wrdreg s1  }
0x17: {  	s26 =	simm.s32 $0x2;
	s0 =	sadd.s32 $0x189C0, s0;
	[dreg:$0xe] =	wrdreg s25  }
0x18: {  	s23 =	simm.s32 $0x10BA8;
	s24 =	simm.s32 $0xFFF0;
	[dreg:$0xf] =	wrdreg s0  }
0x19: {  	s0 =	sshrl.u32 @p0 s2, $0x3;
	s25 =	simm.s32 $0xF428;
	s1 =	simm.s32 $0x100B8  }
0x1a: {  	s2 =	simm.s32 $0x106F8;
	[dreg:$0x11] =	wrdreg s0;
	s0 =	sshrl.u32 @!p0 s8, $0x3  }
0x1b: {  	v0 =	vlaneseq.u32;
	v1 =	vimm.s32 $0x0;
	s8 =	simm.s32 $0x4;
	[dreg:$0x12] =	wrdreg s0;
	s0 =	simm.s32 $0xC8  }
.LBB2_1:
0x1c: {  	[dreg:$0x13] =	wrdreg s14  }
0x1d: {  	s14 =	rddreg [dreg:$0x7]  }
0x1e: {  	s13 =	simm.s32 @p0 $0x1FC6;
	s16 =	rddreg [dreg:$0x11]  }
0x1f: {  	[spmem:s16], [sflag:s13] =	dma.local @p0 [hbm:s14], $0x848  }
0x20: {  	s13 =	simm.s32 @p0 $0x6  }
0x21: {  	s14 =	stileid.u32;
	_ =	swait.ge @p0 [sflag:s13], $0x848  }
0x22: {  	s14 =	sshll.u32 @!p0 s14, $0x6;
	[sflag:s13] =	ssyncset.done @p0 $0x0;
	s16 =	rddreg [dreg:$0x12]  }
0x23: {  	[sflag:s13] =	ssyncadd.s32 @p0 $0xFFFFF7B8;
	s13 =	sor.u32 @!p0 $0x1C06, s14;
	s14 =	rddreg [dreg:$0x6]  }
0x24: {  	[spmem:s16], [sflag:s13] =	dma.local @!p0 [hbm:s14], $0x2000  }
0x25: {  	s13 =	simm.s32 @!p0 $0x6  }
0x26: {  	_ =	swait.ge @!p0 [sflag:s13], $0x2000  }
0x27: {  	[sflag:s13] =	ssyncset.done @!p0 $0x0  }
0x28: {  	[sflag:s13] =	ssyncadd.s32 @!p0 $0xFFFFE000  }
0x29: {  	s13 =	rddreg [dreg:$0x1]  }
0x2a: {  	[tilespmem:s25], [sflag:$0x6] =	stream.linear.gather [hbm4b:s13+s6], $0x3, $0x38;
	[tilespmem:$0x17138] =	vst v63  }
0x2b: {  	_ =	swait.ge [sflag:s17], $0x3  }
0x2c: {  	[sflag:s17] =	ssyncset.done $0x0  }
0x2d: {  	[sflag:s17] =	ssyncadd.s32 $0xFFFFFFFD  }
0x2e: {  	s22 =	simm.s32 $0xF430;
	s21 =	rddreg [dreg:$0x2]  }
0x2f: {  	[tilespmem:s22], [sflag:$0x6] =	stream.linear.gather [hbm4b:s21+s6], $0x3, $0x38;
	[tilespmem:$0x17138] =	vst v63  }
0x30: {  	_ =	swait.ge [sflag:s17], $0x3  }
0x31: {  	[sflag:s17] =	ssyncset.done $0x0  }
0x32: {  	[sflag:s17] =	ssyncadd.s32 $0xFFFFFFFD  }
0x33: {  	[bflag:$0x0] =	sbarrier.arrive $0xFFFF  }
0x34: {  	s14 =	rddreg [dreg:$0x8]  }
0x35: {  	[tilespmem:s29], [sflag:$0x1] =	stream.linear.gather [hbm4b:s14+s6], $0x640, $0x38;
	[tilespmem:$0x17138] =	vst v63  }
0x36: {  	s16 =	rddreg [dreg:$0x9]  }
0x37: {  	[tilespmem:s30], [sflag:$0x2] =	stream.linear.gather [hbm4b:s16+s6], $0x640, $0x38;
	[tilespmem:$0x17138] =	vst v63  }
0x38: {  	_ =	swait.ge [sflag:s31], $0x640  }
0x39: {  	[sflag:s31] =	ssyncset.done $0x0  }
0x3a: {  	[sflag:s31] =	ssyncadd.s32 $0xFFFFF9C0  }
0x3b: {  	[tilespmem:s1], [sflag:$0x3] =	stream.indirect.gather [spmem:s5], $0x1, s29, s0, $0xb8;
	[tilespmem:$0x17138] =	vst v63  }
0x3c: {  	s20 =	simm.s32 $0x10180;
	s17 =	simm.s32 $0xF500  }
0x3d: {  	[tilespmem:s20], [sflag:$0x3] =	stream.indirect.gather [spmem:s5], $0x1, s17, s0, $0xb8;
	[tilespmem:$0x17138] =	vst v63  }
0x3e: {  	s21 =	simm.s32 $0xF5C8;
	s22 =	simm.s32 $0x10248  }
0x3f: {  	[tilespmem:s22], [sflag:$0x3] =	stream.indirect.gather [spmem:s5], $0x1, s21, s0, $0xb8;
	[tilespmem:$0x17138] =	vst v63  }
0x40: {  	s14 =	simm.s32 $0xF690;
	s16 =	simm.s32 $0x10310  }
0x41: {  	[tilespmem:s16], [sflag:$0x3] =	stream.indirect.gather [spmem:s5], $0x1, s14, s0, $0xb8;
	[tilespmem:$0x17138] =	vst v63  }
0x42: {  	s17 =	simm.s32 $0xF758;
	s20 =	simm.s32 $0x103D8  }
0x43: {  	[tilespmem:s20], [sflag:$0x3] =	stream.indirect.gather [spmem:s5], $0x1, s17, s0, $0xb8;
	[tilespmem:$0x17138] =	vst v63  }
0x44: {  	s21 =	simm.s32 $0xF820;
	s22 =	simm.s32 $0x104A0  }
0x45: {  	[tilespmem:s22], [sflag:$0x3] =	stream.indirect.gather [spmem:s5], $0x1, s21, s0, $0xb8;
	[tilespmem:$0x17138] =	vst v63  }
0x46: {  	s14 =	simm.s32 $0xF8E8;
	s16 =	simm.s32 $0x10568  }
0x47: {  	[tilespmem:s16], [sflag:$0x3] =	stream.indirect.gather [spmem:s5], $0x1, s14, s0, $0xb8;
	[tilespmem:$0x17138] =	vst v63  }
0x48: {  	s17 =	simm.s32 $0xF9B0;
	s20 =	simm.s32 $0x10630  }
0x49: {  	[tilespmem:s20], [sflag:$0x3] =	stream.indirect.gather [spmem:s5], $0x1, s17, s0, $0xb8;
	[tilespmem:$0x17138] =	vst v63  }
0x4a: {  	_ =	swait.ge [sflag:s15], $0xC8  }
0x4b: {  	[sflag:s15] =	ssyncset.done $0x0  }
0x4c: {  	[sflag:s15] =	ssyncadd.s32 $0xFFFFFF38  }
0x4d: {  	_ =	swait.ge [sflag:s15], $0xC8  }
0x4e: {  	[sflag:s15] =	ssyncset.done $0x0  }
0x4f: {  	[sflag:s15] =	ssyncadd.s32 $0xFFFFFF38  }
0x50: {  	_ =	swait.ge [sflag:s15], $0xC8  }
0x51: {  	v2 =	vor.u32 s6, v0;
	[sflag:s15] =	ssyncset.done $0x0  }
0x52: {  	v3 =	vmulhi.u32 $0x1B4E81B5, v2;
	[sflag:s15] =	ssyncadd.s32 $0xFFFFFF38  }
0x53: {  	_ =	swait.ge [sflag:s15], $0xC8  }
0x54: {  	v5 =	vshrl.u32 v3, $0x6;
	[sflag:s15] =	ssyncset.done $0x0  }
0x55: {  	v3 =	vmul.u32 $0xFFFFFDA8, v5;
	[sflag:s15] =	ssyncadd.s32 $0xFFFFFF38  }
0x56: {  	_ =	swait.ge [sflag:s15], $0xC8  }
0x57: {  	v4 =	vadd.s32 v2, v3;
	v3 =	vmulhi.u32 $0xAAAAAAAB, v2;
	[sflag:s15] =	ssyncset.done $0x0  }
0x58: {  	v6 =	vand.u32 $0xFFFF, v4;
	[sflag:s15] =	ssyncadd.s32 $0xFFFFFF38  }
0x59: {  	v8 =	vmulhi.u32 $0x55555556, v6;
	v3 =	vshrl.u32 v3, $0x1;
	_ =	swait.ge [sflag:s15], $0xC8  }
0x5a: {  	v6 =	vmul.u32 $0xFFFFFFFD, v3;
	[sflag:s15] =	ssyncset.done $0x0  }
0x5b: {  	v7 =	vmov s6;
	v2 =	vsub.s32 $0x0, v2;
	v9 =	vmul.u32 $0xFFFD, v8;
	s21 =	simm.s32 $0x10;
	[sflag:s15] =	ssyncadd.s32 $0xFFFFFF38  }
0x5c: {  	vm0 =	veq.s32 v7, v0;
	vm1 =	vne.s32 v6, v2;
	v10 =	vor.u32 s21, v0;
	_ =	swait.ge [sflag:s15], $0xC8  }
0x5d: {  	v6 =	vadd.s32 v4, v9;
	vm1 =	vmand vm0, vm1;
	v2 =	vmulhi.u32 $0x1B4E81B5, v10;
	[sflag:s15] =	ssyncset.done $0x0  }
0x5e: {  	v9 =	vand.u32 $0xFFFF, v6;
	v6 =	vsel vm1, $0xFFFFFFFF, v1;
	[sflag:s15] =	ssyncadd.s32 $0xFFFFFF38  }
0x5f: {  	v7 =	vadd.s32 v6, v3;
	v2 =	vshrl.u32 v2, $0x6;
	_ =	swait.ge [sflag:s15], $0xC8  }
0x60: {  	vm1 =	vne.s32 v4, $0x0;
	v11 =	vor.u32 $0x8, v9;
	v6 =	vmul.u32 $0xFFFFFDA8, v2;
	[sflag:s15] =	ssyncset.done $0x0  }
0x61: {  	vm1 =	vmand vm0, vm1;
	v12 =	vmov s21;
	v13 =	vmulhi.u32 $0xAAAAAAAB, v10;
	s22 =	rddreg [dreg:$0xa];
	[sflag:s15] =	ssyncadd.s32 $0xFFFFFF38  }
0x62: {  	vm0 =	veq.s32 v12, v0;
	v12 =	vsel vm1, $0xFFFFFFFF, v1;
	v6 =	vadd.s32 v10, v6;
	[tilespmem:s29], [sflag:$0x1] =	stream.linear.gather [hbm4b:s22+s6], $0x640, $0x38;
	[tilespmem:$0x17138] =	vst v63  }
0x63: {  	v8 =	vshll.u32 v8, $0x3;
	v5 =	vadd.s32 v12, v5;
	v4 =	vand.u32 $0xFFFF, v6;
	v14 =	vld.idx.msk [tilespmem:v9+s25+$0x0], $0xffff  }
0x64: {  	s13 =	simm.s32 $0x20;
	v5 =	vmul.u32 $0x640, v5;
	v4 =	vmulhi.u32 $0x55555556, v4;
	v15 =	vld.idx.msk [tilespmem:v7+s1+$0x0], $0xffff;
	v7 =	vshrl.u32 v13, $0x1  }
0x65: {  	v8 =	vand.u32 $0xFFFF, v8;
	v3 =	vor.u32 s13, v0;
	v12 =	vmul.u32 $0xFFFFFFFD, v7  }
0x66: {  	v16 =	vsub.s32 $0x0, v10;
	v5 =	vadd.s32 v8, v5;
	v13 =	vmul.u32 $0xFFFD, v4;
	v8 =	vld.idx.msk [tilespmem:v11+s25+$0x0], $0xffff  }
0x67: {  	v10 =	vmulhi.u32 $0x1B4E81B5, v3;
	vm1 =	vne.s32 v12, v16  }
0x68: {  	v9 =	vor.u32 v9, v5;
	v12 =	vadd.s32 v6, v13;
	vm1 =	vmand vm0, vm1  }
0x69: {  	s14 =	simm.s32 $0x30;
	v5 =	vand.u32 $0xFFFF, v12;
	v12 =	vsel vm1, $0xFFFFFFFF, v1;
	v11 =	vmul.f32 v14, v15  }
.LBB2_2:
0x6a: {  	p1 =	sne.s32 s14, $0x12B0;
	v7 =	vadd.s32 v12, v7  }
0x6b: {  	v10 =	vshrl.u32 v10, $0x6;
	v8 =	vadd.f32 v8, v11  }
0x6c: {  	v12 =	vor.u32 $0x8, v5;
	v11 =	vmul.u32 $0xFFFFFDA8, v10  }
0x6d: {  	v13 =	vor.u32 s14, v0;
	v14 =	vmov s13;
	vm1 =	vne.s32 v6, $0x0;
	s13 =	smov.u32 s14;
	[tilespmem:v9+s11+$0x0] =	vst.idx.msk $0xffff, v8  }
0x6e: {  	vm1 =	vmand vm0, vm1;
	v6 =	vadd.s32 v3, v11;
	v8 =	vmulhi.u32 $0xAAAAAAAB, v3;
	v11 =	vld.idx.msk [tilespmem:v5+s25+$0x0], $0xffff  }
0x6f: {  	vm0 =	veq.s32 v14, v0;
	v14 =	vsel vm1, $0xFFFFFFFF, v1;
	v9 =	vand.u32 $0xFFFF, v6;
	v15 =	vld.idx.msk [tilespmem:v7+s1+$0x0], $0xffff  }
0x70: {  	v14 =	vadd.s32 v14, v2;
	v2 =	vmovc v10;
	v9 =	vmulhi.u32 $0x55555556, v9;
	v7 =	vshrl.u32 v8, $0x1  }
.Ltmp0:
0x71: {  	v10 =	vshll.u32 v4, $0x3;
	v16 =	vmul.u32 $0xFFFFFFFD, v7;
	v8 =	vld.idx.msk [tilespmem:v12+s25+$0x0], $0xffff;
	v12 =	vmul.u32 $0x640, v14;
	(pc) =	sbr.rel @p1 .LBB2_2-.Ltmp0, $4  }
0x72: {  	v17 =	vsub.s32 $0x0, v3;
	v3 =	vmovc v13;
	v18 =	vand.u32 $0xFFFF, v10;
	v14 =	vmul.u32 $0xFFFD, v9;
	v4 =	vmovc v9  }
0x73: {  	v10 =	vmulhi.u32 $0x1B4E81B5, v3;
	vm1 =	vne.s32 v16, v17;
	v9 =	vadd.s32 v18, v12  }
0x74: {  	v12 =	vadd.s32 v6, v14;
	vm1 =	vmand vm0, vm1;
	v9 =	vor.u32 v5, v9  }
0x75: {  	s14 =	sadd.s32 $0x10, s14;
	v5 =	vand.u32 $0xFFFF, v12;
	v12 =	vsel vm1, $0xFFFFFFFF, v1;
	v11 =	vmul.f32 v11, v15  }
0x76: {  	_ = 	snop  }
0x77: {  	v7 =	vadd.s32 v12, v7;
	v10 =	vshrl.u32 v10, $0x6  }
0x78: {  	v8 =	vadd.f32 v8, v11;
	v11 =	vmul.u32 $0xFFFFFDA8, v10  }
0x79: {  	v12 =	vor.u32 $0x8, v5;
	vm1 =	vne.s32 v6, $0x0  }
0x7a: {  	vm0 =	vmand vm0, vm1;
	[tilespmem:v9+s11+$0x0] =	vst.idx.msk $0xffff, v8;
	v6 =	vadd.s32 v3, v11;
	v8 =	vmulhi.u32 $0xAAAAAAAB, v3  }
0x7b: {  	v4 =	vshll.u32 v4, $0x3;
	v14 =	vsel vm0, $0xFFFFFFFF, v1;
	v11 =	vld.idx.msk [tilespmem:v5+s25+$0x0], $0xffff;
	v13 =	vand.u32 $0xFFFF, v6  }
0x7c: {  	v2 =	vadd.s32 v14, v2;
	v7 =	vld.idx.msk [tilespmem:v7+s1+$0x0], $0xffff;
	v13 =	vmulhi.u32 $0x55555556, v13;
	v8 =	vshrl.u32 v8, $0x1  }
0x7d: {  	v4 =	vand.u32 $0xFFFF, v4;
	v2 =	vmul.u32 $0x640, v2;
	v14 =	vmul.u32 $0xFFFFFFFD, v8  }
0x7e: {  	v9 =	vmov s13;
	v3 =	vsub.s32 $0x0, v3;
	v12 =	vld.idx.msk [tilespmem:v12+s25+$0x0], $0xffff;
	v15 =	vmul.u32 $0xFFFD, v13  }
0x7f: {  	vm0 =	veq.s32 v9, v0;
	v2 =	vadd.s32 v4, v2;
	vm1 =	vne.s32 v14, v3  }
0x80: {  	v2 =	vor.u32 v5, v2;
	v3 =	vadd.s32 v6, v15;
	vm1 =	vmand vm0, vm1  }
0x81: {  	v3 =	vand.u32 $0xFFFF, v3;
	v4 =	vsel vm1, $0xFFFFFFFF, v1;
	v5 =	vmul.f32 v11, v7  }
0x82: {  	v4 =	vadd.s32 v4, v8  }
0x83: {  	v5 =	vadd.f32 v12, v5  }
0x84: {  	vm1 =	vne.s32 v6, $0x0;
	v7 =	vor.u32 $0x8, v3  }
0x85: {  	vm0 =	vmand vm0, vm1;
	[tilespmem:v2+s11+$0x0] =	vst.idx.msk $0xffff, v5  }
0x86: {  	v5 =	vsel vm0, $0xFFFFFFFF, v1;
	v2 =	vld.idx.msk [tilespmem:v3+s25+$0x0], $0xffff  }
0x87: {  	v5 =	vadd.s32 v5, v10;
	v4 =	vld.idx.msk [tilespmem:v4+s1+$0x0], $0xffff  }
0x88: {  	v6 =	vshll.u32 v13, $0x3;
	v5 =	vmul.u32 $0x640, v5  }
0x89: {  	v6 =	vand.u32 $0xFFFF, v6;
	v7 =	vld.idx.msk [tilespmem:v7+s25+$0x0], $0xffff  }
0x8a: {  	v5 =	vadd.s32 v6, v5  }
0x8b: {  	v3 =	vor.u32 v3, v5  }
0x8c: {  	v2 =	vmul.f32 v2, v4;
	_ =	sdelay $0x1  }
0x8d: {  	v2 =	vadd.f32 v7, v2;
	_ =	sdelay $0x1  }
0x8e: {  	s14 =	simm.s32 $0x0;
	s17 =	rddreg [dreg:$0xb];
	[tilespmem:v3+s11+$0x0] =	vst.idx.msk $0xffff, v2  }
0x8f: {  	[hbm4b:s17+s14] =	stream.linear.scatter [tilespmem:s11], [sflag:$0x4], $0x3200, $0x38;
	[tilespmem:$0x17138] =	vst v63  }
0x90: {  	_ =	swait.ge [sflag:s26], $0x640  }
0x91: {  	[sflag:s26] =	ssyncset.done $0x0  }
0x92: {  	[sflag:s26] =	ssyncadd.s32 $0xFFFFF9C0  }
0x93: {  	[tilespmem:s2], [sflag:$0x3] =	stream.indirect.gather [spmem:s5], $0x1, s30, s0, $0xb8;
	[tilespmem:$0x17138] =	vst v63  }
0x94: {  	s20 =	simm.s32 $0xFB40;
	s16 =	simm.s32 $0x107C0  }
0x95: {  	[tilespmem:s16], [sflag:$0x3] =	stream.indirect.gather [spmem:s5], $0x1, s20, s0, $0xb8;
	[tilespmem:$0x17138] =	vst v63  }
0x96: {  	s21 =	simm.s32 $0xFC08;
	s22 =	simm.s32 $0x10888  }
0x97: {  	[tilespmem:s22], [sflag:$0x3] =	stream.indirect.gather [spmem:s5], $0x1, s21, s0, $0xb8;
	[tilespmem:$0x17138] =	vst v63  }
0x98: {  	s17 =	simm.s32 $0xFCD0;
	s20 =	simm.s32 $0x10950  }
0x99: {  	[tilespmem:s20], [sflag:$0x3] =	stream.indirect.gather [spmem:s5], $0x1, s17, s0, $0xb8;
	[tilespmem:$0x17138] =	vst v63  }
0x9a: {  	s21 =	simm.s32 $0xFD98;
	s22 =	simm.s32 $0x10A18  }
0x9b: {  	[tilespmem:s22], [sflag:$0x3] =	stream.indirect.gather [spmem:s5], $0x1, s21, s0, $0xb8;
	[tilespmem:$0x17138] =	vst v63  }
0x9c: {  	s16 =	simm.s32 $0xFE60;
	s17 =	simm.s32 $0x10AE0  }
0x9d: {  	[tilespmem:s17], [sflag:$0x3] =	stream.indirect.gather [spmem:s5], $0x1, s16, s0, $0xb8;
	[tilespmem:$0x17138] =	vst v63  }
0x9e: {  	s20 =	simm.s32 $0xFF28  }
0x9f: {  	[tilespmem:s23], [sflag:$0x3] =	stream.indirect.gather [spmem:s5], $0x1, s20, s0, $0xb8;
	[tilespmem:$0x17138] =	vst v63  }
0xa0: {  	_ = 	snop  }
0xa1: {  	[tilespmem:s28], [sflag:$0x3] =	stream.indirect.gather [spmem:s5], $0x1, s24, s0, $0xb8;
	[tilespmem:$0x17138] =	vst v63  }
0xa2: {  	_ =	swait.ge [sflag:s15], $0xC8  }
0xa3: {  	[sflag:s15] =	ssyncset.done $0x0  }
0xa4: {  	[sflag:s15] =	ssyncadd.s32 $0xFFFFFF38  }
0xa5: {  	_ =	swait.ge [sflag:s15], $0xC8  }
0xa6: {  	[sflag:s15] =	ssyncset.done $0x0  }
0xa7: {  	[sflag:s15] =	ssyncadd.s32 $0xFFFFFF38  }
0xa8: {  	_ =	swait.ge [sflag:s15], $0xC8  }
0xa9: {  	v2 =	vor.u32 s14, v0;
	[sflag:s15] =	ssyncset.done $0x0  }
0xaa: {  	v3 =	vmulhi.u32 $0x1B4E81B5, v2;
	[sflag:s15] =	ssyncadd.s32 $0xFFFFFF38  }
0xab: {  	_ =	swait.ge [sflag:s15], $0xC8  }
0xac: {  	v5 =	vshrl.u32 v3, $0x6;
	[sflag:s15] =	ssyncset.done $0x0  }
0xad: {  	v3 =	vmul.u32 $0xFFFFFDA8, v5;
	[sflag:s15] =	ssyncadd.s32 $0xFFFFFF38  }
0xae: {  	_ =	swait.ge [sflag:s15], $0xC8  }
0xaf: {  	v4 =	vadd.s32 v2, v3;
	v3 =	vmulhi.u32 $0xAAAAAAAB, v2;
	[sflag:s15] =	ssyncset.done $0x0  }
0xb0: {  	v6 =	vand.u32 $0xFFFF, v4;
	[sflag:s15] =	ssyncadd.s32 $0xFFFFFF38  }
0xb1: {  	v8 =	vmulhi.u32 $0x55555556, v6;
	v3 =	vshrl.u32 v3, $0x1;
	_ =	swait.ge [sflag:s15], $0xC8  }
0xb2: {  	v6 =	vmul.u32 $0xFFFFFFFD, v3;
	[sflag:s15] =	ssyncset.done $0x0  }
0xb3: {  	v7 =	vmov s14;
	v2 =	vsub.s32 $0x0, v2;
	v9 =	vmul.u32 $0xFFFD, v8;
	s21 =	simm.s32 $0x10;
	[sflag:s15] =	ssyncadd.s32 $0xFFFFFF38  }
0xb4: {  	vm0 =	veq.s32 v7, v0;
	vm1 =	vne.s32 v6, v2;
	v10 =	vor.u32 s21, v0;
	_ =	swait.ge [sflag:s15], $0xC8  }
0xb5: {  	v6 =	vadd.s32 v4, v9;
	vm1 =	vmand vm0, vm1;
	v2 =	vmulhi.u32 $0x1B4E81B5, v10;
	[sflag:s15] =	ssyncset.done $0x0  }
0xb6: {  	v9 =	vand.u32 $0xFFFF, v6;
	v6 =	vsel vm1, $0xFFFFFFFF, v1;
	[sflag:s15] =	ssyncadd.s32 $0xFFFFFF38  }
0xb7: {  	v7 =	vadd.s32 v6, v3;
	v2 =	vshrl.u32 v2, $0x6;
	_ =	swait.ge [sflag:s15], $0xC8  }
0xb8: {  	vm1 =	vne.s32 v4, $0x0;
	v11 =	vmov s21;
	v6 =	vmul.u32 $0xFFFFFDA8, v2;
	[sflag:s15] =	ssyncset.done $0x0  }
0xb9: {  	v12 =	vor.u32 $0x8, v9;
	vm1 =	vmand vm0, vm1;
	v13 =	vmulhi.u32 $0xAAAAAAAB, v10;
	s22 =	rddreg [dreg:$0xc];
	[sflag:s15] =	ssyncadd.s32 $0xFFFFFF38  }
0xba: {  	vm0 =	veq.s32 v11, v0;
	v11 =	vsel vm1, $0xFFFFFFFF, v1;
	v6 =	vadd.s32 v10, v6;
	[tilespmem:s30], [sflag:$0x2] =	stream.linear.gather [hbm4b:s22+s14], $0x640, $0x38;
	[tilespmem:$0x17138] =	vst v63  }
0xbb: {  	v8 =	vshll.u32 v8, $0x3;
	v5 =	vadd.s32 v11, v5;
	v4 =	vand.u32 $0xFFFF, v6;
	v14 =	vld.idx.msk [tilespmem:v9+s25+$0x0], $0xffff  }
0xbc: {  	s13 =	simm.s32 $0x20;
	v5 =	vmul.u32 $0x640, v5;
	v4 =	vmulhi.u32 $0x55555556, v4;
	v15 =	vld.idx.msk [tilespmem:v7+s2+$0x0], $0xffff;
	v7 =	vshrl.u32 v13, $0x1  }
0xbd: {  	v8 =	vand.u32 $0xFFFF, v8;
	v3 =	vor.u32 s13, v0;
	v11 =	vmul.u32 $0xFFFFFFFD, v7  }
0xbe: {  	v16 =	vsub.s32 $0x0, v10;
	v5 =	vadd.s32 v8, v5;
	v13 =	vmul.u32 $0xFFFD, v4;
	v8 =	vld.idx.msk [tilespmem:v12+s25+$0x0], $0xffff  }
0xbf: {  	v10 =	vmulhi.u32 $0x1B4E81B5, v3;
	vm1 =	vne.s32 v11, v16  }
0xc0: {  	v9 =	vor.u32 v9, v5;
	v11 =	vadd.s32 v6, v13;
	vm1 =	vmand vm0, vm1  }
0xc1: {  	s14 =	simm.s32 $0x30;
	v5 =	vand.u32 $0xFFFF, v11;
	v12 =	vsel vm1, $0xFFFFFFFF, v1;
	v11 =	vmul.f32 v14, v15  }
.LBB2_4:
0xc2: {  	p1 =	sne.s32 s14, $0x12B0;
	v7 =	vadd.s32 v12, v7  }
0xc3: {  	v10 =	vshrl.u32 v10, $0x6;
	v8 =	vadd.f32 v8, v11  }
0xc4: {  	v12 =	vor.u32 $0x8, v5;
	v11 =	vmul.u32 $0xFFFFFDA8, v10  }
0xc5: {  	v13 =	vor.u32 s14, v0;
	v14 =	vmov s13;
	vm1 =	vne.s32 v6, $0x0;
	s13 =	smov.u32 s14;
	[tilespmem:v9+s4+$0x0] =	vst.idx.msk $0xffff, v8  }
0xc6: {  	vm1 =	vmand vm0, vm1;
	v6 =	vadd.s32 v3, v11;
	v8 =	vmulhi.u32 $0xAAAAAAAB, v3;
	v11 =	vld.idx.msk [tilespmem:v5+s25+$0x0], $0xffff  }
0xc7: {  	vm0 =	veq.s32 v14, v0;
	v14 =	vsel vm1, $0xFFFFFFFF, v1;
	v9 =	vand.u32 $0xFFFF, v6;
	v15 =	vld.idx.msk [tilespmem:v7+s2+$0x0], $0xffff  }
0xc8: {  	v14 =	vadd.s32 v14, v2;
	v2 =	vmovc v10;
	v9 =	vmulhi.u32 $0x55555556, v9;
	v7 =	vshrl.u32 v8, $0x1  }
.Ltmp1:
0xc9: {  	v10 =	vshll.u32 v4, $0x3;
	v16 =	vmul.u32 $0xFFFFFFFD, v7;
	v8 =	vld.idx.msk [tilespmem:v12+s25+$0x0], $0xffff;
	v12 =	vmul.u32 $0x640, v14;
	(pc) =	sbr.rel @p1 .LBB2_4-.Ltmp1, $4  }
0xca: {  	v17 =	vsub.s32 $0x0, v3;
	v3 =	vmovc v13;
	v18 =	vand.u32 $0xFFFF, v10;
	v14 =	vmul.u32 $0xFFFD, v9;
	v4 =	vmovc v9  }
0xcb: {  	v10 =	vmulhi.u32 $0x1B4E81B5, v3;
	vm1 =	vne.s32 v16, v17;
	v9 =	vadd.s32 v18, v12  }
0xcc: {  	v12 =	vadd.s32 v6, v14;
	vm1 =	vmand vm0, vm1;
	v9 =	vor.u32 v5, v9  }
0xcd: {  	s14 =	sadd.s32 $0x10, s14;
	v5 =	vand.u32 $0xFFFF, v12;
	v12 =	vsel vm1, $0xFFFFFFFF, v1;
	v11 =	vmul.f32 v11, v15  }
0xce: {  	_ = 	snop  }
0xcf: {  	v7 =	vadd.s32 v12, v7;
	v10 =	vshrl.u32 v10, $0x6  }
0xd0: {  	v8 =	vadd.f32 v8, v11;
	v52 =	vmul.u32 $0xFFFFFDA8, v10  }
0xd1: {  	v53 =	vor.u32 $0x8, v5;
	vm1 =	vne.s32 v6, $0x0  }
0xd2: {  	v55 =	vmulhi.u32 $0xAAAAAAAB, v3;
	vm0 =	vmand vm0, vm1;
	[tilespmem:v9+s4+$0x0] =	vst.idx.msk $0xffff, v8;
	v54 =	vadd.s32 v3, v52  }
0xd3: {  	v56 =	vmov s13;
	v14 =	vsel vm0, $0xFFFFFFFF, v1;
	v57 =	vld.idx.msk [tilespmem:v5+s25+$0x0], $0xffff;
	v13 =	vand.u32 $0xFFFF, v54  }
0xd4: {  	v8 =	vshrl.u32 v55, $0x1;
	v2 =	vadd.s32 v14, v2;
	v7 =	vld.idx.msk [tilespmem:v7+s2+$0x0], $0xffff;
	v13 =	vmulhi.u32 $0x55555556, v13  }
0xd5: {  	v4 =	vshll.u32 v4, $0x3;
	v58 =	vmul.u32 $0xFFFFFFFD, v8;
	v2 =	vmul.u32 $0x640, v2  }
0xd6: {  	v4 =	vand.u32 $0xFFFF, v4;
	v3 =	vsub.s32 $0x0, v3;
	v12 =	vld.idx.msk [tilespmem:v53+s25+$0x0], $0xffff;
	v15 =	vmul.u32 $0xFFFD, v13  }
0xd7: {  	vm13 =	veq.s32 v56, v0;
	vm14 =	vne.s32 v58, v3;
	v2 =	vadd.s32 v4, v2  }
0xd8: {  	vm1 =	vmand vm13, vm14;
	v2 =	vor.u32 v5, v2;
	v3 =	vadd.s32 v54, v15  }
0xd9: {  	v59 =	vsel vm1, $0xFFFFFFFF, v1;
	v3 =	vand.u32 $0xFFFF, v3;
	v60 =	vmul.f32 v57, v7  }
0xda: {  	v4 =	vadd.s32 v59, v8  }
0xdb: {  	v5 =	vadd.f32 v12, v60  }
0xdc: {  	vm15 =	vne.s32 v54, $0x0;
	v61 =	vor.u32 $0x8, v3  }
0xdd: {  	vm0 =	vmand vm13, vm15;
	[tilespmem:v2+s4+$0x0] =	vst.idx.msk $0xffff, v5  }
0xde: {  	v62 =	vsel vm0, $0xFFFFFFFF, v1;
	v2 =	vld.idx.msk [tilespmem:v3+s25+$0x0], $0xffff  }
0xdf: {  	v5 =	vadd.s32 v62, v10;
	v4 =	vld.idx.msk [tilespmem:v4+s2+$0x0], $0xffff  }
0xe0: {  	v63 =	vshll.u32 v13, $0x3;
	v5 =	vmul.u32 $0x640, v5  }
0xe1: {  	v6 =	vand.u32 $0xFFFF, v63;
	v7 =	vld.idx.msk [tilespmem:v61+s25+$0x0], $0xffff  }
0xe2: {  	v5 =	vadd.s32 v6, v5  }
0xe3: {  	v3 =	vor.u32 v3, v5  }
0xe4: {  	v2 =	vmul.f32 v2, v4;
	_ =	sdelay $0x1  }
0xe5: {  	v2 =	vadd.f32 v7, v2;
	_ =	sdelay $0x1  }
0xe6: {  	s13 =	simm.s32 $0x0;
	s14 =	rddreg [dreg:$0xd];
	[tilespmem:v3+s4+$0x0] =	vst.idx.msk $0xffff, v2  }
0xe7: {  	[hbm4b:s14+s13] =	stream.linear.scatter [tilespmem:s4], [sflag:$0x5], $0x3200, $0x38;
	[tilespmem:$0x17138] =	vst v63  }
0xe8: {  	s14 =	simm.s32 $0x0  }
.LBB2_6:
0xe9: {  	_ =	swait.ge [sflag:s31], $0x640  }
0xea: {  	[sflag:s31] =	ssyncset.done $0x0  }
0xeb: {  	[sflag:s31] =	ssyncadd.s32 $0xFFFFF9C0  }
0xec: {  	[tilespmem:s1], [sflag:$0x3] =	stream.indirect.gather [spmem:s5], $0x1, s29, s0, $0xb8;
	[tilespmem:$0x17138] =	vst v63  }
0xed: {  	s16 =	simm.s32 $0xF500;
	s17 =	simm.s32 $0x10180  }
0xee: {  	[tilespmem:s17], [sflag:$0x3] =	stream.indirect.gather [spmem:s5], $0x1, s16, s0, $0xb8;
	[tilespmem:$0x17138] =	vst v63  }
0xef: {  	s21 =	simm.s32 $0xF5C8;
	s22 =	simm.s32 $0x10248  }
0xf0: {  	[tilespmem:s22], [sflag:$0x3] =	stream.indirect.gather [spmem:s5], $0x1, s21, s0, $0xb8;
	[tilespmem:$0x17138] =	vst v63  }
0xf1: {  	s20 =	simm.s32 $0x10310;
	s17 =	simm.s32 $0xF690  }
0xf2: {  	[tilespmem:s20], [sflag:$0x3] =	stream.indirect.gather [spmem:s5], $0x1, s17, s0, $0xb8;
	[tilespmem:$0x17138] =	vst v63  }
0xf3: {  	s21 =	simm.s32 $0xF758;
	s22 =	simm.s32 $0x103D8  }
0xf4: {  	[tilespmem:s22], [sflag:$0x3] =	stream.indirect.gather [spmem:s5], $0x1, s21, s0, $0xb8;
	[tilespmem:$0x17138] =	vst v63  }
0xf5: {  	s17 =	simm.s32 $0xF820;
	s20 =	simm.s32 $0x104A0  }
0xf6: {  	[tilespmem:s20], [sflag:$0x3] =	stream.indirect.gather [spmem:s5], $0x1, s17, s0, $0xb8;
	[tilespmem:$0x17138] =	vst v63  }
0xf7: {  	s21 =	simm.s32 $0xF8E8;
	s22 =	simm.s32 $0x10568  }
0xf8: {  	[tilespmem:s22], [sflag:$0x3] =	stream.indirect.gather [spmem:s5], $0x1, s21, s0, $0xb8;
	[tilespmem:$0x17138] =	vst v63  }
0xf9: {  	s20 =	simm.s32 $0xF9B0;
	s21 =	simm.s32 $0x10630  }
0xfa: {  	[tilespmem:s21], [sflag:$0x3] =	stream.indirect.gather [spmem:s5], $0x1, s20, s0, $0xb8;
	[tilespmem:$0x17138] =	vst v63  }
0xfb: {  	_ =	swait.ge [sflag:s15], $0xC8  }
0xfc: {  	[sflag:s15] =	ssyncset.done $0x0  }
0xfd: {  	[sflag:s15] =	ssyncadd.s32 $0xFFFFFF38  }
0xfe: {  	_ =	swait.ge [sflag:s15], $0xC8  }
0xff: {  	[sflag:s15] =	ssyncset.done $0x0  }
0x100: {  	[sflag:s15] =	ssyncadd.s32 $0xFFFFFF38  }
0x101: {  	_ =	swait.ge [sflag:s15], $0xC8  }
0x102: {  	[sflag:s15] =	ssyncset.done $0x0  }
0x103: {  	[sflag:s15] =	ssyncadd.s32 $0xFFFFFF38  }
0x104: {  	_ =	swait.ge [sflag:s15], $0xC8  }
0x105: {  	v2 =	vor.u32 s13, v0;
	[sflag:s15] =	ssyncset.done $0x0  }
0x106: {  	v3 =	vmulhi.u32 $0x1B4E81B5, v2;
	[sflag:s15] =	ssyncadd.s32 $0xFFFFFF38  }
0x107: {  	_ =	swait.ge [sflag:s15], $0xC8  }
0x108: {  	v6 =	vshrl.u32 v3, $0x6;
	[sflag:s15] =	ssyncset.done $0x0  }
0x109: {  	v3 =	vmul.u32 $0xFFFFFDA8, v6;
	[sflag:s15] =	ssyncadd.s32 $0xFFFFFF38  }
0x10a: {  	_ =	swait.ge [sflag:s15], $0xC8  }
0x10b: {  	v4 =	vadd.s32 v2, v3;
	v3 =	vmulhi.u32 $0xAAAAAAAB, v2;
	[sflag:s15] =	ssyncset.done $0x0  }
0x10c: {  	v5 =	vand.u32 $0xFFFF, v4;
	[sflag:s15] =	ssyncadd.s32 $0xFFFFFF38  }
0x10d: {  	s14 =	sadd.s32 $0x1, s14;
	v8 =	vmulhi.u32 $0x55555556, v5;
	v3 =	vshrl.u32 v3, $0x1;
	_ =	swait.ge [sflag:s15], $0xC8  }
0x10e: {  	s16 =	smul.u32 $0xC80, s14;
	v5 =	vmul.u32 $0xFFFFFFFD, v3;
	[sflag:s15] =	ssyncset.done $0x0  }
0x10f: {  	v7 =	vmov s13;
	v2 =	vsub.s32 $0x0, v2;
	v9 =	vmul.u32 $0xFFFD, v8;
	s22 =	simm.s32 $0x10;
	[sflag:s15] =	ssyncadd.s32 $0xFFFFFF38  }
0x110: {  	vm0 =	veq.s32 v7, v0;
	vm1 =	vne.s32 v5, v2;
	v10 =	vor.u32 s22, v0;
	s20 =	sadd.s32 s16, s18;
	_ =	swait.ge [sflag:s15], $0xC8  }
0x111: {  	v5 =	vadd.s32 v4, v9;
	vm1 =	vmand vm0, vm1;
	v2 =	vmulhi.u32 $0x1B4E81B5, v10;
	s20 =	sshrl.u32 s20, $0x3;
	[sflag:s15] =	ssyncset.done $0x0  }
0x112: {  	v9 =	vand.u32 $0xFFFF, v5;
	v5 =	vsel vm1, $0xFFFFFFFF, v1;
	s20 =	sadd.s32 s3, s20;
	[sflag:s15] =	ssyncadd.s32 $0xFFFFFF38  }
0x113: {  	v7 =	vadd.s32 v5, v3;
	v2 =	vshrl.u32 v2, $0x6;
	[tilespmem:s29], [sflag:$0x1] =	stream.linear.gather [hbm4b:s20+s13], $0x640, $0x38;
	[tilespmem:$0x17138] =	vst v63  }
0x114: {  	vm1 =	vne.s32 v4, $0x0;
	v11 =	vor.u32 $0x8, v9;
	v5 =	vmul.u32 $0xFFFFFDA8, v2;
	_ =	swait.ge [sflag:s8], $0x3200  }
0x115: {  	vm1 =	vmand vm0, vm1;
	v12 =	vmov s22;
	v13 =	vmulhi.u32 $0xAAAAAAAB, v10;
	[sflag:s8] =	ssyncset.done $0x0  }
0x116: {  	vm0 =	veq.s32 v12, v0;
	v12 =	vsel vm1, $0xFFFFFFFF, v1;
	v5 =	vadd.s32 v10, v5;
	[sflag:s8] =	ssyncadd.s32 $0xFFFFCE00  }
0x117: {  	v8 =	vshll.u32 v8, $0x3;
	v6 =	vadd.s32 v12, v6;
	v4 =	vand.u32 $0xFFFF, v5;
	v14 =	vld.idx.msk [tilespmem:v9+s25+$0x0], $0xffff  }
0x118: {  	v6 =	vmul.u32 $0x640, v6;
	v4 =	vmulhi.u32 $0x55555556, v4;
	v15 =	vld.idx.msk [tilespmem:v7+s1+$0x0], $0xffff;
	v7 =	vshrl.u32 v13, $0x1  }
0x119: {  	v8 =	vand.u32 $0xFFFF, v8;
	s17 =	sshll.u32 s14, $0x4;
	s21 =	simm.s32 $0x20;
	v16 =	vsub.s32 $0x0, v10;
	v12 =	vmul.u32 $0xFFFFFFFD, v7  }
0x11a: {  	s22 =	sadd.s32 s10, s17;
	v3 =	vor.u32 s21, v0;
	v6 =	vadd.s32 v8, v6;
	v13 =	vmul.u32 $0xFFFD, v4;
	v8 =	vld.idx.msk [tilespmem:v11+s25+$0x0], $0xffff  }
0x11b: {  	v10 =	vmulhi.u32 $0x1B4E81B5, v3;
	s20 =	smul.u32 $0xC8, s22;
	vm1 =	vne.s32 v12, v16  }
0x11c: {  	v9 =	vor.u32 v9, v6;
	v12 =	vadd.s32 v5, v13;
	vm1 =	vmand vm0, vm1  }
0x11d: {  	s22 =	simm.s32 $0x30;
	s20 =	sadd.s32 s7, s20;
	v6 =	vand.u32 $0xFFFF, v12;
	v12 =	vsel vm1, $0xFFFFFFFF, v1;
	v11 =	vmul.f32 v14, v15  }
.LBB2_7:
0x11e: {  	p1 =	sne.s32 s22, $0x12B0;
	v7 =	vadd.s32 v12, v7  }
0x11f: {  	v10 =	vshrl.u32 v10, $0x6;
	v8 =	vadd.f32 v8, v11  }
0x120: {  	v12 =	vor.u32 $0x8, v6;
	v11 =	vmul.u32 $0xFFFFFDA8, v10  }
0x121: {  	v13 =	vor.u32 s22, v0;
	v14 =	vmov s21;
	vm1 =	vne.s32 v5, $0x0;
	s21 =	smov.u32 s22;
	[tilespmem:v9+s11+$0x0] =	vst.idx.msk $0xffff, v8  }
0x122: {  	vm1 =	vmand vm0, vm1;
	v5 =	vadd.s32 v3, v11;
	v8 =	vmulhi.u32 $0xAAAAAAAB, v3;
	v11 =	vld.idx.msk [tilespmem:v6+s25+$0x0], $0xffff  }
0x123: {  	vm0 =	veq.s32 v14, v0;
	v14 =	vsel vm1, $0xFFFFFFFF, v1;
	v9 =	vand.u32 $0xFFFF, v5;
	v15 =	vld.idx.msk [tilespmem:v7+s1+$0x0], $0xffff  }
0x124: {  	v14 =	vadd.s32 v14, v2;
	v2 =	vmovc v10;
	v9 =	vmulhi.u32 $0x55555556, v9;
	v7 =	vshrl.u32 v8, $0x1  }
.Ltmp2:
0x125: {  	v10 =	vshll.u32 v4, $0x3;
	v16 =	vmul.u32 $0xFFFFFFFD, v7;
	v8 =	vld.idx.msk [tilespmem:v12+s25+$0x0], $0xffff;
	v12 =	vmul.u32 $0x640, v14;
	(pc) =	sbr.rel @p1 .LBB2_7-.Ltmp2, $4  }
0x126: {  	v17 =	vsub.s32 $0x0, v3;
	v3 =	vmovc v13;
	v18 =	vand.u32 $0xFFFF, v10;
	v14 =	vmul.u32 $0xFFFD, v9;
	v4 =	vmovc v9  }
0x127: {  	v10 =	vmulhi.u32 $0x1B4E81B5, v3;
	vm1 =	vne.s32 v16, v17;
	v9 =	vadd.s32 v18, v12  }
0x128: {  	v12 =	vadd.s32 v5, v14;
	vm1 =	vmand vm0, vm1;
	v9 =	vor.u32 v6, v9  }
0x129: {  	s22 =	sadd.s32 $0x10, s22;
	v6 =	vand.u32 $0xFFFF, v12;
	v12 =	vsel vm1, $0xFFFFFFFF, v1;
	v11 =	vmul.f32 v11, v15  }
0x12a: {  	_ = 	snop  }
0x12b: {  	v7 =	vadd.s32 v12, v7;
	v10 =	vshrl.u32 v10, $0x6  }
0x12c: {  	v8 =	vadd.f32 v8, v11;
	v11 =	vmul.u32 $0xFFFFFDA8, v10  }
0x12d: {  	v12 =	vor.u32 $0x8, v6;
	vm1 =	vne.s32 v5, $0x0  }
0x12e: {  	vm0 =	vmand vm0, vm1;
	[tilespmem:v9+s11+$0x0] =	vst.idx.msk $0xffff, v8;
	v5 =	vadd.s32 v3, v11;
	v8 =	vmulhi.u32 $0xAAAAAAAB, v3  }
0x12f: {  	v4 =	vshll.u32 v4, $0x3;
	v14 =	vsel vm0, $0xFFFFFFFF, v1;
	v11 =	vld.idx.msk [tilespmem:v6+s25+$0x0], $0xffff;
	v13 =	vand.u32 $0xFFFF, v5  }
0x130: {  	v2 =	vadd.s32 v14, v2;
	v7 =	vld.idx.msk [tilespmem:v7+s1+$0x0], $0xffff;
	v13 =	vmulhi.u32 $0x55555556, v13;
	v8 =	vshrl.u32 v8, $0x1  }
0x131: {  	v4 =	vand.u32 $0xFFFF, v4;
	v2 =	vmul.u32 $0x640, v2;
	v14 =	vmul.u32 $0xFFFFFFFD, v8  }
0x132: {  	v9 =	vmov s21;
	v3 =	vsub.s32 $0x0, v3;
	v12 =	vld.idx.msk [tilespmem:v12+s25+$0x0], $0xffff;
	v15 =	vmul.u32 $0xFFFD, v13  }
0x133: {  	vm0 =	veq.s32 v9, v0;
	v2 =	vadd.s32 v4, v2;
	vm1 =	vne.s32 v14, v3  }
0x134: {  	v2 =	vor.u32 v6, v2;
	v3 =	vadd.s32 v5, v15;
	vm1 =	vmand vm0, vm1  }
0x135: {  	v3 =	vand.u32 $0xFFFF, v3;
	v4 =	vsel vm1, $0xFFFFFFFF, v1;
	v6 =	vmul.f32 v11, v7  }
0x136: {  	v4 =	vadd.s32 v4, v8  }
0x137: {  	v6 =	vadd.f32 v12, v6  }
0x138: {  	vm1 =	vne.s32 v5, $0x0;
	v7 =	vor.u32 $0x8, v3  }
0x139: {  	vm0 =	vmand vm0, vm1;
	[tilespmem:v2+s11+$0x0] =	vst.idx.msk $0xffff, v6  }
0x13a: {  	v5 =	vsel vm0, $0xFFFFFFFF, v1;
	v2 =	vld.idx.msk [tilespmem:v3+s25+$0x0], $0xffff  }
0x13b: {  	v5 =	vadd.s32 v5, v10;
	v4 =	vld.idx.msk [tilespmem:v4+s1+$0x0], $0xffff  }
0x13c: {  	v5 =	vmul.u32 $0x640, v5;
	v6 =	vshll.u32 v13, $0x3  }
0x13d: {  	v6 =	vand.u32 $0xFFFF, v6;
	v7 =	vld.idx.msk [tilespmem:v7+s25+$0x0], $0xffff  }
0x13e: {  	v5 =	vadd.s32 v6, v5  }
0x13f: {  	v3 =	vor.u32 v3, v5  }
0x140: {  	v2 =	vmul.f32 v2, v4;
	_ =	sdelay $0x1  }
0x141: {  	v2 =	vadd.f32 v7, v2;
	_ =	sdelay $0x1  }
0x142: {  	s21 =	simm.s32 $0x0;
	[tilespmem:v3+s11+$0x0] =	vst.idx.msk $0xffff, v2  }
0x143: {  	[hbm4b:s20+s21] =	stream.linear.scatter [tilespmem:s11], [sflag:$0x4], $0x3200, $0x38;
	[tilespmem:$0x17138] =	vst v63  }
0x144: {  	_ =	swait.ge [sflag:s26], $0x640  }
0x145: {  	[sflag:s26] =	ssyncset.done $0x0  }
0x146: {  	[sflag:s26] =	ssyncadd.s32 $0xFFFFF9C0  }
0x147: {  	[tilespmem:s2], [sflag:$0x3] =	stream.indirect.gather [spmem:s5], $0x1, s30, s0, $0xb8;
	[tilespmem:$0x17138] =	vst v63  }
0x148: {  	s22 =	simm.s32 $0x107C0;
	s20 =	simm.s32 $0xFB40  }
0x149: {  	[tilespmem:s22], [sflag:$0x3] =	stream.indirect.gather [spmem:s5], $0x1, s20, s0, $0xb8;
	[tilespmem:$0x17138] =	vst v63  }
0x14a: {  	s20 =	simm.s32 $0xFC08;
	s22 =	simm.s32 $0x10888  }
0x14b: {  	[tilespmem:s22], [sflag:$0x3] =	stream.indirect.gather [spmem:s5], $0x1, s20, s0, $0xb8;
	[tilespmem:$0x17138] =	vst v63  }
0x14c: {  	s20 =	simm.s32 $0xFCD0;
	s22 =	simm.s32 $0x10950  }
0x14d: {  	[tilespmem:s22], [sflag:$0x3] =	stream.indirect.gather [spmem:s5], $0x1, s20, s0, $0xb8;
	[tilespmem:$0x17138] =	vst v63  }
0x14e: {  	s20 =	simm.s32 $0xFD98;
	s22 =	simm.s32 $0x10A18  }
0x14f: {  	[tilespmem:s22], [sflag:$0x3] =	stream.indirect.gather [spmem:s5], $0x1, s20, s0, $0xb8;
	[tilespmem:$0x17138] =	vst v63  }
0x150: {  	s20 =	simm.s32 $0xFE60;
	s22 =	simm.s32 $0x10AE0  }
0x151: {  	[tilespmem:s22], [sflag:$0x3] =	stream.indirect.gather [spmem:s5], $0x1, s20, s0, $0xb8;
	[tilespmem:$0x17138] =	vst v63  }
0x152: {  	s22 =	simm.s32 $0xFF28  }
0x153: {  	[tilespmem:s23], [sflag:$0x3] =	stream.indirect.gather [spmem:s5], $0x1, s22, s0, $0xb8;
	[tilespmem:$0x17138] =	vst v63  }
0x154: {  	_ = 	snop  }
0x155: {  	[tilespmem:s28], [sflag:$0x3] =	stream.indirect.gather [spmem:s5], $0x1, s24, s0, $0xb8;
	[tilespmem:$0x17138] =	vst v63  }
0x156: {  	_ =	swait.ge [sflag:s15], $0xC8  }
0x157: {  	[sflag:s15] =	ssyncset.done $0x0  }
0x158: {  	[sflag:s15] =	ssyncadd.s32 $0xFFFFFF38  }
0x159: {  	_ =	swait.ge [sflag:s15], $0xC8  }
0x15a: {  	[sflag:s15] =	ssyncset.done $0x0  }
0x15b: {  	[sflag:s15] =	ssyncadd.s32 $0xFFFFFF38  }
0x15c: {  	_ =	swait.ge [sflag:s15], $0xC8  }
0x15d: {  	[sflag:s15] =	ssyncset.done $0x0  }
0x15e: {  	[sflag:s15] =	ssyncadd.s32 $0xFFFFFF38  }
0x15f: {  	_ =	swait.ge [sflag:s15], $0xC8  }
0x160: {  	v2 =	vor.u32 s21, v0;
	[sflag:s15] =	ssyncset.done $0x0  }
0x161: {  	v3 =	vmulhi.u32 $0x1B4E81B5, v2;
	[sflag:s15] =	ssyncadd.s32 $0xFFFFFF38  }
0x162: {  	_ =	swait.ge [sflag:s15], $0xC8  }
0x163: {  	v6 =	vshrl.u32 v3, $0x6;
	[sflag:s15] =	ssyncset.done $0x0  }
0x164: {  	v3 =	vmul.u32 $0xFFFFFDA8, v6;
	[sflag:s15] =	ssyncadd.s32 $0xFFFFFF38  }
0x165: {  	_ =	swait.ge [sflag:s15], $0xC8  }
0x166: {  	v4 =	vadd.s32 v2, v3;
	v3 =	vmulhi.u32 $0xAAAAAAAB, v2;
	[sflag:s15] =	ssyncset.done $0x0  }
0x167: {  	v5 =	vand.u32 $0xFFFF, v4;
	[sflag:s15] =	ssyncadd.s32 $0xFFFFFF38  }
0x168: {  	v8 =	vmulhi.u32 $0x55555556, v5;
	v3 =	vshrl.u32 v3, $0x1;
	_ =	swait.ge [sflag:s15], $0xC8  }
0x169: {  	v5 =	vmul.u32 $0xFFFFFFFD, v3;
	[sflag:s15] =	ssyncset.done $0x0  }
0x16a: {  	v7 =	vmov s21;
	v2 =	vsub.s32 $0x0, v2;
	v9 =	vmul.u32 $0xFFFD, v8;
	s22 =	simm.s32 $0x10;
	[sflag:s15] =	ssyncadd.s32 $0xFFFFFF38  }
0x16b: {  	s16 =	sadd.s32 s16, s12;
	vm0 =	veq.s32 v7, v0;
	vm1 =	vne.s32 v5, v2;
	v10 =	vor.u32 s22, v0;
	_ =	swait.ge [sflag:s15], $0xC8  }
0x16c: {  	s16 =	sshrl.u32 s16, $0x3;
	v5 =	vadd.s32 v4, v9;
	vm1 =	vmand vm0, vm1;
	v2 =	vmulhi.u32 $0x1B4E81B5, v10;
	[sflag:s15] =	ssyncset.done $0x0  }
0x16d: {  	s16 =	sadd.s32 s3, s16;
	v9 =	vand.u32 $0xFFFF, v5;
	v5 =	vsel vm1, $0xFFFFFFFF, v1;
	[sflag:s15] =	ssyncadd.s32 $0xFFFFFF38  }
0x16e: {  	v7 =	vadd.s32 v5, v3;
	v2 =	vshrl.u32 v2, $0x6;
	[tilespmem:s30], [sflag:$0x2] =	stream.linear.gather [hbm4b:s16+s21], $0x640, $0x38;
	[tilespmem:$0x17138] =	vst v63  }
0x16f: {  	vm1 =	vne.s32 v4, $0x0;
	v11 =	vor.u32 $0x8, v9;
	v5 =	vmul.u32 $0xFFFFFDA8, v2;
	_ =	swait.ge [sflag:s9], $0x3200  }
0x170: {  	vm1 =	vmand vm0, vm1;
	v12 =	vmov s22;
	v13 =	vmulhi.u32 $0xAAAAAAAB, v10;
	[sflag:s9] =	ssyncset.done $0x0  }
0x171: {  	vm0 =	veq.s32 v12, v0;
	v12 =	vsel vm1, $0xFFFFFFFF, v1;
	v5 =	vadd.s32 v10, v5;
	[sflag:s9] =	ssyncadd.s32 $0xFFFFCE00  }
0x172: {  	v8 =	vshll.u32 v8, $0x3;
	v6 =	vadd.s32 v12, v6;
	v4 =	vand.u32 $0xFFFF, v5;
	v14 =	vld.idx.msk [tilespmem:v9+s25+$0x0], $0xffff  }
0x173: {  	s20 =	simm.s32 $0x20;
	v6 =	vmul.u32 $0x640, v6;
	v4 =	vmulhi.u32 $0x55555556, v4;
	v15 =	vld.idx.msk [tilespmem:v7+s2+$0x0], $0xffff;
	v7 =	vshrl.u32 v13, $0x1  }
0x174: {  	v8 =	vand.u32 $0xFFFF, v8;
	v3 =	vor.u32 s20, v0;
	v12 =	vmul.u32 $0xFFFFFFFD, v7  }
0x175: {  	s22 =	sadd.s32 s17, s19;
	v16 =	vsub.s32 $0x0, v10;
	v6 =	vadd.s32 v8, v6;
	v13 =	vmul.u32 $0xFFFD, v4;
	v8 =	vld.idx.msk [tilespmem:v11+s25+$0x0], $0xffff  }
0x176: {  	v10 =	vmulhi.u32 $0x1B4E81B5, v3;
	s16 =	smul.u32 $0xC8, s22;
	vm1 =	vne.s32 v12, v16  }
0x177: {  	v9 =	vor.u32 v9, v6;
	v12 =	vadd.s32 v5, v13;
	vm1 =	vmand vm0, vm1  }
0x178: {  	s17 =	simm.s32 $0x30;
	s16 =	sadd.s32 s7, s16;
	v6 =	vand.u32 $0xFFFF, v12;
	v12 =	vsel vm1, $0xFFFFFFFF, v1;
	v11 =	vmul.f32 v14, v15  }
.LBB2_9:
0x179: {  	p1 =	sne.s32 s17, $0x12B0;
	v7 =	vadd.s32 v12, v7  }
0x17a: {  	v10 =	vshrl.u32 v10, $0x6;
	v8 =	vadd.f32 v8, v11  }
0x17b: {  	v12 =	vor.u32 $0x8, v6;
	v11 =	vmul.u32 $0xFFFFFDA8, v10  }
0x17c: {  	v13 =	vor.u32 s17, v0;
	v14 =	vmov s20;
	vm1 =	vne.s32 v5, $0x0;
	s20 =	smov.u32 s17;
	[tilespmem:v9+s4+$0x0] =	vst.idx.msk $0xffff, v8  }
0x17d: {  	vm1 =	vmand vm0, vm1;
	v5 =	vadd.s32 v3, v11;
	v8 =	vmulhi.u32 $0xAAAAAAAB, v3;
	v11 =	vld.idx.msk [tilespmem:v6+s25+$0x0], $0xffff  }
0x17e: {  	vm0 =	veq.s32 v14, v0;
	v14 =	vsel vm1, $0xFFFFFFFF, v1;
	v9 =	vand.u32 $0xFFFF, v5;
	v15 =	vld.idx.msk [tilespmem:v7+s2+$0x0], $0xffff  }
0x17f: {  	v14 =	vadd.s32 v14, v2;
	v2 =	vmovc v10;
	v9 =	vmulhi.u32 $0x55555556, v9;
	v7 =	vshrl.u32 v8, $0x1  }
.Ltmp3:
0x180: {  	v10 =	vshll.u32 v4, $0x3;
	v16 =	vmul.u32 $0xFFFFFFFD, v7;
	v8 =	vld.idx.msk [tilespmem:v12+s25+$0x0], $0xffff;
	v12 =	vmul.u32 $0x640, v14;
	(pc) =	sbr.rel @p1 .LBB2_9-.Ltmp3, $4  }
0x181: {  	v17 =	vsub.s32 $0x0, v3;
	v3 =	vmovc v13;
	v18 =	vand.u32 $0xFFFF, v10;
	v14 =	vmul.u32 $0xFFFD, v9;
	v4 =	vmovc v9  }
0x182: {  	v10 =	vmulhi.u32 $0x1B4E81B5, v3;
	vm1 =	vne.s32 v16, v17;
	v9 =	vadd.s32 v18, v12  }
0x183: {  	v12 =	vadd.s32 v5, v14;
	vm1 =	vmand vm0, vm1;
	v9 =	vor.u32 v6, v9  }
0x184: {  	s17 =	sadd.s32 $0x10, s17;
	v6 =	vand.u32 $0xFFFF, v12;
	v12 =	vsel vm1, $0xFFFFFFFF, v1;
	v11 =	vmul.f32 v11, v15  }
0x185: {  	_ = 	snop  }
0x186: {  	v7 =	vadd.s32 v12, v7;
	v10 =	vshrl.u32 v10, $0x6  }
0x187: {  	v8 =	vadd.f32 v8, v11;
	v52 =	vmul.u32 $0xFFFFFDA8, v10  }
0x188: {  	v53 =	vor.u32 $0x8, v6;
	vm1 =	vne.s32 v5, $0x0  }
0x189: {  	v55 =	vmulhi.u32 $0xAAAAAAAB, v3;
	vm0 =	vmand vm0, vm1;
	[tilespmem:v9+s4+$0x0] =	vst.idx.msk $0xffff, v8;
	v54 =	vadd.s32 v3, v52  }
0x18a: {  	v56 =	vmov s20;
	v14 =	vsel vm0, $0xFFFFFFFF, v1;
	v57 =	vld.idx.msk [tilespmem:v6+s25+$0x0], $0xffff;
	v13 =	vand.u32 $0xFFFF, v54  }
0x18b: {  	v8 =	vshrl.u32 v55, $0x1;
	v2 =	vadd.s32 v14, v2;
	v7 =	vld.idx.msk [tilespmem:v7+s2+$0x0], $0xffff;
	v13 =	vmulhi.u32 $0x55555556, v13  }
0x18c: {  	v4 =	vshll.u32 v4, $0x3;
	v58 =	vmul.u32 $0xFFFFFFFD, v8;
	v2 =	vmul.u32 $0x640, v2  }
0x18d: {  	v4 =	vand.u32 $0xFFFF, v4;
	v3 =	vsub.s32 $0x0, v3;
	v12 =	vld.idx.msk [tilespmem:v53+s25+$0x0], $0xffff;
	v15 =	vmul.u32 $0xFFFD, v13  }
0x18e: {  	vm13 =	veq.s32 v56, v0;
	vm14 =	vne.s32 v58, v3;
	v2 =	vadd.s32 v4, v2  }
0x18f: {  	vm1 =	vmand vm13, vm14;
	v2 =	vor.u32 v6, v2;
	v3 =	vadd.s32 v54, v15  }
0x190: {  	v59 =	vsel vm1, $0xFFFFFFFF, v1;
	v3 =	vand.u32 $0xFFFF, v3;
	v60 =	vmul.f32 v57, v7  }
0x191: {  	v4 =	vadd.s32 v59, v8  }
0x192: {  	v6 =	vadd.f32 v12, v60  }
0x193: {  	vm15 =	vne.s32 v54, $0x0;
	v61 =	vor.u32 $0x8, v3  }
0x194: {  	vm0 =	vmand vm13, vm15;
	[tilespmem:v2+s4+$0x0] =	vst.idx.msk $0xffff, v6  }
0x195: {  	v62 =	vsel vm0, $0xFFFFFFFF, v1;
	v2 =	vld.idx.msk [tilespmem:v3+s25+$0x0], $0xffff  }
0x196: {  	v5 =	vadd.s32 v62, v10;
	v4 =	vld.idx.msk [tilespmem:v4+s2+$0x0], $0xffff  }
0x197: {  	v63 =	vshll.u32 v13, $0x3;
	v5 =	vmul.u32 $0x640, v5  }
0x198: {  	v6 =	vand.u32 $0xFFFF, v63;
	v7 =	vld.idx.msk [tilespmem:v61+s25+$0x0], $0xffff  }
0x199: {  	v5 =	vadd.s32 v6, v5  }
0x19a: {  	v3 =	vor.u32 v3, v5  }
0x19b: {  	p1 =	sne.s32 s14, $0x1E;
	v2 =	vmul.f32 v2, v4  }
.Ltmp4:
0x19c: {  	_ = 	snop;
	(pc) =	sbr.rel @p1 .LBB2_6-.Ltmp4, $3  }
0x19d: {  	v2 =	vadd.f32 v7, v2;
	_ =	sdelay $0x1  }
0x19e: {  	[tilespmem:v3+s4+$0x0] =	vst.idx.msk $0xffff, v2  }
0x19f: {  	[hbm4b:s16+s6] =	stream.linear.scatter [tilespmem:s4], [sflag:$0x5], $0x3200, $0x38;
	[tilespmem:$0x17138] =	vst v63  }
0x1a0: {  	_ =	swait.ge [sflag:s31], $0x640  }
0x1a1: {  	[sflag:s31] =	ssyncset.done $0x0  }
0x1a2: {  	[sflag:s31] =	ssyncadd.s32 $0xFFFFF9C0  }
0x1a3: {  	[tilespmem:s1], [sflag:$0x3] =	stream.indirect.gather [spmem:s5], $0x1, s29, s0, $0xb8;
	[tilespmem:$0x17138] =	vst v63  }
0x1a4: {  	s13 =	simm.s32 $0xF500;
	s14 =	simm.s32 $0x10180  }
0x1a5: {  	[tilespmem:s14], [sflag:$0x3] =	stream.indirect.gather [spmem:s5], $0x1, s13, s0, $0xb8;
	[tilespmem:$0x17138] =	vst v63  }
0x1a6: {  	s21 =	simm.s32 $0xF5C8;
	s22 =	simm.s32 $0x10248  }
0x1a7: {  	[tilespmem:s22], [sflag:$0x3] =	stream.indirect.gather [spmem:s5], $0x1, s21, s0, $0xb8;
	[tilespmem:$0x17138] =	vst v63  }
0x1a8: {  	s16 =	simm.s32 $0x10310;
	s14 =	simm.s32 $0xF690  }
0x1a9: {  	[tilespmem:s16], [sflag:$0x3] =	stream.indirect.gather [spmem:s5], $0x1, s14, s0, $0xb8;
	[tilespmem:$0x17138] =	vst v63  }
0x1aa: {  	s17 =	simm.s32 $0xF758;
	s20 =	simm.s32 $0x103D8  }
0x1ab: {  	[tilespmem:s20], [sflag:$0x3] =	stream.indirect.gather [spmem:s5], $0x1, s17, s0, $0xb8;
	[tilespmem:$0x17138] =	vst v63  }
0x1ac: {  	s21 =	simm.s32 $0xF820;
	s22 =	simm.s32 $0x104A0  }
0x1ad: {  	[tilespmem:s22], [sflag:$0x3] =	stream.indirect.gather [spmem:s5], $0x1, s21, s0, $0xb8;
	[tilespmem:$0x17138] =	vst v63  }
0x1ae: {  	s14 =	simm.s32 $0xF8E8;
	s16 =	simm.s32 $0x10568  }
0x1af: {  	[tilespmem:s16], [sflag:$0x3] =	stream.indirect.gather [spmem:s5], $0x1, s14, s0, $0xb8;
	[tilespmem:$0x17138] =	vst v63  }
0x1b0: {  	s17 =	simm.s32 $0xF9B0;
	s20 =	simm.s32 $0x10630  }
0x1b1: {  	[tilespmem:s20], [sflag:$0x3] =	stream.indirect.gather [spmem:s5], $0x1, s17, s0, $0xb8;
	[tilespmem:$0x17138] =	vst v63  }
0x1b2: {  	_ =	swait.ge [sflag:s15], $0xC8  }
0x1b3: {  	[sflag:s15] =	ssyncset.done $0x0  }
0x1b4: {  	[sflag:s15] =	ssyncadd.s32 $0xFFFFFF38  }
0x1b5: {  	_ =	swait.ge [sflag:s15], $0xC8  }
0x1b6: {  	[sflag:s15] =	ssyncset.done $0x0  }
0x1b7: {  	[sflag:s15] =	ssyncadd.s32 $0xFFFFFF38  }
0x1b8: {  	_ =	swait.ge [sflag:s15], $0xC8  }
0x1b9: {  	[sflag:s15] =	ssyncset.done $0x0  }
0x1ba: {  	s21 =	simm.s32 $0x0;
	[sflag:s15] =	ssyncadd.s32 $0xFFFFFF38  }
0x1bb: {  	v2 =	vor.u32 s21, v0;
	_ =	swait.ge [sflag:s15], $0xC8  }
0x1bc: {  	v3 =	vmulhi.u32 $0x1B4E81B5, v2;
	[sflag:s15] =	ssyncset.done $0x0  }
0x1bd: {  	[sflag:s15] =	ssyncadd.s32 $0xFFFFFF38  }
0x1be: {  	v5 =	vshrl.u32 v3, $0x6;
	_ =	swait.ge [sflag:s15], $0xC8  }
0x1bf: {  	v3 =	vmul.u32 $0xFFFFFDA8, v5;
	[sflag:s15] =	ssyncset.done $0x0  }
0x1c0: {  	[sflag:s15] =	ssyncadd.s32 $0xFFFFFF38  }
0x1c1: {  	v4 =	vadd.s32 v2, v3;
	v3 =	vmulhi.u32 $0xAAAAAAAB, v2;
	_ =	swait.ge [sflag:s15], $0xC8  }
0x1c2: {  	v6 =	vand.u32 $0xFFFF, v4;
	[sflag:s15] =	ssyncset.done $0x0  }
0x1c3: {  	v8 =	vmulhi.u32 $0x55555556, v6;
	v3 =	vshrl.u32 v3, $0x1;
	[sflag:s15] =	ssyncadd.s32 $0xFFFFFF38  }
0x1c4: {  	v6 =	vmul.u32 $0xFFFFFFFD, v3;
	_ =	swait.ge [sflag:s15], $0xC8  }
0x1c5: {  	s22 =	simm.s32 $0x10;
	v7 =	vmov s21;
	v2 =	vsub.s32 $0x0, v2;
	v9 =	vmul.u32 $0xFFFD, v8;
	[sflag:s15] =	ssyncset.done $0x0  }
0x1c6: {  	v10 =	vor.u32 s22, v0;
	vm0 =	veq.s32 v7, v0;
	vm1 =	vne.s32 v6, v2;
	[sflag:s15] =	ssyncadd.s32 $0xFFFFFF38  }
0x1c7: {  	v2 =	vmulhi.u32 $0x1B4E81B5, v10;
	v6 =	vadd.s32 v4, v9;
	vm1 =	vmand vm0, vm1;
	_ =	swait.ge [sflag:s15], $0xC8  }
0x1c8: {  	v9 =	vand.u32 $0xFFFF, v6;
	v6 =	vsel vm1, $0xFFFFFFFF, v1;
	[sflag:s15] =	ssyncset.done $0x0  }
0x1c9: {  	v2 =	vshrl.u32 v2, $0x6;
	v7 =	vadd.s32 v6, v3;
	[sflag:s15] =	ssyncadd.s32 $0xFFFFFF38  }
0x1ca: {  	v12 =	vmov s22;
	vm1 =	vne.s32 v4, $0x0;
	v6 =	vmul.u32 $0xFFFFFDA8, v2;
	_ =	swait.ge [sflag:s8], $0x3200  }
0x1cb: {  	v13 =	vmulhi.u32 $0xAAAAAAAB, v10;
	v11 =	vor.u32 $0x8, v9;
	vm1 =	vmand vm0, vm1;
	[sflag:s8] =	ssyncset.done $0x0  }
0x1cc: {  	vm0 =	veq.s32 v12, v0;
	v12 =	vsel vm1, $0xFFFFFFFF, v1;
	v6 =	vadd.s32 v10, v6;
	[sflag:s8] =	ssyncadd.s32 $0xFFFFCE00  }
0x1cd: {  	v8 =	vshll.u32 v8, $0x3;
	v5 =	vadd.s32 v12, v5;
	v4 =	vand.u32 $0xFFFF, v6;
	v14 =	vld.idx.msk [tilespmem:v9+s25+$0x0], $0xffff  }
0x1ce: {  	v5 =	vmul.u32 $0x640, v5;
	v4 =	vmulhi.u32 $0x55555556, v4;
	v15 =	vld.idx.msk [tilespmem:v7+s1+$0x0], $0xffff;
	v7 =	vshrl.u32 v13, $0x1  }
0x1cf: {  	s13 =	simm.s32 $0x20;
	v16 =	vsub.s32 $0x0, v10;
	v8 =	vand.u32 $0xFFFF, v8;
	v12 =	vmul.u32 $0xFFFFFFFD, v7  }
0x1d0: {  	v3 =	vor.u32 s13, v0;
	v5 =	vadd.s32 v8, v5;
	v13 =	vmul.u32 $0xFFFD, v4;
	v8 =	vld.idx.msk [tilespmem:v11+s25+$0x0], $0xffff  }
0x1d1: {  	v10 =	vmulhi.u32 $0x1B4E81B5, v3;
	vm1 =	vne.s32 v12, v16  }
0x1d2: {  	v9 =	vor.u32 v9, v5;
	v12 =	vadd.s32 v6, v13;
	vm1 =	vmand vm0, vm1  }
0x1d3: {  	s14 =	simm.s32 $0x30;
	v5 =	vand.u32 $0xFFFF, v12;
	v12 =	vsel vm1, $0xFFFFFFFF, v1;
	v11 =	vmul.f32 v14, v15  }
.LBB2_12:
0x1d4: {  	p1 =	sne.s32 s14, $0x12B0;
	v7 =	vadd.s32 v12, v7  }
0x1d5: {  	v10 =	vshrl.u32 v10, $0x6;
	v8 =	vadd.f32 v8, v11  }
0x1d6: {  	v12 =	vor.u32 $0x8, v5;
	v11 =	vmul.u32 $0xFFFFFDA8, v10  }
0x1d7: {  	v13 =	vor.u32 s14, v0;
	v14 =	vmov s13;
	vm1 =	vne.s32 v6, $0x0;
	s13 =	smov.u32 s14;
	[tilespmem:v9+s11+$0x0] =	vst.idx.msk $0xffff, v8  }
0x1d8: {  	vm1 =	vmand vm0, vm1;
	v6 =	vadd.s32 v3, v11;
	v8 =	vmulhi.u32 $0xAAAAAAAB, v3;
	v11 =	vld.idx.msk [tilespmem:v5+s25+$0x0], $0xffff  }
0x1d9: {  	vm0 =	veq.s32 v14, v0;
	v14 =	vsel vm1, $0xFFFFFFFF, v1;
	v9 =	vand.u32 $0xFFFF, v6;
	v15 =	vld.idx.msk [tilespmem:v7+s1+$0x0], $0xffff  }
0x1da: {  	v14 =	vadd.s32 v14, v2;
	v2 =	vmovc v10;
	v9 =	vmulhi.u32 $0x55555556, v9;
	v7 =	vshrl.u32 v8, $0x1  }
.Ltmp5:
0x1db: {  	v10 =	vshll.u32 v4, $0x3;
	v16 =	vmul.u32 $0xFFFFFFFD, v7;
	v8 =	vld.idx.msk [tilespmem:v12+s25+$0x0], $0xffff;
	v12 =	vmul.u32 $0x640, v14;
	(pc) =	sbr.rel @p1 .LBB2_12-.Ltmp5, $4  }
0x1dc: {  	v17 =	vsub.s32 $0x0, v3;
	v3 =	vmovc v13;
	v18 =	vand.u32 $0xFFFF, v10;
	v14 =	vmul.u32 $0xFFFD, v9;
	v4 =	vmovc v9  }
0x1dd: {  	v10 =	vmulhi.u32 $0x1B4E81B5, v3;
	vm1 =	vne.s32 v16, v17;
	v9 =	vadd.s32 v18, v12  }
0x1de: {  	v12 =	vadd.s32 v6, v14;
	vm1 =	vmand vm0, vm1;
	v9 =	vor.u32 v5, v9  }
0x1df: {  	s14 =	sadd.s32 $0x10, s14;
	v5 =	vand.u32 $0xFFFF, v12;
	v12 =	vsel vm1, $0xFFFFFFFF, v1;
	v11 =	vmul.f32 v11, v15  }
0x1e0: {  	_ = 	snop  }
0x1e1: {  	v7 =	vadd.s32 v12, v7;
	v10 =	vshrl.u32 v10, $0x6  }
0x1e2: {  	v8 =	vadd.f32 v8, v11;
	v11 =	vmul.u32 $0xFFFFFDA8, v10  }
0x1e3: {  	v12 =	vor.u32 $0x8, v5;
	vm1 =	vne.s32 v6, $0x0  }
0x1e4: {  	vm0 =	vmand vm0, vm1;
	[tilespmem:v9+s11+$0x0] =	vst.idx.msk $0xffff, v8;
	v6 =	vadd.s32 v3, v11;
	v8 =	vmulhi.u32 $0xAAAAAAAB, v3  }
0x1e5: {  	v4 =	vshll.u32 v4, $0x3;
	v14 =	vsel vm0, $0xFFFFFFFF, v1;
	v11 =	vld.idx.msk [tilespmem:v5+s25+$0x0], $0xffff;
	v13 =	vand.u32 $0xFFFF, v6  }
0x1e6: {  	v2 =	vadd.s32 v14, v2;
	v7 =	vld.idx.msk [tilespmem:v7+s1+$0x0], $0xffff;
	v13 =	vmulhi.u32 $0x55555556, v13;
	v8 =	vshrl.u32 v8, $0x1  }
0x1e7: {  	v4 =	vand.u32 $0xFFFF, v4;
	v2 =	vmul.u32 $0x640, v2;
	v14 =	vmul.u32 $0xFFFFFFFD, v8  }
0x1e8: {  	v9 =	vmov s13;
	v3 =	vsub.s32 $0x0, v3;
	v12 =	vld.idx.msk [tilespmem:v12+s25+$0x0], $0xffff;
	v15 =	vmul.u32 $0xFFFD, v13  }
0x1e9: {  	vm0 =	veq.s32 v9, v0;
	v2 =	vadd.s32 v4, v2;
	vm1 =	vne.s32 v14, v3  }
0x1ea: {  	v2 =	vor.u32 v5, v2;
	v3 =	vadd.s32 v6, v15;
	vm1 =	vmand vm0, vm1  }
0x1eb: {  	v3 =	vand.u32 $0xFFFF, v3;
	v4 =	vsel vm1, $0xFFFFFFFF, v1;
	v5 =	vmul.f32 v11, v7  }
0x1ec: {  	v4 =	vadd.s32 v4, v8  }
0x1ed: {  	v5 =	vadd.f32 v12, v5  }
0x1ee: {  	vm1 =	vne.s32 v6, $0x0;
	v7 =	vor.u32 $0x8, v3  }
0x1ef: {  	vm0 =	vmand vm0, vm1;
	[tilespmem:v2+s11+$0x0] =	vst.idx.msk $0xffff, v5  }
0x1f0: {  	v5 =	vsel vm0, $0xFFFFFFFF, v1;
	v2 =	vld.idx.msk [tilespmem:v3+s25+$0x0], $0xffff  }
0x1f1: {  	v5 =	vadd.s32 v5, v10;
	v4 =	vld.idx.msk [tilespmem:v4+s1+$0x0], $0xffff  }
0x1f2: {  	v6 =	vshll.u32 v13, $0x3;
	v5 =	vmul.u32 $0x640, v5  }
0x1f3: {  	v6 =	vand.u32 $0xFFFF, v6;
	v7 =	vld.idx.msk [tilespmem:v7+s25+$0x0], $0xffff  }
0x1f4: {  	v5 =	vadd.s32 v6, v5  }
0x1f5: {  	v3 =	vor.u32 v3, v5  }
0x1f6: {  	v2 =	vmul.f32 v2, v4;
	_ =	sdelay $0x1  }
0x1f7: {  	v2 =	vadd.f32 v7, v2;
	_ =	sdelay $0x1  }
0x1f8: {  	s14 =	rddreg [dreg:$0xe];
	s17 =	simm.s32 $0x6;
	s13 =	simm.s32 $0x0;
	[tilespmem:v3+s11+$0x0] =	vst.idx.msk $0xffff, v2  }
0x1f9: {  	[hbm4b:s14+s13] =	stream.linear.scatter [tilespmem:s11], [sflag:$0x6], $0x3200, $0x38;
	[tilespmem:$0x17138] =	vst v63  }
0x1fa: {  	_ =	swait.ge [sflag:s17], $0x3200  }
0x1fb: {  	[sflag:s17] =	ssyncset.done $0x0  }
0x1fc: {  	[sflag:s17] =	ssyncadd.s32 $0xFFFFCE00  }
0x1fd: {  	_ =	swait.ge [sflag:s26], $0x640  }
0x1fe: {  	[sflag:s26] =	ssyncset.done $0x0  }
0x1ff: {  	[sflag:s26] =	ssyncadd.s32 $0xFFFFF9C0  }
0x200: {  	[tilespmem:s2], [sflag:$0x3] =	stream.indirect.gather [spmem:s5], $0x1, s30, s0, $0xb8;
	[tilespmem:$0x17138] =	vst v63  }
0x201: {  	s20 =	simm.s32 $0xFB40;
	s16 =	simm.s32 $0x107C0  }
0x202: {  	[tilespmem:s16], [sflag:$0x3] =	stream.indirect.gather [spmem:s5], $0x1, s20, s0, $0xb8;
	[tilespmem:$0x17138] =	vst v63  }
0x203: {  	s21 =	simm.s32 $0xFC08;
	s22 =	simm.s32 $0x10888  }
0x204: {  	[tilespmem:s22], [sflag:$0x3] =	stream.indirect.gather [spmem:s5], $0x1, s21, s0, $0xb8;
	[tilespmem:$0x17138] =	vst v63  }
0x205: {  	s16 =	simm.s32 $0xFCD0;
	s20 =	simm.s32 $0x10950  }
0x206: {  	[tilespmem:s20], [sflag:$0x3] =	stream.indirect.gather [spmem:s5], $0x1, s16, s0, $0xb8;
	[tilespmem:$0x17138] =	vst v63  }
0x207: {  	s21 =	simm.s32 $0xFD98;
	s22 =	simm.s32 $0x10A18  }
0x208: {  	[tilespmem:s22], [sflag:$0x3] =	stream.indirect.gather [spmem:s5], $0x1, s21, s0, $0xb8;
	[tilespmem:$0x17138] =	vst v63  }
0x209: {  	s16 =	simm.s32 $0xFE60;
	s20 =	simm.s32 $0x10AE0  }
0x20a: {  	[tilespmem:s20], [sflag:$0x3] =	stream.indirect.gather [spmem:s5], $0x1, s16, s0, $0xb8;
	[tilespmem:$0x17138] =	vst v63  }
0x20b: {  	s21 =	simm.s32 $0xFF28  }
0x20c: {  	[tilespmem:s23], [sflag:$0x3] =	stream.indirect.gather [spmem:s5], $0x1, s21, s0, $0xb8;
	[tilespmem:$0x17138] =	vst v63  }
0x20d: {  	_ = 	snop  }
0x20e: {  	[tilespmem:s28], [sflag:$0x3] =	stream.indirect.gather [spmem:s5], $0x1, s24, s0, $0xb8;
	[tilespmem:$0x17138] =	vst v63  }
0x20f: {  	_ =	swait.ge [sflag:s15], $0xC8  }
0x210: {  	[sflag:s15] =	ssyncset.done $0x0  }
0x211: {  	[sflag:s15] =	ssyncadd.s32 $0xFFFFFF38  }
0x212: {  	_ =	swait.ge [sflag:s15], $0xC8  }
0x213: {  	[sflag:s15] =	ssyncset.done $0x0  }
0x214: {  	[sflag:s15] =	ssyncadd.s32 $0xFFFFFF38  }
0x215: {  	_ =	swait.ge [sflag:s15], $0xC8  }
0x216: {  	[sflag:s15] =	ssyncset.done $0x0  }
0x217: {  	[sflag:s15] =	ssyncadd.s32 $0xFFFFFF38  }
0x218: {  	v2 =	vor.u32 s13, v0;
	_ =	swait.ge [sflag:s15], $0xC8  }
0x219: {  	v3 =	vmulhi.u32 $0x1B4E81B5, v2;
	[sflag:s15] =	ssyncset.done $0x0  }
0x21a: {  	[sflag:s15] =	ssyncadd.s32 $0xFFFFFF38  }
0x21b: {  	v5 =	vshrl.u32 v3, $0x6;
	_ =	swait.ge [sflag:s15], $0xC8  }
0x21c: {  	v3 =	vmul.u32 $0xFFFFFDA8, v5;
	[sflag:s15] =	ssyncset.done $0x0  }
0x21d: {  	[sflag:s15] =	ssyncadd.s32 $0xFFFFFF38  }
0x21e: {  	v4 =	vadd.s32 v2, v3;
	v3 =	vmulhi.u32 $0xAAAAAAAB, v2;
	_ =	swait.ge [sflag:s15], $0xC8  }
0x21f: {  	v6 =	vand.u32 $0xFFFF, v4;
	[sflag:s15] =	ssyncset.done $0x0  }
0x220: {  	v8 =	vmulhi.u32 $0x55555556, v6;
	v3 =	vshrl.u32 v3, $0x1;
	[sflag:s15] =	ssyncadd.s32 $0xFFFFFF38  }
0x221: {  	v6 =	vmul.u32 $0xFFFFFFFD, v3;
	_ =	swait.ge [sflag:s15], $0xC8  }
0x222: {  	v7 =	vmov s13;
	v2 =	vsub.s32 $0x0, v2;
	v9 =	vmul.u32 $0xFFFD, v8;
	s22 =	simm.s32 $0x10;
	[sflag:s15] =	ssyncset.done $0x0  }
0x223: {  	vm0 =	veq.s32 v7, v0;
	vm1 =	vne.s32 v6, v2;
	v10 =	vor.u32 s22, v0;
	[sflag:s15] =	ssyncadd.s32 $0xFFFFFF38  }
0x224: {  	v6 =	vadd.s32 v4, v9;
	vm1 =	vmand vm0, vm1;
	v2 =	vmulhi.u32 $0x1B4E81B5, v10;
	_ =	swait.ge [sflag:s15], $0xC8  }
0x225: {  	v9 =	vand.u32 $0xFFFF, v6;
	v6 =	vsel vm1, $0xFFFFFFFF, v1;
	[sflag:s15] =	ssyncset.done $0x0  }
0x226: {  	v7 =	vadd.s32 v6, v3;
	v2 =	vshrl.u32 v2, $0x6;
	[sflag:s15] =	ssyncadd.s32 $0xFFFFFF38  }
0x227: {  	vm1 =	vne.s32 v4, $0x0;
	v11 =	vor.u32 $0x8, v9;
	v6 =	vmul.u32 $0xFFFFFDA8, v2;
	_ =	swait.ge [sflag:s9], $0x3200  }
0x228: {  	vm1 =	vmand vm0, vm1;
	v12 =	vmov s22;
	v13 =	vmulhi.u32 $0xAAAAAAAB, v10;
	[sflag:s9] =	ssyncset.done $0x0  }
0x229: {  	vm0 =	veq.s32 v12, v0;
	v12 =	vsel vm1, $0xFFFFFFFF, v1;
	v6 =	vadd.s32 v10, v6;
	[sflag:s9] =	ssyncadd.s32 $0xFFFFCE00  }
0x22a: {  	v8 =	vshll.u32 v8, $0x3;
	v5 =	vadd.s32 v12, v5;
	v4 =	vand.u32 $0xFFFF, v6;
	v14 =	vld.idx.msk [tilespmem:v9+s25+$0x0], $0xffff  }
0x22b: {  	s13 =	simm.s32 $0x20;
	v5 =	vmul.u32 $0x640, v5;
	v4 =	vmulhi.u32 $0x55555556, v4;
	v15 =	vld.idx.msk [tilespmem:v7+s2+$0x0], $0xffff;
	v7 =	vshrl.u32 v13, $0x1  }
0x22c: {  	v8 =	vand.u32 $0xFFFF, v8;
	v3 =	vor.u32 s13, v0;
	v12 =	vmul.u32 $0xFFFFFFFD, v7  }
0x22d: {  	v16 =	vsub.s32 $0x0, v10;
	v5 =	vadd.s32 v8, v5;
	v13 =	vmul.u32 $0xFFFD, v4;
	v8 =	vld.idx.msk [tilespmem:v11+s25+$0x0], $0xffff  }
0x22e: {  	v10 =	vmulhi.u32 $0x1B4E81B5, v3;
	vm1 =	vne.s32 v12, v16  }
0x22f: {  	v9 =	vor.u32 v9, v5;
	v12 =	vadd.s32 v6, v13;
	vm1 =	vmand vm0, vm1  }
0x230: {  	s14 =	simm.s32 $0x30;
	v5 =	vand.u32 $0xFFFF, v12;
	v12 =	vsel vm1, $0xFFFFFFFF, v1;
	v11 =	vmul.f32 v14, v15  }
.LBB2_14:
0x231: {  	p1 =	sne.s32 s14, $0x12B0;
	v7 =	vadd.s32 v12, v7  }
0x232: {  	v10 =	vshrl.u32 v10, $0x6;
	v8 =	vadd.f32 v8, v11  }
0x233: {  	v12 =	vor.u32 $0x8, v5;
	v11 =	vmul.u32 $0xFFFFFDA8, v10  }
0x234: {  	v13 =	vor.u32 s14, v0;
	v14 =	vmov s13;
	vm1 =	vne.s32 v6, $0x0;
	s13 =	smov.u32 s14;
	[tilespmem:v9+s4+$0x0] =	vst.idx.msk $0xffff, v8  }
0x235: {  	vm1 =	vmand vm0, vm1;
	v6 =	vadd.s32 v3, v11;
	v8 =	vmulhi.u32 $0xAAAAAAAB, v3;
	v11 =	vld.idx.msk [tilespmem:v5+s25+$0x0], $0xffff  }
0x236: {  	vm0 =	veq.s32 v14, v0;
	v14 =	vsel vm1, $0xFFFFFFFF, v1;
	v9 =	vand.u32 $0xFFFF, v6;
	v15 =	vld.idx.msk [tilespmem:v7+s2+$0x0], $0xffff  }
0x237: {  	v14 =	vadd.s32 v14, v2;
	v2 =	vmovc v10;
	v9 =	vmulhi.u32 $0x55555556, v9;
	v7 =	vshrl.u32 v8, $0x1  }
.Ltmp6:
0x238: {  	v10 =	vshll.u32 v4, $0x3;
	v16 =	vmul.u32 $0xFFFFFFFD, v7;
	v8 =	vld.idx.msk [tilespmem:v12+s25+$0x0], $0xffff;
	v12 =	vmul.u32 $0x640, v14;
	(pc) =	sbr.rel @p1 .LBB2_14-.Ltmp6, $4  }
0x239: {  	v17 =	vsub.s32 $0x0, v3;
	v3 =	vmovc v13;
	v18 =	vand.u32 $0xFFFF, v10;
	v14 =	vmul.u32 $0xFFFD, v9;
	v4 =	vmovc v9  }
0x23a: {  	v10 =	vmulhi.u32 $0x1B4E81B5, v3;
	vm1 =	vne.s32 v16, v17;
	v9 =	vadd.s32 v18, v12  }
0x23b: {  	v12 =	vadd.s32 v6, v14;
	vm1 =	vmand vm0, vm1;
	v9 =	vor.u32 v5, v9  }
0x23c: {  	s14 =	sadd.s32 $0x10, s14;
	v5 =	vand.u32 $0xFFFF, v12;
	v12 =	vsel vm1, $0xFFFFFFFF, v1;
	v11 =	vmul.f32 v11, v15  }
0x23d: {  	_ = 	snop  }
0x23e: {  	v7 =	vadd.s32 v12, v7;
	v10 =	vshrl.u32 v10, $0x6  }
0x23f: {  	v8 =	vadd.f32 v8, v11;
	v52 =	vmul.u32 $0xFFFFFDA8, v10  }
0x240: {  	v53 =	vor.u32 $0x8, v5;
	vm1 =	vne.s32 v6, $0x0  }
0x241: {  	v55 =	vmulhi.u32 $0xAAAAAAAB, v3;
	vm0 =	vmand vm0, vm1;
	[tilespmem:v9+s4+$0x0] =	vst.idx.msk $0xffff, v8;
	v54 =	vadd.s32 v3, v52  }
0x242: {  	v56 =	vmov s13;
	v14 =	vsel vm0, $0xFFFFFFFF, v1;
	v57 =	vld.idx.msk [tilespmem:v5+s25+$0x0], $0xffff;
	v13 =	vand.u32 $0xFFFF, v54  }
0x243: {  	v8 =	vshrl.u32 v55, $0x1;
	v2 =	vadd.s32 v14, v2;
	v7 =	vld.idx.msk [tilespmem:v7+s2+$0x0], $0xffff;
	v13 =	vmulhi.u32 $0x55555556, v13  }
0x244: {  	v4 =	vshll.u32 v4, $0x3;
	v58 =	vmul.u32 $0xFFFFFFFD, v8;
	v2 =	vmul.u32 $0x640, v2  }
0x245: {  	v4 =	vand.u32 $0xFFFF, v4;
	v3 =	vsub.s32 $0x0, v3;
	v12 =	vld.idx.msk [tilespmem:v53+s25+$0x0], $0xffff;
	v15 =	vmul.u32 $0xFFFD, v13  }
0x246: {  	vm13 =	veq.s32 v56, v0;
	vm14 =	vne.s32 v58, v3;
	v2 =	vadd.s32 v4, v2  }
0x247: {  	vm1 =	vmand vm13, vm14;
	v2 =	vor.u32 v5, v2;
	v3 =	vadd.s32 v54, v15  }
0x248: {  	v59 =	vsel vm1, $0xFFFFFFFF, v1;
	v3 =	vand.u32 $0xFFFF, v3;
	v60 =	vmul.f32 v57, v7  }
0x249: {  	v4 =	vadd.s32 v59, v8  }
0x24a: {  	v5 =	vadd.f32 v12, v60  }
0x24b: {  	vm15 =	vne.s32 v54, $0x0;
	v61 =	vor.u32 $0x8, v3  }
0x24c: {  	vm0 =	vmand vm13, vm15;
	[tilespmem:v2+s4+$0x0] =	vst.idx.msk $0xffff, v5  }
0x24d: {  	v62 =	vsel vm0, $0xFFFFFFFF, v1;
	v2 =	vld.idx.msk [tilespmem:v3+s25+$0x0], $0xffff  }
0x24e: {  	v5 =	vadd.s32 v62, v10;
	v4 =	vld.idx.msk [tilespmem:v4+s2+$0x0], $0xffff  }
0x24f: {  	v63 =	vshll.u32 v13, $0x3;
	v5 =	vmul.u32 $0x640, v5  }
0x250: {  	v6 =	vand.u32 $0xFFFF, v63;
	v7 =	vld.idx.msk [tilespmem:v61+s25+$0x0], $0xffff  }
0x251: {  	v5 =	vadd.s32 v6, v5  }
0x252: {  	v3 =	vor.u32 v3, v5  }
0x253: {  	v2 =	vmul.f32 v2, v4;
	_ =	sdelay $0x1  }
0x254: {  	v2 =	vadd.f32 v7, v2;
	_ =	sdelay $0x1  }
0x255: {  	s21 =	rddreg [dreg:$0xf];
	[tilespmem:v3+s4+$0x0] =	vst.idx.msk $0xffff, v2  }
0x256: {  	[hbm4b:s21+s6] =	stream.linear.scatter [tilespmem:s4], [sflag:$0x6], $0x3200, $0x38;
	[tilespmem:$0x17138] =	vst v63  }
0x257: {  	_ =	swait.ge [sflag:s17], $0x3200  }
0x258: {  	s14 =	rddreg [dreg:$0x13]  }
0x259: {  	s22 =	rddreg [dreg:$0x10];
	s14 =	sadd.s32 $0x1, s14  }
0x25a: {  	p1 =	sne.s32 s14, s22  }
.Ltmp7:
0x25b: {  	_ = 	snop;
	(pc) =	sbr.rel @p1 .LBB2_1-.Ltmp7, $3  }
0x25c: {  	_ =	sdelay $0x1  }
0x25d: {  	[sflag:s17] =	ssyncset.done $0x0  }
0x25e: {  	[sflag:s17] =	ssyncadd.s32 $0xFFFFCE00  }
0x25f: {  	_ =	sfence.sel $0x180000  }
0x260: {  	[bflag:$0x0] =	sbarrier.arrive $0xFFFF  }
0x261: {  	_ =	strace $0x90000047  }
0x262: {  	s0 =	stileid.u32;
	[bflag:$0x2] =	sbarrier.arrive $0xFFFF  }
0x263: {  	p0 =	sne.s32 s0, $0x0;
	s0 =	rddreg [dreg:$0x5]  }
0x264: {  	s0 =	sadd.s32 @!p0 $0x100000, s0  }
0x265: {  	[sflag:s0] =	ssyncadd.tile.s32 @!p0 $0x1;
	_ =	shalt  }
.Lfunc_end2:
_tile_overlayer_lowered:
.L_overlay_start_2:
0x266: {  	(tag) =	ssettag $0x2  }
0x267: {  	s0 =	rddreg [dreg:$0x0];
	s2 =	stileid.u32  }
0x268: {  	s1 =	rddreg [dreg:$0x1];
	p0 =	sne.s32 s2, $0x0  }
0x269: {  	s3 =	rddreg [dreg:$0x2];
	[bflag:$0x3] =	sbarrier.arrive $0xFFFF;
	s2 =	simm.s32 @!p0 $0x1C06  }
0x26a: {  	[timem:s3], [sflag:s2] =	dma.local @!p0 [hbm:s0], s1  }
0x26b: {  	s0 =	simm.s32 @!p0 $0x6  }
0x26c: {  	_ =	swait.ge @!p0 [sflag:s0], s1  }
0x26d: {  	s1 =	ssub.s32 @!p0 $0x0, s1;
	[sflag:s0] =	ssyncset.done @!p0 $0x0  }
0x26e: {  	[sflag:s0] =	ssyncadd.s32 @!p0 s1  }
0x26f: {  	[bflag:$0x3] =	sbarrier.arrive $0xFFFF  }
0x270: {  	_ =	shalt  }

// kernel: sparse-core-data-format-call.cloned.1.call-start
scs
called_computation_lowered:
.L_overlay_start_0:
0x0: {  	s2 =	sld [smem:$0x3FD9]  }
0x1: {  	s3 =	sld [smem:$0x3FFE];
	_ =	sdelay $0x1  }
0x2: {  	s1 =	srdreg.scid  }
0x3: {  	s0 =	sand.u32 $0x1, s1  }
0x4: {  	s18 =	sshll.u32 s0, $0xA;
	s2 =	sadd.s32 s3, s2  }
0x5: {  	s2 =	sadd.s32 s2, s18  }
0x6: {  	[smem:$0x3FC4] =	sst s2  }
0x7: {  	_ = 	snop  }
0x8: {  	s2 =	sld [smem:$0x3FD0];
	(tm) =	ssettm $0x1  }
0x9: {  	s19 =	sld [smem:$0x3FFB];
	_ =	sdelay $0x3  }
0xa: {  	_ =	strace s19  }
0xb: {  	s3 =	sld [smem:$0x3FFC];
	_ =	sdelay $0x3  }
0xc: {  	_ =	strace s3  }
0xd: {  	s3 =	sld [smem:$0x3FFD];
	_ =	sdelay $0x3  }
0xe: {  	_ =	strace s3  }
0xf: {  	_ =	strace $0x8FFFFFFF  }
0x10: {  	s20 =	sld [smem:$0x3FDB];
	_ =	sdelay $0x1  }
0x11: {  	s4 =	simm.s32 $_scs_section_size  }
0x12: {  	s5 =	simm.s32 $_size__tile_overlayer_lowered;
	s6 =	simm.s32 $_tile_overlayer_lowered  }
0x13: {  	s23 =	simm.s32 $0x1BFF;
	s22 =	sshll.u32 s6, $0x1;
	s3 =	sadd.s32 s4, s20  }
0x14: {  	s7 =	simm.s32 $0x0;
	s21 =	sshll.u32 s5, $0x1;
	s5 =	sadd.s32 s22, s3  }
0x15: {  	[timem:s7], [sflag:s23] =	dma.local [hbm:s5], s21  }
0x16: {  	_ =	swait.ge [sflag:s23], s21  }
0x17: {  	s4 =	ssub.s32 $0x0, s21;
	[sflag:s23] =	ssyncset.done $0x0  }
0x18: {  	[sflag:s23] =	ssyncadd.s32 s4;
	_ =	sdelay $0x1  }
0x19: {  	s24 =	simm.s32 $0x1B8B  }
0x1a: {  	_ =	swait.ge [sflag:s24], $0x1  }
0x1b: {  	[sflag:s24] =	ssyncset.done $0x0  }
0x1c: {  	s26 =	simm.s32 $0x1B8E;
	s25 =	sld [smem:$0x3FFE];
	[sflag:s24] =	ssyncadd.s32 $0xFFFFFFFF  }
0x1d: {  	s27 =	simm.s32 $execute0_lowered;
	[smem:$0x3FD2] =	sst s26  }
0x1e: {  	s5 =	sshll.u32 s27, $0x1;
	_ =	strace $0x80000049;
	[dreg:$0x1] =	wrdreg $0xFFFFFFFF  }
0x1f: {  	s28 =	simm.s32 $_size_execute0_lowered;
	s3 =	sadd.s32 s3, s5;
	[dreg:$0x0] =	wrdreg $0x0  }
0x20: {  	s5 =	sshll.u32 s28, $0x1;
	[dreg:$0x2] =	wrdreg s3  }
0x21: {  	[dreg:$0x3] =	wrdreg s5  }
0x22: {  	[dreg:$0x4] =	wrdreg $0xC0  }
0x23: {  	_ =	task [dreg:s7], $0x5FFFF  }
0x24: {  	[dreg:$0x1] =	wrdreg $0xFFFFFFFF  }
0x25: {  	[dreg:$0x0] =	wrdreg $0x60  }
0x26: {  	[dreg:$0x2] =	wrdreg s25  }
0x27: {  	[dreg:$0x3] =	wrdreg s2  }
0x28: {  	[dreg:$0x4] =	wrdreg $0x9  }
0x29: {  	_ =	task.clear_ibuf [dreg:s7], $0x5FFFF;
	_ =	strace $0x90000049  }
0x2a: {  	s29 =	simm.s32 $0x9;
	_ =	strace $0x8000004B  }
0x2b: {  	_ =	swait.ge [sflag:s29], $0x1  }
0x2c: {  	[sflag:s29] =	ssyncadd.s32 $0xFFFFFFFF  }
0x2d: {  	_ =	strace $0x9000004B  }
0x2e: {  	_ =	sfence  }
0x2f: {  	s30 =	sld [smem:$0x0];
	_ =	sdelay $0x2  }
0x30: {  	s31 =	sshll.u32 s1, $0xD;
	s1 =	sshrl.u32 s1, $0x2  }
0x31: {  	s3 =	sand.u32 $0x4000, s31;
	s1 =	sadd.s32 s1, s30  }
0x32: {  	s0 =	sor.u32 s3, s0;
	s1 =	sshll.u32 s1, $0x11  }
0x33: {  	s0 =	sor.u32 s1, s0  }
0x34: {  	s0 =	sadd.s32 $0x8F2B, s0  }
0x35: {  	[sflag:s0] =	ssyncadd.remote.s32 $0x1  }
0x36: {  	_ =	sfence.sel $0xFFFF  }
0x37: {  	[dreg:$0x0] =	wrdreg $0xFFFFFFFF;
	(pc) =	sbr.abs _section_cstart, $3  }
0x38: {  	[dreg:$0x1] =	wrdreg $0xFFFFFFFF  }
0x39: {  	_ =	task.clear_ibuf [dreg:s7], $0x2FFFF;
	_ =	strace $0x9FFFFFFF  }
0x3a: {  	(tm) =	ssettm $0x7FFFFFFF  }
0x3b: {  	_ =	shalt  }
tec
execute0_lowered:
.L_overlay_start_1:
0x0: {  	(tag) =	ssettag $0x1  }
0x1: {  	s0 =	srdreg.scid  }
0x2: {  	s1 =	sshll.u32 s0, $0x4  }
0x3: {  	s6 =	rddreg [dreg:$0x0];
	s0 =	stileid.u32;
	s1 =	sand.u32 $0x10, s1  }
0x4: {  	s3 =	rddreg [dreg:$0x1];
	s1 =	sor.u32 s0, s1  }
0x5: {  	s5 =	simm.s32 $0x1;
	s31 =	simm.s32 $0x2;
	s2 =	sshll.u32 s1, $0x7  }
0x6: {  	s15 =	simm.s32 $0x0;
	s8 =	simm.s32 $0x320000;
	s4 =	ssub.s32 $0x4000, s2  }
0x7: {  	s14 =	simm.s32 $0x0;
	s9 =	simm.s32 $0x0;
	s30 =	sand.u32 $0xF80, s4  }
0x8: {  	s10 =	simm.s32 $0x0;
	s11 =	simm.s32 $0x0;
	p0 =	sne.s32 s30, $0x0  }
.Ltmp0:
0x9: {  	s7 =	sshrl.u32 s4, $0xC;
	s5 =	simm.s32 @!p0 $0x0;
	(pc) =	sbr.rel .LBB1_1-.Ltmp0, $4  }
0xa: {  	s13 =	simm.s32 $0x0;
	s1 =	rddreg [dreg:$0x2];
	s5 =	sadd.s32 s5, s7  }
0xb: {  	_ =	strace $0x8000004A;
	s4 =	simm.s32 $0x1;
	s5 =	smul.u32 $0xC8, s5  }
0xc: {  	s6 =	sadd.s32 $0x33F000, s6;
	s12 =	smov.u32 s2;
	[sflag:s4] =	ssyncpa.u1 $0x0  }
0xd: {  	[sflag:s31] =	ssyncpa.u1 $0x0;
	p0 =	por $0x0, $0x0;
	s7 =	sor.u32 $0x1, s5  }
.LBB1_4:
0xe: {  	s18 =	sshll.u32 s9, $0xE;
	s19 =	sand.u32 $0x78, s10;
	s20 =	sshll.u32 s10, $0x3  }
0xf: {  	s22 =	sshll.u32 s9, $0x7;
	p1 =	sgt.s32 s9, $0xC7;
	s25 =	sshra.s32 s9, $0x1F  }
0x10: {  	s23 =	smov.u32 s10;
	s24 =	sshra.s32 s10, $0x1F;
	s29 =	sand.u32 $0x7, s10  }
0x11: {  	s18 =	sand.u32 $0xFFFE0000, s18;
	s21 =	sand.u32 $0xFFFFFC00, s20;
	s20 =	sand.u32 $0x3C00, s20  }
0x12: {  	s30 =	sand.u32 $0x380, s22;
	s22 =	sand.u32 s25, s9;
	s18 =	sadd.s32 s21, s18  }
0x13: {  	s19 =	sor.u32 s19, s20;
	s20 =	smov.u32 s9;
	s18 =	sshrl.u32 s18, $0xE  }
0x14: {  	s20 =	simm.s32 @!p1 $0xC7;
	p1 =	sgt.s32 s10, $0x3F80;
	s31 =	smulhi.u32 $0x147AE15, s18  }
0x15: {  	s26 =	sand.u32 s24, s10;
	s20 =	ssub.s32 s20, s22;
	s23 =	simm.s32 @!p1 $0x3F80  }
0x16: {  	s27 =	ssub.s32 $0xC8, s20;
	s22 =	ssub.s32 s23, s26;
	s21 =	smul.u32 $0xC8, s31  }
0x17: {  	s20 =	sadd.s32 $0xFFFFFF39, s20;
	s23 =	smul.u32 $0x3, s27;
	s28 =	sadd.s32 $0xFFFFC080, s22  }
0x18: {  	p1 =	sgt.s32 s20, $0x0;
	s20 =	ssub.s32 $0x4000, s22;
	p2 =	sgt.s32 s28, $0x7F  }
0x19: {  	s19 =	sor.u32 s30, s19;
	s23 =	simm.s32 @p1 $0x0;
	s20 =	simm.s32 @p2 $0x0  }
0x1a: {  	s19 =	sshrl.u32 s19, $0x3;
	s18 =	ssub.s32 s18, s21;
	s20 =	smul.u32 s20, s23  }
0x1b: {  	s19 =	sadd.s32 s3, s19;
	s21 =	sshll.u32 s29, $0x12;
	s18 =	sshll.u32 s18, $0xB  }
0x1c: {  	[tilespmem:s17+$0x0 ss:$0x81] =	vst.msk $0xffff, v0;
	s31 =	sor.u32 $0x80, s21;
	s18 =	sadd.s32 s18, s19;
	s30 =	sand.u32 $0x3FFFFFFF, s20  }
0x1d: {  	[hbm4b:s18+s31] =	stream.strided.scatter [tilespmem:s16], [sflag:$0x2], s30, s8, s31, $0x20;
	[tilespmem:$0x4040] =	vst v63  }
.LBB1_5:
0x1e: {  	p1 =	slt.u32 s13, $0x2  }
0x1f: {  	s17 =	smov.u32 s15;
	p2 =	sgt.s32 @!p1 s15, $0xC7;
	s16 =	sshra.s32 @!p1 s15, $0x1F  }
0x20: {  	p3 =	sgt.s32 @!p1 s14, $0x3F80;
	s18 =	sshra.s32 @!p1 s14, $0x1F;
	p2 =	por !p2, p1  }
0x21: {  	s15 =	sand.u32 @!p1 s16, s15;
	p3 =	por !p3, p1;
	s16 =	smov.u32 s14  }
0x22: {  	s14 =	sand.u32 @!p1 s18, s14;
	s17 =	simm.s32 @p2 $0xC7;
	s16 =	simm.s32 @p3 $0x3F80  }
0x23: {  	s18 =	smov.u32 s12;
	s15 =	ssub.s32 @!p1 s17, s15;
	s14 =	ssub.s32 @!p1 s16, s14  }
0x24: {  	s16 =	sadd.s32 @!p1 $0xFFFFFF39, s15;
	s15 =	ssub.s32 @!p1 $0xC8, s15;
	s17 =	sadd.s32 @!p1 $0xFFFFC080, s14  }
0x25: {  	p2 =	sgt.s32 @!p1 s16, $0x0;
	s15 =	smul.u32 @!p1 $0x3, s15;
	p3 =	sgt.s32 @!p1 s17, $0x7F  }
0x26: {  	s14 =	ssub.s32 @!p1 $0x4000, s14;
	p2 =	por !p2, p1;
	p3 =	por !p3, p1  }
0x27: {  	s16 =	sadd.s32 $0x1, s11;
	s15 =	simm.s32 @!p2 $0x0;
	s14 =	simm.s32 @!p3 $0x0  }
0x28: {  	p2 =	sgt.s32 s16, $0xC7;
	s14 =	smul.u32 @!p1 s14, s15;
	s15 =	sadd.s32 $0x1000, s12  }
0x29: {  	s18 =	smov.u32 @p2 s15  }
0x2a: {  	s16 =	simm.s32 @p2 $0x0;
	p2 =	sgt.s32 s18, $0x3FFF  }
0x2b: {  	s18 =	smov.u32 @p2 s2;
	p2 =	sne.s32 s13, s7  }
.Ltmp1:
0x2c: {  	p0 =	por !p0, !p0;
	s17 =	simm.s32 @!p1 $0x2;
	(pc) =	sbr.rel @!p2 .LBB1_6-.Ltmp1, $4  }
0x2d: {  	s15 =	smov.u32 s9;
	s9 =	smov.u32 s11;
	s14 =	sand.u32 @!p1 $0x3FFFFFFF, s14  }
0x2e: {  	s11 =	smov.u32 s16;
	_ =	swait.ge @!p1 [sflag:s17], s14;
	s19 =	ssub.s32 @!p1 $0x0, s14  }
0x2f: {  	s14 =	smov.u32 s10;
	s13 =	sadd.s32 $0x1, s13;
	[sflag:s17] =	ssyncset.done @!p1 $0x0  }
0x30: {  	s10 =	smov.u32 s12;
	s12 =	smov.u32 s18;
	[sflag:s17] =	ssyncadd.s32 @!p1 s19  }
.LBB1_1:
0x31: {  	p1 =	sge.u32 s13, s5  }
0x32: {  	s16 =	sand.u32 @!p1 $0x1FFFFFF, s11  }
0x33: {  	s17 =	smulhi.u32 @!p1 $0x147AE15, s16;
	_ =	sdelay $0x1  }
0x34: {  	s17 =	smul.u32 @!p1 $0xC8, s17  }
0x35: {  	s18 =	sxor.u32 @!p1 $0xFFFFFFFF, s13;
	s19 =	smul.u32 @!p1 $0xC80, s12  }
0x36: {  	s31 =	sadd.s32 $0xFFFFFFFF, s13;
	s18 =	sshll.u32 @!p1 s18, $0xC;
	s16 =	ssub.s32 @!p1 s16, s17  }
0x37: {  	s17 =	sand.u32 @!p1 $0x1000, s18;
	s18 =	sadd.s32 @!p1 s6, s19;
	s16 =	sshll.u32 @!p1 s16, $0x4  }
0x38: {  	s19 =	simm.s32 @!p1 $0x6400;
	s16 =	sadd.s32 @!p1 s16, s18;
	s18 =	simm.s32 @!p1 $0x20  }
0x39: {  	[tilespmem:s17], [sflag:$0x1] =	stream.strided.gather @!p1 [hbm4b:s16+s18], $0x1000, s19, s18, $0x38;
	[tilespmem:$0x4040] =	vst v63  }
0x3a: {  	p1 =	sge.u32 s31, s5  }
.Ltmp2:
0x3b: {  	_ = 	snop;
	(pc) =	sbr.rel @p1 .LBB1_5-.Ltmp2, $1  }
0x3c: {  	_ =	sdelay $0x3  }
0x3d: {  	s16 =	simm.s32 $0x1  }
0x3e: {  	_ =	swait.ge [sflag:s4], $0x1000;
	s16 =	simm.s32 @!p0 $0x0  }
0x3f: {  	[sflag:s4] =	ssyncset.done $0x0;
	s17 =	sshll.u32 s16, $0xC  }
0x40: {  	[sflag:s4] =	ssyncadd.s32 $0xFFFFF000;
	s20 =	sor.u32 $0x10, s17  }
0x41: {  	s16 =	smul.u32 $0x4080, s16;
	v1 =	vld [tilespmem:s20+$0x0]  }
0x42: {  	s30 =	sand.u32 $0x1, s13;
	v0 =	vld [tilespmem:s20+$0xFFFFFFF0]  }
0x43: {  	s17 =	smul.u32 $0x4080, s30;
	s16 =	sshrl.u32 s16, $0x2  }
0x44: {  	s18 =	sor.u32 $0x2000, s16  }
0x45: {  	s31 =	sshrl.u32 s17, $0x2;
	s17 =	sadd.s32 $0x0, s18  }
0x46: {  	s19 =	simm.s32 $0x4;
	s20 =	sadd.s32 $0x20, s20;
	s16 =	sor.u32 $0x2000, s31;
	[tilespmem:s17+$0x810 ss:$0x81] =	vst.msk $0xffff, v1  }
.LBB1_3:
0x47: {  	v1 =	vld [tilespmem:s20+$0x0];
	p1 =	sne.s32 s19, $0x1FC;
	[tilespmem:s17+$0x0 ss:$0x81] =	vst.msk $0xffff, v0;
	s17 =	smov.u32 s19;
	s19 =	sadd.s32 $0x4, s19  }
.Ltmp3:
0x48: {  	v0 =	vld [tilespmem:s20+$0xFFFFFFF0];
	(pc) =	sbr.rel @p1 .LBB1_3-.Ltmp3, $4  }
0x49: {  	_ = 	snop  }
0x4a: {  	s17 =	sshra.s32 s17, $0x2  }
0x4b: {  	s17 =	sadd.s32 s17, s18  }
0x4c: {  	s20 =	sadd.s32 $0x20, s20;
	[tilespmem:s17+$0x810 ss:$0x81] =	vst.msk $0xffff, v1  }
.Ltmp4:
0x4d: {  	_ = 	snop;
	(pc) =	sbr.rel .LBB1_4-.Ltmp4, $1  }
0x4e: {  	_ =	sdelay $0x3  }
.LBB1_6:
0x4f: {  	_ =	sfence.sel $0x180000  }
0x50: {  	s2 =	simm.s32 $0x1;
	[bflag:$0x0] =	sbarrier.arrive $0xFFFF  }
0x51: {  	s31 =	simm.s32 $0x2;
	[sflag:s2] =	ssyncpa.u1 $0x1  }
0x52: {  	[sflag:s31] =	ssyncpa.u1 $0x1  }
0x53: {  	p0 =	sne.s32 s0, $0x0;
	_ =	strace $0x9000004A  }
0x54: {  	s0 =	sadd.s32 @!p0 $0x100000, s1;
	[bflag:$0x2] =	sbarrier.arrive $0xFFFF  }
0x55: {  	[sflag:s0] =	ssyncadd.tile.s32 @!p0 $0x1;
	_ =	shalt  }
.Lfunc_end1:
_tile_overlayer_lowered:
.L_overlay_start_2:
0x56: {  	(tag) =	ssettag $0x2  }
0x57: {  	s0 =	rddreg [dreg:$0x0];
	s2 =	stileid.u32  }
0x58: {  	s1 =	rddreg [dreg:$0x1];
	p0 =	sne.s32 s2, $0x0  }
0x59: {  	s3 =	rddreg [dreg:$0x2];
	[bflag:$0x3] =	sbarrier.arrive $0xFFFF;
	s2 =	simm.s32 @!p0 $0x1C01  }
0x5a: {  	[timem:s3], [sflag:s2] =	dma.local @!p0 [hbm:s0], s1  }
0x5b: {  	s0 =	simm.s32 @!p0 $0x1  }
0x5c: {  	_ =	swait.ge @!p0 [sflag:s0], s1  }
0x5d: {  	s1 =	ssub.s32 @!p0 $0x0, s1;
	[sflag:s0] =	ssyncset.done @!p0 $0x0  }
0x5e: {  	[sflag:s0] =	ssyncadd.s32 @!p0 s1  }
0x5f: {  	[bflag:$0x3] =	sbarrier.arrive $0xFFFF  }
0x60: {  	_ =	shalt  }

</sc_bundles>
